<compile_context>
chip_gen: v7x
topology: tpu7x:2x2x1
jax: 0.10.2.dev20260603
libtpu: 0.0.44.dev20260713+nightly
codegen_flags: <defaults>
</compile_context>

<pallas_src>
import functools

import jax
import jax.numpy as jnp
from jax import lax
from jax.experimental import pallas as pl
from jax.experimental.pallas import tpu as pltpu
from jax.experimental.pallas import tpu_sc as plsc

EMB = 64
HID = 128
B = 1024
T = 50
TA = 25
TB = T - TA
CHUNK = 80
LANES = 16


def _make_gather(ntok):
    info = plsc.get_sparse_core_info()
    nc, ns = info.num_cores, info.num_subcores
    nw = nc * ns
    tok_w = ntok // nw
    nchunk = tok_w // CHUNK

    mesh = plsc.VectorSubcoreMesh(core_axis_name="c", subcore_axis_name="s")

    @functools.partial(
        pl.kernel,
        mesh=mesh,
        compiler_params=pltpu.CompilerParams(needs_layout_passes=False),
        out_type=jax.ShapeDtypeStruct((ntok, EMB), jnp.float32),
        scratch_types=[
            pltpu.VMEM((tok_w,), jnp.int32),
            pltpu.VMEM((CHUNK, EMB), jnp.float32),
            pltpu.VMEM((CHUNK, EMB), jnp.float32),
            pltpu.SemaphoreType.DMA,
            pltpu.SemaphoreType.DMA,
        ],
    )
    def gather_k(table_hbm, idx_hbm, out_hbm, idx_v, rows0, rows1,
                 sem0, sem1):
        wid = lax.axis_index("s") * nc + lax.axis_index("c")
        base = wid * tok_w
        pltpu.sync_copy(idx_hbm.at[wid], idx_v)
        bufs = ((rows0, sem0), (rows1, sem1))

        def fire(g, rows_v, sem):
            def fq(q, c):
                iv = idx_v[pl.ds(g * CHUNK + q * LANES, LANES)]
                for jj in range(LANES):
                    pltpu.async_copy(table_hbm.at[iv[jj]],
                                     rows_v.at[q * LANES + jj], sem)
                return c
            lax.fori_loop(0, CHUNK // LANES, fq, 0)

        def drain_out(g, rows_v, sem):
            def dj(j, c):
                pltpu.make_async_copy(table_hbm.at[0], rows_v.at[j],
                                      sem).wait()
                return c
            lax.fori_loop(0, CHUNK, dj, 0)
            pltpu.sync_copy(rows_v,
                            out_hbm.at[pl.ds(base + g * CHUNK, CHUNK)])

        fire(0, *bufs[0])

        def do_pair(k, carry):
            g0 = 2 * k

            @pl.when(g0 + 1 < nchunk)
            def _():
                fire(g0 + 1, *bufs[1])
            drain_out(g0, *bufs[0])

            @pl.when(g0 + 2 < nchunk)
            def _():
                fire(g0 + 2, *bufs[0])

            @pl.when(g0 + 1 < nchunk)
            def _():
                drain_out(g0 + 1, *bufs[1])
            return carry
        lax.fori_loop(0, (nchunk + 1) // 2, do_pair, 0)

    return gather_k


_gather_a = _make_gather(B * TA)
_gather_b = _make_gather(B * TB)


def _sigmoid(x):
    return 0.5 * jnp.tanh(0.5 * x) + 0.5


def _lstm_steps(x_ref, wih, whh, b, h, c, nsteps):
    def step(t, carry):
        h, c = carry
        xt = x_ref[t].astype(jnp.bfloat16)
        gates = jnp.dot(xt, wih, preferred_element_type=jnp.float32)
        gates = gates + jnp.dot(h.astype(jnp.bfloat16), whh,
                                preferred_element_type=jnp.float32)
        gates = gates + b
        i = _sigmoid(gates[:, :HID])
        f = _sigmoid(gates[:, HID:2 * HID])
        g = jnp.tanh(gates[:, 2 * HID:3 * HID])
        o = _sigmoid(gates[:, 3 * HID:])
        c = f * c + i * g
        h = o * jnp.tanh(c)
        return (h, c)
    return lax.fori_loop(0, nsteps, step, (h, c))


def _lstm_first(x_ref, wih_ref, whh_ref, bih_ref, bhh_ref, h_out, c_out):
    wih = wih_ref[...].astype(jnp.bfloat16)
    whh = whh_ref[...].astype(jnp.bfloat16)
    b = bih_ref[...] + bhh_ref[...]
    h0 = jnp.zeros((B, HID), jnp.float32)
    c0 = jnp.zeros((B, HID), jnp.float32)
    h, c = _lstm_steps(x_ref, wih, whh, b, h0, c0, TA)
    h_out[...] = h
    c_out[...] = c


def _lstm_second(x_ref, h_ref, c_ref, wih_ref, whh_ref, bih_ref, bhh_ref,
                 wcls_ref, bcls_ref, out_ref):
    wih = wih_ref[...].astype(jnp.bfloat16)
    whh = whh_ref[...].astype(jnp.bfloat16)
    b = bih_ref[...] + bhh_ref[...]
    h, c = _lstm_steps(x_ref, wih, whh, b, h_ref[...], c_ref[...], TB)
    out_ref[...] = (jnp.dot(h, wcls_ref[...], preferred_element_type=jnp.float32)
                    + bcls_ref[...])


def kernel(batch_input_ids, emb, W_ih, W_hh, b_ih, b_hh, W_cls, b_cls):
    idx_tb = batch_input_ids.T
    idx_a = idx_tb[:TA].reshape(32, B * TA // 32)
    idx_b = idx_tb[TA:].reshape(32, B * TB // 32)
    xa = _gather_a(emb, idx_a).reshape(TA, B, EMB)
    xb = _gather_b(emb, idx_b).reshape(TB, B, EMB)

    nlbl = W_cls.shape[0]
    wcls_pad = jnp.zeros((HID, 128), jnp.float32).at[:, :nlbl].set(W_cls.T)
    bcls_pad = jnp.zeros((1, 128), jnp.float32).at[0, :nlbl].set(b_cls)
    wih_t = W_ih.T
    whh_t = W_hh.T
    bih = b_ih.reshape(1, -1)
    bhh = b_hh.reshape(1, -1)

    h1, c1 = pl.pallas_call(
        _lstm_first,
        out_shape=(jax.ShapeDtypeStruct((B, HID), jnp.float32),
                   jax.ShapeDtypeStruct((B, HID), jnp.float32)),
    )(xa, wih_t, whh_t, bih, bhh)

    out = pl.pallas_call(
        _lstm_second,
        out_shape=jax.ShapeDtypeStruct((B, 128), jnp.float32),
    )(xb, h1, c1, wih_t, whh_t, bih, bhh, wcls_pad, bcls_pad)
    return out[:, :nlbl]

# --- scband reference (transcript-rebuilt; emitter-appended) ---
"""Pipeline reference for scband-model-63591285785265 (READ-ONLY COPY).

The authoritative reference and input builder live on the scoring server;
editing this copy changes nothing except your own understanding.
"""

import jax, jax.numpy as jnp
import numpy as np

VOCAB = 1000000
EMB = 64
HID = 128
LBL = 10
B = 1024
T = 50


def setup_inputs(seed: int = 0) -> dict:
    key = jax.random.key(seed)
    ks = jax.random.split(key, 8)
    batch_input_ids = jax.random.randint(ks[0], (B, T), 0, VOCAB, dtype=jnp.int64 if jax.config.read('jax_enable_x64') else jnp.int32).astype(jnp.int32)
    emb = jax.random.normal(ks[1], (VOCAB, EMB), dtype=jnp.float32) * 0.02
    W_ih = jax.random.normal(ks[2], (4 * HID, EMB), dtype=jnp.float32) * 0.05
    W_hh = jax.random.normal(ks[3], (4 * HID, HID), dtype=jnp.float32) * 0.05
    b_ih = jax.random.normal(ks[4], (4 * HID,), dtype=jnp.float32) * 0.01
    b_hh = jax.random.normal(ks[5], (4 * HID,), dtype=jnp.float32) * 0.01
    W_cls = jax.random.normal(ks[6], (LBL, HID), dtype=jnp.float32) * 0.05
    b_cls = jax.random.normal(ks[7], (LBL,), dtype=jnp.float32) * 0.01
    return {
        'batch_input_ids': batch_input_ids,
        'emb': emb,
        'W_ih': W_ih,
        'W_hh': W_hh,
        'b_ih': b_ih,
        'b_hh': b_hh,
        'W_cls': W_cls,
        'b_cls': b_cls,
    }


def _lstm_last_hidden(x, W_ih, W_hh, b_ih, b_hh):
    # x: [B, T, E]; single-layer, unidirectional, batch_first LSTM (PyTorch gate order i,f,g,o)
    Bsz = x.shape[0]
    H = W_hh.shape[1]
    h0 = jnp.zeros((Bsz, H), dtype=x.dtype)
    c0 = jnp.zeros((Bsz, H), dtype=x.dtype)
    xs = jnp.swapaxes(x, 0, 1)  # [T, B, E]

    def step(carry, xt):
        h, c = carry
        gates = xt @ W_ih.T + h @ W_hh.T + b_ih + b_hh
        i, f, g, o = jnp.split(gates, 4, axis=-1)
        i = jax.nn.sigmoid(i)
        f = jax.nn.sigmoid(f)
        g = jnp.tanh(g)
        o = jax.nn.sigmoid(o)
        c = f * c + i * g
        h = o * jnp.tanh(c)
        return (h, c), None

    (h_t, c_t), _ = jax.lax.scan(step, (h0, c0), xs)
    return h_t, c_t


def reference(batch_input_ids, emb, W_ih, W_hh, b_ih, b_hh, W_cls, b_cls):
    # Embedding lookup (memory-bound gather into 1M-row table)
    input_emb = jnp.take(emb, batch_input_ids, axis=0)  # [B, T, EMB]
    h_t, c_t = _lstm_last_hidden(input_emb, W_ih, W_hh, b_ih, b_hh)  # [B, HID]
    # PyTorch h_t has shape [1, B, H]; Linear then squeeze(0) -> [B, LBL]
    cls = h_t @ W_cls.T + b_cls
    return cls

if __name__ == "__main__":
    import jax
    _d = setup_inputs()
    print(jax.jit(kernel)(*tuple(_d.values())))

</pallas_src>

<mosaic_0001>
#map = affine_map<(d0, d1) -> (0, 0)>
module attributes {stable_mosaic.version = 14 : i64} {
  func.func @gather_k(%arg0: i32, %arg1: i32, %arg2: memref<1000000x64xf32, #tpu.memory_space<hbm>>, %arg3: memref<32x800xi32, #tpu.memory_space<hbm>>, %arg4: memref<25600x64xf32, #tpu.memory_space<hbm>>, %arg5: memref<800xi32, #tpu.memory_space<vmem>>, %arg6: memref<80x64xf32, #tpu.memory_space<vmem>>, %arg7: memref<80x64xf32, #tpu.memory_space<vmem>>, %arg8: memref<!tpu.dma_semaphore, #tpu.memory_space<semaphore_mem>>, %arg9: memref<!tpu.dma_semaphore, #tpu.memory_space<semaphore_mem>>) attributes {dimension_semantics = [#tpu.dimension_semantics<core_parallel>, #tpu.dimension_semantics<subcore_parallel>], iteration_bounds = array<i64: 2, 16>, scalar_prefetch = 0 : i64, scratch_operands = 5 : i64, tpu.core_type = #tpu.core_type<sc_vector_subcore>, window_params = [{transform_indices = #map}, {transform_indices = #map}, {transform_indices = #map}]} {
    %mul3A = arith.constant 2 : i32
    %mul3A_0 = arith.muli %arg1, %mul3A : i32
    %add3A = arith.addi %mul3A_0, %arg0 : i32
    %mul3A_1 = arith.constant 800 : i32
    %mul3A_2 = arith.muli %add3A, %mul3A_1 : i32
    "tpu.region"() ({
      %run_scoped3A = tpu.sem_alloc : memref<!tpu.dma_semaphore, #tpu.memory_space<semaphore_mem>>
      %dma_start3A = arith.constant 0 : i32
      %dma_start3A_14 = tpu.memref_slice %arg3[%add3A, %dma_start3A] : memref<32x800xi32, #tpu.memory_space<hbm>> -> memref<1x800xi32, #tpu.memory_space<hbm>>
      %dma_start3A_15 = tpu.memref_squeeze %dma_start3A_14 : memref<1x800xi32, #tpu.memory_space<hbm>> -> memref<800xi32, #tpu.memory_space<hbm>>
      %dma_start3A_16 = arith.constant 0 : i32
      %dma_start3A_17 = tpu.memref_slice %arg3[%add3A, %dma_start3A_16] : memref<32x800xi32, #tpu.memory_space<hbm>> -> memref<1x800xi32, #tpu.memory_space<hbm>>
      %dma_start3A_18 = tpu.memref_squeeze %dma_start3A_17 : memref<1x800xi32, #tpu.memory_space<hbm>> -> memref<800xi32, #tpu.memory_space<hbm>>
      tpu.enqueue_dma source(%dma_start3A_18 : memref<800xi32, #tpu.memory_space<hbm>>) target(%arg5 : memref<800xi32, #tpu.memory_space<vmem>>) target_semaphore(%run_scoped3A : memref<!tpu.dma_semaphore, #tpu.memory_space<semaphore_mem>>)
      %dma_wait3A = arith.constant 0 : i32
      %dma_wait3A_19 = tpu.memref_slice %arg3[%add3A, %dma_wait3A] : memref<32x800xi32, #tpu.memory_space<hbm>> -> memref<1x800xi32, #tpu.memory_space<hbm>>
      %dma_wait3A_20 = tpu.memref_squeeze %dma_wait3A_19 : memref<1x800xi32, #tpu.memory_space<hbm>> -> memref<800xi32, #tpu.memory_space<hbm>>
      %dma_wait3A_21 = arith.constant 0 : i32
      %dma_wait3A_22 = tpu.memref_slice %arg3[%add3A, %dma_wait3A_21] : memref<32x800xi32, #tpu.memory_space<hbm>> -> memref<1x800xi32, #tpu.memory_space<hbm>>
      %dma_wait3A_23 = tpu.memref_squeeze %dma_wait3A_22 : memref<1x800xi32, #tpu.memory_space<hbm>> -> memref<800xi32, #tpu.memory_space<hbm>>
      tpu.wait_dma2 semaphore(%run_scoped3A : memref<!tpu.dma_semaphore, #tpu.memory_space<semaphore_mem>>) src(%dma_wait3A_23 : memref<800xi32, #tpu.memory_space<hbm>>) dst(%arg5 : memref<800xi32, #tpu.memory_space<vmem>>)
      tpu.yield
    }) : () -> ()
    %scan3A = arith.constant 0 : i32
    %scan3A_3 = arith.constant 0 : i32
    %scan3A_4 = arith.constant 5 : i32
    %scan3A_5 = arith.addi %scan3A_3, %scan3A_4 : i32
    %scan3A_6 = arith.constant 1 : i32
    scf.for %scan3A_14 = %scan3A_3 to %scan3A_5 step %scan3A_6  : i32 {
      %mul3A_15 = arith.constant 16 : i32
      %mul3A_16 = arith.muli %scan3A_14, %mul3A_15 : i32
      %add3A_17 = arith.constant 0 : i32
      %add3A_18 = arith.addi %add3A_17, %mul3A_16 : i32
      %get3A = arith.index_cast %add3A_18 : i32 to index
      %get3A_19 = tpu.vector_load %arg5[%get3A] {strides = array<i32>} : memref<800xi32, #tpu.memory_space<vmem>>, vector<16xi32>,
      %slice3A = vector.extract_strided_slice %get3A_19 {offsets = [0], sizes = [1], strides = [1]} : vector<16xi32> to vector<1xi32>
      %squeeze3A = vector.extract %slice3A[0] : i32 from vector<1xi32>
      %mul3A_20 = arith.constant 16 : i32
      %mul3A_21 = arith.muli %scan3A_14, %mul3A_20 : i32
      %add3A_22 = arith.constant 0 : i32
      %add3A_23 = arith.addi %mul3A_21, %add3A_22 : i32
      %dma_start3A = arith.constant 0 : i32
      %dma_start3A_24 = tpu.memref_slice %arg6[%add3A_23, %dma_start3A] : memref<80x64xf32, #tpu.memory_space<vmem>> -> memref<1x64xf32, #tpu.memory_space<vmem>>
      %dma_start3A_25 = tpu.memref_squeeze %dma_start3A_24 : memref<1x64xf32, #tpu.memory_space<vmem>> -> memref<64xf32, #tpu.memory_space<vmem>>
      %dma_start3A_26 = arith.constant 0 : i32
      %dma_start3A_27 = tpu.memref_slice %arg2[%squeeze3A, %dma_start3A_26] : memref<1000000x64xf32, #tpu.memory_space<hbm>> -> memref<1x64xf32, #tpu.memory_space<hbm>>
      %dma_start3A_28 = tpu.memref_squeeze %dma_start3A_27 : memref<1x64xf32, #tpu.memory_space<hbm>> -> memref<64xf32, #tpu.memory_space<hbm>>
      %dma_start3A_29 = arith.constant 0 : i32
      %dma_start3A_30 = tpu.memref_slice %arg6[%add3A_23, %dma_start3A_29] : memref<80x64xf32, #tpu.memory_space<vmem>> -> memref<1x64xf32, #tpu.memory_space<vmem>>
      %dma_start3A_31 = tpu.memref_squeeze %dma_start3A_30 : memref<1x64xf32, #tpu.memory_space<vmem>> -> memref<64xf32, #tpu.memory_space<vmem>>
      %dma_start3A_32 = arith.constant 0 : i32
      %dma_start3A_33 = tpu.memref_slice %arg2[%squeeze3A, %dma_start3A_32] : memref<1000000x64xf32, #tpu.memory_space<hbm>> -> memref<1x64xf32, #tpu.memory_space<hbm>>
      %dma_start3A_34 = tpu.memref_squeeze %dma_start3A_33 : memref<1x64xf32, #tpu.memory_space<hbm>> -> memref<64xf32, #tpu.memory_space<hbm>>
      tpu.enqueue_dma source(%dma_start3A_34 : memref<64xf32, #tpu.memory_space<hbm>>) target(%dma_start3A_31 : memref<64xf32, #tpu.memory_space<vmem>>) target_semaphore(%arg8 : memref<!tpu.dma_semaphore, #tpu.memory_space<semaphore_mem>>)
      %slice3A_35 = vector.extract_strided_slice %get3A_19 {offsets = [1], sizes = [1], strides = [1]} : vector<16xi32> to vector<1xi32>
      %squeeze3A_36 = vector.extract %slice3A_35[0] : i32 from vector<1xi32>
      %mul3A_37 = arith.constant 16 : i32
      %mul3A_38 = arith.muli %scan3A_14, %mul3A_37 : i32
      %add3A_39 = arith.constant 1 : i32
      %add3A_40 = arith.addi %mul3A_38, %add3A_39 : i32
      %dma_start3A_41 = arith.constant 0 : i32
      %dma_start3A_42 = tpu.memref_slice %arg6[%add3A_40, %dma_start3A_41] : memref<80x64xf32, #tpu.memory_space<vmem>> -> memref<1x64xf32, #tpu.memory_space<vmem>>
      %dma_start3A_43 = tpu.memref_squeeze %dma_start3A_42 : memref<1x64xf32, #tpu.memory_space<vmem>> -> memref<64xf32, #tpu.memory_space<vmem>>
      %dma_start3A_44 = arith.constant 0 : i32
      %dma_start3A_45 = tpu.memref_slice %arg2[%squeeze3A_36, %dma_start3A_44] : memref<1000000x64xf32, #tpu.memory_space<hbm>> -> memref<1x64xf32, #tpu.memory_space<hbm>>
      %dma_start3A_46 = tpu.memref_squeeze %dma_start3A_45 : memref<1x64xf32, #tpu.memory_space<hbm>> -> memref<64xf32, #tpu.memory_space<hbm>>
      %dma_start3A_47 = arith.constant 0 : i32
      %dma_start3A_48 = tpu.memref_slice %arg6[%add3A_40, %dma_start3A_47] : memref<80x64xf32, #tpu.memory_space<vmem>> -> memref<1x64xf32, #tpu.memory_space<vmem>>
      %dma_start3A_49 = tpu.memref_squeeze %dma_start3A_48 : memref<1x64xf32, #tpu.memory_space<vmem>> -> memref<64xf32, #tpu.memory_space<vmem>>
      %dma_start3A_50 = arith.constant 0 : i32
      %dma_start3A_51 = tpu.memref_slice %arg2[%squeeze3A_36, %dma_start3A_50] : memref<1000000x64xf32, #tpu.memory_space<hbm>> -> memref<1x64xf32, #tpu.memory_space<hbm>>
      %dma_start3A_52 = tpu.memref_squeeze %dma_start3A_51 : memref<1x64xf32, #tpu.memory_space<hbm>> -> memref<64xf32, #tpu.memory_space<hbm>>
      tpu.enqueue_dma source(%dma_start3A_52 : memref<64xf32, #tpu.memory_space<hbm>>) target(%dma_start3A_49 : memref<64xf32, #tpu.memory_space<vmem>>) target_semaphore(%arg8 : memref<!tpu.dma_semaphore, #tpu.memory_space<semaphore_mem>>)
      %slice3A_53 = vector.extract_strided_slice %get3A_19 {offsets = [2], sizes = [1], strides = [1]} : vector<16xi32> to vector<1xi32>
      %squeeze3A_54 = vector.extract %slice3A_53[0] : i32 from vector<1xi32>
      %mul3A_55 = arith.constant 16 : i32
      %mul3A_56 = arith.muli %scan3A_14, %mul3A_55 : i32
      %add3A_57 = arith.constant 2 : i32
      %add3A_58 = arith.addi %mul3A_56, %add3A_57 : i32
      %dma_start3A_59 = arith.constant 0 : i32
      %dma_start3A_60 = tpu.memref_slice %arg6[%add3A_58, %dma_start3A_59] : memref<80x64xf32, #tpu.memory_space<vmem>> -> memref<1x64xf32, #tpu.memory_space<vmem>>
      %dma_start3A_61 = tpu.memref_squeeze %dma_start3A_60 : memref<1x64xf32, #tpu.memory_space<vmem>> -> memref<64xf32, #tpu.memory_space<vmem>>
      %dma_start3A_62 = arith.constant 0 : i32
      %dma_start3A_63 = tpu.memref_slice %arg2[%squeeze3A_54, %dma_start3A_62] : memref<1000000x64xf32, #tpu.memory_space<hbm>> -> memref<1x64xf32, #tpu.memory_space<hbm>>
      %dma_start3A_64 = tpu.memref_squeeze %dma_start3A_63 : memref<1x64xf32, #tpu.memory_space<hbm>> -> memref<64xf32, #tpu.memory_space<hbm>>
      %dma_start3A_65 = arith.constant 0 : i32
      %dma_start3A_66 = tpu.memref_slice %arg6[%add3A_58, %dma_start3A_65] : memref<80x64xf32, #tpu.memory_space<vmem>> -> memref<1x64xf32, #tpu.memory_space<vmem>>
      %dma_start3A_67 = tpu.memref_squeeze %dma_start3A_66 : memref<1x64xf32, #tpu.memory_space<vmem>> -> memref<64xf32, #tpu.memory_space<vmem>>
      %dma_start3A_68 = arith.constant 0 : i32
      %dma_start3A_69 = tpu.memref_slice %arg2[%squeeze3A_54, %dma_start3A_68] : memref<1000000x64xf32, #tpu.memory_space<hbm>> -> memref<1x64xf32, #tpu.memory_space<hbm>>
      %dma_start3A_70 = tpu.memref_squeeze %dma_start3A_69 : memref<1x64xf32, #tpu.memory_space<hbm>> -> memref<64xf32, #tpu.memory_space<hbm>>
      tpu.enqueue_dma source(%dma_start3A_70 : memref<64xf32, #tpu.memory_space<hbm>>) target(%dma_start3A_67 : memref<64xf32, #tpu.memory_space<vmem>>) target_semaphore(%arg8 : memref<!tpu.dma_semaphore, #tpu.memory_space<semaphore_mem>>)
      %slice3A_71 = vector.extract_strided_slice %get3A_19 {offsets = [3], sizes = [1], strides = [1]} : vector<16xi32> to vector<1xi32>
      %squeeze3A_72 = vector.extract %slice3A_71[0] : i32 from vector<1xi32>
      %mul3A_73 = arith.constant 16 : i32
      %mul3A_74 = arith.muli %scan3A_14, %mul3A_73 : i32
      %add3A_75 = arith.constant 3 : i32
      %add3A_76 = arith.addi %mul3A_74, %add3A_75 : i32
      %dma_start3A_77 = arith.constant 0 : i32
      %dma_start3A_78 = tpu.memref_slice %arg6[%add3A_76, %dma_start3A_77] : memref<80x64xf32, #tpu.memory_space<vmem>> -> memref<1x64xf32, #tpu.memory_space<vmem>>
      %dma_start3A_79 = tpu.memref_squeeze %dma_start3A_78 : memref<1x64xf32, #tpu.memory_space<vmem>> -> memref<64xf32, #tpu.memory_space<vmem>>
      %dma_start3A_80 = arith.constant 0 : i32
      %dma_start3A_81 = tpu.memref_slice %arg2[%squeeze3A_72, %dma_start3A_80] : memref<1000000x64xf32, #tpu.memory_space<hbm>> -> memref<1x64xf32, #tpu.memory_space<hbm>>
      %dma_start3A_82 = tpu.memref_squeeze %dma_start3A_81 : memref<1x64xf32, #tpu.memory_space<hbm>> -> memref<64xf32, #tpu.memory_space<hbm>>
      %dma_start3A_83 = arith.constant 0 : i32
      %dma_start3A_84 = tpu.memref_slice %arg6[%add3A_76, %dma_start3A_83] : memref<80x64xf32, #tpu.memory_space<vmem>> -> memref<1x64xf32, #tpu.memory_space<vmem>>
      %dma_start3A_85 = tpu.memref_squeeze %dma_start3A_84 : memref<1x64xf32, #tpu.memory_space<vmem>> -> memref<64xf32, #tpu.memory_space<vmem>>
      %dma_start3A_86 = arith.constant 0 : i32
      %dma_start3A_87 = tpu.memref_slice %arg2[%squeeze3A_72, %dma_start3A_86] : memref<1000000x64xf32, #tpu.memory_space<hbm>> -> memref<1x64xf32, #tpu.memory_space<hbm>>
      %dma_start3A_88 = tpu.memref_squeeze %dma_start3A_87 : memref<1x64xf32, #tpu.memory_space<hbm>> -> memref<64xf32, #tpu.memory_space<hbm>>
      tpu.enqueue_dma source(%dma_start3A_88 : memref<64xf32, #tpu.memory_space<hbm>>) target(%dma_start3A_85 : memref<64xf32, #tpu.memory_space<vmem>>) target_semaphore(%arg8 : memref<!tpu.dma_semaphore, #tpu.memory_space<semaphore_mem>>)
      %slice3A_89 = vector.extract_strided_slice %get3A_19 {offsets = [4], sizes = [1], strides = [1]} : vector<16xi32> to vector<1xi32>
      %squeeze3A_90 = vector.extract %slice3A_89[0] : i32 from vector<1xi32>
      %mul3A_91 = arith.constant 16 : i32
      %mul3A_92 = arith.muli %scan3A_14, %mul3A_91 : i32
      %add3A_93 = arith.constant 4 : i32
      %add3A_94 = arith.addi %mul3A_92, %add3A_93 : i32
      %dma_start3A_95 = arith.constant 0 : i32
      %dma_start3A_96 = tpu.memref_slice %arg6[%add3A_94, %dma_start3A_95] : memref<80x64xf32, #tpu.memory_space<vmem>> -> memref<1x64xf32, #tpu.memory_space<vmem>>
      %dma_start3A_97 = tpu.memref_squeeze %dma_start3A_96 : memref<1x64xf32, #tpu.memory_space<vmem>> -> memref<64xf32, #tpu.memory_space<vmem>>
      %dma_start3A_98 = arith.constant 0 : i32
      %dma_start3A_99 = tpu.memref_slice %arg2[%squeeze3A_90, %dma_start3A_98] : memref<1000000x64xf32, #tpu.memory_space<hbm>> -> memref<1x64xf32, #tpu.memory_space<hbm>>
      %dma_start3A_100 = tpu.memref_squeeze %dma_start3A_99 : memref<1x64xf32, #tpu.memory_space<hbm>> -> memref<64xf32, #tpu.memory_space<hbm>>
      %dma_start3A_101 = arith.constant 0 : i32
      %dma_start3A_102 = tpu.memref_slice %arg6[%add3A_94, %dma_start3A_101] : memref<80x64xf32, #tpu.memory_space<vmem>> -> memref<1x64xf32, #tpu.memory_space<vmem>>
      %dma_start3A_103 = tpu.memref_squeeze %dma_start3A_102 : memref<1x64xf32, #tpu.memory_space<vmem>> -> memref<64xf32, #tpu.memory_space<vmem>>
      %dma_start3A_104 = arith.constant 0 : i32
      %dma_start3A_105 = tpu.memref_slice %arg2[%squeeze3A_90, %dma_start3A_104] : memref<1000000x64xf32, #tpu.memory_space<hbm>> -> memref<1x64xf32, #tpu.memory_space<hbm>>
      %dma_start3A_106 = tpu.memref_squeeze %dma_start3A_105 : memref<1x64xf32, #tpu.memory_space<hbm>> -> memref<64xf32, #tpu.memory_space<hbm>>
      tpu.enqueue_dma source(%dma_start3A_106 : memref<64xf32, #tpu.memory_space<hbm>>) target(%dma_start3A_103 : memref<64xf32, #tpu.memory_space<vmem>>) target_semaphore(%arg8 : memref<!tpu.dma_semaphore, #tpu.memory_space<semaphore_mem>>)
      %slice3A_107 = vector.extract_strided_slice %get3A_19 {offsets = [5], sizes = [1], strides = [1]} : vector<16xi32> to vector<1xi32>
      %squeeze3A_108 = vector.extract %slice3A_107[0] : i32 from vector<1xi32>
      %mul3A_109 = arith.constant 16 : i32
      %mul3A_110 = arith.muli %scan3A_14, %mul3A_109 : i32
      %add3A_111 = arith.constant 5 : i32
      %add3A_112 = arith.addi %mul3A_110, %add3A_111 : i32
      %dma_start3A_113 = arith.constant 0 : i32
      %dma_start3A_114 = tpu.memref_slice %arg6[%add3A_112, %dma_start3A_113] : memref<80x64xf32, #tpu.memory_space<vmem>> -> memref<1x64xf32, #tpu.memory_space<vmem>>
      %dma_start3A_115 = tpu.memref_squeeze %dma_start3A_114 : memref<1x64xf32, #tpu.memory_space<vmem>> -> memref<64xf32, #tpu.memory_space<vmem>>
      %dma_start3A_116 = arith.constant 0 : i32
      %dma_start3A_117 = tpu.memref_slice %arg2[%squeeze3A_108, %dma_start3A_116] : memref<1000000x64xf32, #tpu.memory_space<hbm>> -> memref<1x64xf32, #tpu.memory_space<hbm>>
      %dma_start3A_118 = tpu.memref_squeeze %dma_start3A_117 : memref<1x64xf32, #tpu.memory_space<hbm>> -> memref<64xf32, #tpu.memory_space<hbm>>
      %dma_start3A_119 = arith.constant 0 : i32
      %dma_start3A_120 = tpu.memref_slice %arg6[%add3A_112, %dma_start3A_119] : memref<80x64xf32, #tpu.memory_space<vmem>> -> memref<1x64xf32, #tpu.memory_space<vmem>>
      %dma_start3A_121 = tpu.memref_squeeze %dma_start3A_120 : memref<1x64xf32, #tpu.memory_space<vmem>> -> memref<64xf32, #tpu.memory_space<vmem>>
      %dma_start3A_122 = arith.constant 0 : i32
      %dma_start3A_123 = tpu.memref_slice %arg2[%squeeze3A_108, %dma_start3A_122] : memref<1000000x64xf32, #tpu.memory_space<hbm>> -> memref<1x64xf32, #tpu.memory_space<hbm>>
      %dma_start3A_124 = tpu.memref_squeeze %dma_start3A_123 : memref<1x64xf32, #tpu.memory_space<hbm>> -> memref<64xf32, #tpu.memory_space<hbm>>
      tpu.enqueue_dma source(%dma_start3A_124 : memref<64xf32, #tpu.memory_space<hbm>>) target(%dma_start3A_121 : memref<64xf32, #tpu.memory_space<vmem>>) target_semaphore(%arg8 : memref<!tpu.dma_semaphore, #tpu.memory_space<semaphore_mem>>)
      %slice3A_125 = vector.extract_strided_slice %get3A_19 {offsets = [6], sizes = [1], strides = [1]} : vector<16xi32> to vector<1xi32>
      %squeeze3A_126 = vector.extract %slice3A_125[0] : i32 from vector<1xi32>
      %mul3A_127 = arith.constant 16 : i32
      %mul3A_128 = arith.muli %scan3A_14, %mul3A_127 : i32
      %add3A_129 = arith.constant 6 : i32
      %add3A_130 = arith.addi %mul3A_128, %add3A_129 : i32
      %dma_start3A_131 = arith.constant 0 : i32
      %dma_start3A_132 = tpu.memref_slice %arg6[%add3A_130, %dma_start3A_131] : memref<80x64xf32, #tpu.memory_space<vmem>> -> memref<1x64xf32, #tpu.memory_space<vmem>>
      %dma_start3A_133 = tpu.memref_squeeze %dma_start3A_132 : memref<1x64xf32, #tpu.memory_space<vmem>> -> memref<64xf32, #tpu.memory_space<vmem>>
      %dma_start3A_134 = arith.constant 0 : i32
      %dma_start3A_135 = tpu.memref_slice %arg2[%squeeze3A_126, %dma_start3A_134] : memref<1000000x64xf32, #tpu.memory_space<hbm>> -> memref<1x64xf32, #tpu.memory_space<hbm>>
      %dma_start3A_136 = tpu.memref_squeeze %dma_start3A_135 : memref<1x64xf32, #tpu.memory_space<hbm>> -> memref<64xf32, #tpu.memory_space<hbm>>
      %dma_start3A_137 = arith.constant 0 : i32
      %dma_start3A_138 = tpu.memref_slice %arg6[%add3A_130, %dma_start3A_137] : memref<80x64xf32, #tpu.memory_space<vmem>> -> memref<1x64xf32, #tpu.memory_space<vmem>>
      %dma_start3A_139 = tpu.memref_squeeze %dma_start3A_138 : memref<1x64xf32, #tpu.memory_space<vmem>> -> memref<64xf32, #tpu.memory_space<vmem>>
      %dma_start3A_140 = arith.constant 0 : i32
      %dma_start3A_141 = tpu.memref_slice %arg2[%squeeze3A_126, %dma_start3A_140] : memref<1000000x64xf32, #tpu.memory_space<hbm>> -> memref<1x64xf32, #tpu.memory_space<hbm>>
      %dma_start3A_142 = tpu.memref_squeeze %dma_start3A_141 : memref<1x64xf32, #tpu.memory_space<hbm>> -> memref<64xf32, #tpu.memory_space<hbm>>
      tpu.enqueue_dma source(%dma_start3A_142 : memref<64xf32, #tpu.memory_space<hbm>>) target(%dma_start3A_139 : memref<64xf32, #tpu.memory_space<vmem>>) target_semaphore(%arg8 : memref<!tpu.dma_semaphore, #tpu.memory_space<semaphore_mem>>)
      %slice3A_143 = vector.extract_strided_slice %get3A_19 {offsets = [7], sizes = [1], strides = [1]} : vector<16xi32> to vector<1xi32>
      %squeeze3A_144 = vector.extract %slice3A_143[0] : i32 from vector<1xi32>
      %mul3A_145 = arith.constant 16 : i32
      %mul3A_146 = arith.muli %scan3A_14, %mul3A_145 : i32
      %add3A_147 = arith.constant 7 : i32
      %add3A_148 = arith.addi %mul3A_146, %add3A_147 : i32
      %dma_start3A_149 = arith.constant 0 : i32
      %dma_start3A_150 = tpu.memref_slice %arg6[%add3A_148, %dma_start3A_149] : memref<80x64xf32, #tpu.memory_space<vmem>> -> memref<1x64xf32, #tpu.memory_space<vmem>>
      %dma_start3A_151 = tpu.memref_squeeze %dma_start3A_150 : memref<1x64xf32, #tpu.memory_space<vmem>> -> memref<64xf32, #tpu.memory_space<vmem>>
      %dma_start3A_152 = arith.constant 0 : i32
      %dma_start3A_153 = tpu.memref_slice %arg2[%squeeze3A_144, %dma_start3A_152] : memref<1000000x64xf32, #tpu.memory_space<hbm>> -> memref<1x64xf32, #tpu.memory_space<hbm>>
      %dma_start3A_154 = tpu.memref_squeeze %dma_start3A_153 : memref<1x64xf32, #tpu.memory_space<hbm>> -> memref<64xf32, #tpu.memory_space<hbm>>
      %dma_start3A_155 = arith.constant 0 : i32
      %dma_start3A_156 = tpu.memref_slice %arg6[%add3A_148, %dma_start3A_155] : memref<80x64xf32, #tpu.memory_space<vmem>> -> memref<1x64xf32, #tpu.memory_space<vmem>>
      %dma_start3A_157 = tpu.memref_squeeze %dma_start3A_156 : memref<1x64xf32, #tpu.memory_space<vmem>> -> memref<64xf32, #tpu.memory_space<vmem>>
      %dma_start3A_158 = arith.constant 0 : i32
      %dma_start3A_159 = tpu.memref_slice %arg2[%squeeze3A_144, %dma_start3A_158] : memref<1000000x64xf32, #tpu.memory_space<hbm>> -> memref<1x64xf32, #tpu.memory_space<hbm>>
      %dma_start3A_160 = tpu.memref_squeeze %dma_start3A_159 : memref<1x64xf32, #tpu.memory_space<hbm>> -> memref<64xf32, #tpu.memory_space<hbm>>
      tpu.enqueue_dma source(%dma_start3A_160 : memref<64xf32, #tpu.memory_space<hbm>>) target(%dma_start3A_157 : memref<64xf32, #tpu.memory_space<vmem>>) target_semaphore(%arg8 : memref<!tpu.dma_semaphore, #tpu.memory_space<semaphore_mem>>)
      %slice3A_161 = vector.extract_strided_slice %get3A_19 {offsets = [8], sizes = [1], strides = [1]} : vector<16xi32> to vector<1xi32>
      %squeeze3A_162 = vector.extract %slice3A_161[0] : i32 from vector<1xi32>
      %mul3A_163 = arith.constant 16 : i32
      %mul3A_164 = arith.muli %scan3A_14, %mul3A_163 : i32
      %add3A_165 = arith.constant 8 : i32
      %add3A_166 = arith.addi %mul3A_164, %add3A_165 : i32
      %dma_start3A_167 = arith.constant 0 : i32
      %dma_start3A_168 = tpu.memref_slice %arg6[%add3A_166, %dma_start3A_167] : memref<80x64xf32, #tpu.memory_space<vmem>> -> memref<1x64xf32, #tpu.memory_space<vmem>>
      %dma_start3A_169 = tpu.memref_squeeze %dma_start3A_168 : memref<1x64xf32, #tpu.memory_space<vmem>> -> memref<64xf32, #tpu.memory_space<vmem>>
      %dma_start3A_170 = arith.constant 0 : i32
      %dma_start3A_171 = tpu.memref_slice %arg2[%squeeze3A_162, %dma_start3A_170] : memref<1000000x64xf32, #tpu.memory_space<hbm>> -> memref<1x64xf32, #tpu.memory_space<hbm>>
      %dma_start3A_172 = tpu.memref_squeeze %dma_start3A_171 : memref<1x64xf32, #tpu.memory_space<hbm>> -> memref<64xf32, #tpu.memory_space<hbm>>
      %dma_start3A_173 = arith.constant 0 : i32
      %dma_start3A_174 = tpu.memref_slice %arg6[%add3A_166, %dma_start3A_173] : memref<80x64xf32, #tpu.memory_space<vmem>> -> memref<1x64xf32, #tpu.memory_space<vmem>>
      %dma_start3A_175 = tpu.memref_squeeze %dma_start3A_174 : memref<1x64xf32, #tpu.memory_space<vmem>> -> memref<64xf32, #tpu.memory_space<vmem>>
      %dma_start3A_176 = arith.constant 0 : i32
      %dma_start3A_177 = tpu.memref_slice %arg2[%squeeze3A_162, %dma_start3A_176] : memref<1000000x64xf32, #tpu.memory_space<hbm>> -> memref<1x64xf32, #tpu.memory_space<hbm>>
      %dma_start3A_178 = tpu.memref_squeeze %dma_start3A_177 : memref<1x64xf32, #tpu.memory_space<hbm>> -> memref<64xf32, #tpu.memory_space<hbm>>
      tpu.enqueue_dma source(%dma_start3A_178 : memref<64xf32, #tpu.memory_space<hbm>>) target(%dma_start3A_175 : memref<64xf32, #tpu.memory_space<vmem>>) target_semaphore(%arg8 : memref<!tpu.dma_semaphore, #tpu.memory_space<semaphore_mem>>)
      %slice3A_179 = vector.extract_strided_slice %get3A_19 {offsets = [9], sizes = [1], strides = [1]} : vector<16xi32> to vector<1xi32>
      %squeeze3A_180 = vector.extract %slice3A_179[0] : i32 from vector<1xi32>
      %mul3A_181 = arith.constant 16 : i32
      %mul3A_182 = arith.muli %scan3A_14, %mul3A_181 : i32
      %add3A_183 = arith.constant 9 : i32
      %add3A_184 = arith.addi %mul3A_182, %add3A_183 : i32
      %dma_start3A_185 = arith.constant 0 : i32
      %dma_start3A_186 = tpu.memref_slice %arg6[%add3A_184, %dma_start3A_185] : memref<80x64xf32, #tpu.memory_space<vmem>> -> memref<1x64xf32, #tpu.memory_space<vmem>>
      %dma_start3A_187 = tpu.memref_squeeze %dma_start3A_186 : memref<1x64xf32, #tpu.memory_space<vmem>> -> memref<64xf32, #tpu.memory_space<vmem>>
      %dma_start3A_188 = arith.constant 0 : i32
      %dma_start3A_189 = tpu.memref_slice %arg2[%squeeze3A_180, %dma_start3A_188] : memref<1000000x64xf32, #tpu.memory_space<hbm>> -> memref<1x64xf32, #tpu.memory_space<hbm>>
      %dma_start3A_190 = tpu.memref_squeeze %dma_start3A_189 : memref<1x64xf32, #tpu.memory_space<hbm>> -> memref<64xf32, #tpu.memory_space<hbm>>
      %dma_start3A_191 = arith.constant 0 : i32
      %dma_start3A_192 = tpu.memref_slice %arg6[%add3A_184, %dma_start3A_191] : memref<80x64xf32, #tpu.memory_space<vmem>> -> memref<1x64xf32, #tpu.memory_space<vmem>>
      %dma_start3A_193 = tpu.memref_squeeze %dma_start3A_192 : memref<1x64xf32, #tpu.memory_space<vmem>> -> memref<64xf32, #tpu.memory_space<vmem>>
      %dma_start3A_194 = arith.constant 0 : i32
      %dma_start3A_195 = tpu.memref_slice %arg2[%squeeze3A_180, %dma_start3A_194] : memref<1000000x64xf32, #tpu.memory_space<hbm>> -> memref<1x64xf32, #tpu.memory_space<hbm>>
      %dma_start3A_196 = tpu.memref_squeeze %dma_start3A_195 : memref<1x64xf32, #tpu.memory_space<hbm>> -> memref<64xf32, #tpu.memory_space<hbm>>
      tpu.enqueue_dma source(%dma_start3A_196 : memref<64xf32, #tpu.memory_space<hbm>>) target(%dma_start3A_193 : memref<64xf32, #tpu.memory_space<vmem>>) target_semaphore(%arg8 : memref<!tpu.dma_semaphore, #tpu.memory_space<semaphore_mem>>)
      %slice3A_197 = vector.extract_strided_slice %get3A_19 {offsets = [10], sizes = [1], strides = [1]} : vector<16xi32> to vector<1xi32>
      %squeeze3A_198 = vector.extract %slice3A_197[0] : i32 from vector<1xi32>
      %mul3A_199 = arith.constant 16 : i32
      %mul3A_200 = arith.muli %scan3A_14, %mul3A_199 : i32
      %add3A_201 = arith.constant 10 : i32
      %add3A_202 = arith.addi %mul3A_200, %add3A_201 : i32
      %dma_start3A_203 = arith.constant 0 : i32
      %dma_start3A_204 = tpu.memref_slice %arg6[%add3A_202, %dma_start3A_203] : memref<80x64xf32, #tpu.memory_space<vmem>> -> memref<1x64xf32, #tpu.memory_space<vmem>>
      %dma_start3A_205 = tpu.memref_squeeze %dma_start3A_204 : memref<1x64xf32, #tpu.memory_space<vmem>> -> memref<64xf32, #tpu.memory_space<vmem>>
      %dma_start3A_206 = arith.constant 0 : i32
      %dma_start3A_207 = tpu.memref_slice %arg2[%squeeze3A_198, %dma_start3A_206] : memref<1000000x64xf32, #tpu.memory_space<hbm>> -> memref<1x64xf32, #tpu.memory_space<hbm>>
      %dma_start3A_208 = tpu.memref_squeeze %dma_start3A_207 : memref<1x64xf32, #tpu.memory_space<hbm>> -> memref<64xf32, #tpu.memory_space<hbm>>
      %dma_start3A_209 = arith.constant 0 : i32
      %dma_start3A_210 = tpu.memref_slice %arg6[%add3A_202, %dma_start3A_209] : memref<80x64xf32, #tpu.memory_space<vmem>> -> memref<1x64xf32, #tpu.memory_space<vmem>>
      %dma_start3A_211 = tpu.memref_squeeze %dma_start3A_210 : memref<1x64xf32, #tpu.memory_space<vmem>> -> memref<64xf32, #tpu.memory_space<vmem>>
      %dma_start3A_212 = arith.constant 0 : i32
      %dma_start3A_213 = tpu.memref_slice %arg2[%squeeze3A_198, %dma_start3A_212] : memref<1000000x64xf32, #tpu.memory_space<hbm>> -> memref<1x64xf32, #tpu.memory_space<hbm>>
      %dma_start3A_214 = tpu.memref_squeeze %dma_start3A_213 : memref<1x64xf32, #tpu.memory_space<hbm>> -> memref<64xf32, #tpu.memory_space<hbm>>
      tpu.enqueue_dma source(%dma_start3A_214 : memref<64xf32, #tpu.memory_space<hbm>>) target(%dma_start3A_211 : memref<64xf32, #tpu.memory_space<vmem>>) target_semaphore(%arg8 : memref<!tpu.dma_semaphore, #tpu.memory_space<semaphore_mem>>)
      %slice3A_215 = vector.extract_strided_slice %get3A_19 {offsets = [11], sizes = [1], strides = [1]} : vector<16xi32> to vector<1xi32>
      %squeeze3A_216 = vector.extract %slice3A_215[0] : i32 from vector<1xi32>
      %mul3A_217 = arith.constant 16 : i32
      %mul3A_218 = arith.muli %scan3A_14, %mul3A_217 : i32
      %add3A_219 = arith.constant 11 : i32
      %add3A_220 = arith.addi %mul3A_218, %add3A_219 : i32
      %dma_start3A_221 = arith.constant 0 : i32
      %dma_start3A_222 = tpu.memref_slice %arg6[%add3A_220, %dma_start3A_221] : memref<80x64xf32, #tpu.memory_space<vmem>> -> memref<1x64xf32, #tpu.memory_space<vmem>>
      %dma_start3A_223 = tpu.memref_squeeze %dma_start3A_222 : memref<1x64xf32, #tpu.memory_space<vmem>> -> memref<64xf32, #tpu.memory_space<vmem>>
      %dma_start3A_224 = arith.constant 0 : i32
      %dma_start3A_225 = tpu.memref_slice %arg2[%squeeze3A_216, %dma_start3A_224] : memref<1000000x64xf32, #tpu.memory_space<hbm>> -> memref<1x64xf32, #tpu.memory_space<hbm>>
      %dma_start3A_226 = tpu.memref_squeeze %dma_start3A_225 : memref<1x64xf32, #tpu.memory_space<hbm>> -> memref<64xf32, #tpu.memory_space<hbm>>
      %dma_start3A_227 = arith.constant 0 : i32
      %dma_start3A_228 = tpu.memref_slice %arg6[%add3A_220, %dma_start3A_227] : memref<80x64xf32, #tpu.memory_space<vmem>> -> memref<1x64xf32, #tpu.memory_space<vmem>>
      %dma_start3A_229 = tpu.memref_squeeze %dma_start3A_228 : memref<1x64xf32, #tpu.memory_space<vmem>> -> memref<64xf32, #tpu.memory_space<vmem>>
      %dma_start3A_230 = arith.constant 0 : i32
      %dma_start3A_231 = tpu.memref_slice %arg2[%squeeze3A_216, %dma_start3A_230] : memref<1000000x64xf32, #tpu.memory_space<hbm>> -> memref<1x64xf32, #tpu.memory_space<hbm>>
      %dma_start3A_232 = tpu.memref_squeeze %dma_start3A_231 : memref<1x64xf32, #tpu.memory_space<hbm>> -> memref<64xf32, #tpu.memory_space<hbm>>
      tpu.enqueue_dma source(%dma_start3A_232 : memref<64xf32, #tpu.memory_space<hbm>>) target(%dma_start3A_229 : memref<64xf32, #tpu.memory_space<vmem>>) target_semaphore(%arg8 : memref<!tpu.dma_semaphore, #tpu.memory_space<semaphore_mem>>)
      %slice3A_233 = vector.extract_strided_slice %get3A_19 {offsets = [12], sizes = [1], strides = [1]} : vector<16xi32> to vector<1xi32>
      %squeeze3A_234 = vector.extract %slice3A_233[0] : i32 from vector<1xi32>
      %mul3A_235 = arith.constant 16 : i32
      %mul3A_236 = arith.muli %scan3A_14, %mul3A_235 : i32
      %add3A_237 = arith.constant 12 : i32
      %add3A_238 = arith.addi %mul3A_236, %add3A_237 : i32
      %dma_start3A_239 = arith.constant 0 : i32
      %dma_start3A_240 = tpu.memref_slice %arg6[%add3A_238, %dma_start3A_239] : memref<80x64xf32, #tpu.memory_space<vmem>> -> memref<1x64xf32, #tpu.memory_space<vmem>>
      %dma_start3A_241 = tpu.memref_squeeze %dma_start3A_240 : memref<1x64xf32, #tpu.memory_space<vmem>> -> memref<64xf32, #tpu.memory_space<vmem>>
      %dma_start3A_242 = arith.constant 0 : i32
      %dma_start3A_243 = tpu.memref_slice %arg2[%squeeze3A_234, %dma_start3A_242] : memref<1000000x64xf32, #tpu.memory_space<hbm>> -> memref<1x64xf32, #tpu.memory_space<hbm>>
      %dma_start3A_244 = tpu.memref_squeeze %dma_start3A_243 : memref<1x64xf32, #tpu.memory_space<hbm>> -> memref<64xf32, #tpu.memory_space<hbm>>
      %dma_start3A_245 = arith.constant 0 : i32
      %dma_start3A_246 = tpu.memref_slice %arg6[%add3A_238, %dma_start3A_245] : memref<80x64xf32, #tpu.memory_space<vmem>> -> memref<1x64xf32, #tpu.memory_space<vmem>>
      %dma_start3A_247 = tpu.memref_squeeze %dma_start3A_246 : memref<1x64xf32, #tpu.memory_space<vmem>> -> memref<64xf32, #tpu.memory_space<vmem>>
      %dma_start3A_248 = arith.constant 0 : i32
      %dma_start3A_249 = tpu.memref_slice %arg2[%squeeze3A_234, %dma_start3A_248] : memref<1000000x64xf32, #tpu.memory_space<hbm>> -> memref<1x64xf32, #tpu.memory_space<hbm>>
      %dma_start3A_250 = tpu.memref_squeeze %dma_start3A_249 : memref<1x64xf32, #tpu.memory_space<hbm>> -> memref<64xf32, #tpu.memory_space<hbm>>
      tpu.enqueue_dma source(%dma_start3A_250 : memref<64xf32, #tpu.memory_space<hbm>>) target(%dma_start3A_247 : memref<64xf32, #tpu.memory_space<vmem>>) target_semaphore(%arg8 : memref<!tpu.dma_semaphore, #tpu.memory_space<semaphore_mem>>)
      %slice3A_251 = vector.extract_strided_slice %get3A_19 {offsets = [13], sizes = [1], strides = [1]} : vector<16xi32> to vector<1xi32>
      %squeeze3A_252 = vector.extract %slice3A_251[0] : i32 from vector<1xi32>
      %mul3A_253 = arith.constant 16 : i32
      %mul3A_254 = arith.muli %scan3A_14, %mul3A_253 : i32
      %add3A_255 = arith.constant 13 : i32
      %add3A_256 = arith.addi %mul3A_254, %add3A_255 : i32
      %dma_start3A_257 = arith.constant 0 : i32
      %dma_start3A_258 = tpu.memref_slice %arg6[%add3A_256, %dma_start3A_257] : memref<80x64xf32, #tpu.memory_space<vmem>> -> memref<1x64xf32, #tpu.memory_space<vmem>>
      %dma_start3A_259 = tpu.memref_squeeze %dma_start3A_258 : memref<1x64xf32, #tpu.memory_space<vmem>> -> memref<64xf32, #tpu.memory_space<vmem>>
      %dma_start3A_260 = arith.constant 0 : i32
      %dma_start3A_261 = tpu.memref_slice %arg2[%squeeze3A_252, %dma_start3A_260] : memref<1000000x64xf32, #tpu.memory_space<hbm>> -> memref<1x64xf32, #tpu.memory_space<hbm>>
      %dma_start3A_262 = tpu.memref_squeeze %dma_start3A_261 : memref<1x64xf32, #tpu.memory_space<hbm>> -> memref<64xf32, #tpu.memory_space<hbm>>
      %dma_start3A_263 = arith.constant 0 : i32
      %dma_start3A_264 = tpu.memref_slice %arg6[%add3A_256, %dma_start3A_263] : memref<80x64xf32, #tpu.memory_space<vmem>> -> memref<1x64xf32, #tpu.memory_space<vmem>>
      %dma_start3A_265 = tpu.memref_squeeze %dma_start3A_264 : memref<1x64xf32, #tpu.memory_space<vmem>> -> memref<64xf32, #tpu.memory_space<vmem>>
      %dma_start3A_266 = arith.constant 0 : i32
      %dma_start3A_267 = tpu.memref_slice %arg2[%squeeze3A_252, %dma_start3A_266] : memref<1000000x64xf32, #tpu.memory_space<hbm>> -> memref<1x64xf32, #tpu.memory_space<hbm>>
      %dma_start3A_268 = tpu.memref_squeeze %dma_start3A_267 : memref<1x64xf32, #tpu.memory_space<hbm>> -> memref<64xf32, #tpu.memory_space<hbm>>
      tpu.enqueue_dma source(%dma_start3A_268 : memref<64xf32, #tpu.memory_space<hbm>>) target(%dma_start3A_265 : memref<64xf32, #tpu.memory_space<vmem>>) target_semaphore(%arg8 : memref<!tpu.dma_semaphore, #tpu.memory_space<semaphore_mem>>)
      %slice3A_269 = vector.extract_strided_slice %get3A_19 {offsets = [14], sizes = [1], strides = [1]} : vector<16xi32> to vector<1xi32>
      %squeeze3A_270 = vector.extract %slice3A_269[0] : i32 from vector<1xi32>
      %mul3A_271 = arith.constant 16 : i32
      %mul3A_272 = arith.muli %scan3A_14, %mul3A_271 : i32
      %add3A_273 = arith.constant 14 : i32
      %add3A_274 = arith.addi %mul3A_272, %add3A_273 : i32
      %dma_start3A_275 = arith.constant 0 : i32
      %dma_start3A_276 = tpu.memref_slice %arg6[%add3A_274, %dma_start3A_275] : memref<80x64xf32, #tpu.memory_space<vmem>> -> memref<1x64xf32, #tpu.memory_space<vmem>>
      %dma_start3A_277 = tpu.memref_squeeze %dma_start3A_276 : memref<1x64xf32, #tpu.memory_space<vmem>> -> memref<64xf32, #tpu.memory_space<vmem>>
      %dma_start3A_278 = arith.constant 0 : i32
      %dma_start3A_279 = tpu.memref_slice %arg2[%squeeze3A_270, %dma_start3A_278] : memref<1000000x64xf32, #tpu.memory_space<hbm>> -> memref<1x64xf32, #tpu.memory_space<hbm>>
      %dma_start3A_280 = tpu.memref_squeeze %dma_start3A_279 : memref<1x64xf32, #tpu.memory_space<hbm>> -> memref<64xf32, #tpu.memory_space<hbm>>
      %dma_start3A_281 = arith.constant 0 : i32
      %dma_start3A_282 = tpu.memref_slice %arg6[%add3A_274, %dma_start3A_281] : memref<80x64xf32, #tpu.memory_space<vmem>> -> memref<1x64xf32, #tpu.memory_space<vmem>>
      %dma_start3A_283 = tpu.memref_squeeze %dma_start3A_282 : memref<1x64xf32, #tpu.memory_space<vmem>> -> memref<64xf32, #tpu.memory_space<vmem>>
      %dma_start3A_284 = arith.constant 0 : i32
      %dma_start3A_285 = tpu.memref_slice %arg2[%squeeze3A_270, %dma_start3A_284] : memref<1000000x64xf32, #tpu.memory_space<hbm>> -> memref<1x64xf32, #tpu.memory_space<hbm>>
      %dma_start3A_286 = tpu.memref_squeeze %dma_start3A_285 : memref<1x64xf32, #tpu.memory_space<hbm>> -> memref<64xf32, #tpu.memory_space<hbm>>
      tpu.enqueue_dma source(%dma_start3A_286 : memref<64xf32, #tpu.memory_space<hbm>>) target(%dma_start3A_283 : memref<64xf32, #tpu.memory_space<vmem>>) target_semaphore(%arg8 : memref<!tpu.dma_semaphore, #tpu.memory_space<semaphore_mem>>)
      %slice3A_287 = vector.extract_strided_slice %get3A_19 {offsets = [15], sizes = [1], strides = [1]} : vector<16xi32> to vector<1xi32>
      %squeeze3A_288 = vector.extract %slice3A_287[0] : i32 from vector<1xi32>
      %mul3A_289 = arith.constant 16 : i32
      %mul3A_290 = arith.muli %scan3A_14, %mul3A_289 : i32
      %add3A_291 = arith.constant 15 : i32
      %add3A_292 = arith.addi %mul3A_290, %add3A_291 : i32
      %dma_start3A_293 = arith.constant 0 : i32
      %dma_start3A_294 = tpu.memref_slice %arg6[%add3A_292, %dma_start3A_293] : memref<80x64xf32, #tpu.memory_space<vmem>> -> memref<1x64xf32, #tpu.memory_space<vmem>>
      %dma_start3A_295 = tpu.memref_squeeze %dma_start3A_294 : memref<1x64xf32, #tpu.memory_space<vmem>> -> memref<64xf32, #tpu.memory_space<vmem>>
      %dma_start3A_296 = arith.constant 0 : i32
      %dma_start3A_297 = tpu.memref_slice %arg2[%squeeze3A_288, %dma_start3A_296] : memref<1000000x64xf32, #tpu.memory_space<hbm>> -> memref<1x64xf32, #tpu.memory_space<hbm>>
      %dma_start3A_298 = tpu.memref_squeeze %dma_start3A_297 : memref<1x64xf32, #tpu.memory_space<hbm>> -> memref<64xf32, #tpu.memory_space<hbm>>
      %dma_start3A_299 = arith.constant 0 : i32
      %dma_start3A_300 = tpu.memref_slice %arg6[%add3A_292, %dma_start3A_299] : memref<80x64xf32, #tpu.memory_space<vmem>> -> memref<1x64xf32, #tpu.memory_space<vmem>>
      %dma_start3A_301 = tpu.memref_squeeze %dma_start3A_300 : memref<1x64xf32, #tpu.memory_space<vmem>> -> memref<64xf32, #tpu.memory_space<vmem>>
      %dma_start3A_302 = arith.constant 0 : i32
      %dma_start3A_303 = tpu.memref_slice %arg2[%squeeze3A_288, %dma_start3A_302] : memref<1000000x64xf32, #tpu.memory_space<hbm>> -> memref<1x64xf32, #tpu.memory_space<hbm>>
      %dma_start3A_304 = tpu.memref_squeeze %dma_start3A_303 : memref<1x64xf32, #tpu.memory_space<hbm>> -> memref<64xf32, #tpu.memory_space<hbm>>
      tpu.enqueue_dma source(%dma_start3A_304 : memref<64xf32, #tpu.memory_space<hbm>>) target(%dma_start3A_301 : memref<64xf32, #tpu.memory_space<vmem>>) target_semaphore(%arg8 : memref<!tpu.dma_semaphore, #tpu.memory_space<semaphore_mem>>)
    }
    %scan3A_7 = arith.constant 5 : i32
    %scan3A_8 = arith.constant 0 : i32
    %scan3A_9 = arith.constant 0 : i32
    %scan3A_10 = arith.constant 5 : i32
    %scan3A_11 = arith.addi %scan3A_9, %scan3A_10 : i32
    %scan3A_12 = arith.constant 1 : i32
    scf.for %scan3A_14 = %scan3A_9 to %scan3A_11 step %scan3A_12  : i32 {
      %mul3A_15 = arith.constant 2 : i32
      %mul3A_16 = arith.muli %mul3A_15, %scan3A_14 : i32
      %add3A_17 = arith.constant 1 : i32
      %add3A_18 = arith.addi %mul3A_16, %add3A_17 : i32
      %lt3A = arith.constant 10 : i32
      %lt3A_19 = arith.cmpi slt, %add3A_18, %lt3A : i32
      %convert_element_type3A = arith.extui %lt3A_19 : i1 to i32
      %cond3A = arith.constant 0 : i32
      %cond3A_20 = arith.cmpi ne, %convert_element_type3A, %cond3A : i32
      scf.if %cond3A_20 {
        %add3A_44 = arith.constant 1 : i32
        %add3A_45 = arith.addi %mul3A_16, %add3A_44 : i32
        %scan3A_46 = arith.constant 0 : i32
        %scan3A_47 = arith.constant 0 : i32
        %scan3A_48 = arith.constant 5 : i32
        %scan3A_49 = arith.addi %scan3A_47, %scan3A_48 : i32
        %scan3A_50 = arith.constant 1 : i32
        scf.for %scan3A_52 = %scan3A_47 to %scan3A_49 step %scan3A_50  : i32 {
          %mul3A_53 = arith.constant 80 : i32
          %mul3A_54 = arith.muli %add3A_45, %mul3A_53 : i32
          %mul3A_55 = arith.constant 16 : i32
          %mul3A_56 = arith.muli %scan3A_52, %mul3A_55 : i32
          %add3A_57 = arith.addi %mul3A_54, %mul3A_56 : i32
          %get3A = arith.index_cast %add3A_57 : i32 to index
          %get3A_58 = tpu.vector_load %arg5[%get3A] {strides = array<i32>} : memref<800xi32, #tpu.memory_space<vmem>>, vector<16xi32>,
          %slice3A = vector.extract_strided_slice %get3A_58 {offsets = [0], sizes = [1], strides = [1]} : vector<16xi32> to vector<1xi32>
          %squeeze3A = vector.extract %slice3A[0] : i32 from vector<1xi32>
          %mul3A_59 = arith.constant 16 : i32
          %mul3A_60 = arith.muli %scan3A_52, %mul3A_59 : i32
          %add3A_61 = arith.constant 0 : i32
          %add3A_62 = arith.addi %mul3A_60, %add3A_61 : i32
          %dma_start3A = arith.constant 0 : i32
          %dma_start3A_63 = tpu.memref_slice %arg7[%add3A_62, %dma_start3A] : memref<80x64xf32, #tpu.memory_space<vmem>> -> memref<1x64xf32, #tpu.memory_space<vmem>>
          %dma_start3A_64 = tpu.memref_squeeze %dma_start3A_63 : memref<1x64xf32, #tpu.memory_space<vmem>> -> memref<64xf32, #tpu.memory_space<vmem>>
          %dma_start3A_65 = arith.constant 0 : i32
          %dma_start3A_66 = tpu.memref_slice %arg2[%squeeze3A, %dma_start3A_65] : memref<1000000x64xf32, #tpu.memory_space<hbm>> -> memref<1x64xf32, #tpu.memory_space<hbm>>
          %dma_start3A_67 = tpu.memref_squeeze %dma_start3A_66 : memref<1x64xf32, #tpu.memory_space<hbm>> -> memref<64xf32, #tpu.memory_space<hbm>>
          %dma_start3A_68 = arith.constant 0 : i32
          %dma_start3A_69 = tpu.memref_slice %arg7[%add3A_62, %dma_start3A_68] : memref<80x64xf32, #tpu.memory_space<vmem>> -> memref<1x64xf32, #tpu.memory_space<vmem>>
          %dma_start3A_70 = tpu.memref_squeeze %dma_start3A_69 : memref<1x64xf32, #tpu.memory_space<vmem>> -> memref<64xf32, #tpu.memory_space<vmem>>
          %dma_start3A_71 = arith.constant 0 : i32
          %dma_start3A_72 = tpu.memref_slice %arg2[%squeeze3A, %dma_start3A_71] : memref<1000000x64xf32, #tpu.memory_space<hbm>> -> memref<1x64xf32, #tpu.memory_space<hbm>>
          %dma_start3A_73 = tpu.memref_squeeze %dma_start3A_72 : memref<1x64xf32, #tpu.memory_space<hbm>> -> memref<64xf32, #tpu.memory_space<hbm>>
          tpu.enqueue_dma source(%dma_start3A_73 : memref<64xf32, #tpu.memory_space<hbm>>) target(%dma_start3A_70 : memref<64xf32, #tpu.memory_space<vmem>>) target_semaphore(%arg9 : memref<!tpu.dma_semaphore, #tpu.memory_space<semaphore_mem>>)
          %slice3A_74 = vector.extract_strided_slice %get3A_58 {offsets = [1], sizes = [1], strides = [1]} : vector<16xi32> to vector<1xi32>
          %squeeze3A_75 = vector.extract %slice3A_74[0] : i32 from vector<1xi32>
          %mul3A_76 = arith.constant 16 : i32
          %mul3A_77 = arith.muli %scan3A_52, %mul3A_76 : i32
          %add3A_78 = arith.constant 1 : i32
          %add3A_79 = arith.addi %mul3A_77, %add3A_78 : i32
          %dma_start3A_80 = arith.constant 0 : i32
          %dma_start3A_81 = tpu.memref_slice %arg7[%add3A_79, %dma_start3A_80] : memref<80x64xf32, #tpu.memory_space<vmem>> -> memref<1x64xf32, #tpu.memory_space<vmem>>
          %dma_start3A_82 = tpu.memref_squeeze %dma_start3A_81 : memref<1x64xf32, #tpu.memory_space<vmem>> -> memref<64xf32, #tpu.memory_space<vmem>>
          %dma_start3A_83 = arith.constant 0 : i32
          %dma_start3A_84 = tpu.memref_slice %arg2[%squeeze3A_75, %dma_start3A_83] : memref<1000000x64xf32, #tpu.memory_space<hbm>> -> memref<1x64xf32, #tpu.memory_space<hbm>>
          %dma_start3A_85 = tpu.memref_squeeze %dma_start3A_84 : memref<1x64xf32, #tpu.memory_space<hbm>> -> memref<64xf32, #tpu.memory_space<hbm>>
          %dma_start3A_86 = arith.constant 0 : i32
          %dma_start3A_87 = tpu.memref_slice %arg7[%add3A_79, %dma_start3A_86] : memref<80x64xf32, #tpu.memory_space<vmem>> -> memref<1x64xf32, #tpu.memory_space<vmem>>
          %dma_start3A_88 = tpu.memref_squeeze %dma_start3A_87 : memref<1x64xf32, #tpu.memory_space<vmem>> -> memref<64xf32, #tpu.memory_space<vmem>>
          %dma_start3A_89 = arith.constant 0 : i32
          %dma_start3A_90 = tpu.memref_slice %arg2[%squeeze3A_75, %dma_start3A_89] : memref<1000000x64xf32, #tpu.memory_space<hbm>> -> memref<1x64xf32, #tpu.memory_space<hbm>>
          %dma_start3A_91 = tpu.memref_squeeze %dma_start3A_90 : memref<1x64xf32, #tpu.memory_space<hbm>> -> memref<64xf32, #tpu.memory_space<hbm>>
          tpu.enqueue_dma source(%dma_start3A_91 : memref<64xf32, #tpu.memory_space<hbm>>) target(%dma_start3A_88 : memref<64xf32, #tpu.memory_space<vmem>>) target_semaphore(%arg9 : memref<!tpu.dma_semaphore, #tpu.memory_space<semaphore_mem>>)
          %slice3A_92 = vector.extract_strided_slice %get3A_58 {offsets = [2], sizes = [1], strides = [1]} : vector<16xi32> to vector<1xi32>
          %squeeze3A_93 = vector.extract %slice3A_92[0] : i32 from vector<1xi32>
          %mul3A_94 = arith.constant 16 : i32
          %mul3A_95 = arith.muli %scan3A_52, %mul3A_94 : i32
          %add3A_96 = arith.constant 2 : i32
          %add3A_97 = arith.addi %mul3A_95, %add3A_96 : i32
          %dma_start3A_98 = arith.constant 0 : i32
          %dma_start3A_99 = tpu.memref_slice %arg7[%add3A_97, %dma_start3A_98] : memref<80x64xf32, #tpu.memory_space<vmem>> -> memref<1x64xf32, #tpu.memory_space<vmem>>
          %dma_start3A_100 = tpu.memref_squeeze %dma_start3A_99 : memref<1x64xf32, #tpu.memory_space<vmem>> -> memref<64xf32, #tpu.memory_space<vmem>>
          %dma_start3A_101 = arith.constant 0 : i32
          %dma_start3A_102 = tpu.memref_slice %arg2[%squeeze3A_93, %dma_start3A_101] : memref<1000000x64xf32, #tpu.memory_space<hbm>> -> memref<1x64xf32, #tpu.memory_space<hbm>>
          %dma_start3A_103 = tpu.memref_squeeze %dma_start3A_102 : memref<1x64xf32, #tpu.memory_space<hbm>> -> memref<64xf32, #tpu.memory_space<hbm>>
          %dma_start3A_104 = arith.constant 0 : i32
          %dma_start3A_105 = tpu.memref_slice %arg7[%add3A_97, %dma_start3A_104] : memref<80x64xf32, #tpu.memory_space<vmem>> -> memref<1x64xf32, #tpu.memory_space<vmem>>
          %dma_start3A_106 = tpu.memref_squeeze %dma_start3A_105 : memref<1x64xf32, #tpu.memory_space<vmem>> -> memref<64xf32, #tpu.memory_space<vmem>>
          %dma_start3A_107 = arith.constant 0 : i32
          %dma_start3A_108 = tpu.memref_slice %arg2[%squeeze3A_93, %dma_start3A_107] : memref<1000000x64xf32, #tpu.memory_space<hbm>> -> memref<1x64xf32, #tpu.memory_space<hbm>>
          %dma_start3A_109 = tpu.memref_squeeze %dma_start3A_108 : memref<1x64xf32, #tpu.memory_space<hbm>> -> memref<64xf32, #tpu.memory_space<hbm>>
          tpu.enqueue_dma source(%dma_start3A_109 : memref<64xf32, #tpu.memory_space<hbm>>) target(%dma_start3A_106 : memref<64xf32, #tpu.memory_space<vmem>>) target_semaphore(%arg9 : memref<!tpu.dma_semaphore, #tpu.memory_space<semaphore_mem>>)
          %slice3A_110 = vector.extract_strided_slice %get3A_58 {offsets = [3], sizes = [1], strides = [1]} : vector<16xi32> to vector<1xi32>
          %squeeze3A_111 = vector.extract %slice3A_110[0] : i32 from vector<1xi32>
          %mul3A_112 = arith.constant 16 : i32
          %mul3A_113 = arith.muli %scan3A_52, %mul3A_112 : i32
          %add3A_114 = arith.constant 3 : i32
          %add3A_115 = arith.addi %mul3A_113, %add3A_114 : i32
          %dma_start3A_116 = arith.constant 0 : i32
          %dma_start3A_117 = tpu.memref_slice %arg7[%add3A_115, %dma_start3A_116] : memref<80x64xf32, #tpu.memory_space<vmem>> -> memref<1x64xf32, #tpu.memory_space<vmem>>
          %dma_start3A_118 = tpu.memref_squeeze %dma_start3A_117 : memref<1x64xf32, #tpu.memory_space<vmem>> -> memref<64xf32, #tpu.memory_space<vmem>>
          %dma_start3A_119 = arith.constant 0 : i32
          %dma_start3A_120 = tpu.memref_slice %arg2[%squeeze3A_111, %dma_start3A_119] : memref<1000000x64xf32, #tpu.memory_space<hbm>> -> memref<1x64xf32, #tpu.memory_space<hbm>>
          %dma_start3A_121 = tpu.memref_squeeze %dma_start3A_120 : memref<1x64xf32, #tpu.memory_space<hbm>> -> memref<64xf32, #tpu.memory_space<hbm>>
          %dma_start3A_122 = arith.constant 0 : i32
          %dma_start3A_123 = tpu.memref_slice %arg7[%add3A_115, %dma_start3A_122] : memref<80x64xf32, #tpu.memory_space<vmem>> -> memref<1x64xf32, #tpu.memory_space<vmem>>
          %dma_start3A_124 = tpu.memref_squeeze %dma_start3A_123 : memref<1x64xf32, #tpu.memory_space<vmem>> -> memref<64xf32, #tpu.memory_space<vmem>>
          %dma_start3A_125 = arith.constant 0 : i32
          %dma_start3A_126 = tpu.memref_slice %arg2[%squeeze3A_111, %dma_start3A_125] : memref<1000000x64xf32, #tpu.memory_space<hbm>> -> memref<1x64xf32, #tpu.memory_space<hbm>>
          %dma_start3A_127 = tpu.memref_squeeze %dma_start3A_126 : memref<1x64xf32, #tpu.memory_space<hbm>> -> memref<64xf32, #tpu.memory_space<hbm>>
          tpu.enqueue_dma source(%dma_start3A_127 : memref<64xf32, #tpu.memory_space<hbm>>) target(%dma_start3A_124 : memref<64xf32, #tpu.memory_space<vmem>>) target_semaphore(%arg9 : memref<!tpu.dma_semaphore, #tpu.memory_space<semaphore_mem>>)
          %slice3A_128 = vector.extract_strided_slice %get3A_58 {offsets = [4], sizes = [1], strides = [1]} : vector<16xi32> to vector<1xi32>
          %squeeze3A_129 = vector.extract %slice3A_128[0] : i32 from vector<1xi32>
          %mul3A_130 = arith.constant 16 : i32
          %mul3A_131 = arith.muli %scan3A_52, %mul3A_130 : i32
          %add3A_132 = arith.constant 4 : i32
          %add3A_133 = arith.addi %mul3A_131, %add3A_132 : i32
          %dma_start3A_134 = arith.constant 0 : i32
          %dma_start3A_135 = tpu.memref_slice %arg7[%add3A_133, %dma_start3A_134] : memref<80x64xf32, #tpu.memory_space<vmem>> -> memref<1x64xf32, #tpu.memory_space<vmem>>
          %dma_start3A_136 = tpu.memref_squeeze %dma_start3A_135 : memref<1x64xf32, #tpu.memory_space<vmem>> -> memref<64xf32, #tpu.memory_space<vmem>>
          %dma_start3A_137 = arith.constant 0 : i32
          %dma_start3A_138 = tpu.memref_slice %arg2[%squeeze3A_129, %dma_start3A_137] : memref<1000000x64xf32, #tpu.memory_space<hbm>> -> memref<1x64xf32, #tpu.memory_space<hbm>>
          %dma_start3A_139 = tpu.memref_squeeze %dma_start3A_138 : memref<1x64xf32, #tpu.memory_space<hbm>> -> memref<64xf32, #tpu.memory_space<hbm>>
          %dma_start3A_140 = arith.constant 0 : i32
          %dma_start3A_141 = tpu.memref_slice %arg7[%add3A_133, %dma_start3A_140] : memref<80x64xf32, #tpu.memory_space<vmem>> -> memref<1x64xf32, #tpu.memory_space<vmem>>
          %dma_start3A_142 = tpu.memref_squeeze %dma_start3A_141 : memref<1x64xf32, #tpu.memory_space<vmem>> -> memref<64xf32, #tpu.memory_space<vmem>>
          %dma_start3A_143 = arith.constant 0 : i32
          %dma_start3A_144 = tpu.memref_slice %arg2[%squeeze3A_129, %dma_start3A_143] : memref<1000000x64xf32, #tpu.memory_space<hbm>> -> memref<1x64xf32, #tpu.memory_space<hbm>>
          %dma_start3A_145 = tpu.memref_squeeze %dma_start3A_144 : memref<1x64xf32, #tpu.memory_space<hbm>> -> memref<64xf32, #tpu.memory_space<hbm>>
          tpu.enqueue_dma source(%dma_start3A_145 : memref<64xf32, #tpu.memory_space<hbm>>) target(%dma_start3A_142 : memref<64xf32, #tpu.memory_space<vmem>>) target_semaphore(%arg9 : memref<!tpu.dma_semaphore, #tpu.memory_space<semaphore_mem>>)
          %slice3A_146 = vector.extract_strided_slice %get3A_58 {offsets = [5], sizes = [1], strides = [1]} : vector<16xi32> to vector<1xi32>
          %squeeze3A_147 = vector.extract %slice3A_146[0] : i32 from vector<1xi32>
          %mul3A_148 = arith.constant 16 : i32
          %mul3A_149 = arith.muli %scan3A_52, %mul3A_148 : i32
          %add3A_150 = arith.constant 5 : i32
          %add3A_151 = arith.addi %mul3A_149, %add3A_150 : i32
          %dma_start3A_152 = arith.constant 0 : i32
          %dma_start3A_153 = tpu.memref_slice %arg7[%add3A_151, %dma_start3A_152] : memref<80x64xf32, #tpu.memory_space<vmem>> -> memref<1x64xf32, #tpu.memory_space<vmem>>
          %dma_start3A_154 = tpu.memref_squeeze %dma_start3A_153 : memref<1x64xf32, #tpu.memory_space<vmem>> -> memref<64xf32, #tpu.memory_space<vmem>>
          %dma_start3A_155 = arith.constant 0 : i32
          %dma_start3A_156 = tpu.memref_slice %arg2[%squeeze3A_147, %dma_start3A_155] : memref<1000000x64xf32, #tpu.memory_space<hbm>> -> memref<1x64xf32, #tpu.memory_space<hbm>>
          %dma_start3A_157 = tpu.memref_squeeze %dma_start3A_156 : memref<1x64xf32, #tpu.memory_space<hbm>> -> memref<64xf32, #tpu.memory_space<hbm>>
          %dma_start3A_158 = arith.constant 0 : i32
          %dma_start3A_159 = tpu.memref_slice %arg7[%add3A_151, %dma_start3A_158] : memref<80x64xf32, #tpu.memory_space<vmem>> -> memref<1x64xf32, #tpu.memory_space<vmem>>
          %dma_start3A_160 = tpu.memref_squeeze %dma_start3A_159 : memref<1x64xf32, #tpu.memory_space<vmem>> -> memref<64xf32, #tpu.memory_space<vmem>>
          %dma_start3A_161 = arith.constant 0 : i32
          %dma_start3A_162 = tpu.memref_slice %arg2[%squeeze3A_147, %dma_start3A_161] : memref<1000000x64xf32, #tpu.memory_space<hbm>> -> memref<1x64xf32, #tpu.memory_space<hbm>>
          %dma_start3A_163 = tpu.memref_squeeze %dma_start3A_162 : memref<1x64xf32, #tpu.memory_space<hbm>> -> memref<64xf32, #tpu.memory_space<hbm>>
          tpu.enqueue_dma source(%dma_start3A_163 : memref<64xf32, #tpu.memory_space<hbm>>) target(%dma_start3A_160 : memref<64xf32, #tpu.memory_space<vmem>>) target_semaphore(%arg9 : memref<!tpu.dma_semaphore, #tpu.memory_space<semaphore_mem>>)
          %slice3A_164 = vector.extract_strided_slice %get3A_58 {offsets = [6], sizes = [1], strides = [1]} : vector<16xi32> to vector<1xi32>
          %squeeze3A_165 = vector.extract %slice3A_164[0] : i32 from vector<1xi32>
          %mul3A_166 = arith.constant 16 : i32
          %mul3A_167 = arith.muli %scan3A_52, %mul3A_166 : i32
          %add3A_168 = arith.constant 6 : i32
          %add3A_169 = arith.addi %mul3A_167, %add3A_168 : i32
          %dma_start3A_170 = arith.constant 0 : i32
          %dma_start3A_171 = tpu.memref_slice %arg7[%add3A_169, %dma_start3A_170] : memref<80x64xf32, #tpu.memory_space<vmem>> -> memref<1x64xf32, #tpu.memory_space<vmem>>
          %dma_start3A_172 = tpu.memref_squeeze %dma_start3A_171 : memref<1x64xf32, #tpu.memory_space<vmem>> -> memref<64xf32, #tpu.memory_space<vmem>>
          %dma_start3A_173 = arith.constant 0 : i32
          %dma_start3A_174 = tpu.memref_slice %arg2[%squeeze3A_165, %dma_start3A_173] : memref<1000000x64xf32, #tpu.memory_space<hbm>> -> memref<1x64xf32, #tpu.memory_space<hbm>>
          %dma_start3A_175 = tpu.memref_squeeze %dma_start3A_174 : memref<1x64xf32, #tpu.memory_space<hbm>> -> memref<64xf32, #tpu.memory_space<hbm>>
          %dma_start3A_176 = arith.constant 0 : i32
          %dma_start3A_177 = tpu.memref_slice %arg7[%add3A_169, %dma_start3A_176] : memref<80x64xf32, #tpu.memory_space<vmem>> -> memref<1x64xf32, #tpu.memory_space<vmem>>
          %dma_start3A_178 = tpu.memref_squeeze %dma_start3A_177 : memref<1x64xf32, #tpu.memory_space<vmem>> -> memref<64xf32, #tpu.memory_space<vmem>>
          %dma_start3A_179 = arith.constant 0 : i32
          %dma_start3A_180 = tpu.memref_slice %arg2[%squeeze3A_165, %dma_start3A_179] : memref<1000000x64xf32, #tpu.memory_space<hbm>> -> memref<1x64xf32, #tpu.memory_space<hbm>>
          %dma_start3A_181 = tpu.memref_squeeze %dma_start3A_180 : memref<1x64xf32, #tpu.memory_space<hbm>> -> memref<64xf32, #tpu.memory_space<hbm>>
          tpu.enqueue_dma source(%dma_start3A_181 : memref<64xf32, #tpu.memory_space<hbm>>) target(%dma_start3A_178 : memref<64xf32, #tpu.memory_space<vmem>>) target_semaphore(%arg9 : memref<!tpu.dma_semaphore, #tpu.memory_space<semaphore_mem>>)
          %slice3A_182 = vector.extract_strided_slice %get3A_58 {offsets = [7], sizes = [1], strides = [1]} : vector<16xi32> to vector<1xi32>
          %squeeze3A_183 = vector.extract %slice3A_182[0] : i32 from vector<1xi32>
          %mul3A_184 = arith.constant 16 : i32
          %mul3A_185 = arith.muli %scan3A_52, %mul3A_184 : i32
          %add3A_186 = arith.constant 7 : i32
          %add3A_187 = arith.addi %mul3A_185, %add3A_186 : i32
          %dma_start3A_188 = arith.constant 0 : i32
          %dma_start3A_189 = tpu.memref_slice %arg7[%add3A_187, %dma_start3A_188] : memref<80x64xf32, #tpu.memory_space<vmem>> -> memref<1x64xf32, #tpu.memory_space<vmem>>
          %dma_start3A_190 = tpu.memref_squeeze %dma_start3A_189 : memref<1x64xf32, #tpu.memory_space<vmem>> -> memref<64xf32, #tpu.memory_space<vmem>>
          %dma_start3A_191 = arith.constant 0 : i32
          %dma_start3A_192 = tpu.memref_slice %arg2[%squeeze3A_183, %dma_start3A_191] : memref<1000000x64xf32, #tpu.memory_space<hbm>> -> memref<1x64xf32, #tpu.memory_space<hbm>>
          %dma_start3A_193 = tpu.memref_squeeze %dma_start3A_192 : memref<1x64xf32, #tpu.memory_space<hbm>> -> memref<64xf32, #tpu.memory_space<hbm>>
          %dma_start3A_194 = arith.constant 0 : i32
          %dma_start3A_195 = tpu.memref_slice %arg7[%add3A_187, %dma_start3A_194] : memref<80x64xf32, #tpu.memory_space<vmem>> -> memref<1x64xf32, #tpu.memory_space<vmem>>
          %dma_start3A_196 = tpu.memref_squeeze %dma_start3A_195 : memref<1x64xf32, #tpu.memory_space<vmem>> -> memref<64xf32, #tpu.memory_space<vmem>>
          %dma_start3A_197 = arith.constant 0 : i32
          %dma_start3A_198 = tpu.memref_slice %arg2[%squeeze3A_183, %dma_start3A_197] : memref<1000000x64xf32, #tpu.memory_space<hbm>> -> memref<1x64xf32, #tpu.memory_space<hbm>>
          %dma_start3A_199 = tpu.memref_squeeze %dma_start3A_198 : memref<1x64xf32, #tpu.memory_space<hbm>> -> memref<64xf32, #tpu.memory_space<hbm>>
          tpu.enqueue_dma source(%dma_start3A_199 : memref<64xf32, #tpu.memory_space<hbm>>) target(%dma_start3A_196 : memref<64xf32, #tpu.memory_space<vmem>>) target_semaphore(%arg9 : memref<!tpu.dma_semaphore, #tpu.memory_space<semaphore_mem>>)
          %slice3A_200 = vector.extract_strided_slice %get3A_58 {offsets = [8], sizes = [1], strides = [1]} : vector<16xi32> to vector<1xi32>
          %squeeze3A_201 = vector.extract %slice3A_200[0] : i32 from vector<1xi32>
          %mul3A_202 = arith.constant 16 : i32
          %mul3A_203 = arith.muli %scan3A_52, %mul3A_202 : i32
          %add3A_204 = arith.constant 8 : i32
          %add3A_205 = arith.addi %mul3A_203, %add3A_204 : i32
          %dma_start3A_206 = arith.constant 0 : i32
          %dma_start3A_207 = tpu.memref_slice %arg7[%add3A_205, %dma_start3A_206] : memref<80x64xf32, #tpu.memory_space<vmem>> -> memref<1x64xf32, #tpu.memory_space<vmem>>
          %dma_start3A_208 = tpu.memref_squeeze %dma_start3A_207 : memref<1x64xf32, #tpu.memory_space<vmem>> -> memref<64xf32, #tpu.memory_space<vmem>>
          %dma_start3A_209 = arith.constant 0 : i32
          %dma_start3A_210 = tpu.memref_slice %arg2[%squeeze3A_201, %dma_start3A_209] : memref<1000000x64xf32, #tpu.memory_space<hbm>> -> memref<1x64xf32, #tpu.memory_space<hbm>>
          %dma_start3A_211 = tpu.memref_squeeze %dma_start3A_210 : memref<1x64xf32, #tpu.memory_space<hbm>> -> memref<64xf32, #tpu.memory_space<hbm>>
          %dma_start3A_212 = arith.constant 0 : i32
          %dma_start3A_213 = tpu.memref_slice %arg7[%add3A_205, %dma_start3A_212] : memref<80x64xf32, #tpu.memory_space<vmem>> -> memref<1x64xf32, #tpu.memory_space<vmem>>
          %dma_start3A_214 = tpu.memref_squeeze %dma_start3A_213 : memref<1x64xf32, #tpu.memory_space<vmem>> -> memref<64xf32, #tpu.memory_space<vmem>>
          %dma_start3A_215 = arith.constant 0 : i32
          %dma_start3A_216 = tpu.memref_slice %arg2[%squeeze3A_201, %dma_start3A_215] : memref<1000000x64xf32, #tpu.memory_space<hbm>> -> memref<1x64xf32, #tpu.memory_space<hbm>>
          %dma_start3A_217 = tpu.memref_squeeze %dma_start3A_216 : memref<1x64xf32, #tpu.memory_space<hbm>> -> memref<64xf32, #tpu.memory_space<hbm>>
          tpu.enqueue_dma source(%dma_start3A_217 : memref<64xf32, #tpu.memory_space<hbm>>) target(%dma_start3A_214 : memref<64xf32, #tpu.memory_space<vmem>>) target_semaphore(%arg9 : memref<!tpu.dma_semaphore, #tpu.memory_space<semaphore_mem>>)
          %slice3A_218 = vector.extract_strided_slice %get3A_58 {offsets = [9], sizes = [1], strides = [1]} : vector<16xi32> to vector<1xi32>
          %squeeze3A_219 = vector.extract %slice3A_218[0] : i32 from vector<1xi32>
          %mul3A_220 = arith.constant 16 : i32
          %mul3A_221 = arith.muli %scan3A_52, %mul3A_220 : i32
          %add3A_222 = arith.constant 9 : i32
          %add3A_223 = arith.addi %mul3A_221, %add3A_222 : i32
          %dma_start3A_224 = arith.constant 0 : i32
          %dma_start3A_225 = tpu.memref_slice %arg7[%add3A_223, %dma_start3A_224] : memref<80x64xf32, #tpu.memory_space<vmem>> -> memref<1x64xf32, #tpu.memory_space<vmem>>
          %dma_start3A_226 = tpu.memref_squeeze %dma_start3A_225 : memref<1x64xf32, #tpu.memory_space<vmem>> -> memref<64xf32, #tpu.memory_space<vmem>>
          %dma_start3A_227 = arith.constant 0 : i32
          %dma_start3A_228 = tpu.memref_slice %arg2[%squeeze3A_219, %dma_start3A_227] : memref<1000000x64xf32, #tpu.memory_space<hbm>> -> memref<1x64xf32, #tpu.memory_space<hbm>>
          %dma_start3A_229 = tpu.memref_squeeze %dma_start3A_228 : memref<1x64xf32, #tpu.memory_space<hbm>> -> memref<64xf32, #tpu.memory_space<hbm>>
          %dma_start3A_230 = arith.constant 0 : i32
          %dma_start3A_231 = tpu.memref_slice %arg7[%add3A_223, %dma_start3A_230] : memref<80x64xf32, #tpu.memory_space<vmem>> -> memref<1x64xf32, #tpu.memory_space<vmem>>
          %dma_start3A_232 = tpu.memref_squeeze %dma_start3A_231 : memref<1x64xf32, #tpu.memory_space<vmem>> -> memref<64xf32, #tpu.memory_space<vmem>>
          %dma_start3A_233 = arith.constant 0 : i32
          %dma_start3A_234 = tpu.memref_slice %arg2[%squeeze3A_219, %dma_start3A_233] : memref<1000000x64xf32, #tpu.memory_space<hbm>> -> memref<1x64xf32, #tpu.memory_space<hbm>>
          %dma_start3A_235 = tpu.memref_squeeze %dma_start3A_234 : memref<1x64xf32, #tpu.memory_space<hbm>> -> memref<64xf32, #tpu.memory_space<hbm>>
          tpu.enqueue_dma source(%dma_start3A_235 : memref<64xf32, #tpu.memory_space<hbm>>) target(%dma_start3A_232 : memref<64xf32, #tpu.memory_space<vmem>>) target_semaphore(%arg9 : memref<!tpu.dma_semaphore, #tpu.memory_space<semaphore_mem>>)
          %slice3A_236 = vector.extract_strided_slice %get3A_58 {offsets = [10], sizes = [1], strides = [1]} : vector<16xi32> to vector<1xi32>
          %squeeze3A_237 = vector.extract %slice3A_236[0] : i32 from vector<1xi32>
          %mul3A_238 = arith.constant 16 : i32
          %mul3A_239 = arith.muli %scan3A_52, %mul3A_238 : i32
          %add3A_240 = arith.constant 10 : i32
          %add3A_241 = arith.addi %mul3A_239, %add3A_240 : i32
          %dma_start3A_242 = arith.constant 0 : i32
          %dma_start3A_243 = tpu.memref_slice %arg7[%add3A_241, %dma_start3A_242] : memref<80x64xf32, #tpu.memory_space<vmem>> -> memref<1x64xf32, #tpu.memory_space<vmem>>
          %dma_start3A_244 = tpu.memref_squeeze %dma_start3A_243 : memref<1x64xf32, #tpu.memory_space<vmem>> -> memref<64xf32, #tpu.memory_space<vmem>>
          %dma_start3A_245 = arith.constant 0 : i32
          %dma_start3A_246 = tpu.memref_slice %arg2[%squeeze3A_237, %dma_start3A_245] : memref<1000000x64xf32, #tpu.memory_space<hbm>> -> memref<1x64xf32, #tpu.memory_space<hbm>>
          %dma_start3A_247 = tpu.memref_squeeze %dma_start3A_246 : memref<1x64xf32, #tpu.memory_space<hbm>> -> memref<64xf32, #tpu.memory_space<hbm>>
          %dma_start3A_248 = arith.constant 0 : i32
          %dma_start3A_249 = tpu.memref_slice %arg7[%add3A_241, %dma_start3A_248] : memref<80x64xf32, #tpu.memory_space<vmem>> -> memref<1x64xf32, #tpu.memory_space<vmem>>
          %dma_start3A_250 = tpu.memref_squeeze %dma_start3A_249 : memref<1x64xf32, #tpu.memory_space<vmem>> -> memref<64xf32, #tpu.memory_space<vmem>>
          %dma_start3A_251 = arith.constant 0 : i32
          %dma_start3A_252 = tpu.memref_slice %arg2[%squeeze3A_237, %dma_start3A_251] : memref<1000000x64xf32, #tpu.memory_space<hbm>> -> memref<1x64xf32, #tpu.memory_space<hbm>>
          %dma_start3A_253 = tpu.memref_squeeze %dma_start3A_252 : memref<1x64xf32, #tpu.memory_space<hbm>> -> memref<64xf32, #tpu.memory_space<hbm>>
          tpu.enqueue_dma source(%dma_start3A_253 : memref<64xf32, #tpu.memory_space<hbm>>) target(%dma_start3A_250 : memref<64xf32, #tpu.memory_space<vmem>>) target_semaphore(%arg9 : memref<!tpu.dma_semaphore, #tpu.memory_space<semaphore_mem>>)
          %slice3A_254 = vector.extract_strided_slice %get3A_58 {offsets = [11], sizes = [1], strides = [1]} : vector<16xi32> to vector<1xi32>
          %squeeze3A_255 = vector.extract %slice3A_254[0] : i32 from vector<1xi32>
          %mul3A_256 = arith.constant 16 : i32
          %mul3A_257 = arith.muli %scan3A_52, %mul3A_256 : i32
          %add3A_258 = arith.constant 11 : i32
          %add3A_259 = arith.addi %mul3A_257, %add3A_258 : i32
          %dma_start3A_260 = arith.constant 0 : i32
          %dma_start3A_261 = tpu.memref_slice %arg7[%add3A_259, %dma_start3A_260] : memref<80x64xf32, #tpu.memory_space<vmem>> -> memref<1x64xf32, #tpu.memory_space<vmem>>
          %dma_start3A_262 = tpu.memref_squeeze %dma_start3A_261 : memref<1x64xf32, #tpu.memory_space<vmem>> -> memref<64xf32, #tpu.memory_space<vmem>>
          %dma_start3A_263 = arith.constant 0 : i32
          %dma_start3A_264 = tpu.memref_slice %arg2[%squeeze3A_255, %dma_start3A_263] : memref<1000000x64xf32, #tpu.memory_space<hbm>> -> memref<1x64xf32, #tpu.memory_space<hbm>>
          %dma_start3A_265 = tpu.memref_squeeze %dma_start3A_264 : memref<1x64xf32, #tpu.memory_space<hbm>> -> memref<64xf32, #tpu.memory_space<hbm>>
          %dma_start3A_266 = arith.constant 0 : i32
          %dma_start3A_267 = tpu.memref_slice %arg7[%add3A_259, %dma_start3A_266] : memref<80x64xf32, #tpu.memory_space<vmem>> -> memref<1x64xf32, #tpu.memory_space<vmem>>
          %dma_start3A_268 = tpu.memref_squeeze %dma_start3A_267 : memref<1x64xf32, #tpu.memory_space<vmem>> -> memref<64xf32, #tpu.memory_space<vmem>>
          %dma_start3A_269 = arith.constant 0 : i32
          %dma_start3A_270 = tpu.memref_slice %arg2[%squeeze3A_255, %dma_start3A_269] : memref<1000000x64xf32, #tpu.memory_space<hbm>> -> memref<1x64xf32, #tpu.memory_space<hbm>>
          %dma_start3A_271 = tpu.memref_squeeze %dma_start3A_270 : memref<1x64xf32, #tpu.memory_space<hbm>> -> memref<64xf32, #tpu.memory_space<hbm>>
          tpu.enqueue_dma source(%dma_start3A_271 : memref<64xf32, #tpu.memory_space<hbm>>) target(%dma_start3A_268 : memref<64xf32, #tpu.memory_space<vmem>>) target_semaphore(%arg9 : memref<!tpu.dma_semaphore, #tpu.memory_space<semaphore_mem>>)
          %slice3A_272 = vector.extract_strided_slice %get3A_58 {offsets = [12], sizes = [1], strides = [1]} : vector<16xi32> to vector<1xi32>
          %squeeze3A_273 = vector.extract %slice3A_272[0] : i32 from vector<1xi32>
          %mul3A_274 = arith.constant 16 : i32
          %mul3A_275 = arith.muli %scan3A_52, %mul3A_274 : i32
          %add3A_276 = arith.constant 12 : i32
          %add3A_277 = arith.addi %mul3A_275, %add3A_276 : i32
          %dma_start3A_278 = arith.constant 0 : i32
          %dma_start3A_279 = tpu.memref_slice %arg7[%add3A_277, %dma_start3A_278] : memref<80x64xf32, #tpu.memory_space<vmem>> -> memref<1x64xf32, #tpu.memory_space<vmem>>
          %dma_start3A_280 = tpu.memref_squeeze %dma_start3A_279 : memref<1x64xf32, #tpu.memory_space<vmem>> -> memref<64xf32, #tpu.memory_space<vmem>>
          %dma_start3A_281 = arith.constant 0 : i32
          %dma_start3A_282 = tpu.memref_slice %arg2[%squeeze3A_273, %dma_start3A_281] : memref<1000000x64xf32, #tpu.memory_space<hbm>> -> memref<1x64xf32, #tpu.memory_space<hbm>>
          %dma_start3A_283 = tpu.memref_squeeze %dma_start3A_282 : memref<1x64xf32, #tpu.memory_space<hbm>> -> memref<64xf32, #tpu.memory_space<hbm>>
          %dma_start3A_284 = arith.constant 0 : i32
          %dma_start3A_285 = tpu.memref_slice %arg7[%add3A_277, %dma_start3A_284] : memref<80x64xf32, #tpu.memory_space<vmem>> -> memref<1x64xf32, #tpu.memory_space<vmem>>
          %dma_start3A_286 = tpu.memref_squeeze %dma_start3A_285 : memref<1x64xf32, #tpu.memory_space<vmem>> -> memref<64xf32, #tpu.memory_space<vmem>>
          %dma_start3A_287 = arith.constant 0 : i32
          %dma_start3A_288 = tpu.memref_slice %arg2[%squeeze3A_273, %dma_start3A_287] : memref<1000000x64xf32, #tpu.memory_space<hbm>> -> memref<1x64xf32, #tpu.memory_space<hbm>>
          %dma_start3A_289 = tpu.memref_squeeze %dma_start3A_288 : memref<1x64xf32, #tpu.memory_space<hbm>> -> memref<64xf32, #tpu.memory_space<hbm>>
          tpu.enqueue_dma source(%dma_start3A_289 : memref<64xf32, #tpu.memory_space<hbm>>) target(%dma_start3A_286 : memref<64xf32, #tpu.memory_space<vmem>>) target_semaphore(%arg9 : memref<!tpu.dma_semaphore, #tpu.memory_space<semaphore_mem>>)
          %slice3A_290 = vector.extract_strided_slice %get3A_58 {offsets = [13], sizes = [1], strides = [1]} : vector<16xi32> to vector<1xi32>
          %squeeze3A_291 = vector.extract %slice3A_290[0] : i32 from vector<1xi32>
          %mul3A_292 = arith.constant 16 : i32
          %mul3A_293 = arith.muli %scan3A_52, %mul3A_292 : i32
          %add3A_294 = arith.constant 13 : i32
          %add3A_295 = arith.addi %mul3A_293, %add3A_294 : i32
          %dma_start3A_296 = arith.constant 0 : i32
          %dma_start3A_297 = tpu.memref_slice %arg7[%add3A_295, %dma_start3A_296] : memref<80x64xf32, #tpu.memory_space<vmem>> -> memref<1x64xf32, #tpu.memory_space<vmem>>
          %dma_start3A_298 = tpu.memref_squeeze %dma_start3A_297 : memref<1x64xf32, #tpu.memory_space<vmem>> -> memref<64xf32, #tpu.memory_space<vmem>>
          %dma_start3A_299 = arith.constant 0 : i32
          %dma_start3A_300 = tpu.memref_slice %arg2[%squeeze3A_291, %dma_start3A_299] : memref<1000000x64xf32, #tpu.memory_space<hbm>> -> memref<1x64xf32, #tpu.memory_space<hbm>>
          %dma_start3A_301 = tpu.memref_squeeze %dma_start3A_300 : memref<1x64xf32, #tpu.memory_space<hbm>> -> memref<64xf32, #tpu.memory_space<hbm>>
          %dma_start3A_302 = arith.constant 0 : i32
          %dma_start3A_303 = tpu.memref_slice %arg7[%add3A_295, %dma_start3A_302] : memref<80x64xf32, #tpu.memory_space<vmem>> -> memref<1x64xf32, #tpu.memory_space<vmem>>
          %dma_start3A_304 = tpu.memref_squeeze %dma_start3A_303 : memref<1x64xf32, #tpu.memory_space<vmem>> -> memref<64xf32, #tpu.memory_space<vmem>>
          %dma_start3A_305 = arith.constant 0 : i32
          %dma_start3A_306 = tpu.memref_slice %arg2[%squeeze3A_291, %dma_start3A_305] : memref<1000000x64xf32, #tpu.memory_space<hbm>> -> memref<1x64xf32, #tpu.memory_space<hbm>>
          %dma_start3A_307 = tpu.memref_squeeze %dma_start3A_306 : memref<1x64xf32, #tpu.memory_space<hbm>> -> memref<64xf32, #tpu.memory_space<hbm>>
          tpu.enqueue_dma source(%dma_start3A_307 : memref<64xf32, #tpu.memory_space<hbm>>) target(%dma_start3A_304 : memref<64xf32, #tpu.memory_space<vmem>>) target_semaphore(%arg9 : memref<!tpu.dma_semaphore, #tpu.memory_space<semaphore_mem>>)
          %slice3A_308 = vector.extract_strided_slice %get3A_58 {offsets = [14], sizes = [1], strides = [1]} : vector<16xi32> to vector<1xi32>
          %squeeze3A_309 = vector.extract %slice3A_308[0] : i32 from vector<1xi32>
          %mul3A_310 = arith.constant 16 : i32
          %mul3A_311 = arith.muli %scan3A_52, %mul3A_310 : i32
          %add3A_312 = arith.constant 14 : i32
          %add3A_313 = arith.addi %mul3A_311, %add3A_312 : i32
          %dma_start3A_314 = arith.constant 0 : i32
          %dma_start3A_315 = tpu.memref_slice %arg7[%add3A_313, %dma_start3A_314] : memref<80x64xf32, #tpu.memory_space<vmem>> -> memref<1x64xf32, #tpu.memory_space<vmem>>
          %dma_start3A_316 = tpu.memref_squeeze %dma_start3A_315 : memref<1x64xf32, #tpu.memory_space<vmem>> -> memref<64xf32, #tpu.memory_space<vmem>>
          %dma_start3A_317 = arith.constant 0 : i32
          %dma_start3A_318 = tpu.memref_slice %arg2[%squeeze3A_309, %dma_start3A_317] : memref<1000000x64xf32, #tpu.memory_space<hbm>> -> memref<1x64xf32, #tpu.memory_space<hbm>>
          %dma_start3A_319 = tpu.memref_squeeze %dma_start3A_318 : memref<1x64xf32, #tpu.memory_space<hbm>> -> memref<64xf32, #tpu.memory_space<hbm>>
          %dma_start3A_320 = arith.constant 0 : i32
          %dma_start3A_321 = tpu.memref_slice %arg7[%add3A_313, %dma_start3A_320] : memref<80x64xf32, #tpu.memory_space<vmem>> -> memref<1x64xf32, #tpu.memory_space<vmem>>
          %dma_start3A_322 = tpu.memref_squeeze %dma_start3A_321 : memref<1x64xf32, #tpu.memory_space<vmem>> -> memref<64xf32, #tpu.memory_space<vmem>>
          %dma_start3A_323 = arith.constant 0 : i32
          %dma_start3A_324 = tpu.memref_slice %arg2[%squeeze3A_309, %dma_start3A_323] : memref<1000000x64xf32, #tpu.memory_space<hbm>> -> memref<1x64xf32, #tpu.memory_space<hbm>>
          %dma_start3A_325 = tpu.memref_squeeze %dma_start3A_324 : memref<1x64xf32, #tpu.memory_space<hbm>> -> memref<64xf32, #tpu.memory_space<hbm>>
          tpu.enqueue_dma source(%dma_start3A_325 : memref<64xf32, #tpu.memory_space<hbm>>) target(%dma_start3A_322 : memref<64xf32, #tpu.memory_space<vmem>>) target_semaphore(%arg9 : memref<!tpu.dma_semaphore, #tpu.memory_space<semaphore_mem>>)
          %slice3A_326 = vector.extract_strided_slice %get3A_58 {offsets = [15], sizes = [1], strides = [1]} : vector<16xi32> to vector<1xi32>
          %squeeze3A_327 = vector.extract %slice3A_326[0] : i32 from vector<1xi32>
          %mul3A_328 = arith.constant 16 : i32
          %mul3A_329 = arith.muli %scan3A_52, %mul3A_328 : i32
          %add3A_330 = arith.constant 15 : i32
          %add3A_331 = arith.addi %mul3A_329, %add3A_330 : i32
          %dma_start3A_332 = arith.constant 0 : i32
          %dma_start3A_333 = tpu.memref_slice %arg7[%add3A_331, %dma_start3A_332] : memref<80x64xf32, #tpu.memory_space<vmem>> -> memref<1x64xf32, #tpu.memory_space<vmem>>
          %dma_start3A_334 = tpu.memref_squeeze %dma_start3A_333 : memref<1x64xf32, #tpu.memory_space<vmem>> -> memref<64xf32, #tpu.memory_space<vmem>>
          %dma_start3A_335 = arith.constant 0 : i32
          %dma_start3A_336 = tpu.memref_slice %arg2[%squeeze3A_327, %dma_start3A_335] : memref<1000000x64xf32, #tpu.memory_space<hbm>> -> memref<1x64xf32, #tpu.memory_space<hbm>>
          %dma_start3A_337 = tpu.memref_squeeze %dma_start3A_336 : memref<1x64xf32, #tpu.memory_space<hbm>> -> memref<64xf32, #tpu.memory_space<hbm>>
          %dma_start3A_338 = arith.constant 0 : i32
          %dma_start3A_339 = tpu.memref_slice %arg7[%add3A_331, %dma_start3A_338] : memref<80x64xf32, #tpu.memory_space<vmem>> -> memref<1x64xf32, #tpu.memory_space<vmem>>
          %dma_start3A_340 = tpu.memref_squeeze %dma_start3A_339 : memref<1x64xf32, #tpu.memory_space<vmem>> -> memref<64xf32, #tpu.memory_space<vmem>>
          %dma_start3A_341 = arith.constant 0 : i32
          %dma_start3A_342 = tpu.memref_slice %arg2[%squeeze3A_327, %dma_start3A_341] : memref<1000000x64xf32, #tpu.memory_space<hbm>> -> memref<1x64xf32, #tpu.memory_space<hbm>>
          %dma_start3A_343 = tpu.memref_squeeze %dma_start3A_342 : memref<1x64xf32, #tpu.memory_space<hbm>> -> memref<64xf32, #tpu.memory_space<hbm>>
          tpu.enqueue_dma source(%dma_start3A_343 : memref<64xf32, #tpu.memory_space<hbm>>) target(%dma_start3A_340 : memref<64xf32, #tpu.memory_space<vmem>>) target_semaphore(%arg9 : memref<!tpu.dma_semaphore, #tpu.memory_space<semaphore_mem>>)
        }
        %scan3A_51 = arith.constant 5 : i32
      } else {
      }
      %scan3A_21 = arith.constant 0 : i32
      %scan3A_22 = arith.constant 0 : i32
      %scan3A_23 = arith.constant 80 : i32
      %scan3A_24 = arith.addi %scan3A_22, %scan3A_23 : i32
      %scan3A_25 = arith.constant 1 : i32
      scf.for %scan3A_44 = %scan3A_22 to %scan3A_24 step %scan3A_25  : i32 {
        %dma_wait3A = arith.constant 0 : i32
        %dma_wait3A_45 = arith.constant 0 : i32
        %dma_wait3A_46 = tpu.memref_slice %arg6[%scan3A_44, %dma_wait3A_45] : memref<80x64xf32, #tpu.memory_space<vmem>> -> memref<1x64xf32, #tpu.memory_space<vmem>>
        %dma_wait3A_47 = tpu.memref_squeeze %dma_wait3A_46 : memref<1x64xf32, #tpu.memory_space<vmem>> -> memref<64xf32, #tpu.memory_space<vmem>>
        %dma_wait3A_48 = arith.constant 0 : i32
        %dma_wait3A_49 = tpu.memref_slice %arg2[%dma_wait3A, %dma_wait3A_48] : memref<1000000x64xf32, #tpu.memory_space<hbm>> -> memref<1x64xf32, #tpu.memory_space<hbm>>
        %dma_wait3A_50 = tpu.memref_squeeze %dma_wait3A_49 : memref<1x64xf32, #tpu.memory_space<hbm>> -> memref<64xf32, #tpu.memory_space<hbm>>
        %dma_wait3A_51 = arith.constant 0 : i32
        %dma_wait3A_52 = tpu.memref_slice %arg6[%scan3A_44, %dma_wait3A_51] : memref<80x64xf32, #tpu.memory_space<vmem>> -> memref<1x64xf32, #tpu.memory_space<vmem>>
        %dma_wait3A_53 = tpu.memref_squeeze %dma_wait3A_52 : memref<1x64xf32, #tpu.memory_space<vmem>> -> memref<64xf32, #tpu.memory_space<vmem>>
        %dma_wait3A_54 = arith.constant 0 : i32
        %dma_wait3A_55 = tpu.memref_slice %arg2[%dma_wait3A, %dma_wait3A_54] : memref<1000000x64xf32, #tpu.memory_space<hbm>> -> memref<1x64xf32, #tpu.memory_space<hbm>>
        %dma_wait3A_56 = tpu.memref_squeeze %dma_wait3A_55 : memref<1x64xf32, #tpu.memory_space<hbm>> -> memref<64xf32, #tpu.memory_space<hbm>>
        tpu.wait_dma2 semaphore(%arg8 : memref<!tpu.dma_semaphore, #tpu.memory_space<semaphore_mem>>) src(%dma_wait3A_56 : memref<64xf32, #tpu.memory_space<hbm>>) dst(%dma_wait3A_53 : memref<64xf32, #tpu.memory_space<vmem>>)
      }
      %scan3A_26 = arith.constant 80 : i32
      %mul3A_27 = arith.constant 80 : i32
      %mul3A_28 = arith.muli %mul3A_16, %mul3A_27 : i32
      %add3A_29 = arith.addi %mul3A_2, %mul3A_28 : i32
      "tpu.region"() ({
        %run_scoped3A = tpu.sem_alloc : memref<!tpu.dma_semaphore, #tpu.memory_space<semaphore_mem>>
        %dma_start3A = arith.constant 0 : i32
        %dma_start3A_44 = tpu.memref_slice %arg4[%add3A_29, %dma_start3A] : memref<25600x64xf32, #tpu.memory_space<hbm>> -> memref<80x64xf32, #tpu.memory_space<hbm>>
        %dma_start3A_45 = arith.constant 0 : i32
        %dma_start3A_46 = tpu.memref_slice %arg4[%add3A_29, %dma_start3A_45] : memref<25600x64xf32, #tpu.memory_space<hbm>> -> memref<80x64xf32, #tpu.memory_space<hbm>>
        tpu.enqueue_dma source(%arg6 : memref<80x64xf32, #tpu.memory_space<vmem>>) target(%dma_start3A_46 : memref<80x64xf32, #tpu.memory_space<hbm>>) target_semaphore(%run_scoped3A : memref<!tpu.dma_semaphore, #tpu.memory_space<semaphore_mem>>)
        %dma_wait3A = arith.constant 0 : i32
        %dma_wait3A_47 = tpu.memref_slice %arg4[%add3A_29, %dma_wait3A] : memref<25600x64xf32, #tpu.memory_space<hbm>> -> memref<80x64xf32, #tpu.memory_space<hbm>>
        %dma_wait3A_48 = arith.constant 0 : i32
        %dma_wait3A_49 = tpu.memref_slice %arg4[%add3A_29, %dma_wait3A_48] : memref<25600x64xf32, #tpu.memory_space<hbm>> -> memref<80x64xf32, #tpu.memory_space<hbm>>
        tpu.wait_dma2 semaphore(%run_scoped3A : memref<!tpu.dma_semaphore, #tpu.memory_space<semaphore_mem>>) src(%arg6 : memref<80x64xf32, #tpu.memory_space<vmem>>) dst(%dma_wait3A_49 : memref<80x64xf32, #tpu.memory_space<hbm>>)
        tpu.yield
      }) : () -> ()
      %add3A_30 = arith.constant 2 : i32
      %add3A_31 = arith.addi %mul3A_16, %add3A_30 : i32
      %lt3A_32 = arith.constant 10 : i32
      %lt3A_33 = arith.cmpi slt, %add3A_31, %lt3A_32 : i32
      %convert_element_type3A_34 = arith.extui %lt3A_33 : i1 to i32
      %cond3A_35 = arith.constant 0 : i32
      %cond3A_36 = arith.cmpi ne, %convert_element_type3A_34, %cond3A_35 : i32
      scf.if %cond3A_36 {
        %add3A_44 = arith.constant 2 : i32
        %add3A_45 = arith.addi %mul3A_16, %add3A_44 : i32
        %scan3A_46 = arith.constant 0 : i32
        %scan3A_47 = arith.constant 0 : i32
        %scan3A_48 = arith.constant 5 : i32
        %scan3A_49 = arith.addi %scan3A_47, %scan3A_48 : i32
        %scan3A_50 = arith.constant 1 : i32
        scf.for %scan3A_52 = %scan3A_47 to %scan3A_49 step %scan3A_50  : i32 {
          %mul3A_53 = arith.constant 80 : i32
          %mul3A_54 = arith.muli %add3A_45, %mul3A_53 : i32
          %mul3A_55 = arith.constant 16 : i32
          %mul3A_56 = arith.muli %scan3A_52, %mul3A_55 : i32
          %add3A_57 = arith.addi %mul3A_54, %mul3A_56 : i32
          %get3A = arith.index_cast %add3A_57 : i32 to index
          %get3A_58 = tpu.vector_load %arg5[%get3A] {strides = array<i32>} : memref<800xi32, #tpu.memory_space<vmem>>, vector<16xi32>,
          %slice3A = vector.extract_strided_slice %get3A_58 {offsets = [0], sizes = [1], strides = [1]} : vector<16xi32> to vector<1xi32>
          %squeeze3A = vector.extract %slice3A[0] : i32 from vector<1xi32>
          %mul3A_59 = arith.constant 16 : i32
          %mul3A_60 = arith.muli %scan3A_52, %mul3A_59 : i32
          %add3A_61 = arith.constant 0 : i32
          %add3A_62 = arith.addi %mul3A_60, %add3A_61 : i32
          %dma_start3A = arith.constant 0 : i32
          %dma_start3A_63 = tpu.memref_slice %arg6[%add3A_62, %dma_start3A] : memref<80x64xf32, #tpu.memory_space<vmem>> -> memref<1x64xf32, #tpu.memory_space<vmem>>
          %dma_start3A_64 = tpu.memref_squeeze %dma_start3A_63 : memref<1x64xf32, #tpu.memory_space<vmem>> -> memref<64xf32, #tpu.memory_space<vmem>>
          %dma_start3A_65 = arith.constant 0 : i32
          %dma_start3A_66 = tpu.memref_slice %arg2[%squeeze3A, %dma_start3A_65] : memref<1000000x64xf32, #tpu.memory_space<hbm>> -> memref<1x64xf32, #tpu.memory_space<hbm>>
          %dma_start3A_67 = tpu.memref_squeeze %dma_start3A_66 : memref<1x64xf32, #tpu.memory_space<hbm>> -> memref<64xf32, #tpu.memory_space<hbm>>
          %dma_start3A_68 = arith.constant 0 : i32
          %dma_start3A_69 = tpu.memref_slice %arg6[%add3A_62, %dma_start3A_68] : memref<80x64xf32, #tpu.memory_space<vmem>> -> memref<1x64xf32, #tpu.memory_space<vmem>>
          %dma_start3A_70 = tpu.memref_squeeze %dma_start3A_69 : memref<1x64xf32, #tpu.memory_space<vmem>> -> memref<64xf32, #tpu.memory_space<vmem>>
          %dma_start3A_71 = arith.constant 0 : i32
          %dma_start3A_72 = tpu.memref_slice %arg2[%squeeze3A, %dma_start3A_71] : memref<1000000x64xf32, #tpu.memory_space<hbm>> -> memref<1x64xf32, #tpu.memory_space<hbm>>
          %dma_start3A_73 = tpu.memref_squeeze %dma_start3A_72 : memref<1x64xf32, #tpu.memory_space<hbm>> -> memref<64xf32, #tpu.memory_space<hbm>>
          tpu.enqueue_dma source(%dma_start3A_73 : memref<64xf32, #tpu.memory_space<hbm>>) target(%dma_start3A_70 : memref<64xf32, #tpu.memory_space<vmem>>) target_semaphore(%arg8 : memref<!tpu.dma_semaphore, #tpu.memory_space<semaphore_mem>>)
          %slice3A_74 = vector.extract_strided_slice %get3A_58 {offsets = [1], sizes = [1], strides = [1]} : vector<16xi32> to vector<1xi32>
          %squeeze3A_75 = vector.extract %slice3A_74[0] : i32 from vector<1xi32>
          %mul3A_76 = arith.constant 16 : i32
          %mul3A_77 = arith.muli %scan3A_52, %mul3A_76 : i32
          %add3A_78 = arith.constant 1 : i32
          %add3A_79 = arith.addi %mul3A_77, %add3A_78 : i32
          %dma_start3A_80 = arith.constant 0 : i32
          %dma_start3A_81 = tpu.memref_slice %arg6[%add3A_79, %dma_start3A_80] : memref<80x64xf32, #tpu.memory_space<vmem>> -> memref<1x64xf32, #tpu.memory_space<vmem>>
          %dma_start3A_82 = tpu.memref_squeeze %dma_start3A_81 : memref<1x64xf32, #tpu.memory_space<vmem>> -> memref<64xf32, #tpu.memory_space<vmem>>
          %dma_start3A_83 = arith.constant 0 : i32
          %dma_start3A_84 = tpu.memref_slice %arg2[%squeeze3A_75, %dma_start3A_83] : memref<1000000x64xf32, #tpu.memory_space<hbm>> -> memref<1x64xf32, #tpu.memory_space<hbm>>
          %dma_start3A_85 = tpu.memref_squeeze %dma_start3A_84 : memref<1x64xf32, #tpu.memory_space<hbm>> -> memref<64xf32, #tpu.memory_space<hbm>>
          %dma_start3A_86 = arith.constant 0 : i32
          %dma_start3A_87 = tpu.memref_slice %arg6[%add3A_79, %dma_start3A_86] : memref<80x64xf32, #tpu.memory_space<vmem>> -> memref<1x64xf32, #tpu.memory_space<vmem>>
          %dma_start3A_88 = tpu.memref_squeeze %dma_start3A_87 : memref<1x64xf32, #tpu.memory_space<vmem>> -> memref<64xf32, #tpu.memory_space<vmem>>
          %dma_start3A_89 = arith.constant 0 : i32
          %dma_start3A_90 = tpu.memref_slice %arg2[%squeeze3A_75, %dma_start3A_89] : memref<1000000x64xf32, #tpu.memory_space<hbm>> -> memref<1x64xf32, #tpu.memory_space<hbm>>
          %dma_start3A_91 = tpu.memref_squeeze %dma_start3A_90 : memref<1x64xf32, #tpu.memory_space<hbm>> -> memref<64xf32, #tpu.memory_space<hbm>>
          tpu.enqueue_dma source(%dma_start3A_91 : memref<64xf32, #tpu.memory_space<hbm>>) target(%dma_start3A_88 : memref<64xf32, #tpu.memory_space<vmem>>) target_semaphore(%arg8 : memref<!tpu.dma_semaphore, #tpu.memory_space<semaphore_mem>>)
          %slice3A_92 = vector.extract_strided_slice %get3A_58 {offsets = [2], sizes = [1], strides = [1]} : vector<16xi32> to vector<1xi32>
          %squeeze3A_93 = vector.extract %slice3A_92[0] : i32 from vector<1xi32>
          %mul3A_94 = arith.constant 16 : i32
          %mul3A_95 = arith.muli %scan3A_52, %mul3A_94 : i32
          %add3A_96 = arith.constant 2 : i32
          %add3A_97 = arith.addi %mul3A_95, %add3A_96 : i32
          %dma_start3A_98 = arith.constant 0 : i32
          %dma_start3A_99 = tpu.memref_slice %arg6[%add3A_97, %dma_start3A_98] : memref<80x64xf32, #tpu.memory_space<vmem>> -> memref<1x64xf32, #tpu.memory_space<vmem>>
          %dma_start3A_100 = tpu.memref_squeeze %dma_start3A_99 : memref<1x64xf32, #tpu.memory_space<vmem>> -> memref<64xf32, #tpu.memory_space<vmem>>
          %dma_start3A_101 = arith.constant 0 : i32
          %dma_start3A_102 = tpu.memref_slice %arg2[%squeeze3A_93, %dma_start3A_101] : memref<1000000x64xf32, #tpu.memory_space<hbm>> -> memref<1x64xf32, #tpu.memory_space<hbm>>
          %dma_start3A_103 = tpu.memref_squeeze %dma_start3A_102 : memref<1x64xf32, #tpu.memory_space<hbm>> -> memref<64xf32, #tpu.memory_space<hbm>>
          %dma_start3A_104 = arith.constant 0 : i32
          %dma_start3A_105 = tpu.memref_slice %arg6[%add3A_97, %dma_start3A_104] : memref<80x64xf32, #tpu.memory_space<vmem>> -> memref<1x64xf32, #tpu.memory_space<vmem>>
          %dma_start3A_106 = tpu.memref_squeeze %dma_start3A_105 : memref<1x64xf32, #tpu.memory_space<vmem>> -> memref<64xf32, #tpu.memory_space<vmem>>
          %dma_start3A_107 = arith.constant 0 : i32
          %dma_start3A_108 = tpu.memref_slice %arg2[%squeeze3A_93, %dma_start3A_107] : memref<1000000x64xf32, #tpu.memory_space<hbm>> -> memref<1x64xf32, #tpu.memory_space<hbm>>
          %dma_start3A_109 = tpu.memref_squeeze %dma_start3A_108 : memref<1x64xf32, #tpu.memory_space<hbm>> -> memref<64xf32, #tpu.memory_space<hbm>>
          tpu.enqueue_dma source(%dma_start3A_109 : memref<64xf32, #tpu.memory_space<hbm>>) target(%dma_start3A_106 : memref<64xf32, #tpu.memory_space<vmem>>) target_semaphore(%arg8 : memref<!tpu.dma_semaphore, #tpu.memory_space<semaphore_mem>>)
          %slice3A_110 = vector.extract_strided_slice %get3A_58 {offsets = [3], sizes = [1], strides = [1]} : vector<16xi32> to vector<1xi32>
          %squeeze3A_111 = vector.extract %slice3A_110[0] : i32 from vector<1xi32>
          %mul3A_112 = arith.constant 16 : i32
          %mul3A_113 = arith.muli %scan3A_52, %mul3A_112 : i32
          %add3A_114 = arith.constant 3 : i32
          %add3A_115 = arith.addi %mul3A_113, %add3A_114 : i32
          %dma_start3A_116 = arith.constant 0 : i32
          %dma_start3A_117 = tpu.memref_slice %arg6[%add3A_115, %dma_start3A_116] : memref<80x64xf32, #tpu.memory_space<vmem>> -> memref<1x64xf32, #tpu.memory_space<vmem>>
          %dma_start3A_118 = tpu.memref_squeeze %dma_start3A_117 : memref<1x64xf32, #tpu.memory_space<vmem>> -> memref<64xf32, #tpu.memory_space<vmem>>
          %dma_start3A_119 = arith.constant 0 : i32
          %dma_start3A_120 = tpu.memref_slice %arg2[%squeeze3A_111, %dma_start3A_119] : memref<1000000x64xf32, #tpu.memory_space<hbm>> -> memref<1x64xf32, #tpu.memory_space<hbm>>
          %dma_start3A_121 = tpu.memref_squeeze %dma_start3A_120 : memref<1x64xf32, #tpu.memory_space<hbm>> -> memref<64xf32, #tpu.memory_space<hbm>>
          %dma_start3A_122 = arith.constant 0 : i32
          %dma_start3A_123 = tpu.memref_slice %arg6[%add3A_115, %dma_start3A_122] : memref<80x64xf32, #tpu.memory_space<vmem>> -> memref<1x64xf32, #tpu.memory_space<vmem>>
          %dma_start3A_124 = tpu.memref_squeeze %dma_start3A_123 : memref<1x64xf32, #tpu.memory_space<vmem>> -> memref<64xf32, #tpu.memory_space<vmem>>
          %dma_start3A_125 = arith.constant 0 : i32
          %dma_start3A_126 = tpu.memref_slice %arg2[%squeeze3A_111, %dma_start3A_125] : memref<1000000x64xf32, #tpu.memory_space<hbm>> -> memref<1x64xf32, #tpu.memory_space<hbm>>
          %dma_start3A_127 = tpu.memref_squeeze %dma_start3A_126 : memref<1x64xf32, #tpu.memory_space<hbm>> -> memref<64xf32, #tpu.memory_space<hbm>>
          tpu.enqueue_dma source(%dma_start3A_127 : memref<64xf32, #tpu.memory_space<hbm>>) target(%dma_start3A_124 : memref<64xf32, #tpu.memory_space<vmem>>) target_semaphore(%arg8 : memref<!tpu.dma_semaphore, #tpu.memory_space<semaphore_mem>>)
          %slice3A_128 = vector.extract_strided_slice %get3A_58 {offsets = [4], sizes = [1], strides = [1]} : vector<16xi32> to vector<1xi32>
          %squeeze3A_129 = vector.extract %slice3A_128[0] : i32 from vector<1xi32>
          %mul3A_130 = arith.constant 16 : i32
          %mul3A_131 = arith.muli %scan3A_52, %mul3A_130 : i32
          %add3A_132 = arith.constant 4 : i32
          %add3A_133 = arith.addi %mul3A_131, %add3A_132 : i32
          %dma_start3A_134 = arith.constant 0 : i32
          %dma_start3A_135 = tpu.memref_slice %arg6[%add3A_133, %dma_start3A_134] : memref<80x64xf32, #tpu.memory_space<vmem>> -> memref<1x64xf32, #tpu.memory_space<vmem>>
          %dma_start3A_136 = tpu.memref_squeeze %dma_start3A_135 : memref<1x64xf32, #tpu.memory_space<vmem>> -> memref<64xf32, #tpu.memory_space<vmem>>
          %dma_start3A_137 = arith.constant 0 : i32
          %dma_start3A_138 = tpu.memref_slice %arg2[%squeeze3A_129, %dma_start3A_137] : memref<1000000x64xf32, #tpu.memory_space<hbm>> -> memref<1x64xf32, #tpu.memory_space<hbm>>
          %dma_start3A_139 = tpu.memref_squeeze %dma_start3A_138 : memref<1x64xf32, #tpu.memory_space<hbm>> -> memref<64xf32, #tpu.memory_space<hbm>>
          %dma_start3A_140 = arith.constant 0 : i32
          %dma_start3A_141 = tpu.memref_slice %arg6[%add3A_133, %dma_start3A_140] : memref<80x64xf32, #tpu.memory_space<vmem>> -> memref<1x64xf32, #tpu.memory_space<vmem>>
          %dma_start3A_142 = tpu.memref_squeeze %dma_start3A_141 : memref<1x64xf32, #tpu.memory_space<vmem>> -> memref<64xf32, #tpu.memory_space<vmem>>
          %dma_start3A_143 = arith.constant 0 : i32
          %dma_start3A_144 = tpu.memref_slice %arg2[%squeeze3A_129, %dma_start3A_143] : memref<1000000x64xf32, #tpu.memory_space<hbm>> -> memref<1x64xf32, #tpu.memory_space<hbm>>
          %dma_start3A_145 = tpu.memref_squeeze %dma_start3A_144 : memref<1x64xf32, #tpu.memory_space<hbm>> -> memref<64xf32, #tpu.memory_space<hbm>>
          tpu.enqueue_dma source(%dma_start3A_145 : memref<64xf32, #tpu.memory_space<hbm>>) target(%dma_start3A_142 : memref<64xf32, #tpu.memory_space<vmem>>) target_semaphore(%arg8 : memref<!tpu.dma_semaphore, #tpu.memory_space<semaphore_mem>>)
          %slice3A_146 = vector.extract_strided_slice %get3A_58 {offsets = [5], sizes = [1], strides = [1]} : vector<16xi32> to vector<1xi32>
          %squeeze3A_147 = vector.extract %slice3A_146[0] : i32 from vector<1xi32>
          %mul3A_148 = arith.constant 16 : i32
          %mul3A_149 = arith.muli %scan3A_52, %mul3A_148 : i32
          %add3A_150 = arith.constant 5 : i32
          %add3A_151 = arith.addi %mul3A_149, %add3A_150 : i32
          %dma_start3A_152 = arith.constant 0 : i32
          %dma_start3A_153 = tpu.memref_slice %arg6[%add3A_151, %dma_start3A_152] : memref<80x64xf32, #tpu.memory_space<vmem>> -> memref<1x64xf32, #tpu.memory_space<vmem>>
          %dma_start3A_154 = tpu.memref_squeeze %dma_start3A_153 : memref<1x64xf32, #tpu.memory_space<vmem>> -> memref<64xf32, #tpu.memory_space<vmem>>
          %dma_start3A_155 = arith.constant 0 : i32
          %dma_start3A_156 = tpu.memref_slice %arg2[%squeeze3A_147, %dma_start3A_155] : memref<1000000x64xf32, #tpu.memory_space<hbm>> -> memref<1x64xf32, #tpu.memory_space<hbm>>
          %dma_start3A_157 = tpu.memref_squeeze %dma_start3A_156 : memref<1x64xf32, #tpu.memory_space<hbm>> -> memref<64xf32, #tpu.memory_space<hbm>>
          %dma_start3A_158 = arith.constant 0 : i32
          %dma_start3A_159 = tpu.memref_slice %arg6[%add3A_151, %dma_start3A_158] : memref<80x64xf32, #tpu.memory_space<vmem>> -> memref<1x64xf32, #tpu.memory_space<vmem>>
          %dma_start3A_160 = tpu.memref_squeeze %dma_start3A_159 : memref<1x64xf32, #tpu.memory_space<vmem>> -> memref<64xf32, #tpu.memory_space<vmem>>
          %dma_start3A_161 = arith.constant 0 : i32
          %dma_start3A_162 = tpu.memref_slice %arg2[%squeeze3A_147, %dma_start3A_161] : memref<1000000x64xf32, #tpu.memory_space<hbm>> -> memref<1x64xf32, #tpu.memory_space<hbm>>
          %dma_start3A_163 = tpu.memref_squeeze %dma_start3A_162 : memref<1x64xf32, #tpu.memory_space<hbm>> -> memref<64xf32, #tpu.memory_space<hbm>>
          tpu.enqueue_dma source(%dma_start3A_163 : memref<64xf32, #tpu.memory_space<hbm>>) target(%dma_start3A_160 : memref<64xf32, #tpu.memory_space<vmem>>) target_semaphore(%arg8 : memref<!tpu.dma_semaphore, #tpu.memory_space<semaphore_mem>>)
          %slice3A_164 = vector.extract_strided_slice %get3A_58 {offsets = [6], sizes = [1], strides = [1]} : vector<16xi32> to vector<1xi32>
          %squeeze3A_165 = vector.extract %slice3A_164[0] : i32 from vector<1xi32>
          %mul3A_166 = arith.constant 16 : i32
          %mul3A_167 = arith.muli %scan3A_52, %mul3A_166 : i32
          %add3A_168 = arith.constant 6 : i32
          %add3A_169 = arith.addi %mul3A_167, %add3A_168 : i32
          %dma_start3A_170 = arith.constant 0 : i32
          %dma_start3A_171 = tpu.memref_slice %arg6[%add3A_169, %dma_start3A_170] : memref<80x64xf32, #tpu.memory_space<vmem>> -> memref<1x64xf32, #tpu.memory_space<vmem>>
          %dma_start3A_172 = tpu.memref_squeeze %dma_start3A_171 : memref<1x64xf32, #tpu.memory_space<vmem>> -> memref<64xf32, #tpu.memory_space<vmem>>
          %dma_start3A_173 = arith.constant 0 : i32
          %dma_start3A_174 = tpu.memref_slice %arg2[%squeeze3A_165, %dma_start3A_173] : memref<1000000x64xf32, #tpu.memory_space<hbm>> -> memref<1x64xf32, #tpu.memory_space<hbm>>
          %dma_start3A_175 = tpu.memref_squeeze %dma_start3A_174 : memref<1x64xf32, #tpu.memory_space<hbm>> -> memref<64xf32, #tpu.memory_space<hbm>>
          %dma_start3A_176 = arith.constant 0 : i32
          %dma_start3A_177 = tpu.memref_slice %arg6[%add3A_169, %dma_start3A_176] : memref<80x64xf32, #tpu.memory_space<vmem>> -> memref<1x64xf32, #tpu.memory_space<vmem>>
          %dma_start3A_178 = tpu.memref_squeeze %dma_start3A_177 : memref<1x64xf32, #tpu.memory_space<vmem>> -> memref<64xf32, #tpu.memory_space<vmem>>
          %dma_start3A_179 = arith.constant 0 : i32
          %dma_start3A_180 = tpu.memref_slice %arg2[%squeeze3A_165, %dma_start3A_179] : memref<1000000x64xf32, #tpu.memory_space<hbm>> -> memref<1x64xf32, #tpu.memory_space<hbm>>
          %dma_start3A_181 = tpu.memref_squeeze %dma_start3A_180 : memref<1x64xf32, #tpu.memory_space<hbm>> -> memref<64xf32, #tpu.memory_space<hbm>>
          tpu.enqueue_dma source(%dma_start3A_181 : memref<64xf32, #tpu.memory_space<hbm>>) target(%dma_start3A_178 : memref<64xf32, #tpu.memory_space<vmem>>) target_semaphore(%arg8 : memref<!tpu.dma_semaphore, #tpu.memory_space<semaphore_mem>>)
          %slice3A_182 = vector.extract_strided_slice %get3A_58 {offsets = [7], sizes = [1], strides = [1]} : vector<16xi32> to vector<1xi32>
          %squeeze3A_183 = vector.extract %slice3A_182[0] : i32 from vector<1xi32>
          %mul3A_184 = arith.constant 16 : i32
          %mul3A_185 = arith.muli %scan3A_52, %mul3A_184 : i32
          %add3A_186 = arith.constant 7 : i32
          %add3A_187 = arith.addi %mul3A_185, %add3A_186 : i32
          %dma_start3A_188 = arith.constant 0 : i32
          %dma_start3A_189 = tpu.memref_slice %arg6[%add3A_187, %dma_start3A_188] : memref<80x64xf32, #tpu.memory_space<vmem>> -> memref<1x64xf32, #tpu.memory_space<vmem>>
          %dma_start3A_190 = tpu.memref_squeeze %dma_start3A_189 : memref<1x64xf32, #tpu.memory_space<vmem>> -> memref<64xf32, #tpu.memory_space<vmem>>
          %dma_start3A_191 = arith.constant 0 : i32
          %dma_start3A_192 = tpu.memref_slice %arg2[%squeeze3A_183, %dma_start3A_191] : memref<1000000x64xf32, #tpu.memory_space<hbm>> -> memref<1x64xf32, #tpu.memory_space<hbm>>
          %dma_start3A_193 = tpu.memref_squeeze %dma_start3A_192 : memref<1x64xf32, #tpu.memory_space<hbm>> -> memref<64xf32, #tpu.memory_space<hbm>>
          %dma_start3A_194 = arith.constant 0 : i32
          %dma_start3A_195 = tpu.memref_slice %arg6[%add3A_187, %dma_start3A_194] : memref<80x64xf32, #tpu.memory_space<vmem>> -> memref<1x64xf32, #tpu.memory_space<vmem>>
          %dma_start3A_196 = tpu.memref_squeeze %dma_start3A_195 : memref<1x64xf32, #tpu.memory_space<vmem>> -> memref<64xf32, #tpu.memory_space<vmem>>
          %dma_start3A_197 = arith.constant 0 : i32
          %dma_start3A_198 = tpu.memref_slice %arg2[%squeeze3A_183, %dma_start3A_197] : memref<1000000x64xf32, #tpu.memory_space<hbm>> -> memref<1x64xf32, #tpu.memory_space<hbm>>
          %dma_start3A_199 = tpu.memref_squeeze %dma_start3A_198 : memref<1x64xf32, #tpu.memory_space<hbm>> -> memref<64xf32, #tpu.memory_space<hbm>>
          tpu.enqueue_dma source(%dma_start3A_199 : memref<64xf32, #tpu.memory_space<hbm>>) target(%dma_start3A_196 : memref<64xf32, #tpu.memory_space<vmem>>) target_semaphore(%arg8 : memref<!tpu.dma_semaphore, #tpu.memory_space<semaphore_mem>>)
          %slice3A_200 = vector.extract_strided_slice %get3A_58 {offsets = [8], sizes = [1], strides = [1]} : vector<16xi32> to vector<1xi32>
          %squeeze3A_201 = vector.extract %slice3A_200[0] : i32 from vector<1xi32>
          %mul3A_202 = arith.constant 16 : i32
          %mul3A_203 = arith.muli %scan3A_52, %mul3A_202 : i32
          %add3A_204 = arith.constant 8 : i32
          %add3A_205 = arith.addi %mul3A_203, %add3A_204 : i32
          %dma_start3A_206 = arith.constant 0 : i32
          %dma_start3A_207 = tpu.memref_slice %arg6[%add3A_205, %dma_start3A_206] : memref<80x64xf32, #tpu.memory_space<vmem>> -> memref<1x64xf32, #tpu.memory_space<vmem>>
          %dma_start3A_208 = tpu.memref_squeeze %dma_start3A_207 : memref<1x64xf32, #tpu.memory_space<vmem>> -> memref<64xf32, #tpu.memory_space<vmem>>
          %dma_start3A_209 = arith.constant 0 : i32
          %dma_start3A_210 = tpu.memref_slice %arg2[%squeeze3A_201, %dma_start3A_209] : memref<1000000x64xf32, #tpu.memory_space<hbm>> -> memref<1x64xf32, #tpu.memory_space<hbm>>
          %dma_start3A_211 = tpu.memref_squeeze %dma_start3A_210 : memref<1x64xf32, #tpu.memory_space<hbm>> -> memref<64xf32, #tpu.memory_space<hbm>>
          %dma_start3A_212 = arith.constant 0 : i32
          %dma_start3A_213 = tpu.memref_slice %arg6[%add3A_205, %dma_start3A_212] : memref<80x64xf32, #tpu.memory_space<vmem>> -> memref<1x64xf32, #tpu.memory_space<vmem>>
          %dma_start3A_214 = tpu.memref_squeeze %dma_start3A_213 : memref<1x64xf32, #tpu.memory_space<vmem>> -> memref<64xf32, #tpu.memory_space<vmem>>
          %dma_start3A_215 = arith.constant 0 : i32
          %dma_start3A_216 = tpu.memref_slice %arg2[%squeeze3A_201, %dma_start3A_215] : memref<1000000x64xf32, #tpu.memory_space<hbm>> -> memref<1x64xf32, #tpu.memory_space<hbm>>
          %dma_start3A_217 = tpu.memref_squeeze %dma_start3A_216 : memref<1x64xf32, #tpu.memory_space<hbm>> -> memref<64xf32, #tpu.memory_space<hbm>>
          tpu.enqueue_dma source(%dma_start3A_217 : memref<64xf32, #tpu.memory_space<hbm>>) target(%dma_start3A_214 : memref<64xf32, #tpu.memory_space<vmem>>) target_semaphore(%arg8 : memref<!tpu.dma_semaphore, #tpu.memory_space<semaphore_mem>>)
          %slice3A_218 = vector.extract_strided_slice %get3A_58 {offsets = [9], sizes = [1], strides = [1]} : vector<16xi32> to vector<1xi32>
          %squeeze3A_219 = vector.extract %slice3A_218[0] : i32 from vector<1xi32>
          %mul3A_220 = arith.constant 16 : i32
          %mul3A_221 = arith.muli %scan3A_52, %mul3A_220 : i32
          %add3A_222 = arith.constant 9 : i32
          %add3A_223 = arith.addi %mul3A_221, %add3A_222 : i32
          %dma_start3A_224 = arith.constant 0 : i32
          %dma_start3A_225 = tpu.memref_slice %arg6[%add3A_223, %dma_start3A_224] : memref<80x64xf32, #tpu.memory_space<vmem>> -> memref<1x64xf32, #tpu.memory_space<vmem>>
          %dma_start3A_226 = tpu.memref_squeeze %dma_start3A_225 : memref<1x64xf32, #tpu.memory_space<vmem>> -> memref<64xf32, #tpu.memory_space<vmem>>
          %dma_start3A_227 = arith.constant 0 : i32
          %dma_start3A_228 = tpu.memref_slice %arg2[%squeeze3A_219, %dma_start3A_227] : memref<1000000x64xf32, #tpu.memory_space<hbm>> -> memref<1x64xf32, #tpu.memory_space<hbm>>
          %dma_start3A_229 = tpu.memref_squeeze %dma_start3A_228 : memref<1x64xf32, #tpu.memory_space<hbm>> -> memref<64xf32, #tpu.memory_space<hbm>>
          %dma_start3A_230 = arith.constant 0 : i32
          %dma_start3A_231 = tpu.memref_slice %arg6[%add3A_223, %dma_start3A_230] : memref<80x64xf32, #tpu.memory_space<vmem>> -> memref<1x64xf32, #tpu.memory_space<vmem>>
          %dma_start3A_232 = tpu.memref_squeeze %dma_start3A_231 : memref<1x64xf32, #tpu.memory_space<vmem>> -> memref<64xf32, #tpu.memory_space<vmem>>
          %dma_start3A_233 = arith.constant 0 : i32
          %dma_start3A_234 = tpu.memref_slice %arg2[%squeeze3A_219, %dma_start3A_233] : memref<1000000x64xf32, #tpu.memory_space<hbm>> -> memref<1x64xf32, #tpu.memory_space<hbm>>
          %dma_start3A_235 = tpu.memref_squeeze %dma_start3A_234 : memref<1x64xf32, #tpu.memory_space<hbm>> -> memref<64xf32, #tpu.memory_space<hbm>>
          tpu.enqueue_dma source(%dma_start3A_235 : memref<64xf32, #tpu.memory_space<hbm>>) target(%dma_start3A_232 : memref<64xf32, #tpu.memory_space<vmem>>) target_semaphore(%arg8 : memref<!tpu.dma_semaphore, #tpu.memory_space<semaphore_mem>>)
          %slice3A_236 = vector.extract_strided_slice %get3A_58 {offsets = [10], sizes = [1], strides = [1]} : vector<16xi32> to vector<1xi32>
          %squeeze3A_237 = vector.extract %slice3A_236[0] : i32 from vector<1xi32>
          %mul3A_238 = arith.constant 16 : i32
          %mul3A_239 = arith.muli %scan3A_52, %mul3A_238 : i32
          %add3A_240 = arith.constant 10 : i32
          %add3A_241 = arith.addi %mul3A_239, %add3A_240 : i32
          %dma_start3A_242 = arith.constant 0 : i32
          %dma_start3A_243 = tpu.memref_slice %arg6[%add3A_241, %dma_start3A_242] : memref<80x64xf32, #tpu.memory_space<vmem>> -> memref<1x64xf32, #tpu.memory_space<vmem>>
          %dma_start3A_244 = tpu.memref_squeeze %dma_start3A_243 : memref<1x64xf32, #tpu.memory_space<vmem>> -> memref<64xf32, #tpu.memory_space<vmem>>
          %dma_start3A_245 = arith.constant 0 : i32
          %dma_start3A_246 = tpu.memref_slice %arg2[%squeeze3A_237, %dma_start3A_245] : memref<1000000x64xf32, #tpu.memory_space<hbm>> -> memref<1x64xf32, #tpu.memory_space<hbm>>
          %dma_start3A_247 = tpu.memref_squeeze %dma_start3A_246 : memref<1x64xf32, #tpu.memory_space<hbm>> -> memref<64xf32, #tpu.memory_space<hbm>>
          %dma_start3A_248 = arith.constant 0 : i32
          %dma_start3A_249 = tpu.memref_slice %arg6[%add3A_241, %dma_start3A_248] : memref<80x64xf32, #tpu.memory_space<vmem>> -> memref<1x64xf32, #tpu.memory_space<vmem>>
          %dma_start3A_250 = tpu.memref_squeeze %dma_start3A_249 : memref<1x64xf32, #tpu.memory_space<vmem>> -> memref<64xf32, #tpu.memory_space<vmem>>
          %dma_start3A_251 = arith.constant 0 : i32
          %dma_start3A_252 = tpu.memref_slice %arg2[%squeeze3A_237, %dma_start3A_251] : memref<1000000x64xf32, #tpu.memory_space<hbm>> -> memref<1x64xf32, #tpu.memory_space<hbm>>
          %dma_start3A_253 = tpu.memref_squeeze %dma_start3A_252 : memref<1x64xf32, #tpu.memory_space<hbm>> -> memref<64xf32, #tpu.memory_space<hbm>>
          tpu.enqueue_dma source(%dma_start3A_253 : memref<64xf32, #tpu.memory_space<hbm>>) target(%dma_start3A_250 : memref<64xf32, #tpu.memory_space<vmem>>) target_semaphore(%arg8 : memref<!tpu.dma_semaphore, #tpu.memory_space<semaphore_mem>>)
          %slice3A_254 = vector.extract_strided_slice %get3A_58 {offsets = [11], sizes = [1], strides = [1]} : vector<16xi32> to vector<1xi32>
          %squeeze3A_255 = vector.extract %slice3A_254[0] : i32 from vector<1xi32>
          %mul3A_256 = arith.constant 16 : i32
          %mul3A_257 = arith.muli %scan3A_52, %mul3A_256 : i32
          %add3A_258 = arith.constant 11 : i32
          %add3A_259 = arith.addi %mul3A_257, %add3A_258 : i32
          %dma_start3A_260 = arith.constant 0 : i32
          %dma_start3A_261 = tpu.memref_slice %arg6[%add3A_259, %dma_start3A_260] : memref<80x64xf32, #tpu.memory_space<vmem>> -> memref<1x64xf32, #tpu.memory_space<vmem>>
          %dma_start3A_262 = tpu.memref_squeeze %dma_start3A_261 : memref<1x64xf32, #tpu.memory_space<vmem>> -> memref<64xf32, #tpu.memory_space<vmem>>
          %dma_start3A_263 = arith.constant 0 : i32
          %dma_start3A_264 = tpu.memref_slice %arg2[%squeeze3A_255, %dma_start3A_263] : memref<1000000x64xf32, #tpu.memory_space<hbm>> -> memref<1x64xf32, #tpu.memory_space<hbm>>
          %dma_start3A_265 = tpu.memref_squeeze %dma_start3A_264 : memref<1x64xf32, #tpu.memory_space<hbm>> -> memref<64xf32, #tpu.memory_space<hbm>>
          %dma_start3A_266 = arith.constant 0 : i32
          %dma_start3A_267 = tpu.memref_slice %arg6[%add3A_259, %dma_start3A_266] : memref<80x64xf32, #tpu.memory_space<vmem>> -> memref<1x64xf32, #tpu.memory_space<vmem>>
          %dma_start3A_268 = tpu.memref_squeeze %dma_start3A_267 : memref<1x64xf32, #tpu.memory_space<vmem>> -> memref<64xf32, #tpu.memory_space<vmem>>
          %dma_start3A_269 = arith.constant 0 : i32
          %dma_start3A_270 = tpu.memref_slice %arg2[%squeeze3A_255, %dma_start3A_269] : memref<1000000x64xf32, #tpu.memory_space<hbm>> -> memref<1x64xf32, #tpu.memory_space<hbm>>
          %dma_start3A_271 = tpu.memref_squeeze %dma_start3A_270 : memref<1x64xf32, #tpu.memory_space<hbm>> -> memref<64xf32, #tpu.memory_space<hbm>>
          tpu.enqueue_dma source(%dma_start3A_271 : memref<64xf32, #tpu.memory_space<hbm>>) target(%dma_start3A_268 : memref<64xf32, #tpu.memory_space<vmem>>) target_semaphore(%arg8 : memref<!tpu.dma_semaphore, #tpu.memory_space<semaphore_mem>>)
          %slice3A_272 = vector.extract_strided_slice %get3A_58 {offsets = [12], sizes = [1], strides = [1]} : vector<16xi32> to vector<1xi32>
          %squeeze3A_273 = vector.extract %slice3A_272[0] : i32 from vector<1xi32>
          %mul3A_274 = arith.constant 16 : i32
          %mul3A_275 = arith.muli %scan3A_52, %mul3A_274 : i32
          %add3A_276 = arith.constant 12 : i32
          %add3A_277 = arith.addi %mul3A_275, %add3A_276 : i32
          %dma_start3A_278 = arith.constant 0 : i32
          %dma_start3A_279 = tpu.memref_slice %arg6[%add3A_277, %dma_start3A_278] : memref<80x64xf32, #tpu.memory_space<vmem>> -> memref<1x64xf32, #tpu.memory_space<vmem>>
          %dma_start3A_280 = tpu.memref_squeeze %dma_start3A_279 : memref<1x64xf32, #tpu.memory_space<vmem>> -> memref<64xf32, #tpu.memory_space<vmem>>
          %dma_start3A_281 = arith.constant 0 : i32
          %dma_start3A_282 = tpu.memref_slice %arg2[%squeeze3A_273, %dma_start3A_281] : memref<1000000x64xf32, #tpu.memory_space<hbm>> -> memref<1x64xf32, #tpu.memory_space<hbm>>
          %dma_start3A_283 = tpu.memref_squeeze %dma_start3A_282 : memref<1x64xf32, #tpu.memory_space<hbm>> -> memref<64xf32, #tpu.memory_space<hbm>>
          %dma_start3A_284 = arith.constant 0 : i32
          %dma_start3A_285 = tpu.memref_slice %arg6[%add3A_277, %dma_start3A_284] : memref<80x64xf32, #tpu.memory_space<vmem>> -> memref<1x64xf32, #tpu.memory_space<vmem>>
          %dma_start3A_286 = tpu.memref_squeeze %dma_start3A_285 : memref<1x64xf32, #tpu.memory_space<vmem>> -> memref<64xf32, #tpu.memory_space<vmem>>
          %dma_start3A_287 = arith.constant 0 : i32
          %dma_start3A_288 = tpu.memref_slice %arg2[%squeeze3A_273, %dma_start3A_287] : memref<1000000x64xf32, #tpu.memory_space<hbm>> -> memref<1x64xf32, #tpu.memory_space<hbm>>
          %dma_start3A_289 = tpu.memref_squeeze %dma_start3A_288 : memref<1x64xf32, #tpu.memory_space<hbm>> -> memref<64xf32, #tpu.memory_space<hbm>>
          tpu.enqueue_dma source(%dma_start3A_289 : memref<64xf32, #tpu.memory_space<hbm>>) target(%dma_start3A_286 : memref<64xf32, #tpu.memory_space<vmem>>) target_semaphore(%arg8 : memref<!tpu.dma_semaphore, #tpu.memory_space<semaphore_mem>>)
          %slice3A_290 = vector.extract_strided_slice %get3A_58 {offsets = [13], sizes = [1], strides = [1]} : vector<16xi32> to vector<1xi32>
          %squeeze3A_291 = vector.extract %slice3A_290[0] : i32 from vector<1xi32>
          %mul3A_292 = arith.constant 16 : i32
          %mul3A_293 = arith.muli %scan3A_52, %mul3A_292 : i32
          %add3A_294 = arith.constant 13 : i32
          %add3A_295 = arith.addi %mul3A_293, %add3A_294 : i32
          %dma_start3A_296 = arith.constant 0 : i32
          %dma_start3A_297 = tpu.memref_slice %arg6[%add3A_295, %dma_start3A_296] : memref<80x64xf32, #tpu.memory_space<vmem>> -> memref<1x64xf32, #tpu.memory_space<vmem>>
          %dma_start3A_298 = tpu.memref_squeeze %dma_start3A_297 : memref<1x64xf32, #tpu.memory_space<vmem>> -> memref<64xf32, #tpu.memory_space<vmem>>
          %dma_start3A_299 = arith.constant 0 : i32
          %dma_start3A_300 = tpu.memref_slice %arg2[%squeeze3A_291, %dma_start3A_299] : memref<1000000x64xf32, #tpu.memory_space<hbm>> -> memref<1x64xf32, #tpu.memory_space<hbm>>
          %dma_start3A_301 = tpu.memref_squeeze %dma_start3A_300 : memref<1x64xf32, #tpu.memory_space<hbm>> -> memref<64xf32, #tpu.memory_space<hbm>>
          %dma_start3A_302 = arith.constant 0 : i32
          %dma_start3A_303 = tpu.memref_slice %arg6[%add3A_295, %dma_start3A_302] : memref<80x64xf32, #tpu.memory_space<vmem>> -> memref<1x64xf32, #tpu.memory_space<vmem>>
          %dma_start3A_304 = tpu.memref_squeeze %dma_start3A_303 : memref<1x64xf32, #tpu.memory_space<vmem>> -> memref<64xf32, #tpu.memory_space<vmem>>
          %dma_start3A_305 = arith.constant 0 : i32
          %dma_start3A_306 = tpu.memref_slice %arg2[%squeeze3A_291, %dma_start3A_305] : memref<1000000x64xf32, #tpu.memory_space<hbm>> -> memref<1x64xf32, #tpu.memory_space<hbm>>
          %dma_start3A_307 = tpu.memref_squeeze %dma_start3A_306 : memref<1x64xf32, #tpu.memory_space<hbm>> -> memref<64xf32, #tpu.memory_space<hbm>>
          tpu.enqueue_dma source(%dma_start3A_307 : memref<64xf32, #tpu.memory_space<hbm>>) target(%dma_start3A_304 : memref<64xf32, #tpu.memory_space<vmem>>) target_semaphore(%arg8 : memref<!tpu.dma_semaphore, #tpu.memory_space<semaphore_mem>>)
          %slice3A_308 = vector.extract_strided_slice %get3A_58 {offsets = [14], sizes = [1], strides = [1]} : vector<16xi32> to vector<1xi32>
          %squeeze3A_309 = vector.extract %slice3A_308[0] : i32 from vector<1xi32>
          %mul3A_310 = arith.constant 16 : i32
          %mul3A_311 = arith.muli %scan3A_52, %mul3A_310 : i32
          %add3A_312 = arith.constant 14 : i32
          %add3A_313 = arith.addi %mul3A_311, %add3A_312 : i32
          %dma_start3A_314 = arith.constant 0 : i32
          %dma_start3A_315 = tpu.memref_slice %arg6[%add3A_313, %dma_start3A_314] : memref<80x64xf32, #tpu.memory_space<vmem>> -> memref<1x64xf32, #tpu.memory_space<vmem>>
          %dma_start3A_316 = tpu.memref_squeeze %dma_start3A_315 : memref<1x64xf32, #tpu.memory_space<vmem>> -> memref<64xf32, #tpu.memory_space<vmem>>
          %dma_start3A_317 = arith.constant 0 : i32
          %dma_start3A_318 = tpu.memref_slice %arg2[%squeeze3A_309, %dma_start3A_317] : memref<1000000x64xf32, #tpu.memory_space<hbm>> -> memref<1x64xf32, #tpu.memory_space<hbm>>
          %dma_start3A_319 = tpu.memref_squeeze %dma_start3A_318 : memref<1x64xf32, #tpu.memory_space<hbm>> -> memref<64xf32, #tpu.memory_space<hbm>>
          %dma_start3A_320 = arith.constant 0 : i32
          %dma_start3A_321 = tpu.memref_slice %arg6[%add3A_313, %dma_start3A_320] : memref<80x64xf32, #tpu.memory_space<vmem>> -> memref<1x64xf32, #tpu.memory_space<vmem>>
          %dma_start3A_322 = tpu.memref_squeeze %dma_start3A_321 : memref<1x64xf32, #tpu.memory_space<vmem>> -> memref<64xf32, #tpu.memory_space<vmem>>
          %dma_start3A_323 = arith.constant 0 : i32
          %dma_start3A_324 = tpu.memref_slice %arg2[%squeeze3A_309, %dma_start3A_323] : memref<1000000x64xf32, #tpu.memory_space<hbm>> -> memref<1x64xf32, #tpu.memory_space<hbm>>
          %dma_start3A_325 = tpu.memref_squeeze %dma_start3A_324 : memref<1x64xf32, #tpu.memory_space<hbm>> -> memref<64xf32, #tpu.memory_space<hbm>>
          tpu.enqueue_dma source(%dma_start3A_325 : memref<64xf32, #tpu.memory_space<hbm>>) target(%dma_start3A_322 : memref<64xf32, #tpu.memory_space<vmem>>) target_semaphore(%arg8 : memref<!tpu.dma_semaphore, #tpu.memory_space<semaphore_mem>>)
          %slice3A_326 = vector.extract_strided_slice %get3A_58 {offsets = [15], sizes = [1], strides = [1]} : vector<16xi32> to vector<1xi32>
          %squeeze3A_327 = vector.extract %slice3A_326[0] : i32 from vector<1xi32>
          %mul3A_328 = arith.constant 16 : i32
          %mul3A_329 = arith.muli %scan3A_52, %mul3A_328 : i32
          %add3A_330 = arith.constant 15 : i32
          %add3A_331 = arith.addi %mul3A_329, %add3A_330 : i32
          %dma_start3A_332 = arith.constant 0 : i32
          %dma_start3A_333 = tpu.memref_slice %arg6[%add3A_331, %dma_start3A_332] : memref<80x64xf32, #tpu.memory_space<vmem>> -> memref<1x64xf32, #tpu.memory_space<vmem>>
          %dma_start3A_334 = tpu.memref_squeeze %dma_start3A_333 : memref<1x64xf32, #tpu.memory_space<vmem>> -> memref<64xf32, #tpu.memory_space<vmem>>
          %dma_start3A_335 = arith.constant 0 : i32
          %dma_start3A_336 = tpu.memref_slice %arg2[%squeeze3A_327, %dma_start3A_335] : memref<1000000x64xf32, #tpu.memory_space<hbm>> -> memref<1x64xf32, #tpu.memory_space<hbm>>
          %dma_start3A_337 = tpu.memref_squeeze %dma_start3A_336 : memref<1x64xf32, #tpu.memory_space<hbm>> -> memref<64xf32, #tpu.memory_space<hbm>>
          %dma_start3A_338 = arith.constant 0 : i32
          %dma_start3A_339 = tpu.memref_slice %arg6[%add3A_331, %dma_start3A_338] : memref<80x64xf32, #tpu.memory_space<vmem>> -> memref<1x64xf32, #tpu.memory_space<vmem>>
          %dma_start3A_340 = tpu.memref_squeeze %dma_start3A_339 : memref<1x64xf32, #tpu.memory_space<vmem>> -> memref<64xf32, #tpu.memory_space<vmem>>
          %dma_start3A_341 = arith.constant 0 : i32
          %dma_start3A_342 = tpu.memref_slice %arg2[%squeeze3A_327, %dma_start3A_341] : memref<1000000x64xf32, #tpu.memory_space<hbm>> -> memref<1x64xf32, #tpu.memory_space<hbm>>
          %dma_start3A_343 = tpu.memref_squeeze %dma_start3A_342 : memref<1x64xf32, #tpu.memory_space<hbm>> -> memref<64xf32, #tpu.memory_space<hbm>>
          tpu.enqueue_dma source(%dma_start3A_343 : memref<64xf32, #tpu.memory_space<hbm>>) target(%dma_start3A_340 : memref<64xf32, #tpu.memory_space<vmem>>) target_semaphore(%arg8 : memref<!tpu.dma_semaphore, #tpu.memory_space<semaphore_mem>>)
        }
        %scan3A_51 = arith.constant 5 : i32
      } else {
      }
      %add3A_37 = arith.constant 1 : i32
      %add3A_38 = arith.addi %mul3A_16, %add3A_37 : i32
      %lt3A_39 = arith.constant 10 : i32
      %lt3A_40 = arith.cmpi slt, %add3A_38, %lt3A_39 : i32
      %convert_element_type3A_41 = arith.extui %lt3A_40 : i1 to i32
      %cond3A_42 = arith.constant 0 : i32
      %cond3A_43 = arith.cmpi ne, %convert_element_type3A_41, %cond3A_42 : i32
      scf.if %cond3A_43 {
        %add3A_44 = arith.constant 1 : i32
        %add3A_45 = arith.addi %mul3A_16, %add3A_44 : i32
        %scan3A_46 = arith.constant 0 : i32
        %scan3A_47 = arith.constant 0 : i32
        %scan3A_48 = arith.constant 80 : i32
        %scan3A_49 = arith.addi %scan3A_47, %scan3A_48 : i32
        %scan3A_50 = arith.constant 1 : i32
        scf.for %scan3A_55 = %scan3A_47 to %scan3A_49 step %scan3A_50  : i32 {
          %dma_wait3A = arith.constant 0 : i32
          %dma_wait3A_56 = arith.constant 0 : i32
          %dma_wait3A_57 = tpu.memref_slice %arg7[%scan3A_55, %dma_wait3A_56] : memref<80x64xf32, #tpu.memory_space<vmem>> -> memref<1x64xf32, #tpu.memory_space<vmem>>
          %dma_wait3A_58 = tpu.memref_squeeze %dma_wait3A_57 : memref<1x64xf32, #tpu.memory_space<vmem>> -> memref<64xf32, #tpu.memory_space<vmem>>
          %dma_wait3A_59 = arith.constant 0 : i32
          %dma_wait3A_60 = tpu.memref_slice %arg2[%dma_wait3A, %dma_wait3A_59] : memref<1000000x64xf32, #tpu.memory_space<hbm>> -> memref<1x64xf32, #tpu.memory_space<hbm>>
          %dma_wait3A_61 = tpu.memref_squeeze %dma_wait3A_60 : memref<1x64xf32, #tpu.memory_space<hbm>> -> memref<64xf32, #tpu.memory_space<hbm>>
          %dma_wait3A_62 = arith.constant 0 : i32
          %dma_wait3A_63 = tpu.memref_slice %arg7[%scan3A_55, %dma_wait3A_62] : memref<80x64xf32, #tpu.memory_space<vmem>> -> memref<1x64xf32, #tpu.memory_space<vmem>>
          %dma_wait3A_64 = tpu.memref_squeeze %dma_wait3A_63 : memref<1x64xf32, #tpu.memory_space<vmem>> -> memref<64xf32, #tpu.memory_space<vmem>>
          %dma_wait3A_65 = arith.constant 0 : i32
          %dma_wait3A_66 = tpu.memref_slice %arg2[%dma_wait3A, %dma_wait3A_65] : memref<1000000x64xf32, #tpu.memory_space<hbm>> -> memref<1x64xf32, #tpu.memory_space<hbm>>
          %dma_wait3A_67 = tpu.memref_squeeze %dma_wait3A_66 : memref<1x64xf32, #tpu.memory_space<hbm>> -> memref<64xf32, #tpu.memory_space<hbm>>
          tpu.wait_dma2 semaphore(%arg9 : memref<!tpu.dma_semaphore, #tpu.memory_space<semaphore_mem>>) src(%dma_wait3A_67 : memref<64xf32, #tpu.memory_space<hbm>>) dst(%dma_wait3A_64 : memref<64xf32, #tpu.memory_space<vmem>>)
        }
        %scan3A_51 = arith.constant 80 : i32
        %mul3A_52 = arith.constant 80 : i32
        %mul3A_53 = arith.muli %add3A_45, %mul3A_52 : i32
        %add3A_54 = arith.addi %mul3A_2, %mul3A_53 : i32
        "tpu.region"() ({
          %run_scoped3A = tpu.sem_alloc : memref<!tpu.dma_semaphore, #tpu.memory_space<semaphore_mem>>
          %dma_start3A = arith.constant 0 : i32
          %dma_start3A_55 = tpu.memref_slice %arg4[%add3A_54, %dma_start3A] : memref<25600x64xf32, #tpu.memory_space<hbm>> -> memref<80x64xf32, #tpu.memory_space<hbm>>
          %dma_start3A_56 = arith.constant 0 : i32
          %dma_start3A_57 = tpu.memref_slice %arg4[%add3A_54, %dma_start3A_56] : memref<25600x64xf32, #tpu.memory_space<hbm>> -> memref<80x64xf32, #tpu.memory_space<hbm>>
          tpu.enqueue_dma source(%arg7 : memref<80x64xf32, #tpu.memory_space<vmem>>) target(%dma_start3A_57 : memref<80x64xf32, #tpu.memory_space<hbm>>) target_semaphore(%run_scoped3A : memref<!tpu.dma_semaphore, #tpu.memory_space<semaphore_mem>>)
          %dma_wait3A = arith.constant 0 : i32
          %dma_wait3A_58 = tpu.memref_slice %arg4[%add3A_54, %dma_wait3A] : memref<25600x64xf32, #tpu.memory_space<hbm>> -> memref<80x64xf32, #tpu.memory_space<hbm>>
          %dma_wait3A_59 = arith.constant 0 : i32
          %dma_wait3A_60 = tpu.memref_slice %arg4[%add3A_54, %dma_wait3A_59] : memref<25600x64xf32, #tpu.memory_space<hbm>> -> memref<80x64xf32, #tpu.memory_space<hbm>>
          tpu.wait_dma2 semaphore(%run_scoped3A : memref<!tpu.dma_semaphore, #tpu.memory_space<semaphore_mem>>) src(%arg7 : memref<80x64xf32, #tpu.memory_space<vmem>>) dst(%dma_wait3A_60 : memref<80x64xf32, #tpu.memory_space<hbm>>)
          tpu.yield
        }) : () -> ()
      } else {
      }
    }
    %scan3A_13 = arith.constant 5 : i32
    return
  }
}

#map = affine_map<(d0, d1) -> (0, 0)>
module attributes {stable_mosaic.version = 14 : i64} {
  func.func @gather_k(%arg0: i32, %arg1: i32, %arg2: memref<1000000x64xf32, #tpu.memory_space<hbm>>, %arg3: memref<32x800xi32, #tpu.memory_space<hbm>>, %arg4: memref<25600x64xf32, #tpu.memory_space<hbm>>, %arg5: memref<800xi32, #tpu.memory_space<vmem>>, %arg6: memref<80x64xf32, #tpu.memory_space<vmem>>, %arg7: memref<80x64xf32, #tpu.memory_space<vmem>>, %arg8: memref<!tpu.dma_semaphore, #tpu.memory_space<semaphore_mem>>, %arg9: memref<!tpu.dma_semaphore, #tpu.memory_space<semaphore_mem>>) attributes {dimension_semantics = [#tpu.dimension_semantics<core_parallel>, #tpu.dimension_semantics<subcore_parallel>], iteration_bounds = array<i64: 2, 16>, scalar_prefetch = 0 : i64, scratch_operands = 5 : i64, tpu.core_type = #tpu.core_type<sc_vector_subcore>, window_params = [{transform_indices = #map}, {transform_indices = #map}, {transform_indices = #map}]} {
    %mul3A = arith.constant 2 : i32
    %mul3A_0 = arith.muli %arg1, %mul3A : i32
    %add3A = arith.addi %mul3A_0, %arg0 : i32
    %mul3A_1 = arith.constant 800 : i32
    %mul3A_2 = arith.muli %add3A, %mul3A_1 : i32
    "tpu.region"() ({
      %run_scoped3A = tpu.sem_alloc : memref<!tpu.dma_semaphore, #tpu.memory_space<semaphore_mem>>
      %dma_start3A = arith.constant 0 : i32
      %dma_start3A_14 = tpu.memref_slice %arg3[%add3A, %dma_start3A] : memref<32x800xi32, #tpu.memory_space<hbm>> -> memref<1x800xi32, #tpu.memory_space<hbm>>
      %dma_start3A_15 = tpu.memref_squeeze %dma_start3A_14 : memref<1x800xi32, #tpu.memory_space<hbm>> -> memref<800xi32, #tpu.memory_space<hbm>>
      %dma_start3A_16 = arith.constant 0 : i32
      %dma_start3A_17 = tpu.memref_slice %arg3[%add3A, %dma_start3A_16] : memref<32x800xi32, #tpu.memory_space<hbm>> -> memref<1x800xi32, #tpu.memory_space<hbm>>
      %dma_start3A_18 = tpu.memref_squeeze %dma_start3A_17 : memref<1x800xi32, #tpu.memory_space<hbm>> -> memref<800xi32, #tpu.memory_space<hbm>>
      tpu.enqueue_dma source(%dma_start3A_18 : memref<800xi32, #tpu.memory_space<hbm>>) target(%arg5 : memref<800xi32, #tpu.memory_space<vmem>>) target_semaphore(%run_scoped3A : memref<!tpu.dma_semaphore, #tpu.memory_space<semaphore_mem>>)
      %dma_wait3A = arith.constant 0 : i32
      %dma_wait3A_19 = tpu.memref_slice %arg3[%add3A, %dma_wait3A] : memref<32x800xi32, #tpu.memory_space<hbm>> -> memref<1x800xi32, #tpu.memory_space<hbm>>
      %dma_wait3A_20 = tpu.memref_squeeze %dma_wait3A_19 : memref<1x800xi32, #tpu.memory_space<hbm>> -> memref<800xi32, #tpu.memory_space<hbm>>
      %dma_wait3A_21 = arith.constant 0 : i32
      %dma_wait3A_22 = tpu.memref_slice %arg3[%add3A, %dma_wait3A_21] : memref<32x800xi32, #tpu.memory_space<hbm>> -> memref<1x800xi32, #tpu.memory_space<hbm>>
      %dma_wait3A_23 = tpu.memref_squeeze %dma_wait3A_22 : memref<1x800xi32, #tpu.memory_space<hbm>> -> memref<800xi32, #tpu.memory_space<hbm>>
      tpu.wait_dma2 semaphore(%run_scoped3A : memref<!tpu.dma_semaphore, #tpu.memory_space<semaphore_mem>>) src(%dma_wait3A_23 : memref<800xi32, #tpu.memory_space<hbm>>) dst(%arg5 : memref<800xi32, #tpu.memory_space<vmem>>)
      tpu.yield
    }) : () -> ()
    %scan3A = arith.constant 0 : i32
    %scan3A_3 = arith.constant 0 : i32
    %scan3A_4 = arith.constant 5 : i32
    %scan3A_5 = arith.addi %scan3A_3, %scan3A_4 : i32
    %scan3A_6 = arith.constant 1 : i32
    scf.for %scan3A_14 = %scan3A_3 to %scan3A_5 step %scan3A_6  : i32 {
      %mul3A_15 = arith.constant 16 : i32
      %mul3A_16 = arith.muli %scan3A_14, %mul3A_15 : i32
      %add3A_17 = arith.constant 0 : i32
      %add3A_18 = arith.addi %add3A_17, %mul3A_16 : i32
      %get3A = arith.index_cast %add3A_18 : i32 to index
      %get3A_19 = tpu.vector_load %arg5[%get3A] {strides = array<i32>} : memref<800xi32, #tpu.memory_space<vmem>>, vector<16xi32>,
      %slice3A = vector.extract_strided_slice %get3A_19 {offsets = [0], sizes = [1], strides = [1]} : vector<16xi32> to vector<1xi32>
      %squeeze3A = vector.extract %slice3A[0] : i32 from vector<1xi32>
      %mul3A_20 = arith.constant 16 : i32
      %mul3A_21 = arith.muli %scan3A_14, %mul3A_20 : i32
      %add3A_22 = arith.constant 0 : i32
      %add3A_23 = arith.addi %mul3A_21, %add3A_22 : i32
      %dma_start3A = arith.constant 0 : i32
      %dma_start3A_24 = tpu.memref_slice %arg6[%add3A_23, %dma_start3A] : memref<80x64xf32, #tpu.memory_space<vmem>> -> memref<1x64xf32, #tpu.memory_space<vmem>>
      %dma_start3A_25 = tpu.memref_squeeze %dma_start3A_24 : memref<1x64xf32, #tpu.memory_space<vmem>> -> memref<64xf32, #tpu.memory_space<vmem>>
      %dma_start3A_26 = arith.constant 0 : i32
      %dma_start3A_27 = tpu.memref_slice %arg2[%squeeze3A, %dma_start3A_26] : memref<1000000x64xf32, #tpu.memory_space<hbm>> -> memref<1x64xf32, #tpu.memory_space<hbm>>
      %dma_start3A_28 = tpu.memref_squeeze %dma_start3A_27 : memref<1x64xf32, #tpu.memory_space<hbm>> -> memref<64xf32, #tpu.memory_space<hbm>>
      %dma_start3A_29 = arith.constant 0 : i32
      %dma_start3A_30 = tpu.memref_slice %arg6[%add3A_23, %dma_start3A_29] : memref<80x64xf32, #tpu.memory_space<vmem>> -> memref<1x64xf32, #tpu.memory_space<vmem>>
      %dma_start3A_31 = tpu.memref_squeeze %dma_start3A_30 : memref<1x64xf32, #tpu.memory_space<vmem>> -> memref<64xf32, #tpu.memory_space<vmem>>
      %dma_start3A_32 = arith.constant 0 : i32
      %dma_start3A_33 = tpu.memref_slice %arg2[%squeeze3A, %dma_start3A_32] : memref<1000000x64xf32, #tpu.memory_space<hbm>> -> memref<1x64xf32, #tpu.memory_space<hbm>>
      %dma_start3A_34 = tpu.memref_squeeze %dma_start3A_33 : memref<1x64xf32, #tpu.memory_space<hbm>> -> memref<64xf32, #tpu.memory_space<hbm>>
      tpu.enqueue_dma source(%dma_start3A_34 : memref<64xf32, #tpu.memory_space<hbm>>) target(%dma_start3A_31 : memref<64xf32, #tpu.memory_space<vmem>>) target_semaphore(%arg8 : memref<!tpu.dma_semaphore, #tpu.memory_space<semaphore_mem>>)
      %slice3A_35 = vector.extract_strided_slice %get3A_19 {offsets = [1], sizes = [1], strides = [1]} : vector<16xi32> to vector<1xi32>
      %squeeze3A_36 = vector.extract %slice3A_35[0] : i32 from vector<1xi32>
      %mul3A_37 = arith.constant 16 : i32
      %mul3A_38 = arith.muli %scan3A_14, %mul3A_37 : i32
      %add3A_39 = arith.constant 1 : i32
      %add3A_40 = arith.addi %mul3A_38, %add3A_39 : i32
      %dma_start3A_41 = arith.constant 0 : i32
      %dma_start3A_42 = tpu.memref_slice %arg6[%add3A_40, %dma_start3A_41] : memref<80x64xf32, #tpu.memory_space<vmem>> -> memref<1x64xf32, #tpu.memory_space<vmem>>
      %dma_start3A_43 = tpu.memref_squeeze %dma_start3A_42 : memref<1x64xf32, #tpu.memory_space<vmem>> -> memref<64xf32, #tpu.memory_space<vmem>>
      %dma_start3A_44 = arith.constant 0 : i32
      %dma_start3A_45 = tpu.memref_slice %arg2[%squeeze3A_36, %dma_start3A_44] : memref<1000000x64xf32, #tpu.memory_space<hbm>> -> memref<1x64xf32, #tpu.memory_space<hbm>>
      %dma_start3A_46 = tpu.memref_squeeze %dma_start3A_45 : memref<1x64xf32, #tpu.memory_space<hbm>> -> memref<64xf32, #tpu.memory_space<hbm>>
      %dma_start3A_47 = arith.constant 0 : i32
      %dma_start3A_48 = tpu.memref_slice %arg6[%add3A_40, %dma_start3A_47] : memref<80x64xf32, #tpu.memory_space<vmem>> -> memref<1x64xf32, #tpu.memory_space<vmem>>
      %dma_start3A_49 = tpu.memref_squeeze %dma_start3A_48 : memref<1x64xf32, #tpu.memory_space<vmem>> -> memref<64xf32, #tpu.memory_space<vmem>>
      %dma_start3A_50 = arith.constant 0 : i32
      %dma_start3A_51 = tpu.memref_slice %arg2[%squeeze3A_36, %dma_start3A_50] : memref<1000000x64xf32, #tpu.memory_space<hbm>> -> memref<1x64xf32, #tpu.memory_space<hbm>>
      %dma_start3A_52 = tpu.memref_squeeze %dma_start3A_51 : memref<1x64xf32, #tpu.memory_space<hbm>> -> memref<64xf32, #tpu.memory_space<hbm>>
      tpu.enqueue_dma source(%dma_start3A_52 : memref<64xf32, #tpu.memory_space<hbm>>) target(%dma_start3A_49 : memref<64xf32, #tpu.memory_space<vmem>>) target_semaphore(%arg8 : memref<!tpu.dma_semaphore, #tpu.memory_space<semaphore_mem>>)
      %slice3A_53 = vector.extract_strided_slice %get3A_19 {offsets = [2], sizes = [1], strides = [1]} : vector<16xi32> to vector<1xi32>
      %squeeze3A_54 = vector.extract %slice3A_53[0] : i32 from vector<1xi32>
      %mul3A_55 = arith.constant 16 : i32
      %mul3A_56 = arith.muli %scan3A_14, %mul3A_55 : i32
      %add3A_57 = arith.constant 2 : i32
      %add3A_58 = arith.addi %mul3A_56, %add3A_57 : i32
      %dma_start3A_59 = arith.constant 0 : i32
      %dma_start3A_60 = tpu.memref_slice %arg6[%add3A_58, %dma_start3A_59] : memref<80x64xf32, #tpu.memory_space<vmem>> -> memref<1x64xf32, #tpu.memory_space<vmem>>
      %dma_start3A_61 = tpu.memref_squeeze %dma_start3A_60 : memref<1x64xf32, #tpu.memory_space<vmem>> -> memref<64xf32, #tpu.memory_space<vmem>>
      %dma_start3A_62 = arith.constant 0 : i32
      %dma_start3A_63 = tpu.memref_slice %arg2[%squeeze3A_54, %dma_start3A_62] : memref<1000000x64xf32, #tpu.memory_space<hbm>> -> memref<1x64xf32, #tpu.memory_space<hbm>>
      %dma_start3A_64 = tpu.memref_squeeze %dma_start3A_63 : memref<1x64xf32, #tpu.memory_space<hbm>> -> memref<64xf32, #tpu.memory_space<hbm>>
      %dma_start3A_65 = arith.constant 0 : i32
      %dma_start3A_66 = tpu.memref_slice %arg6[%add3A_58, %dma_start3A_65] : memref<80x64xf32, #tpu.memory_space<vmem>> -> memref<1x64xf32, #tpu.memory_space<vmem>>
      %dma_start3A_67 = tpu.memref_squeeze %dma_start3A_66 : memref<1x64xf32, #tpu.memory_space<vmem>> -> memref<64xf32, #tpu.memory_space<vmem>>
      %dma_start3A_68 = arith.constant 0 : i32
      %dma_start3A_69 = tpu.memref_slice %arg2[%squeeze3A_54, %dma_start3A_68] : memref<1000000x64xf32, #tpu.memory_space<hbm>> -> memref<1x64xf32, #tpu.memory_space<hbm>>
      %dma_start3A_70 = tpu.memref_squeeze %dma_start3A_69 : memref<1x64xf32, #tpu.memory_space<hbm>> -> memref<64xf32, #tpu.memory_space<hbm>>
      tpu.enqueue_dma source(%dma_start3A_70 : memref<64xf32, #tpu.memory_space<hbm>>) target(%dma_start3A_67 : memref<64xf32, #tpu.memory_space<vmem>>) target_semaphore(%arg8 : memref<!tpu.dma_semaphore, #tpu.memory_space<semaphore_mem>>)
      %slice3A_71 = vector.extract_strided_slice %get3A_19 {offsets = [3], sizes = [1], strides = [1]} : vector<16xi32> to vector<1xi32>
      %squeeze3A_72 = vector.extract %slice3A_71[0] : i32 from vector<1xi32>
      %mul3A_73 = arith.constant 16 : i32
      %mul3A_74 = arith.muli %scan3A_14, %mul3A_73 : i32
      %add3A_75 = arith.constant 3 : i32
      %add3A_76 = arith.addi %mul3A_74, %add3A_75 : i32
      %dma_start3A_77 = arith.constant 0 : i32
      %dma_start3A_78 = tpu.memref_slice %arg6[%add3A_76, %dma_start3A_77] : memref<80x64xf32, #tpu.memory_space<vmem>> -> memref<1x64xf32, #tpu.memory_space<vmem>>
      %dma_start3A_79 = tpu.memref_squeeze %dma_start3A_78 : memref<1x64xf32, #tpu.memory_space<vmem>> -> memref<64xf32, #tpu.memory_space<vmem>>
      %dma_start3A_80 = arith.constant 0 : i32
      %dma_start3A_81 = tpu.memref_slice %arg2[%squeeze3A_72, %dma_start3A_80] : memref<1000000x64xf32, #tpu.memory_space<hbm>> -> memref<1x64xf32, #tpu.memory_space<hbm>>
      %dma_start3A_82 = tpu.memref_squeeze %dma_start3A_81 : memref<1x64xf32, #tpu.memory_space<hbm>> -> memref<64xf32, #tpu.memory_space<hbm>>
      %dma_start3A_83 = arith.constant 0 : i32
      %dma_start3A_84 = tpu.memref_slice %arg6[%add3A_76, %dma_start3A_83] : memref<80x64xf32, #tpu.memory_space<vmem>> -> memref<1x64xf32, #tpu.memory_space<vmem>>
      %dma_start3A_85 = tpu.memref_squeeze %dma_start3A_84 : memref<1x64xf32, #tpu.memory_space<vmem>> -> memref<64xf32, #tpu.memory_space<vmem>>
      %dma_start3A_86 = arith.constant 0 : i32
      %dma_start3A_87 = tpu.memref_slice %arg2[%squeeze3A_72, %dma_start3A_86] : memref<1000000x64xf32, #tpu.memory_space<hbm>> -> memref<1x64xf32, #tpu.memory_space<hbm>>
      %dma_start3A_88 = tpu.memref_squeeze %dma_start3A_87 : memref<1x64xf32, #tpu.memory_space<hbm>> -> memref<64xf32, #tpu.memory_space<hbm>>
      tpu.enqueue_dma source(%dma_start3A_88 : memref<64xf32, #tpu.memory_space<hbm>>) target(%dma_start3A_85 : memref<64xf32, #tpu.memory_space<vmem>>) target_semaphore(%arg8 : memref<!tpu.dma_semaphore, #tpu.memory_space<semaphore_mem>>)
      %slice3A_89 = vector.extract_strided_slice %get3A_19 {offsets = [4], sizes = [1], strides = [1]} : vector<16xi32> to vector<1xi32>
      %squeeze3A_90 = vector.extract %slice3A_89[0] : i32 from vector<1xi32>
      %mul3A_91 = arith.constant 16 : i32
      %mul3A_92 = arith.muli %scan3A_14, %mul3A_91 : i32
      %add3A_93 = arith.constant 4 : i32
      %add3A_94 = arith.addi %mul3A_92, %add3A_93 : i32
      %dma_start3A_95 = arith.constant 0 : i32
      %dma_start3A_96 = tpu.memref_slice %arg6[%add3A_94, %dma_start3A_95] : memref<80x64xf32, #tpu.memory_space<vmem>> -> memref<1x64xf32, #tpu.memory_space<vmem>>
      %dma_start3A_97 = tpu.memref_squeeze %dma_start3A_96 : memref<1x64xf32, #tpu.memory_space<vmem>> -> memref<64xf32, #tpu.memory_space<vmem>>
      %dma_start3A_98 = arith.constant 0 : i32
      %dma_start3A_99 = tpu.memref_slice %arg2[%squeeze3A_90, %dma_start3A_98] : memref<1000000x64xf32, #tpu.memory_space<hbm>> -> memref<1x64xf32, #tpu.memory_space<hbm>>
      %dma_start3A_100 = tpu.memref_squeeze %dma_start3A_99 : memref<1x64xf32, #tpu.memory_space<hbm>> -> memref<64xf32, #tpu.memory_space<hbm>>
      %dma_start3A_101 = arith.constant 0 : i32
      %dma_start3A_102 = tpu.memref_slice %arg6[%add3A_94, %dma_start3A_101] : memref<80x64xf32, #tpu.memory_space<vmem>> -> memref<1x64xf32, #tpu.memory_space<vmem>>
      %dma_start3A_103 = tpu.memref_squeeze %dma_start3A_102 : memref<1x64xf32, #tpu.memory_space<vmem>> -> memref<64xf32, #tpu.memory_space<vmem>>
      %dma_start3A_104 = arith.constant 0 : i32
      %dma_start3A_105 = tpu.memref_slice %arg2[%squeeze3A_90, %dma_start3A_104] : memref<1000000x64xf32, #tpu.memory_space<hbm>> -> memref<1x64xf32, #tpu.memory_space<hbm>>
      %dma_start3A_106 = tpu.memref_squeeze %dma_start3A_105 : memref<1x64xf32, #tpu.memory_space<hbm>> -> memref<64xf32, #tpu.memory_space<hbm>>
      tpu.enqueue_dma source(%dma_start3A_106 : memref<64xf32, #tpu.memory_space<hbm>>) target(%dma_start3A_103 : memref<64xf32, #tpu.memory_space<vmem>>) target_semaphore(%arg8 : memref<!tpu.dma_semaphore, #tpu.memory_space<semaphore_mem>>)
      %slice3A_107 = vector.extract_strided_slice %get3A_19 {offsets = [5], sizes = [1], strides = [1]} : vector<16xi32> to vector<1xi32>
      %squeeze3A_108 = vector.extract %slice3A_107[0] : i32 from vector<1xi32>
      %mul3A_109 = arith.constant 16 : i32
      %mul3A_110 = arith.muli %scan3A_14, %mul3A_109 : i32
      %add3A_111 = arith.constant 5 : i32
      %add3A_112 = arith.addi %mul3A_110, %add3A_111 : i32
      %dma_start3A_113 = arith.constant 0 : i32
      %dma_start3A_114 = tpu.memref_slice %arg6[%add3A_112, %dma_start3A_113] : memref<80x64xf32, #tpu.memory_space<vmem>> -> memref<1x64xf32, #tpu.memory_space<vmem>>
      %dma_start3A_115 = tpu.memref_squeeze %dma_start3A_114 : memref<1x64xf32, #tpu.memory_space<vmem>> -> memref<64xf32, #tpu.memory_space<vmem>>
      %dma_start3A_116 = arith.constant 0 : i32
      %dma_start3A_117 = tpu.memref_slice %arg2[%squeeze3A_108, %dma_start3A_116] : memref<1000000x64xf32, #tpu.memory_space<hbm>> -> memref<1x64xf32, #tpu.memory_space<hbm>>
      %dma_start3A_118 = tpu.memref_squeeze %dma_start3A_117 : memref<1x64xf32, #tpu.memory_space<hbm>> -> memref<64xf32, #tpu.memory_space<hbm>>
      %dma_start3A_119 = arith.constant 0 : i32
      %dma_start3A_120 = tpu.memref_slice %arg6[%add3A_112, %dma_start3A_119] : memref<80x64xf32, #tpu.memory_space<vmem>> -> memref<1x64xf32, #tpu.memory_space<vmem>>
      %dma_start3A_121 = tpu.memref_squeeze %dma_start3A_120 : memref<1x64xf32, #tpu.memory_space<vmem>> -> memref<64xf32, #tpu.memory_space<vmem>>
      %dma_start3A_122 = arith.constant 0 : i32
      %dma_start3A_123 = tpu.memref_slice %arg2[%squeeze3A_108, %dma_start3A_122] : memref<1000000x64xf32, #tpu.memory_space<hbm>> -> memref<1x64xf32, #tpu.memory_space<hbm>>
      %dma_start3A_124 = tpu.memref_squeeze %dma_start3A_123 : memref<1x64xf32, #tpu.memory_space<hbm>> -> memref<64xf32, #tpu.memory_space<hbm>>
      tpu.enqueue_dma source(%dma_start3A_124 : memref<64xf32, #tpu.memory_space<hbm>>) target(%dma_start3A_121 : memref<64xf32, #tpu.memory_space<vmem>>) target_semaphore(%arg8 : memref<!tpu.dma_semaphore, #tpu.memory_space<semaphore_mem>>)
      %slice3A_125 = vector.extract_strided_slice %get3A_19 {offsets = [6], sizes = [1], strides = [1]} : vector<16xi32> to vector<1xi32>
      %squeeze3A_126 = vector.extract %slice3A_125[0] : i32 from vector<1xi32>
      %mul3A_127 = arith.constant 16 : i32
      %mul3A_128 = arith.muli %scan3A_14, %mul3A_127 : i32
      %add3A_129 = arith.constant 6 : i32
      %add3A_130 = arith.addi %mul3A_128, %add3A_129 : i32
      %dma_start3A_131 = arith.constant 0 : i32
      %dma_start3A_132 = tpu.memref_slice %arg6[%add3A_130, %dma_start3A_131] : memref<80x64xf32, #tpu.memory_space<vmem>> -> memref<1x64xf32, #tpu.memory_space<vmem>>
      %dma_start3A_133 = tpu.memref_squeeze %dma_start3A_132 : memref<1x64xf32, #tpu.memory_space<vmem>> -> memref<64xf32, #tpu.memory_space<vmem>>
      %dma_start3A_134 = arith.constant 0 : i32
      %dma_start3A_135 = tpu.memref_slice %arg2[%squeeze3A_126, %dma_start3A_134] : memref<1000000x64xf32, #tpu.memory_space<hbm>> -> memref<1x64xf32, #tpu.memory_space<hbm>>
      %dma_start3A_136 = tpu.memref_squeeze %dma_start3A_135 : memref<1x64xf32, #tpu.memory_space<hbm>> -> memref<64xf32, #tpu.memory_space<hbm>>
      %dma_start3A_137 = arith.constant 0 : i32
      %dma_start3A_138 = tpu.memref_slice %arg6[%add3A_130, %dma_start3A_137] : memref<80x64xf32, #tpu.memory_space<vmem>> -> memref<1x64xf32, #tpu.memory_space<vmem>>
      %dma_start3A_139 = tpu.memref_squeeze %dma_start3A_138 : memref<1x64xf32, #tpu.memory_space<vmem>> -> memref<64xf32, #tpu.memory_space<vmem>>
      %dma_start3A_140 = arith.constant 0 : i32
      %dma_start3A_141 = tpu.memref_slice %arg2[%squeeze3A_126, %dma_start3A_140] : memref<1000000x64xf32, #tpu.memory_space<hbm>> -> memref<1x64xf32, #tpu.memory_space<hbm>>
      %dma_start3A_142 = tpu.memref_squeeze %dma_start3A_141 : memref<1x64xf32, #tpu.memory_space<hbm>> -> memref<64xf32, #tpu.memory_space<hbm>>
      tpu.enqueue_dma source(%dma_start3A_142 : memref<64xf32, #tpu.memory_space<hbm>>) target(%dma_start3A_139 : memref<64xf32, #tpu.memory_space<vmem>>) target_semaphore(%arg8 : memref<!tpu.dma_semaphore, #tpu.memory_space<semaphore_mem>>)
      %slice3A_143 = vector.extract_strided_slice %get3A_19 {offsets = [7], sizes = [1], strides = [1]} : vector<16xi32> to vector<1xi32>
      %squeeze3A_144 = vector.extract %slice3A_143[0] : i32 from vector<1xi32>
      %mul3A_145 = arith.constant 16 : i32
      %mul3A_146 = arith.muli %scan3A_14, %mul3A_145 : i32
      %add3A_147 = arith.constant 7 : i32
      %add3A_148 = arith.addi %mul3A_146, %add3A_147 : i32
      %dma_start3A_149 = arith.constant 0 : i32
      %dma_start3A_150 = tpu.memref_slice %arg6[%add3A_148, %dma_start3A_149] : memref<80x64xf32, #tpu.memory_space<vmem>> -> memref<1x64xf32, #tpu.memory_space<vmem>>
      %dma_start3A_151 = tpu.memref_squeeze %dma_start3A_150 : memref<1x64xf32, #tpu.memory_space<vmem>> -> memref<64xf32, #tpu.memory_space<vmem>>
      %dma_start3A_152 = arith.constant 0 : i32
      %dma_start3A_153 = tpu.memref_slice %arg2[%squeeze3A_144, %dma_start3A_152] : memref<1000000x64xf32, #tpu.memory_space<hbm>> -> memref<1x64xf32, #tpu.memory_space<hbm>>
      %dma_start3A_154 = tpu.memref_squeeze %dma_start3A_153 : memref<1x64xf32, #tpu.memory_space<hbm>> -> memref<64xf32, #tpu.memory_space<hbm>>
      %dma_start3A_155 = arith.constant 0 : i32
      %dma_start3A_156 = tpu.memref_slice %arg6[%add3A_148, %dma_start3A_155] : memref<80x64xf32, #tpu.memory_space<vmem>> -> memref<1x64xf32, #tpu.memory_space<vmem>>
      %dma_start3A_157 = tpu.memref_squeeze %dma_start3A_156 : memref<1x64xf32, #tpu.memory_space<vmem>> -> memref<64xf32, #tpu.memory_space<vmem>>
      %dma_start3A_158 = arith.constant 0 : i32
      %dma_start3A_159 = tpu.memref_slice %arg2[%squeeze3A_144, %dma_start3A_158] : memref<1000000x64xf32, #tpu.memory_space<hbm>> -> memref<1x64xf32, #tpu.memory_space<hbm>>
      %dma_start3A_160 = tpu.memref_squeeze %dma_start3A_159 : memref<1x64xf32, #tpu.memory_space<hbm>> -> memref<64xf32, #tpu.memory_space<hbm>>
      tpu.enqueue_dma source(%dma_start3A_160 : memref<64xf32, #tpu.memory_space<hbm>>) target(%dma_start3A_157 : memref<64xf32, #tpu.memory_space<vmem>>) target_semaphore(%arg8 : memref<!tpu.dma_semaphore, #tpu.memory_space<semaphore_mem>>)
      %slice3A_161 = vector.extract_strided_slice %get3A_19 {offsets = [8], sizes = [1], strides = [1]} : vector<16xi32> to vector<1xi32>
      %squeeze3A_162 = vector.extract %slice3A_161[0] : i32 from vector<1xi32>
      %mul3A_163 = arith.constant 16 : i32
      %mul3A_164 = arith.muli %scan3A_14, %mul3A_163 : i32
      %add3A_165 = arith.constant 8 : i32
      %add3A_166 = arith.addi %mul3A_164, %add3A_165 : i32
      %dma_start3A_167 = arith.constant 0 : i32
      %dma_start3A_168 = tpu.memref_slice %arg6[%add3A_166, %dma_start3A_167] : memref<80x64xf32, #tpu.memory_space<vmem>> -> memref<1x64xf32, #tpu.memory_space<vmem>>
      %dma_start3A_169 = tpu.memref_squeeze %dma_start3A_168 : memref<1x64xf32, #tpu.memory_space<vmem>> -> memref<64xf32, #tpu.memory_space<vmem>>
      %dma_start3A_170 = arith.constant 0 : i32
      %dma_start3A_171 = tpu.memref_slice %arg2[%squeeze3A_162, %dma_start3A_170] : memref<1000000x64xf32, #tpu.memory_space<hbm>> -> memref<1x64xf32, #tpu.memory_space<hbm>>
      %dma_start3A_172 = tpu.memref_squeeze %dma_start3A_171 : memref<1x64xf32, #tpu.memory_space<hbm>> -> memref<64xf32, #tpu.memory_space<hbm>>
      %dma_start3A_173 = arith.constant 0 : i32
      %dma_start3A_174 = tpu.memref_slice %arg6[%add3A_166, %dma_start3A_173] : memref<80x64xf32, #tpu.memory_space<vmem>> -> memref<1x64xf32, #tpu.memory_space<vmem>>
      %dma_start3A_175 = tpu.memref_squeeze %dma_start3A_174 : memref<1x64xf32, #tpu.memory_space<vmem>> -> memref<64xf32, #tpu.memory_space<vmem>>
      %dma_start3A_176 = arith.constant 0 : i32
      %dma_start3A_177 = tpu.memref_slice %arg2[%squeeze3A_162, %dma_start3A_176] : memref<1000000x64xf32, #tpu.memory_space<hbm>> -> memref<1x64xf32, #tpu.memory_space<hbm>>
      %dma_start3A_178 = tpu.memref_squeeze %dma_start3A_177 : memref<1x64xf32, #tpu.memory_space<hbm>> -> memref<64xf32, #tpu.memory_space<hbm>>
      tpu.enqueue_dma source(%dma_start3A_178 : memref<64xf32, #tpu.memory_space<hbm>>) target(%dma_start3A_175 : memref<64xf32, #tpu.memory_space<vmem>>) target_semaphore(%arg8 : memref<!tpu.dma_semaphore, #tpu.memory_space<semaphore_mem>>)
      %slice3A_179 = vector.extract_strided_slice %get3A_19 {offsets = [9], sizes = [1], strides = [1]} : vector<16xi32> to vector<1xi32>
      %squeeze3A_180 = vector.extract %slice3A_179[0] : i32 from vector<1xi32>
      %mul3A_181 = arith.constant 16 : i32
      %mul3A_182 = arith.muli %scan3A_14, %mul3A_181 : i32
      %add3A_183 = arith.constant 9 : i32
      %add3A_184 = arith.addi %mul3A_182, %add3A_183 : i32
      %dma_start3A_185 = arith.constant 0 : i32
      %dma_start3A_186 = tpu.memref_slice %arg6[%add3A_184, %dma_start3A_185] : memref<80x64xf32, #tpu.memory_space<vmem>> -> memref<1x64xf32, #tpu.memory_space<vmem>>
      %dma_start3A_187 = tpu.memref_squeeze %dma_start3A_186 : memref<1x64xf32, #tpu.memory_space<vmem>> -> memref<64xf32, #tpu.memory_space<vmem>>
      %dma_start3A_188 = arith.constant 0 : i32
      %dma_start3A_189 = tpu.memref_slice %arg2[%squeeze3A_180, %dma_start3A_188] : memref<1000000x64xf32, #tpu.memory_space<hbm>> -> memref<1x64xf32, #tpu.memory_space<hbm>>
      %dma_start3A_190 = tpu.memref_squeeze %dma_start3A_189 : memref<1x64xf32, #tpu.memory_space<hbm>> -> memref<64xf32, #tpu.memory_space<hbm>>
      %dma_start3A_191 = arith.constant 0 : i32
      %dma_start3A_192 = tpu.memref_slice %arg6[%add3A_184, %dma_start3A_191] : memref<80x64xf32, #tpu.memory_space<vmem>> -> memref<1x64xf32, #tpu.memory_space<vmem>>
      %dma_start3A_193 = tpu.memref_squeeze %dma_start3A_192 : memref<1x64xf32, #tpu.memory_space<vmem>> -> memref<64xf32, #tpu.memory_space<vmem>>
      %dma_start3A_194 = arith.constant 0 : i32
      %dma_start3A_195 = tpu.memref_slice %arg2[%squeeze3A_180, %dma_start3A_194] : memref<1000000x64xf32, #tpu.memory_space<hbm>> -> memref<1x64xf32, #tpu.memory_space<hbm>>
      %dma_start3A_196 = tpu.memref_squeeze %dma_start3A_195 : memref<1x64xf32, #tpu.memory_space<hbm>> -> memref<64xf32, #tpu.memory_space<hbm>>
      tpu.enqueue_dma source(%dma_start3A_196 : memref<64xf32, #tpu.memory_space<hbm>>) target(%dma_start3A_193 : memref<64xf32, #tpu.memory_space<vmem>>) target_semaphore(%arg8 : memref<!tpu.dma_semaphore, #tpu.memory_space<semaphore_mem>>)
      %slice3A_197 = vector.extract_strided_slice %get3A_19 {offsets = [10], sizes = [1], strides = [1]} : vector<16xi32> to vector<1xi32>
      %squeeze3A_198 = vector.extract %slice3A_197[0] : i32 from vector<1xi32>
      %mul3A_199 = arith.constant 16 : i32
      %mul3A_200 = arith.muli %scan3A_14, %mul3A_199 : i32
      %add3A_201 = arith.constant 10 : i32
      %add3A_202 = arith.addi %mul3A_200, %add3A_201 : i32
      %dma_start3A_203 = arith.constant 0 : i32
      %dma_start3A_204 = tpu.memref_slice %arg6[%add3A_202, %dma_start3A_203] : memref<80x64xf32, #tpu.memory_space<vmem>> -> memref<1x64xf32, #tpu.memory_space<vmem>>
      %dma_start3A_205 = tpu.memref_squeeze %dma_start3A_204 : memref<1x64xf32, #tpu.memory_space<vmem>> -> memref<64xf32, #tpu.memory_space<vmem>>
      %dma_start3A_206 = arith.constant 0 : i32
      %dma_start3A_207 = tpu.memref_slice %arg2[%squeeze3A_198, %dma_start3A_206] : memref<1000000x64xf32, #tpu.memory_space<hbm>> -> memref<1x64xf32, #tpu.memory_space<hbm>>
      %dma_start3A_208 = tpu.memref_squeeze %dma_start3A_207 : memref<1x64xf32, #tpu.memory_space<hbm>> -> memref<64xf32, #tpu.memory_space<hbm>>
      %dma_start3A_209 = arith.constant 0 : i32
      %dma_start3A_210 = tpu.memref_slice %arg6[%add3A_202, %dma_start3A_209] : memref<80x64xf32, #tpu.memory_space<vmem>> -> memref<1x64xf32, #tpu.memory_space<vmem>>
      %dma_start3A_211 = tpu.memref_squeeze %dma_start3A_210 : memref<1x64xf32, #tpu.memory_space<vmem>> -> memref<64xf32, #tpu.memory_space<vmem>>
      %dma_start3A_212 = arith.constant 0 : i32
      %dma_start3A_213 = tpu.memref_slice %arg2[%squeeze3A_198, %dma_start3A_212] : memref<1000000x64xf32, #tpu.memory_space<hbm>> -> memref<1x64xf32, #tpu.memory_space<hbm>>
      %dma_start3A_214 = tpu.memref_squeeze %dma_start3A_213 : memref<1x64xf32, #tpu.memory_space<hbm>> -> memref<64xf32, #tpu.memory_space<hbm>>
      tpu.enqueue_dma source(%dma_start3A_214 : memref<64xf32, #tpu.memory_space<hbm>>) target(%dma_start3A_211 : memref<64xf32, #tpu.memory_space<vmem>>) target_semaphore(%arg8 : memref<!tpu.dma_semaphore, #tpu.memory_space<semaphore_mem>>)
      %slice3A_215 = vector.extract_strided_slice %get3A_19 {offsets = [11], sizes = [1], strides = [1]} : vector<16xi32> to vector<1xi32>
      %squeeze3A_216 = vector.extract %slice3A_215[0] : i32 from vector<1xi32>
      %mul3A_217 = arith.constant 16 : i32
      %mul3A_218 = arith.muli %scan3A_14, %mul3A_217 : i32
      %add3A_219 = arith.constant 11 : i32
      %add3A_220 = arith.addi %mul3A_218, %add3A_219 : i32
      %dma_start3A_221 = arith.constant 0 : i32
      %dma_start3A_222 = tpu.memref_slice %arg6[%add3A_220, %dma_start3A_221] : memref<80x64xf32, #tpu.memory_space<vmem>> -> memref<1x64xf32, #tpu.memory_space<vmem>>
      %dma_start3A_223 = tpu.memref_squeeze %dma_start3A_222 : memref<1x64xf32, #tpu.memory_space<vmem>> -> memref<64xf32, #tpu.memory_space<vmem>>
      %dma_start3A_224 = arith.constant 0 : i32
      %dma_start3A_225 = tpu.memref_slice %arg2[%squeeze3A_216, %dma_start3A_224] : memref<1000000x64xf32, #tpu.memory_space<hbm>> -> memref<1x64xf32, #tpu.memory_space<hbm>>
      %dma_start3A_226 = tpu.memref_squeeze %dma_start3A_225 : memref<1x64xf32, #tpu.memory_space<hbm>> -> memref<64xf32, #tpu.memory_space<hbm>>
      %dma_start3A_227 = arith.constant 0 : i32
      %dma_start3A_228 = tpu.memref_slice %arg6[%add3A_220, %dma_start3A_227] : memref<80x64xf32, #tpu.memory_space<vmem>> -> memref<1x64xf32, #tpu.memory_space<vmem>>
      %dma_start3A_229 = tpu.memref_squeeze %dma_start3A_228 : memref<1x64xf32, #tpu.memory_space<vmem>> -> memref<64xf32, #tpu.memory_space<vmem>>
      %dma_start3A_230 = arith.constant 0 : i32
      %dma_start3A_231 = tpu.memref_slice %arg2[%squeeze3A_216, %dma_start3A_230] : memref<1000000x64xf32, #tpu.memory_space<hbm>> -> memref<1x64xf32, #tpu.memory_space<hbm>>
      %dma_start3A_232 = tpu.memref_squeeze %dma_start3A_231 : memref<1x64xf32, #tpu.memory_space<hbm>> -> memref<64xf32, #tpu.memory_space<hbm>>
      tpu.enqueue_dma source(%dma_start3A_232 : memref<64xf32, #tpu.memory_space<hbm>>) target(%dma_start3A_229 : memref<64xf32, #tpu.memory_space<vmem>>) target_semaphore(%arg8 : memref<!tpu.dma_semaphore, #tpu.memory_space<semaphore_mem>>)
      %slice3A_233 = vector.extract_strided_slice %get3A_19 {offsets = [12], sizes = [1], strides = [1]} : vector<16xi32> to vector<1xi32>
      %squeeze3A_234 = vector.extract %slice3A_233[0] : i32 from vector<1xi32>
      %mul3A_235 = arith.constant 16 : i32
      %mul3A_236 = arith.muli %scan3A_14, %mul3A_235 : i32
      %add3A_237 = arith.constant 12 : i32
      %add3A_238 = arith.addi %mul3A_236, %add3A_237 : i32
      %dma_start3A_239 = arith.constant 0 : i32
      %dma_start3A_240 = tpu.memref_slice %arg6[%add3A_238, %dma_start3A_239] : memref<80x64xf32, #tpu.memory_space<vmem>> -> memref<1x64xf32, #tpu.memory_space<vmem>>
      %dma_start3A_241 = tpu.memref_squeeze %dma_start3A_240 : memref<1x64xf32, #tpu.memory_space<vmem>> -> memref<64xf32, #tpu.memory_space<vmem>>
      %dma_start3A_242 = arith.constant 0 : i32
      %dma_start3A_243 = tpu.memref_slice %arg2[%squeeze3A_234, %dma_start3A_242] : memref<1000000x64xf32, #tpu.memory_space<hbm>> -> memref<1x64xf32, #tpu.memory_space<hbm>>
      %dma_start3A_244 = tpu.memref_squeeze %dma_start3A_243 : memref<1x64xf32, #tpu.memory_space<hbm>> -> memref<64xf32, #tpu.memory_space<hbm>>
      %dma_start3A_245 = arith.constant 0 : i32
      %dma_start3A_246 = tpu.memref_slice %arg6[%add3A_238, %dma_start3A_245] : memref<80x64xf32, #tpu.memory_space<vmem>> -> memref<1x64xf32, #tpu.memory_space<vmem>>
      %dma_start3A_247 = tpu.memref_squeeze %dma_start3A_246 : memref<1x64xf32, #tpu.memory_space<vmem>> -> memref<64xf32, #tpu.memory_space<vmem>>
      %dma_start3A_248 = arith.constant 0 : i32
      %dma_start3A_249 = tpu.memref_slice %arg2[%squeeze3A_234, %dma_start3A_248] : memref<1000000x64xf32, #tpu.memory_space<hbm>> -> memref<1x64xf32, #tpu.memory_space<hbm>>
      %dma_start3A_250 = tpu.memref_squeeze %dma_start3A_249 : memref<1x64xf32, #tpu.memory_space<hbm>> -> memref<64xf32, #tpu.memory_space<hbm>>
      tpu.enqueue_dma source(%dma_start3A_250 : memref<64xf32, #tpu.memory_space<hbm>>) target(%dma_start3A_247 : memref<64xf32, #tpu.memory_space<vmem>>) target_semaphore(%arg8 : memref<!tpu.dma_semaphore, #tpu.memory_space<semaphore_mem>>)
      %slice3A_251 = vector.extract_strided_slice %get3A_19 {offsets = [13], sizes = [1], strides = [1]} : vector<16xi32> to vector<1xi32>
      %squeeze3A_252 = vector.extract %slice3A_251[0] : i32 from vector<1xi32>
      %mul3A_253 = arith.constant 16 : i32
      %mul3A_254 = arith.muli %scan3A_14, %mul3A_253 : i32
      %add3A_255 = arith.constant 13 : i32
      %add3A_256 = arith.addi %mul3A_254, %add3A_255 : i32
      %dma_start3A_257 = arith.constant 0 : i32
      %dma_start3A_258 = tpu.memref_slice %arg6[%add3A_256, %dma_start3A_257] : memref<80x64xf32, #tpu.memory_space<vmem>> -> memref<1x64xf32, #tpu.memory_space<vmem>>
      %dma_start3A_259 = tpu.memref_squeeze %dma_start3A_258 : memref<1x64xf32, #tpu.memory_space<vmem>> -> memref<64xf32, #tpu.memory_space<vmem>>
      %dma_start3A_260 = arith.constant 0 : i32
      %dma_start3A_261 = tpu.memref_slice %arg2[%squeeze3A_252, %dma_start3A_260] : memref<1000000x64xf32, #tpu.memory_space<hbm>> -> memref<1x64xf32, #tpu.memory_space<hbm>>
      %dma_start3A_262 = tpu.memref_squeeze %dma_start3A_261 : memref<1x64xf32, #tpu.memory_space<hbm>> -> memref<64xf32, #tpu.memory_space<hbm>>
      %dma_start3A_263 = arith.constant 0 : i32
      %dma_start3A_264 = tpu.memref_slice %arg6[%add3A_256, %dma_start3A_263] : memref<80x64xf32, #tpu.memory_space<vmem>> -> memref<1x64xf32, #tpu.memory_space<vmem>>
      %dma_start3A_265 = tpu.memref_squeeze %dma_start3A_264 : memref<1x64xf32, #tpu.memory_space<vmem>> -> memref<64xf32, #tpu.memory_space<vmem>>
      %dma_start3A_266 = arith.constant 0 : i32
      %dma_start3A_267 = tpu.memref_slice %arg2[%squeeze3A_252, %dma_start3A_266] : memref<1000000x64xf32, #tpu.memory_space<hbm>> -> memref<1x64xf32, #tpu.memory_space<hbm>>
      %dma_start3A_268 = tpu.memref_squeeze %dma_start3A_267 : memref<1x64xf32, #tpu.memory_space<hbm>> -> memref<64xf32, #tpu.memory_space<hbm>>
      tpu.enqueue_dma source(%dma_start3A_268 : memref<64xf32, #tpu.memory_space<hbm>>) target(%dma_start3A_265 : memref<64xf32, #tpu.memory_space<vmem>>) target_semaphore(%arg8 : memref<!tpu.dma_semaphore, #tpu.memory_space<semaphore_mem>>)
      %slice3A_269 = vector.extract_strided_slice %get3A_19 {offsets = [14], sizes = [1], strides = [1]} : vector<16xi32> to vector<1xi32>
      %squeeze3A_270 = vector.extract %slice3A_269[0] : i32 from vector<1xi32>
      %mul3A_271 = arith.constant 16 : i32
      %mul3A_272 = arith.muli %scan3A_14, %mul3A_271 : i32
      %add3A_273 = arith.constant 14 : i32
      %add3A_274 = arith.addi %mul3A_272, %add3A_273 : i32
      %dma_start3A_275 = arith.constant 0 : i32
      %dma_start3A_276 = tpu.memref_slice %arg6[%add3A_274, %dma_start3A_275] : memref<80x64xf32, #tpu.memory_space<vmem>> -> memref<1x64xf32, #tpu.memory_space<vmem>>
      %dma_start3A_277 = tpu.memref_squeeze %dma_start3A_276 : memref<1x64xf32, #tpu.memory_space<vmem>> -> memref<64xf32, #tpu.memory_space<vmem>>
      %dma_start3A_278 = arith.constant 0 : i32
      %dma_start3A_279 = tpu.memref_slice %arg2[%squeeze3A_270, %dma_start3A_278] : memref<1000000x64xf32, #tpu.memory_space<hbm>> -> memref<1x64xf32, #tpu.memory_space<hbm>>
      %dma_start3A_280 = tpu.memref_squeeze %dma_start3A_279 : memref<1x64xf32, #tpu.memory_space<hbm>> -> memref<64xf32, #tpu.memory_space<hbm>>
      %dma_start3A_281 = arith.constant 0 : i32
      %dma_start3A_282 = tpu.memref_slice %arg6[%add3A_274, %dma_start3A_281] : memref<80x64xf32, #tpu.memory_space<vmem>> -> memref<1x64xf32, #tpu.memory_space<vmem>>
      %dma_start3A_283 = tpu.memref_squeeze %dma_start3A_282 : memref<1x64xf32, #tpu.memory_space<vmem>> -> memref<64xf32, #tpu.memory_space<vmem>>
      %dma_start3A_284 = arith.constant 0 : i32
      %dma_start3A_285 = tpu.memref_slice %arg2[%squeeze3A_270, %dma_start3A_284] : memref<1000000x64xf32, #tpu.memory_space<hbm>> -> memref<1x64xf32, #tpu.memory_space<hbm>>
      %dma_start3A_286 = tpu.memref_squeeze %dma_start3A_285 : memref<1x64xf32, #tpu.memory_space<hbm>> -> memref<64xf32, #tpu.memory_space<hbm>>
      tpu.enqueue_dma source(%dma_start3A_286 : memref<64xf32, #tpu.memory_space<hbm>>) target(%dma_start3A_283 : memref<64xf32, #tpu.memory_space<vmem>>) target_semaphore(%arg8 : memref<!tpu.dma_semaphore, #tpu.memory_space<semaphore_mem>>)
      %slice3A_287 = vector.extract_strided_slice %get3A_19 {offsets = [15], sizes = [1], strides = [1]} : vector<16xi32> to vector<1xi32>
      %squeeze3A_288 = vector.extract %slice3A_287[0] : i32 from vector<1xi32>
      %mul3A_289 = arith.constant 16 : i32
      %mul3A_290 = arith.muli %scan3A_14, %mul3A_289 : i32
      %add3A_291 = arith.constant 15 : i32
      %add3A_292 = arith.addi %mul3A_290, %add3A_291 : i32
      %dma_start3A_293 = arith.constant 0 : i32
      %dma_start3A_294 = tpu.memref_slice %arg6[%add3A_292, %dma_start3A_293] : memref<80x64xf32, #tpu.memory_space<vmem>> -> memref<1x64xf32, #tpu.memory_space<vmem>>
      %dma_start3A_295 = tpu.memref_squeeze %dma_start3A_294 : memref<1x64xf32, #tpu.memory_space<vmem>> -> memref<64xf32, #tpu.memory_space<vmem>>
      %dma_start3A_296 = arith.constant 0 : i32
      %dma_start3A_297 = tpu.memref_slice %arg2[%squeeze3A_288, %dma_start3A_296] : memref<1000000x64xf32, #tpu.memory_space<hbm>> -> memref<1x64xf32, #tpu.memory_space<hbm>>
      %dma_start3A_298 = tpu.memref_squeeze %dma_start3A_297 : memref<1x64xf32, #tpu.memory_space<hbm>> -> memref<64xf32, #tpu.memory_space<hbm>>
      %dma_start3A_299 = arith.constant 0 : i32
      %dma_start3A_300 = tpu.memref_slice %arg6[%add3A_292, %dma_start3A_299] : memref<80x64xf32, #tpu.memory_space<vmem>> -> memref<1x64xf32, #tpu.memory_space<vmem>>
      %dma_start3A_301 = tpu.memref_squeeze %dma_start3A_300 : memref<1x64xf32, #tpu.memory_space<vmem>> -> memref<64xf32, #tpu.memory_space<vmem>>
      %dma_start3A_302 = arith.constant 0 : i32
      %dma_start3A_303 = tpu.memref_slice %arg2[%squeeze3A_288, %dma_start3A_302] : memref<1000000x64xf32, #tpu.memory_space<hbm>> -> memref<1x64xf32, #tpu.memory_space<hbm>>
      %dma_start3A_304 = tpu.memref_squeeze %dma_start3A_303 : memref<1x64xf32, #tpu.memory_space<hbm>> -> memref<64xf32, #tpu.memory_space<hbm>>
      tpu.enqueue_dma source(%dma_start3A_304 : memref<64xf32, #tpu.memory_space<hbm>>) target(%dma_start3A_301 : memref<64xf32, #tpu.memory_space<vmem>>) target_semaphore(%arg8 : memref<!tpu.dma_semaphore, #tpu.memory_space<semaphore_mem>>)
    }
    %scan3A_7 = arith.constant 5 : i32
    %scan3A_8 = arith.constant 0 : i32
    %scan3A_9 = arith.constant 0 : i32
    %scan3A_10 = arith.constant 5 : i32
    %scan3A_11 = arith.addi %scan3A_9, %scan3A_10 : i32
    %scan3A_12 = arith.constant 1 : i32
    scf.for %scan3A_14 = %scan3A_9 to %scan3A_11 step %scan3A_12  : i32 {
      %mul3A_15 = arith.constant 2 : i32
      %mul3A_16 = arith.muli %mul3A_15, %scan3A_14 : i32
      %add3A_17 = arith.constant 1 : i32
      %add3A_18 = arith.addi %mul3A_16, %add3A_17 : i32
      %lt3A = arith.constant 10 : i32
      %lt3A_19 = arith.cmpi slt, %add3A_18, %lt3A : i32
      %convert_element_type3A = arith.extui %lt3A_19 : i1 to i32
      %cond3A = arith.constant 0 : i32
      %cond3A_20 = arith.cmpi ne, %convert_element_type3A, %cond3A : i32
      scf.if %cond3A_20 {
        %add3A_44 = arith.constant 1 : i32
        %add3A_45 = arith.addi %mul3A_16, %add3A_44 : i32
        %scan3A_46 = arith.constant 0 : i32
        %scan3A_47 = arith.constant 0 : i32
        %scan3A_48 = arith.constant 5 : i32
        %scan3A_49 = arith.addi %scan3A_47, %scan3A_48 : i32
        %scan3A_50 = arith.constant 1 : i32
        scf.for %scan3A_52 = %scan3A_47 to %scan3A_49 step %scan3A_50  : i32 {
          %mul3A_53 = arith.constant 80 : i32
          %mul3A_54 = arith.muli %add3A_45, %mul3A_53 : i32
          %mul3A_55 = arith.constant 16 : i32
          %mul3A_56 = arith.muli %scan3A_52, %mul3A_55 : i32
          %add3A_57 = arith.addi %mul3A_54, %mul3A_56 : i32
          %get3A = arith.index_cast %add3A_57 : i32 to index
          %get3A_58 = tpu.vector_load %arg5[%get3A] {strides = array<i32>} : memref<800xi32, #tpu.memory_space<vmem>>, vector<16xi32>,
          %slice3A = vector.extract_strided_slice %get3A_58 {offsets = [0], sizes = [1], strides = [1]} : vector<16xi32> to vector<1xi32>
          %squeeze3A = vector.extract %slice3A[0] : i32 from vector<1xi32>
          %mul3A_59 = arith.constant 16 : i32
          %mul3A_60 = arith.muli %scan3A_52, %mul3A_59 : i32
          %add3A_61 = arith.constant 0 : i32
          %add3A_62 = arith.addi %mul3A_60, %add3A_61 : i32
          %dma_start3A = arith.constant 0 : i32
          %dma_start3A_63 = tpu.memref_slice %arg7[%add3A_62, %dma_start3A] : memref<80x64xf32, #tpu.memory_space<vmem>> -> memref<1x64xf32, #tpu.memory_space<vmem>>
          %dma_start3A_64 = tpu.memref_squeeze %dma_start3A_63 : memref<1x64xf32, #tpu.memory_space<vmem>> -> memref<64xf32, #tpu.memory_space<vmem>>
          %dma_start3A_65 = arith.constant 0 : i32
          %dma_start3A_66 = tpu.memref_slice %arg2[%squeeze3A, %dma_start3A_65] : memref<1000000x64xf32, #tpu.memory_space<hbm>> -> memref<1x64xf32, #tpu.memory_space<hbm>>
          %dma_start3A_67 = tpu.memref_squeeze %dma_start3A_66 : memref<1x64xf32, #tpu.memory_space<hbm>> -> memref<64xf32, #tpu.memory_space<hbm>>
          %dma_start3A_68 = arith.constant 0 : i32
          %dma_start3A_69 = tpu.memref_slice %arg7[%add3A_62, %dma_start3A_68] : memref<80x64xf32, #tpu.memory_space<vmem>> -> memref<1x64xf32, #tpu.memory_space<vmem>>
          %dma_start3A_70 = tpu.memref_squeeze %dma_start3A_69 : memref<1x64xf32, #tpu.memory_space<vmem>> -> memref<64xf32, #tpu.memory_space<vmem>>
          %dma_start3A_71 = arith.constant 0 : i32
          %dma_start3A_72 = tpu.memref_slice %arg2[%squeeze3A, %dma_start3A_71] : memref<1000000x64xf32, #tpu.memory_space<hbm>> -> memref<1x64xf32, #tpu.memory_space<hbm>>
          %dma_start3A_73 = tpu.memref_squeeze %dma_start3A_72 : memref<1x64xf32, #tpu.memory_space<hbm>> -> memref<64xf32, #tpu.memory_space<hbm>>
          tpu.enqueue_dma source(%dma_start3A_73 : memref<64xf32, #tpu.memory_space<hbm>>) target(%dma_start3A_70 : memref<64xf32, #tpu.memory_space<vmem>>) target_semaphore(%arg9 : memref<!tpu.dma_semaphore, #tpu.memory_space<semaphore_mem>>)
          %slice3A_74 = vector.extract_strided_slice %get3A_58 {offsets = [1], sizes = [1], strides = [1]} : vector<16xi32> to vector<1xi32>
          %squeeze3A_75 = vector.extract %slice3A_74[0] : i32 from vector<1xi32>
          %mul3A_76 = arith.constant 16 : i32
          %mul3A_77 = arith.muli %scan3A_52, %mul3A_76 : i32
          %add3A_78 = arith.constant 1 : i32
          %add3A_79 = arith.addi %mul3A_77, %add3A_78 : i32
          %dma_start3A_80 = arith.constant 0 : i32
          %dma_start3A_81 = tpu.memref_slice %arg7[%add3A_79, %dma_start3A_80] : memref<80x64xf32, #tpu.memory_space<vmem>> -> memref<1x64xf32, #tpu.memory_space<vmem>>
          %dma_start3A_82 = tpu.memref_squeeze %dma_start3A_81 : memref<1x64xf32, #tpu.memory_space<vmem>> -> memref<64xf32, #tpu.memory_space<vmem>>
          %dma_start3A_83 = arith.constant 0 : i32
          %dma_start3A_84 = tpu.memref_slice %arg2[%squeeze3A_75, %dma_start3A_83] : memref<1000000x64xf32, #tpu.memory_space<hbm>> -> memref<1x64xf32, #tpu.memory_space<hbm>>
          %dma_start3A_85 = tpu.memref_squeeze %dma_start3A_84 : memref<1x64xf32, #tpu.memory_space<hbm>> -> memref<64xf32, #tpu.memory_space<hbm>>
          %dma_start3A_86 = arith.constant 0 : i32
          %dma_start3A_87 = tpu.memref_slice %arg7[%add3A_79, %dma_start3A_86] : memref<80x64xf32, #tpu.memory_space<vmem>> -> memref<1x64xf32, #tpu.memory_space<vmem>>
          %dma_start3A_88 = tpu.memref_squeeze %dma_start3A_87 : memref<1x64xf32, #tpu.memory_space<vmem>> -> memref<64xf32, #tpu.memory_space<vmem>>
          %dma_start3A_89 = arith.constant 0 : i32
          %dma_start3A_90 = tpu.memref_slice %arg2[%squeeze3A_75, %dma_start3A_89] : memref<1000000x64xf32, #tpu.memory_space<hbm>> -> memref<1x64xf32, #tpu.memory_space<hbm>>
          %dma_start3A_91 = tpu.memref_squeeze %dma_start3A_90 : memref<1x64xf32, #tpu.memory_space<hbm>> -> memref<64xf32, #tpu.memory_space<hbm>>
          tpu.enqueue_dma source(%dma_start3A_91 : memref<64xf32, #tpu.memory_space<hbm>>) target(%dma_start3A_88 : memref<64xf32, #tpu.memory_space<vmem>>) target_semaphore(%arg9 : memref<!tpu.dma_semaphore, #tpu.memory_space<semaphore_mem>>)
          %slice3A_92 = vector.extract_strided_slice %get3A_58 {offsets = [2], sizes = [1], strides = [1]} : vector<16xi32> to vector<1xi32>
          %squeeze3A_93 = vector.extract %slice3A_92[0] : i32 from vector<1xi32>
          %mul3A_94 = arith.constant 16 : i32
          %mul3A_95 = arith.muli %scan3A_52, %mul3A_94 : i32
          %add3A_96 = arith.constant 2 : i32
          %add3A_97 = arith.addi %mul3A_95, %add3A_96 : i32
          %dma_start3A_98 = arith.constant 0 : i32
          %dma_start3A_99 = tpu.memref_slice %arg7[%add3A_97, %dma_start3A_98] : memref<80x64xf32, #tpu.memory_space<vmem>> -> memref<1x64xf32, #tpu.memory_space<vmem>>
          %dma_start3A_100 = tpu.memref_squeeze %dma_start3A_99 : memref<1x64xf32, #tpu.memory_space<vmem>> -> memref<64xf32, #tpu.memory_space<vmem>>
          %dma_start3A_101 = arith.constant 0 : i32
          %dma_start3A_102 = tpu.memref_slice %arg2[%squeeze3A_93, %dma_start3A_101] : memref<1000000x64xf32, #tpu.memory_space<hbm>> -> memref<1x64xf32, #tpu.memory_space<hbm>>
          %dma_start3A_103 = tpu.memref_squeeze %dma_start3A_102 : memref<1x64xf32, #tpu.memory_space<hbm>> -> memref<64xf32, #tpu.memory_space<hbm>>
          %dma_start3A_104 = arith.constant 0 : i32
          %dma_start3A_105 = tpu.memref_slice %arg7[%add3A_97, %dma_start3A_104] : memref<80x64xf32, #tpu.memory_space<vmem>> -> memref<1x64xf32, #tpu.memory_space<vmem>>
          %dma_start3A_106 = tpu.memref_squeeze %dma_start3A_105 : memref<1x64xf32, #tpu.memory_space<vmem>> -> memref<64xf32, #tpu.memory_space<vmem>>
          %dma_start3A_107 = arith.constant 0 : i32
          %dma_start3A_108 = tpu.memref_slice %arg2[%squeeze3A_93, %dma_start3A_107] : memref<1000000x64xf32, #tpu.memory_space<hbm>> -> memref<1x64xf32, #tpu.memory_space<hbm>>
          %dma_start3A_109 = tpu.memref_squeeze %dma_start3A_108 : memref<1x64xf32, #tpu.memory_space<hbm>> -> memref<64xf32, #tpu.memory_space<hbm>>
          tpu.enqueue_dma source(%dma_start3A_109 : memref<64xf32, #tpu.memory_space<hbm>>) target(%dma_start3A_106 : memref<64xf32, #tpu.memory_space<vmem>>) target_semaphore(%arg9 : memref<!tpu.dma_semaphore, #tpu.memory_space<semaphore_mem>>)
          %slice3A_110 = vector.extract_strided_slice %get3A_58 {offsets = [3], sizes = [1], strides = [1]} : vector<16xi32> to vector<1xi32>
          %squeeze3A_111 = vector.extract %slice3A_110[0] : i32 from vector<1xi32>
          %mul3A_112 = arith.constant 16 : i32
          %mul3A_113 = arith.muli %scan3A_52, %mul3A_112 : i32
          %add3A_114 = arith.constant 3 : i32
          %add3A_115 = arith.addi %mul3A_113, %add3A_114 : i32
          %dma_start3A_116 = arith.constant 0 : i32
          %dma_start3A_117 = tpu.memref_slice %arg7[%add3A_115, %dma_start3A_116] : memref<80x64xf32, #tpu.memory_space<vmem>> -> memref<1x64xf32, #tpu.memory_space<vmem>>
          %dma_start3A_118 = tpu.memref_squeeze %dma_start3A_117 : memref<1x64xf32, #tpu.memory_space<vmem>> -> memref<64xf32, #tpu.memory_space<vmem>>
          %dma_start3A_119 = arith.constant 0 : i32
          %dma_start3A_120 = tpu.memref_slice %arg2[%squeeze3A_111, %dma_start3A_119] : memref<1000000x64xf32, #tpu.memory_space<hbm>> -> memref<1x64xf32, #tpu.memory_space<hbm>>
          %dma_start3A_121 = tpu.memref_squeeze %dma_start3A_120 : memref<1x64xf32, #tpu.memory_space<hbm>> -> memref<64xf32, #tpu.memory_space<hbm>>
          %dma_start3A_122 = arith.constant 0 : i32
          %dma_start3A_123 = tpu.memref_slice %arg7[%add3A_115, %dma_start3A_122] : memref<80x64xf32, #tpu.memory_space<vmem>> -> memref<1x64xf32, #tpu.memory_space<vmem>>
          %dma_start3A_124 = tpu.memref_squeeze %dma_start3A_123 : memref<1x64xf32, #tpu.memory_space<vmem>> -> memref<64xf32, #tpu.memory_space<vmem>>
          %dma_start3A_125 = arith.constant 0 : i32
          %dma_start3A_126 = tpu.memref_slice %arg2[%squeeze3A_111, %dma_start3A_125] : memref<1000000x64xf32, #tpu.memory_space<hbm>> -> memref<1x64xf32, #tpu.memory_space<hbm>>
          %dma_start3A_127 = tpu.memref_squeeze %dma_start3A_126 : memref<1x64xf32, #tpu.memory_space<hbm>> -> memref<64xf32, #tpu.memory_space<hbm>>
          tpu.enqueue_dma source(%dma_start3A_127 : memref<64xf32, #tpu.memory_space<hbm>>) target(%dma_start3A_124 : memref<64xf32, #tpu.memory_space<vmem>>) target_semaphore(%arg9 : memref<!tpu.dma_semaphore, #tpu.memory_space<semaphore_mem>>)
          %slice3A_128 = vector.extract_strided_slice %get3A_58 {offsets = [4], sizes = [1], strides = [1]} : vector<16xi32> to vector<1xi32>
          %squeeze3A_129 = vector.extract %slice3A_128[0] : i32 from vector<1xi32>
          %mul3A_130 = arith.constant 16 : i32
          %mul3A_131 = arith.muli %scan3A_52, %mul3A_130 : i32
          %add3A_132 = arith.constant 4 : i32
          %add3A_133 = arith.addi %mul3A_131, %add3A_132 : i32
          %dma_start3A_134 = arith.constant 0 : i32
          %dma_start3A_135 = tpu.memref_slice %arg7[%add3A_133, %dma_start3A_134] : memref<80x64xf32, #tpu.memory_space<vmem>> -> memref<1x64xf32, #tpu.memory_space<vmem>>
          %dma_start3A_136 = tpu.memref_squeeze %dma_start3A_135 : memref<1x64xf32, #tpu.memory_space<vmem>> -> memref<64xf32, #tpu.memory_space<vmem>>
          %dma_start3A_137 = arith.constant 0 : i32
          %dma_start3A_138 = tpu.memref_slice %arg2[%squeeze3A_129, %dma_start3A_137] : memref<1000000x64xf32, #tpu.memory_space<hbm>> -> memref<1x64xf32, #tpu.memory_space<hbm>>
          %dma_start3A_139 = tpu.memref_squeeze %dma_start3A_138 : memref<1x64xf32, #tpu.memory_space<hbm>> -> memref<64xf32, #tpu.memory_space<hbm>>
          %dma_start3A_140 = arith.constant 0 : i32
          %dma_start3A_141 = tpu.memref_slice %arg7[%add3A_133, %dma_start3A_140] : memref<80x64xf32, #tpu.memory_space<vmem>> -> memref<1x64xf32, #tpu.memory_space<vmem>>
          %dma_start3A_142 = tpu.memref_squeeze %dma_start3A_141 : memref<1x64xf32, #tpu.memory_space<vmem>> -> memref<64xf32, #tpu.memory_space<vmem>>
          %dma_start3A_143 = arith.constant 0 : i32
          %dma_start3A_144 = tpu.memref_slice %arg2[%squeeze3A_129, %dma_start3A_143] : memref<1000000x64xf32, #tpu.memory_space<hbm>> -> memref<1x64xf32, #tpu.memory_space<hbm>>
          %dma_start3A_145 = tpu.memref_squeeze %dma_start3A_144 : memref<1x64xf32, #tpu.memory_space<hbm>> -> memref<64xf32, #tpu.memory_space<hbm>>
          tpu.enqueue_dma source(%dma_start3A_145 : memref<64xf32, #tpu.memory_space<hbm>>) target(%dma_start3A_142 : memref<64xf32, #tpu.memory_space<vmem>>) target_semaphore(%arg9 : memref<!tpu.dma_semaphore, #tpu.memory_space<semaphore_mem>>)
          %slice3A_146 = vector.extract_strided_slice %get3A_58 {offsets = [5], sizes = [1], strides = [1]} : vector<16xi32> to vector<1xi32>
          %squeeze3A_147 = vector.extract %slice3A_146[0] : i32 from vector<1xi32>
          %mul3A_148 = arith.constant 16 : i32
          %mul3A_149 = arith.muli %scan3A_52, %mul3A_148 : i32
          %add3A_150 = arith.constant 5 : i32
          %add3A_151 = arith.addi %mul3A_149, %add3A_150 : i32
          %dma_start3A_152 = arith.constant 0 : i32
          %dma_start3A_153 = tpu.memref_slice %arg7[%add3A_151, %dma_start3A_152] : memref<80x64xf32, #tpu.memory_space<vmem>> -> memref<1x64xf32, #tpu.memory_space<vmem>>
          %dma_start3A_154 = tpu.memref_squeeze %dma_start3A_153 : memref<1x64xf32, #tpu.memory_space<vmem>> -> memref<64xf32, #tpu.memory_space<vmem>>
          %dma_start3A_155 = arith.constant 0 : i32
          %dma_start3A_156 = tpu.memref_slice %arg2[%squeeze3A_147, %dma_start3A_155] : memref<1000000x64xf32, #tpu.memory_space<hbm>> -> memref<1x64xf32, #tpu.memory_space<hbm>>
          %dma_start3A_157 = tpu.memref_squeeze %dma_start3A_156 : memref<1x64xf32, #tpu.memory_space<hbm>> -> memref<64xf32, #tpu.memory_space<hbm>>
          %dma_start3A_158 = arith.constant 0 : i32
          %dma_start3A_159 = tpu.memref_slice %arg7[%add3A_151, %dma_start3A_158] : memref<80x64xf32, #tpu.memory_space<vmem>> -> memref<1x64xf32, #tpu.memory_space<vmem>>
          %dma_start3A_160 = tpu.memref_squeeze %dma_start3A_159 : memref<1x64xf32, #tpu.memory_space<vmem>> -> memref<64xf32, #tpu.memory_space<vmem>>
          %dma_start3A_161 = arith.constant 0 : i32
          %dma_start3A_162 = tpu.memref_slice %arg2[%squeeze3A_147, %dma_start3A_161] : memref<1000000x64xf32, #tpu.memory_space<hbm>> -> memref<1x64xf32, #tpu.memory_space<hbm>>
          %dma_start3A_163 = tpu.memref_squeeze %dma_start3A_162 : memref<1x64xf32, #tpu.memory_space<hbm>> -> memref<64xf32, #tpu.memory_space<hbm>>
          tpu.enqueue_dma source(%dma_start3A_163 : memref<64xf32, #tpu.memory_space<hbm>>) target(%dma_start3A_160 : memref<64xf32, #tpu.memory_space<vmem>>) target_semaphore(%arg9 : memref<!tpu.dma_semaphore, #tpu.memory_space<semaphore_mem>>)
          %slice3A_164 = vector.extract_strided_slice %get3A_58 {offsets = [6], sizes = [1], strides = [1]} : vector<16xi32> to vector<1xi32>
          %squeeze3A_165 = vector.extract %slice3A_164[0] : i32 from vector<1xi32>
          %mul3A_166 = arith.constant 16 : i32
          %mul3A_167 = arith.muli %scan3A_52, %mul3A_166 : i32
          %add3A_168 = arith.constant 6 : i32
          %add3A_169 = arith.addi %mul3A_167, %add3A_168 : i32
          %dma_start3A_170 = arith.constant 0 : i32
          %dma_start3A_171 = tpu.memref_slice %arg7[%add3A_169, %dma_start3A_170] : memref<80x64xf32, #tpu.memory_space<vmem>> -> memref<1x64xf32, #tpu.memory_space<vmem>>
          %dma_start3A_172 = tpu.memref_squeeze %dma_start3A_171 : memref<1x64xf32, #tpu.memory_space<vmem>> -> memref<64xf32, #tpu.memory_space<vmem>>
          %dma_start3A_173 = arith.constant 0 : i32
          %dma_start3A_174 = tpu.memref_slice %arg2[%squeeze3A_165, %dma_start3A_173] : memref<1000000x64xf32, #tpu.memory_space<hbm>> -> memref<1x64xf32, #tpu.memory_space<hbm>>
          %dma_start3A_175 = tpu.memref_squeeze %dma_start3A_174 : memref<1x64xf32, #tpu.memory_space<hbm>> -> memref<64xf32, #tpu.memory_space<hbm>>
          %dma_start3A_176 = arith.constant 0 : i32
          %dma_start3A_177 = tpu.memref_slice %arg7[%add3A_169, %dma_start3A_176] : memref<80x64xf32, #tpu.memory_space<vmem>> -> memref<1x64xf32, #tpu.memory_space<vmem>>
          %dma_start3A_178 = tpu.memref_squeeze %dma_start3A_177 : memref<1x64xf32, #tpu.memory_space<vmem>> -> memref<64xf32, #tpu.memory_space<vmem>>
          %dma_start3A_179 = arith.constant 0 : i32
          %dma_start3A_180 = tpu.memref_slice %arg2[%squeeze3A_165, %dma_start3A_179] : memref<1000000x64xf32, #tpu.memory_space<hbm>> -> memref<1x64xf32, #tpu.memory_space<hbm>>
          %dma_start3A_181 = tpu.memref_squeeze %dma_start3A_180 : memref<1x64xf32, #tpu.memory_space<hbm>> -> memref<64xf32, #tpu.memory_space<hbm>>
          tpu.enqueue_dma source(%dma_start3A_181 : memref<64xf32, #tpu.memory_space<hbm>>) target(%dma_start3A_178 : memref<64xf32, #tpu.memory_space<vmem>>) target_semaphore(%arg9 : memref<!tpu.dma_semaphore, #tpu.memory_space<semaphore_mem>>)
          %slice3A_182 = vector.extract_strided_slice %get3A_58 {offsets = [7], sizes = [1], strides = [1]} : vector<16xi32> to vector<1xi32>
          %squeeze3A_183 = vector.extract %slice3A_182[0] : i32 from vector<1xi32>
          %mul3A_184 = arith.constant 16 : i32
          %mul3A_185 = arith.muli %scan3A_52, %mul3A_184 : i32
          %add3A_186 = arith.constant 7 : i32
          %add3A_187 = arith.addi %mul3A_185, %add3A_186 : i32
          %dma_start3A_188 = arith.constant 0 : i32
          %dma_start3A_189 = tpu.memref_slice %arg7[%add3A_187, %dma_start3A_188] : memref<80x64xf32, #tpu.memory_space<vmem>> -> memref<1x64xf32, #tpu.memory_space<vmem>>
          %dma_start3A_190 = tpu.memref_squeeze %dma_start3A_189 : memref<1x64xf32, #tpu.memory_space<vmem>> -> memref<64xf32, #tpu.memory_space<vmem>>
          %dma_start3A_191 = arith.constant 0 : i32
          %dma_start3A_192 = tpu.memref_slice %arg2[%squeeze3A_183, %dma_start3A_191] : memref<1000000x64xf32, #tpu.memory_space<hbm>> -> memref<1x64xf32, #tpu.memory_space<hbm>>
          %dma_start3A_193 = tpu.memref_squeeze %dma_start3A_192 : memref<1x64xf32, #tpu.memory_space<hbm>> -> memref<64xf32, #tpu.memory_space<hbm>>
          %dma_start3A_194 = arith.constant 0 : i32
          %dma_start3A_195 = tpu.memref_slice %arg7[%add3A_187, %dma_start3A_194] : memref<80x64xf32, #tpu.memory_space<vmem>> -> memref<1x64xf32, #tpu.memory_space<vmem>>
          %dma_start3A_196 = tpu.memref_squeeze %dma_start3A_195 : memref<1x64xf32, #tpu.memory_space<vmem>> -> memref<64xf32, #tpu.memory_space<vmem>>
          %dma_start3A_197 = arith.constant 0 : i32
          %dma_start3A_198 = tpu.memref_slice %arg2[%squeeze3A_183, %dma_start3A_197] : memref<1000000x64xf32, #tpu.memory_space<hbm>> -> memref<1x64xf32, #tpu.memory_space<hbm>>
          %dma_start3A_199 = tpu.memref_squeeze %dma_start3A_198 : memref<1x64xf32, #tpu.memory_space<hbm>> -> memref<64xf32, #tpu.memory_space<hbm>>
          tpu.enqueue_dma source(%dma_start3A_199 : memref<64xf32, #tpu.memory_space<hbm>>) target(%dma_start3A_196 : memref<64xf32, #tpu.memory_space<vmem>>) target_semaphore(%arg9 : memref<!tpu.dma_semaphore, #tpu.memory_space<semaphore_mem>>)
          %slice3A_200 = vector.extract_strided_slice %get3A_58 {offsets = [8], sizes = [1], strides = [1]} : vector<16xi32> to vector<1xi32>
          %squeeze3A_201 = vector.extract %slice3A_200[0] : i32 from vector<1xi32>
          %mul3A_202 = arith.constant 16 : i32
          %mul3A_203 = arith.muli %scan3A_52, %mul3A_202 : i32
          %add3A_204 = arith.constant 8 : i32
          %add3A_205 = arith.addi %mul3A_203, %add3A_204 : i32
          %dma_start3A_206 = arith.constant 0 : i32
          %dma_start3A_207 = tpu.memref_slice %arg7[%add3A_205, %dma_start3A_206] : memref<80x64xf32, #tpu.memory_space<vmem>> -> memref<1x64xf32, #tpu.memory_space<vmem>>
          %dma_start3A_208 = tpu.memref_squeeze %dma_start3A_207 : memref<1x64xf32, #tpu.memory_space<vmem>> -> memref<64xf32, #tpu.memory_space<vmem>>
          %dma_start3A_209 = arith.constant 0 : i32
          %dma_start3A_210 = tpu.memref_slice %arg2[%squeeze3A_201, %dma_start3A_209] : memref<1000000x64xf32, #tpu.memory_space<hbm>> -> memref<1x64xf32, #tpu.memory_space<hbm>>
          %dma_start3A_211 = tpu.memref_squeeze %dma_start3A_210 : memref<1x64xf32, #tpu.memory_space<hbm>> -> memref<64xf32, #tpu.memory_space<hbm>>
          %dma_start3A_212 = arith.constant 0 : i32
          %dma_start3A_213 = tpu.memref_slice %arg7[%add3A_205, %dma_start3A_212] : memref<80x64xf32, #tpu.memory_space<vmem>> -> memref<1x64xf32, #tpu.memory_space<vmem>>
          %dma_start3A_214 = tpu.memref_squeeze %dma_start3A_213 : memref<1x64xf32, #tpu.memory_space<vmem>> -> memref<64xf32, #tpu.memory_space<vmem>>
          %dma_start3A_215 = arith.constant 0 : i32
          %dma_start3A_216 = tpu.memref_slice %arg2[%squeeze3A_201, %dma_start3A_215] : memref<1000000x64xf32, #tpu.memory_space<hbm>> -> memref<1x64xf32, #tpu.memory_space<hbm>>
          %dma_start3A_217 = tpu.memref_squeeze %dma_start3A_216 : memref<1x64xf32, #tpu.memory_space<hbm>> -> memref<64xf32, #tpu.memory_space<hbm>>
          tpu.enqueue_dma source(%dma_start3A_217 : memref<64xf32, #tpu.memory_space<hbm>>) target(%dma_start3A_214 : memref<64xf32, #tpu.memory_space<vmem>>) target_semaphore(%arg9 : memref<!tpu.dma_semaphore, #tpu.memory_space<semaphore_mem>>)
          %slice3A_218 = vector.extract_strided_slice %get3A_58 {offsets = [9], sizes = [1], strides = [1]} : vector<16xi32> to vector<1xi32>
          %squeeze3A_219 = vector.extract %slice3A_218[0] : i32 from vector<1xi32>
          %mul3A_220 = arith.constant 16 : i32
          %mul3A_221 = arith.muli %scan3A_52, %mul3A_220 : i32
          %add3A_222 = arith.constant 9 : i32
          %add3A_223 = arith.addi %mul3A_221, %add3A_222 : i32
          %dma_start3A_224 = arith.constant 0 : i32
          %dma_start3A_225 = tpu.memref_slice %arg7[%add3A_223, %dma_start3A_224] : memref<80x64xf32, #tpu.memory_space<vmem>> -> memref<1x64xf32, #tpu.memory_space<vmem>>
          %dma_start3A_226 = tpu.memref_squeeze %dma_start3A_225 : memref<1x64xf32, #tpu.memory_space<vmem>> -> memref<64xf32, #tpu.memory_space<vmem>>
          %dma_start3A_227 = arith.constant 0 : i32
          %dma_start3A_228 = tpu.memref_slice %arg2[%squeeze3A_219, %dma_start3A_227] : memref<1000000x64xf32, #tpu.memory_space<hbm>> -> memref<1x64xf32, #tpu.memory_space<hbm>>
          %dma_start3A_229 = tpu.memref_squeeze %dma_start3A_228 : memref<1x64xf32, #tpu.memory_space<hbm>> -> memref<64xf32, #tpu.memory_space<hbm>>
          %dma_start3A_230 = arith.constant 0 : i32
          %dma_start3A_231 = tpu.memref_slice %arg7[%add3A_223, %dma_start3A_230] : memref<80x64xf32, #tpu.memory_space<vmem>> -> memref<1x64xf32, #tpu.memory_space<vmem>>
          %dma_start3A_232 = tpu.memref_squeeze %dma_start3A_231 : memref<1x64xf32, #tpu.memory_space<vmem>> -> memref<64xf32, #tpu.memory_space<vmem>>
          %dma_start3A_233 = arith.constant 0 : i32
          %dma_start3A_234 = tpu.memref_slice %arg2[%squeeze3A_219, %dma_start3A_233] : memref<1000000x64xf32, #tpu.memory_space<hbm>> -> memref<1x64xf32, #tpu.memory_space<hbm>>
          %dma_start3A_235 = tpu.memref_squeeze %dma_start3A_234 : memref<1x64xf32, #tpu.memory_space<hbm>> -> memref<64xf32, #tpu.memory_space<hbm>>
          tpu.enqueue_dma source(%dma_start3A_235 : memref<64xf32, #tpu.memory_space<hbm>>) target(%dma_start3A_232 : memref<64xf32, #tpu.memory_space<vmem>>) target_semaphore(%arg9 : memref<!tpu.dma_semaphore, #tpu.memory_space<semaphore_mem>>)
          %slice3A_236 = vector.extract_strided_slice %get3A_58 {offsets = [10], sizes = [1], strides = [1]} : vector<16xi32> to vector<1xi32>
          %squeeze3A_237 = vector.extract %slice3A_236[0] : i32 from vector<1xi32>
          %mul3A_238 = arith.constant 16 : i32
          %mul3A_239 = arith.muli %scan3A_52, %mul3A_238 : i32
          %add3A_240 = arith.constant 10 : i32
          %add3A_241 = arith.addi %mul3A_239, %add3A_240 : i32
          %dma_start3A_242 = arith.constant 0 : i32
          %dma_start3A_243 = tpu.memref_slice %arg7[%add3A_241, %dma_start3A_242] : memref<80x64xf32, #tpu.memory_space<vmem>> -> memref<1x64xf32, #tpu.memory_space<vmem>>
          %dma_start3A_244 = tpu.memref_squeeze %dma_start3A_243 : memref<1x64xf32, #tpu.memory_space<vmem>> -> memref<64xf32, #tpu.memory_space<vmem>>
          %dma_start3A_245 = arith.constant 0 : i32
          %dma_start3A_246 = tpu.memref_slice %arg2[%squeeze3A_237, %dma_start3A_245] : memref<1000000x64xf32, #tpu.memory_space<hbm>> -> memref<1x64xf32, #tpu.memory_space<hbm>>
          %dma_start3A_247 = tpu.memref_squeeze %dma_start3A_246 : memref<1x64xf32, #tpu.memory_space<hbm>> -> memref<64xf32, #tpu.memory_space<hbm>>
          %dma_start3A_248 = arith.constant 0 : i32
          %dma_start3A_249 = tpu.memref_slice %arg7[%add3A_241, %dma_start3A_248] : memref<80x64xf32, #tpu.memory_space<vmem>> -> memref<1x64xf32, #tpu.memory_space<vmem>>
          %dma_start3A_250 = tpu.memref_squeeze %dma_start3A_249 : memref<1x64xf32, #tpu.memory_space<vmem>> -> memref<64xf32, #tpu.memory_space<vmem>>
          %dma_start3A_251 = arith.constant 0 : i32
          %dma_start3A_252 = tpu.memref_slice %arg2[%squeeze3A_237, %dma_start3A_251] : memref<1000000x64xf32, #tpu.memory_space<hbm>> -> memref<1x64xf32, #tpu.memory_space<hbm>>
          %dma_start3A_253 = tpu.memref_squeeze %dma_start3A_252 : memref<1x64xf32, #tpu.memory_space<hbm>> -> memref<64xf32, #tpu.memory_space<hbm>>
          tpu.enqueue_dma source(%dma_start3A_253 : memref<64xf32, #tpu.memory_space<hbm>>) target(%dma_start3A_250 : memref<64xf32, #tpu.memory_space<vmem>>) target_semaphore(%arg9 : memref<!tpu.dma_semaphore, #tpu.memory_space<semaphore_mem>>)
          %slice3A_254 = vector.extract_strided_slice %get3A_58 {offsets = [11], sizes = [1], strides = [1]} : vector<16xi32> to vector<1xi32>
          %squeeze3A_255 = vector.extract %slice3A_254[0] : i32 from vector<1xi32>
          %mul3A_256 = arith.constant 16 : i32
          %mul3A_257 = arith.muli %scan3A_52, %mul3A_256 : i32
          %add3A_258 = arith.constant 11 : i32
          %add3A_259 = arith.addi %mul3A_257, %add3A_258 : i32
          %dma_start3A_260 = arith.constant 0 : i32
          %dma_start3A_261 = tpu.memref_slice %arg7[%add3A_259, %dma_start3A_260] : memref<80x64xf32, #tpu.memory_space<vmem>> -> memref<1x64xf32, #tpu.memory_space<vmem>>
          %dma_start3A_262 = tpu.memref_squeeze %dma_start3A_261 : memref<1x64xf32, #tpu.memory_space<vmem>> -> memref<64xf32, #tpu.memory_space<vmem>>
          %dma_start3A_263 = arith.constant 0 : i32
          %dma_start3A_264 = tpu.memref_slice %arg2[%squeeze3A_255, %dma_start3A_263] : memref<1000000x64xf32, #tpu.memory_space<hbm>> -> memref<1x64xf32, #tpu.memory_space<hbm>>
          %dma_start3A_265 = tpu.memref_squeeze %dma_start3A_264 : memref<1x64xf32, #tpu.memory_space<hbm>> -> memref<64xf32, #tpu.memory_space<hbm>>
          %dma_start3A_266 = arith.constant 0 : i32
          %dma_start3A_267 = tpu.memref_slice %arg7[%add3A_259, %dma_start3A_266] : memref<80x64xf32, #tpu.memory_space<vmem>> -> memref<1x64xf32, #tpu.memory_space<vmem>>
          %dma_start3A_268 = tpu.memref_squeeze %dma_start3A_267 : memref<1x64xf32, #tpu.memory_space<vmem>> -> memref<64xf32, #tpu.memory_space<vmem>>
          %dma_start3A_269 = arith.constant 0 : i32
          %dma_start3A_270 = tpu.memref_slice %arg2[%squeeze3A_255, %dma_start3A_269] : memref<1000000x64xf32, #tpu.memory_space<hbm>> -> memref<1x64xf32, #tpu.memory_space<hbm>>
          %dma_start3A_271 = tpu.memref_squeeze %dma_start3A_270 : memref<1x64xf32, #tpu.memory_space<hbm>> -> memref<64xf32, #tpu.memory_space<hbm>>
          tpu.enqueue_dma source(%dma_start3A_271 : memref<64xf32, #tpu.memory_space<hbm>>) target(%dma_start3A_268 : memref<64xf32, #tpu.memory_space<vmem>>) target_semaphore(%arg9 : memref<!tpu.dma_semaphore, #tpu.memory_space<semaphore_mem>>)
          %slice3A_272 = vector.extract_strided_slice %get3A_58 {offsets = [12], sizes = [1], strides = [1]} : vector<16xi32> to vector<1xi32>
          %squeeze3A_273 = vector.extract %slice3A_272[0] : i32 from vector<1xi32>
          %mul3A_274 = arith.constant 16 : i32
          %mul3A_275 = arith.muli %scan3A_52, %mul3A_274 : i32
          %add3A_276 = arith.constant 12 : i32
          %add3A_277 = arith.addi %mul3A_275, %add3A_276 : i32
          %dma_start3A_278 = arith.constant 0 : i32
          %dma_start3A_279 = tpu.memref_slice %arg7[%add3A_277, %dma_start3A_278] : memref<80x64xf32, #tpu.memory_space<vmem>> -> memref<1x64xf32, #tpu.memory_space<vmem>>
          %dma_start3A_280 = tpu.memref_squeeze %dma_start3A_279 : memref<1x64xf32, #tpu.memory_space<vmem>> -> memref<64xf32, #tpu.memory_space<vmem>>
          %dma_start3A_281 = arith.constant 0 : i32
          %dma_start3A_282 = tpu.memref_slice %arg2[%squeeze3A_273, %dma_start3A_281] : memref<1000000x64xf32, #tpu.memory_space<hbm>> -> memref<1x64xf32, #tpu.memory_space<hbm>>
          %dma_start3A_283 = tpu.memref_squeeze %dma_start3A_282 : memref<1x64xf32, #tpu.memory_space<hbm>> -> memref<64xf32, #tpu.memory_space<hbm>>
          %dma_start3A_284 = arith.constant 0 : i32
          %dma_start3A_285 = tpu.memref_slice %arg7[%add3A_277, %dma_start3A_284] : memref<80x64xf32, #tpu.memory_space<vmem>> -> memref<1x64xf32, #tpu.memory_space<vmem>>
          %dma_start3A_286 = tpu.memref_squeeze %dma_start3A_285 : memref<1x64xf32, #tpu.memory_space<vmem>> -> memref<64xf32, #tpu.memory_space<vmem>>
          %dma_start3A_287 = arith.constant 0 : i32
          %dma_start3A_288 = tpu.memref_slice %arg2[%squeeze3A_273, %dma_start3A_287] : memref<1000000x64xf32, #tpu.memory_space<hbm>> -> memref<1x64xf32, #tpu.memory_space<hbm>>
          %dma_start3A_289 = tpu.memref_squeeze %dma_start3A_288 : memref<1x64xf32, #tpu.memory_space<hbm>> -> memref<64xf32, #tpu.memory_space<hbm>>
          tpu.enqueue_dma source(%dma_start3A_289 : memref<64xf32, #tpu.memory_space<hbm>>) target(%dma_start3A_286 : memref<64xf32, #tpu.memory_space<vmem>>) target_semaphore(%arg9 : memref<!tpu.dma_semaphore, #tpu.memory_space<semaphore_mem>>)
          %slice3A_290 = vector.extract_strided_slice %get3A_58 {offsets = [13], sizes = [1], strides = [1]} : vector<16xi32> to vector<1xi32>
          %squeeze3A_291 = vector.extract %slice3A_290[0] : i32 from vector<1xi32>
          %mul3A_292 = arith.constant 16 : i32
          %mul3A_293 = arith.muli %scan3A_52, %mul3A_292 : i32
          %add3A_294 = arith.constant 13 : i32
          %add3A_295 = arith.addi %mul3A_293, %add3A_294 : i32
          %dma_start3A_296 = arith.constant 0 : i32
          %dma_start3A_297 = tpu.memref_slice %arg7[%add3A_295, %dma_start3A_296] : memref<80x64xf32, #tpu.memory_space<vmem>> -> memref<1x64xf32, #tpu.memory_space<vmem>>
          %dma_start3A_298 = tpu.memref_squeeze %dma_start3A_297 : memref<1x64xf32, #tpu.memory_space<vmem>> -> memref<64xf32, #tpu.memory_space<vmem>>
          %dma_start3A_299 = arith.constant 0 : i32
          %dma_start3A_300 = tpu.memref_slice %arg2[%squeeze3A_291, %dma_start3A_299] : memref<1000000x64xf32, #tpu.memory_space<hbm>> -> memref<1x64xf32, #tpu.memory_space<hbm>>
          %dma_start3A_301 = tpu.memref_squeeze %dma_start3A_300 : memref<1x64xf32, #tpu.memory_space<hbm>> -> memref<64xf32, #tpu.memory_space<hbm>>
          %dma_start3A_302 = arith.constant 0 : i32
          %dma_start3A_303 = tpu.memref_slice %arg7[%add3A_295, %dma_start3A_302] : memref<80x64xf32, #tpu.memory_space<vmem>> -> memref<1x64xf32, #tpu.memory_space<vmem>>
          %dma_start3A_304 = tpu.memref_squeeze %dma_start3A_303 : memref<1x64xf32, #tpu.memory_space<vmem>> -> memref<64xf32, #tpu.memory_space<vmem>>
          %dma_start3A_305 = arith.constant 0 : i32
          %dma_start3A_306 = tpu.memref_slice %arg2[%squeeze3A_291, %dma_start3A_305] : memref<1000000x64xf32, #tpu.memory_space<hbm>> -> memref<1x64xf32, #tpu.memory_space<hbm>>
          %dma_start3A_307 = tpu.memref_squeeze %dma_start3A_306 : memref<1x64xf32, #tpu.memory_space<hbm>> -> memref<64xf32, #tpu.memory_space<hbm>>
          tpu.enqueue_dma source(%dma_start3A_307 : memref<64xf32, #tpu.memory_space<hbm>>) target(%dma_start3A_304 : memref<64xf32, #tpu.memory_space<vmem>>) target_semaphore(%arg9 : memref<!tpu.dma_semaphore, #tpu.memory_space<semaphore_mem>>)
          %slice3A_308 = vector.extract_strided_slice %get3A_58 {offsets = [14], sizes = [1], strides = [1]} : vector<16xi32> to vector<1xi32>
          %squeeze3A_309 = vector.extract %slice3A_308[0] : i32 from vector<1xi32>
          %mul3A_310 = arith.constant 16 : i32
          %mul3A_311 = arith.muli %scan3A_52, %mul3A_310 : i32
          %add3A_312 = arith.constant 14 : i32
          %add3A_313 = arith.addi %mul3A_311, %add3A_312 : i32
          %dma_start3A_314 = arith.constant 0 : i32
          %dma_start3A_315 = tpu.memref_slice %arg7[%add3A_313, %dma_start3A_314] : memref<80x64xf32, #tpu.memory_space<vmem>> -> memref<1x64xf32, #tpu.memory_space<vmem>>
          %dma_start3A_316 = tpu.memref_squeeze %dma_start3A_315 : memref<1x64xf32, #tpu.memory_space<vmem>> -> memref<64xf32, #tpu.memory_space<vmem>>
          %dma_start3A_317 = arith.constant 0 : i32
          %dma_start3A_318 = tpu.memref_slice %arg2[%squeeze3A_309, %dma_start3A_317] : memref<1000000x64xf32, #tpu.memory_space<hbm>> -> memref<1x64xf32, #tpu.memory_space<hbm>>
          %dma_start3A_319 = tpu.memref_squeeze %dma_start3A_318 : memref<1x64xf32, #tpu.memory_space<hbm>> -> memref<64xf32, #tpu.memory_space<hbm>>
          %dma_start3A_320 = arith.constant 0 : i32
          %dma_start3A_321 = tpu.memref_slice %arg7[%add3A_313, %dma_start3A_320] : memref<80x64xf32, #tpu.memory_space<vmem>> -> memref<1x64xf32, #tpu.memory_space<vmem>>
          %dma_start3A_322 = tpu.memref_squeeze %dma_start3A_321 : memref<1x64xf32, #tpu.memory_space<vmem>> -> memref<64xf32, #tpu.memory_space<vmem>>
          %dma_start3A_323 = arith.constant 0 : i32
          %dma_start3A_324 = tpu.memref_slice %arg2[%squeeze3A_309, %dma_start3A_323] : memref<1000000x64xf32, #tpu.memory_space<hbm>> -> memref<1x64xf32, #tpu.memory_space<hbm>>
          %dma_start3A_325 = tpu.memref_squeeze %dma_start3A_324 : memref<1x64xf32, #tpu.memory_space<hbm>> -> memref<64xf32, #tpu.memory_space<hbm>>
          tpu.enqueue_dma source(%dma_start3A_325 : memref<64xf32, #tpu.memory_space<hbm>>) target(%dma_start3A_322 : memref<64xf32, #tpu.memory_space<vmem>>) target_semaphore(%arg9 : memref<!tpu.dma_semaphore, #tpu.memory_space<semaphore_mem>>)
          %slice3A_326 = vector.extract_strided_slice %get3A_58 {offsets = [15], sizes = [1], strides = [1]} : vector<16xi32> to vector<1xi32>
          %squeeze3A_327 = vector.extract %slice3A_326[0] : i32 from vector<1xi32>
          %mul3A_328 = arith.constant 16 : i32
          %mul3A_329 = arith.muli %scan3A_52, %mul3A_328 : i32
          %add3A_330 = arith.constant 15 : i32
          %add3A_331 = arith.addi %mul3A_329, %add3A_330 : i32
          %dma_start3A_332 = arith.constant 0 : i32
          %dma_start3A_333 = tpu.memref_slice %arg7[%add3A_331, %dma_start3A_332] : memref<80x64xf32, #tpu.memory_space<vmem>> -> memref<1x64xf32, #tpu.memory_space<vmem>>
          %dma_start3A_334 = tpu.memref_squeeze %dma_start3A_333 : memref<1x64xf32, #tpu.memory_space<vmem>> -> memref<64xf32, #tpu.memory_space<vmem>>
          %dma_start3A_335 = arith.constant 0 : i32
          %dma_start3A_336 = tpu.memref_slice %arg2[%squeeze3A_327, %dma_start3A_335] : memref<1000000x64xf32, #tpu.memory_space<hbm>> -> memref<1x64xf32, #tpu.memory_space<hbm>>
          %dma_start3A_337 = tpu.memref_squeeze %dma_start3A_336 : memref<1x64xf32, #tpu.memory_space<hbm>> -> memref<64xf32, #tpu.memory_space<hbm>>
          %dma_start3A_338 = arith.constant 0 : i32
          %dma_start3A_339 = tpu.memref_slice %arg7[%add3A_331, %dma_start3A_338] : memref<80x64xf32, #tpu.memory_space<vmem>> -> memref<1x64xf32, #tpu.memory_space<vmem>>
          %dma_start3A_340 = tpu.memref_squeeze %dma_start3A_339 : memref<1x64xf32, #tpu.memory_space<vmem>> -> memref<64xf32, #tpu.memory_space<vmem>>
          %dma_start3A_341 = arith.constant 0 : i32
          %dma_start3A_342 = tpu.memref_slice %arg2[%squeeze3A_327, %dma_start3A_341] : memref<1000000x64xf32, #tpu.memory_space<hbm>> -> memref<1x64xf32, #tpu.memory_space<hbm>>
          %dma_start3A_343 = tpu.memref_squeeze %dma_start3A_342 : memref<1x64xf32, #tpu.memory_space<hbm>> -> memref<64xf32, #tpu.memory_space<hbm>>
          tpu.enqueue_dma source(%dma_start3A_343 : memref<64xf32, #tpu.memory_space<hbm>>) target(%dma_start3A_340 : memref<64xf32, #tpu.memory_space<vmem>>) target_semaphore(%arg9 : memref<!tpu.dma_semaphore, #tpu.memory_space<semaphore_mem>>)
        }
        %scan3A_51 = arith.constant 5 : i32
      } else {
      }
      %scan3A_21 = arith.constant 0 : i32
      %scan3A_22 = arith.constant 0 : i32
      %scan3A_23 = arith.constant 80 : i32
      %scan3A_24 = arith.addi %scan3A_22, %scan3A_23 : i32
      %scan3A_25 = arith.constant 1 : i32
      scf.for %scan3A_44 = %scan3A_22 to %scan3A_24 step %scan3A_25  : i32 {
        %dma_wait3A = arith.constant 0 : i32
        %dma_wait3A_45 = arith.constant 0 : i32
        %dma_wait3A_46 = tpu.memref_slice %arg6[%scan3A_44, %dma_wait3A_45] : memref<80x64xf32, #tpu.memory_space<vmem>> -> memref<1x64xf32, #tpu.memory_space<vmem>>
        %dma_wait3A_47 = tpu.memref_squeeze %dma_wait3A_46 : memref<1x64xf32, #tpu.memory_space<vmem>> -> memref<64xf32, #tpu.memory_space<vmem>>
        %dma_wait3A_48 = arith.constant 0 : i32
        %dma_wait3A_49 = tpu.memref_slice %arg2[%dma_wait3A, %dma_wait3A_48] : memref<1000000x64xf32, #tpu.memory_space<hbm>> -> memref<1x64xf32, #tpu.memory_space<hbm>>
        %dma_wait3A_50 = tpu.memref_squeeze %dma_wait3A_49 : memref<1x64xf32, #tpu.memory_space<hbm>> -> memref<64xf32, #tpu.memory_space<hbm>>
        %dma_wait3A_51 = arith.constant 0 : i32
        %dma_wait3A_52 = tpu.memref_slice %arg6[%scan3A_44, %dma_wait3A_51] : memref<80x64xf32, #tpu.memory_space<vmem>> -> memref<1x64xf32, #tpu.memory_space<vmem>>
        %dma_wait3A_53 = tpu.memref_squeeze %dma_wait3A_52 : memref<1x64xf32, #tpu.memory_space<vmem>> -> memref<64xf32, #tpu.memory_space<vmem>>
        %dma_wait3A_54 = arith.constant 0 : i32
        %dma_wait3A_55 = tpu.memref_slice %arg2[%dma_wait3A, %dma_wait3A_54] : memref<1000000x64xf32, #tpu.memory_space<hbm>> -> memref<1x64xf32, #tpu.memory_space<hbm>>
        %dma_wait3A_56 = tpu.memref_squeeze %dma_wait3A_55 : memref<1x64xf32, #tpu.memory_space<hbm>> -> memref<64xf32, #tpu.memory_space<hbm>>
        tpu.wait_dma2 semaphore(%arg8 : memref<!tpu.dma_semaphore, #tpu.memory_space<semaphore_mem>>) src(%dma_wait3A_56 : memref<64xf32, #tpu.memory_space<hbm>>) dst(%dma_wait3A_53 : memref<64xf32, #tpu.memory_space<vmem>>)
      }
      %scan3A_26 = arith.constant 80 : i32
      %mul3A_27 = arith.constant 80 : i32
      %mul3A_28 = arith.muli %mul3A_16, %mul3A_27 : i32
      %add3A_29 = arith.addi %mul3A_2, %mul3A_28 : i32
      "tpu.region"() ({
        %run_scoped3A = tpu.sem_alloc : memref<!tpu.dma_semaphore, #tpu.memory_space<semaphore_mem>>
        %dma_start3A = arith.constant 0 : i32
        %dma_start3A_44 = tpu.memref_slice %arg4[%add3A_29, %dma_start3A] : memref<25600x64xf32, #tpu.memory_space<hbm>> -> memref<80x64xf32, #tpu.memory_space<hbm>>
        %dma_start3A_45 = arith.constant 0 : i32
        %dma_start3A_46 = tpu.memref_slice %arg4[%add3A_29, %dma_start3A_45] : memref<25600x64xf32, #tpu.memory_space<hbm>> -> memref<80x64xf32, #tpu.memory_space<hbm>>
        tpu.enqueue_dma source(%arg6 : memref<80x64xf32, #tpu.memory_space<vmem>>) target(%dma_start3A_46 : memref<80x64xf32, #tpu.memory_space<hbm>>) target_semaphore(%run_scoped3A : memref<!tpu.dma_semaphore, #tpu.memory_space<semaphore_mem>>)
        %dma_wait3A = arith.constant 0 : i32
        %dma_wait3A_47 = tpu.memref_slice %arg4[%add3A_29, %dma_wait3A] : memref<25600x64xf32, #tpu.memory_space<hbm>> -> memref<80x64xf32, #tpu.memory_space<hbm>>
        %dma_wait3A_48 = arith.constant 0 : i32
        %dma_wait3A_49 = tpu.memref_slice %arg4[%add3A_29, %dma_wait3A_48] : memref<25600x64xf32, #tpu.memory_space<hbm>> -> memref<80x64xf32, #tpu.memory_space<hbm>>
        tpu.wait_dma2 semaphore(%run_scoped3A : memref<!tpu.dma_semaphore, #tpu.memory_space<semaphore_mem>>) src(%arg6 : memref<80x64xf32, #tpu.memory_space<vmem>>) dst(%dma_wait3A_49 : memref<80x64xf32, #tpu.memory_space<hbm>>)
        tpu.yield
      }) : () -> ()
      %add3A_30 = arith.constant 2 : i32
      %add3A_31 = arith.addi %mul3A_16, %add3A_30 : i32
      %lt3A_32 = arith.constant 10 : i32
      %lt3A_33 = arith.cmpi slt, %add3A_31, %lt3A_32 : i32
      %convert_element_type3A_34 = arith.extui %lt3A_33 : i1 to i32
      %cond3A_35 = arith.constant 0 : i32
      %cond3A_36 = arith.cmpi ne, %convert_element_type3A_34, %cond3A_35 : i32
      scf.if %cond3A_36 {
        %add3A_44 = arith.constant 2 : i32
        %add3A_45 = arith.addi %mul3A_16, %add3A_44 : i32
        %scan3A_46 = arith.constant 0 : i32
        %scan3A_47 = arith.constant 0 : i32
        %scan3A_48 = arith.constant 5 : i32
        %scan3A_49 = arith.addi %scan3A_47, %scan3A_48 : i32
        %scan3A_50 = arith.constant 1 : i32
        scf.for %scan3A_52 = %scan3A_47 to %scan3A_49 step %scan3A_50  : i32 {
          %mul3A_53 = arith.constant 80 : i32
          %mul3A_54 = arith.muli %add3A_45, %mul3A_53 : i32
          %mul3A_55 = arith.constant 16 : i32
          %mul3A_56 = arith.muli %scan3A_52, %mul3A_55 : i32
          %add3A_57 = arith.addi %mul3A_54, %mul3A_56 : i32
          %get3A = arith.index_cast %add3A_57 : i32 to index
          %get3A_58 = tpu.vector_load %arg5[%get3A] {strides = array<i32>} : memref<800xi32, #tpu.memory_space<vmem>>, vector<16xi32>,
          %slice3A = vector.extract_strided_slice %get3A_58 {offsets = [0], sizes = [1], strides = [1]} : vector<16xi32> to vector<1xi32>
          %squeeze3A = vector.extract %slice3A[0] : i32 from vector<1xi32>
          %mul3A_59 = arith.constant 16 : i32
          %mul3A_60 = arith.muli %scan3A_52, %mul3A_59 : i32
          %add3A_61 = arith.constant 0 : i32
          %add3A_62 = arith.addi %mul3A_60, %add3A_61 : i32
          %dma_start3A = arith.constant 0 : i32
          %dma_start3A_63 = tpu.memref_slice %arg6[%add3A_62, %dma_start3A] : memref<80x64xf32, #tpu.memory_space<vmem>> -> memref<1x64xf32, #tpu.memory_space<vmem>>
          %dma_start3A_64 = tpu.memref_squeeze %dma_start3A_63 : memref<1x64xf32, #tpu.memory_space<vmem>> -> memref<64xf32, #tpu.memory_space<vmem>>
          %dma_start3A_65 = arith.constant 0 : i32
          %dma_start3A_66 = tpu.memref_slice %arg2[%squeeze3A, %dma_start3A_65] : memref<1000000x64xf32, #tpu.memory_space<hbm>> -> memref<1x64xf32, #tpu.memory_space<hbm>>
          %dma_start3A_67 = tpu.memref_squeeze %dma_start3A_66 : memref<1x64xf32, #tpu.memory_space<hbm>> -> memref<64xf32, #tpu.memory_space<hbm>>
          %dma_start3A_68 = arith.constant 0 : i32
          %dma_start3A_69 = tpu.memref_slice %arg6[%add3A_62, %dma_start3A_68] : memref<80x64xf32, #tpu.memory_space<vmem>> -> memref<1x64xf32, #tpu.memory_space<vmem>>
          %dma_start3A_70 = tpu.memref_squeeze %dma_start3A_69 : memref<1x64xf32, #tpu.memory_space<vmem>> -> memref<64xf32, #tpu.memory_space<vmem>>
          %dma_start3A_71 = arith.constant 0 : i32
          %dma_start3A_72 = tpu.memref_slice %arg2[%squeeze3A, %dma_start3A_71] : memref<1000000x64xf32, #tpu.memory_space<hbm>> -> memref<1x64xf32, #tpu.memory_space<hbm>>
          %dma_start3A_73 = tpu.memref_squeeze %dma_start3A_72 : memref<1x64xf32, #tpu.memory_space<hbm>> -> memref<64xf32, #tpu.memory_space<hbm>>
          tpu.enqueue_dma source(%dma_start3A_73 : memref<64xf32, #tpu.memory_space<hbm>>) target(%dma_start3A_70 : memref<64xf32, #tpu.memory_space<vmem>>) target_semaphore(%arg8 : memref<!tpu.dma_semaphore, #tpu.memory_space<semaphore_mem>>)
          %slice3A_74 = vector.extract_strided_slice %get3A_58 {offsets = [1], sizes = [1], strides = [1]} : vector<16xi32> to vector<1xi32>
          %squeeze3A_75 = vector.extract %slice3A_74[0] : i32 from vector<1xi32>
          %mul3A_76 = arith.constant 16 : i32
          %mul3A_77 = arith.muli %scan3A_52, %mul3A_76 : i32
          %add3A_78 = arith.constant 1 : i32
          %add3A_79 = arith.addi %mul3A_77, %add3A_78 : i32
          %dma_start3A_80 = arith.constant 0 : i32
          %dma_start3A_81 = tpu.memref_slice %arg6[%add3A_79, %dma_start3A_80] : memref<80x64xf32, #tpu.memory_space<vmem>> -> memref<1x64xf32, #tpu.memory_space<vmem>>
          %dma_start3A_82 = tpu.memref_squeeze %dma_start3A_81 : memref<1x64xf32, #tpu.memory_space<vmem>> -> memref<64xf32, #tpu.memory_space<vmem>>
          %dma_start3A_83 = arith.constant 0 : i32
          %dma_start3A_84 = tpu.memref_slice %arg2[%squeeze3A_75, %dma_start3A_83] : memref<1000000x64xf32, #tpu.memory_space<hbm>> -> memref<1x64xf32, #tpu.memory_space<hbm>>
          %dma_start3A_85 = tpu.memref_squeeze %dma_start3A_84 : memref<1x64xf32, #tpu.memory_space<hbm>> -> memref<64xf32, #tpu.memory_space<hbm>>
          %dma_start3A_86 = arith.constant 0 : i32
          %dma_start3A_87 = tpu.memref_slice %arg6[%add3A_79, %dma_start3A_86] : memref<80x64xf32, #tpu.memory_space<vmem>> -> memref<1x64xf32, #tpu.memory_space<vmem>>
          %dma_start3A_88 = tpu.memref_squeeze %dma_start3A_87 : memref<1x64xf32, #tpu.memory_space<vmem>> -> memref<64xf32, #tpu.memory_space<vmem>>
          %dma_start3A_89 = arith.constant 0 : i32
          %dma_start3A_90 = tpu.memref_slice %arg2[%squeeze3A_75, %dma_start3A_89] : memref<1000000x64xf32, #tpu.memory_space<hbm>> -> memref<1x64xf32, #tpu.memory_space<hbm>>
          %dma_start3A_91 = tpu.memref_squeeze %dma_start3A_90 : memref<1x64xf32, #tpu.memory_space<hbm>> -> memref<64xf32, #tpu.memory_space<hbm>>
          tpu.enqueue_dma source(%dma_start3A_91 : memref<64xf32, #tpu.memory_space<hbm>>) target(%dma_start3A_88 : memref<64xf32, #tpu.memory_space<vmem>>) target_semaphore(%arg8 : memref<!tpu.dma_semaphore, #tpu.memory_space<semaphore_mem>>)
          %slice3A_92 = vector.extract_strided_slice %get3A_58 {offsets = [2], sizes = [1], strides = [1]} : vector<16xi32> to vector<1xi32>
          %squeeze3A_93 = vector.extract %slice3A_92[0] : i32 from vector<1xi32>
          %mul3A_94 = arith.constant 16 : i32
          %mul3A_95 = arith.muli %scan3A_52, %mul3A_94 : i32
          %add3A_96 = arith.constant 2 : i32
          %add3A_97 = arith.addi %mul3A_95, %add3A_96 : i32
          %dma_start3A_98 = arith.constant 0 : i32
          %dma_start3A_99 = tpu.memref_slice %arg6[%add3A_97, %dma_start3A_98] : memref<80x64xf32, #tpu.memory_space<vmem>> -> memref<1x64xf32, #tpu.memory_space<vmem>>
          %dma_start3A_100 = tpu.memref_squeeze %dma_start3A_99 : memref<1x64xf32, #tpu.memory_space<vmem>> -> memref<64xf32, #tpu.memory_space<vmem>>
          %dma_start3A_101 = arith.constant 0 : i32
          %dma_start3A_102 = tpu.memref_slice %arg2[%squeeze3A_93, %dma_start3A_101] : memref<1000000x64xf32, #tpu.memory_space<hbm>> -> memref<1x64xf32, #tpu.memory_space<hbm>>
          %dma_start3A_103 = tpu.memref_squeeze %dma_start3A_102 : memref<1x64xf32, #tpu.memory_space<hbm>> -> memref<64xf32, #tpu.memory_space<hbm>>
          %dma_start3A_104 = arith.constant 0 : i32
          %dma_start3A_105 = tpu.memref_slice %arg6[%add3A_97, %dma_start3A_104] : memref<80x64xf32, #tpu.memory_space<vmem>> -> memref<1x64xf32, #tpu.memory_space<vmem>>
          %dma_start3A_106 = tpu.memref_squeeze %dma_start3A_105 : memref<1x64xf32, #tpu.memory_space<vmem>> -> memref<64xf32, #tpu.memory_space<vmem>>
          %dma_start3A_107 = arith.constant 0 : i32
          %dma_start3A_108 = tpu.memref_slice %arg2[%squeeze3A_93, %dma_start3A_107] : memref<1000000x64xf32, #tpu.memory_space<hbm>> -> memref<1x64xf32, #tpu.memory_space<hbm>>
          %dma_start3A_109 = tpu.memref_squeeze %dma_start3A_108 : memref<1x64xf32, #tpu.memory_space<hbm>> -> memref<64xf32, #tpu.memory_space<hbm>>
          tpu.enqueue_dma source(%dma_start3A_109 : memref<64xf32, #tpu.memory_space<hbm>>) target(%dma_start3A_106 : memref<64xf32, #tpu.memory_space<vmem>>) target_semaphore(%arg8 : memref<!tpu.dma_semaphore, #tpu.memory_space<semaphore_mem>>)
          %slice3A_110 = vector.extract_strided_slice %get3A_58 {offsets = [3], sizes = [1], strides = [1]} : vector<16xi32> to vector<1xi32>
          %squeeze3A_111 = vector.extract %slice3A_110[0] : i32 from vector<1xi32>
          %mul3A_112 = arith.constant 16 : i32
          %mul3A_113 = arith.muli %scan3A_52, %mul3A_112 : i32
          %add3A_114 = arith.constant 3 : i32
          %add3A_115 = arith.addi %mul3A_113, %add3A_114 : i32
          %dma_start3A_116 = arith.constant 0 : i32
          %dma_start3A_117 = tpu.memref_slice %arg6[%add3A_115, %dma_start3A_116] : memref<80x64xf32, #tpu.memory_space<vmem>> -> memref<1x64xf32, #tpu.memory_space<vmem>>
          %dma_start3A_118 = tpu.memref_squeeze %dma_start3A_117 : memref<1x64xf32, #tpu.memory_space<vmem>> -> memref<64xf32, #tpu.memory_space<vmem>>
          %dma_start3A_119 = arith.constant 0 : i32
          %dma_start3A_120 = tpu.memref_slice %arg2[%squeeze3A_111, %dma_start3A_119] : memref<1000000x64xf32, #tpu.memory_space<hbm>> -> memref<1x64xf32, #tpu.memory_space<hbm>>
          %dma_start3A_121 = tpu.memref_squeeze %dma_start3A_120 : memref<1x64xf32, #tpu.memory_space<hbm>> -> memref<64xf32, #tpu.memory_space<hbm>>
          %dma_start3A_122 = arith.constant 0 : i32
          %dma_start3A_123 = tpu.memref_slice %arg6[%add3A_115, %dma_start3A_122] : memref<80x64xf32, #tpu.memory_space<vmem>> -> memref<1x64xf32, #tpu.memory_space<vmem>>
          %dma_start3A_124 = tpu.memref_squeeze %dma_start3A_123 : memref<1x64xf32, #tpu.memory_space<vmem>> -> memref<64xf32, #tpu.memory_space<vmem>>
          %dma_start3A_125 = arith.constant 0 : i32
          %dma_start3A_126 = tpu.memref_slice %arg2[%squeeze3A_111, %dma_start3A_125] : memref<1000000x64xf32, #tpu.memory_space<hbm>> -> memref<1x64xf32, #tpu.memory_space<hbm>>
          %dma_start3A_127 = tpu.memref_squeeze %dma_start3A_126 : memref<1x64xf32, #tpu.memory_space<hbm>> -> memref<64xf32, #tpu.memory_space<hbm>>
          tpu.enqueue_dma source(%dma_start3A_127 : memref<64xf32, #tpu.memory_space<hbm>>) target(%dma_start3A_124 : memref<64xf32, #tpu.memory_space<vmem>>) target_semaphore(%arg8 : memref<!tpu.dma_semaphore, #tpu.memory_space<semaphore_mem>>)
          %slice3A_128 = vector.extract_strided_slice %get3A_58 {offsets = [4], sizes = [1], strides = [1]} : vector<16xi32> to vector<1xi32>
          %squeeze3A_129 = vector.extract %slice3A_128[0] : i32 from vector<1xi32>
          %mul3A_130 = arith.constant 16 : i32
          %mul3A_131 = arith.muli %scan3A_52, %mul3A_130 : i32
          %add3A_132 = arith.constant 4 : i32
          %add3A_133 = arith.addi %mul3A_131, %add3A_132 : i32
          %dma_start3A_134 = arith.constant 0 : i32
          %dma_start3A_135 = tpu.memref_slice %arg6[%add3A_133, %dma_start3A_134] : memref<80x64xf32, #tpu.memory_space<vmem>> -> memref<1x64xf32, #tpu.memory_space<vmem>>
          %dma_start3A_136 = tpu.memref_squeeze %dma_start3A_135 : memref<1x64xf32, #tpu.memory_space<vmem>> -> memref<64xf32, #tpu.memory_space<vmem>>
          %dma_start3A_137 = arith.constant 0 : i32
          %dma_start3A_138 = tpu.memref_slice %arg2[%squeeze3A_129, %dma_start3A_137] : memref<1000000x64xf32, #tpu.memory_space<hbm>> -> memref<1x64xf32, #tpu.memory_space<hbm>>
          %dma_start3A_139 = tpu.memref_squeeze %dma_start3A_138 : memref<1x64xf32, #tpu.memory_space<hbm>> -> memref<64xf32, #tpu.memory_space<hbm>>
          %dma_start3A_140 = arith.constant 0 : i32
          %dma_start3A_141 = tpu.memref_slice %arg6[%add3A_133, %dma_start3A_140] : memref<80x64xf32, #tpu.memory_space<vmem>> -> memref<1x64xf32, #tpu.memory_space<vmem>>
          %dma_start3A_142 = tpu.memref_squeeze %dma_start3A_141 : memref<1x64xf32, #tpu.memory_space<vmem>> -> memref<64xf32, #tpu.memory_space<vmem>>
          %dma_start3A_143 = arith.constant 0 : i32
          %dma_start3A_144 = tpu.memref_slice %arg2[%squeeze3A_129, %dma_start3A_143] : memref<1000000x64xf32, #tpu.memory_space<hbm>> -> memref<1x64xf32, #tpu.memory_space<hbm>>
          %dma_start3A_145 = tpu.memref_squeeze %dma_start3A_144 : memref<1x64xf32, #tpu.memory_space<hbm>> -> memref<64xf32, #tpu.memory_space<hbm>>
          tpu.enqueue_dma source(%dma_start3A_145 : memref<64xf32, #tpu.memory_space<hbm>>) target(%dma_start3A_142 : memref<64xf32, #tpu.memory_space<vmem>>) target_semaphore(%arg8 : memref<!tpu.dma_semaphore, #tpu.memory_space<semaphore_mem>>)
          %slice3A_146 = vector.extract_strided_slice %get3A_58 {offsets = [5], sizes = [1], strides = [1]} : vector<16xi32> to vector<1xi32>
          %squeeze3A_147 = vector.extract %slice3A_146[0] : i32 from vector<1xi32>
          %mul3A_148 = arith.constant 16 : i32
          %mul3A_149 = arith.muli %scan3A_52, %mul3A_148 : i32
          %add3A_150 = arith.constant 5 : i32
          %add3A_151 = arith.addi %mul3A_149, %add3A_150 : i32
          %dma_start3A_152 = arith.constant 0 : i32
          %dma_start3A_153 = tpu.memref_slice %arg6[%add3A_151, %dma_start3A_152] : memref<80x64xf32, #tpu.memory_space<vmem>> -> memref<1x64xf32, #tpu.memory_space<vmem>>
          %dma_start3A_154 = tpu.memref_squeeze %dma_start3A_153 : memref<1x64xf32, #tpu.memory_space<vmem>> -> memref<64xf32, #tpu.memory_space<vmem>>
          %dma_start3A_155 = arith.constant 0 : i32
          %dma_start3A_156 = tpu.memref_slice %arg2[%squeeze3A_147, %dma_start3A_155] : memref<1000000x64xf32, #tpu.memory_space<hbm>> -> memref<1x64xf32, #tpu.memory_space<hbm>>
          %dma_start3A_157 = tpu.memref_squeeze %dma_start3A_156 : memref<1x64xf32, #tpu.memory_space<hbm>> -> memref<64xf32, #tpu.memory_space<hbm>>
          %dma_start3A_158 = arith.constant 0 : i32
          %dma_start3A_159 = tpu.memref_slice %arg6[%add3A_151, %dma_start3A_158] : memref<80x64xf32, #tpu.memory_space<vmem>> -> memref<1x64xf32, #tpu.memory_space<vmem>>
          %dma_start3A_160 = tpu.memref_squeeze %dma_start3A_159 : memref<1x64xf32, #tpu.memory_space<vmem>> -> memref<64xf32, #tpu.memory_space<vmem>>
          %dma_start3A_161 = arith.constant 0 : i32
          %dma_start3A_162 = tpu.memref_slice %arg2[%squeeze3A_147, %dma_start3A_161] : memref<1000000x64xf32, #tpu.memory_space<hbm>> -> memref<1x64xf32, #tpu.memory_space<hbm>>
          %dma_start3A_163 = tpu.memref_squeeze %dma_start3A_162 : memref<1x64xf32, #tpu.memory_space<hbm>> -> memref<64xf32, #tpu.memory_space<hbm>>
          tpu.enqueue_dma source(%dma_start3A_163 : memref<64xf32, #tpu.memory_space<hbm>>) target(%dma_start3A_160 : memref<64xf32, #tpu.memory_space<vmem>>) target_semaphore(%arg8 : memref<!tpu.dma_semaphore, #tpu.memory_space<semaphore_mem>>)
          %slice3A_164 = vector.extract_strided_slice %get3A_58 {offsets = [6], sizes = [1], strides = [1]} : vector<16xi32> to vector<1xi32>
          %squeeze3A_165 = vector.extract %slice3A_164[0] : i32 from vector<1xi32>
          %mul3A_166 = arith.constant 16 : i32
          %mul3A_167 = arith.muli %scan3A_52, %mul3A_166 : i32
          %add3A_168 = arith.constant 6 : i32
          %add3A_169 = arith.addi %mul3A_167, %add3A_168 : i32
          %dma_start3A_170 = arith.constant 0 : i32
          %dma_start3A_171 = tpu.memref_slice %arg6[%add3A_169, %dma_start3A_170] : memref<80x64xf32, #tpu.memory_space<vmem>> -> memref<1x64xf32, #tpu.memory_space<vmem>>
          %dma_start3A_172 = tpu.memref_squeeze %dma_start3A_171 : memref<1x64xf32, #tpu.memory_space<vmem>> -> memref<64xf32, #tpu.memory_space<vmem>>
          %dma_start3A_173 = arith.constant 0 : i32
          %dma_start3A_174 = tpu.memref_slice %arg2[%squeeze3A_165, %dma_start3A_173] : memref<1000000x64xf32, #tpu.memory_space<hbm>> -> memref<1x64xf32, #tpu.memory_space<hbm>>
          %dma_start3A_175 = tpu.memref_squeeze %dma_start3A_174 : memref<1x64xf32, #tpu.memory_space<hbm>> -> memref<64xf32, #tpu.memory_space<hbm>>
          %dma_start3A_176 = arith.constant 0 : i32
          %dma_start3A_177 = tpu.memref_slice %arg6[%add3A_169, %dma_start3A_176] : memref<80x64xf32, #tpu.memory_space<vmem>> -> memref<1x64xf32, #tpu.memory_space<vmem>>
          %dma_start3A_178 = tpu.memref_squeeze %dma_start3A_177 : memref<1x64xf32, #tpu.memory_space<vmem>> -> memref<64xf32, #tpu.memory_space<vmem>>
          %dma_start3A_179 = arith.constant 0 : i32
          %dma_start3A_180 = tpu.memref_slice %arg2[%squeeze3A_165, %dma_start3A_179] : memref<1000000x64xf32, #tpu.memory_space<hbm>> -> memref<1x64xf32, #tpu.memory_space<hbm>>
          %dma_start3A_181 = tpu.memref_squeeze %dma_start3A_180 : memref<1x64xf32, #tpu.memory_space<hbm>> -> memref<64xf32, #tpu.memory_space<hbm>>
          tpu.enqueue_dma source(%dma_start3A_181 : memref<64xf32, #tpu.memory_space<hbm>>) target(%dma_start3A_178 : memref<64xf32, #tpu.memory_space<vmem>>) target_semaphore(%arg8 : memref<!tpu.dma_semaphore, #tpu.memory_space<semaphore_mem>>)
          %slice3A_182 = vector.extract_strided_slice %get3A_58 {offsets = [7], sizes = [1], strides = [1]} : vector<16xi32> to vector<1xi32>
          %squeeze3A_183 = vector.extract %slice3A_182[0] : i32 from vector<1xi32>
          %mul3A_184 = arith.constant 16 : i32
          %mul3A_185 = arith.muli %scan3A_52, %mul3A_184 : i32
          %add3A_186 = arith.constant 7 : i32
          %add3A_187 = arith.addi %mul3A_185, %add3A_186 : i32
          %dma_start3A_188 = arith.constant 0 : i32
          %dma_start3A_189 = tpu.memref_slice %arg6[%add3A_187, %dma_start3A_188] : memref<80x64xf32, #tpu.memory_space<vmem>> -> memref<1x64xf32, #tpu.memory_space<vmem>>
          %dma_start3A_190 = tpu.memref_squeeze %dma_start3A_189 : memref<1x64xf32, #tpu.memory_space<vmem>> -> memref<64xf32, #tpu.memory_space<vmem>>
          %dma_start3A_191 = arith.constant 0 : i32
          %dma_start3A_192 = tpu.memref_slice %arg2[%squeeze3A_183, %dma_start3A_191] : memref<1000000x64xf32, #tpu.memory_space<hbm>> -> memref<1x64xf32, #tpu.memory_space<hbm>>
          %dma_start3A_193 = tpu.memref_squeeze %dma_start3A_192 : memref<1x64xf32, #tpu.memory_space<hbm>> -> memref<64xf32, #tpu.memory_space<hbm>>
          %dma_start3A_194 = arith.constant 0 : i32
          %dma_start3A_195 = tpu.memref_slice %arg6[%add3A_187, %dma_start3A_194] : memref<80x64xf32, #tpu.memory_space<vmem>> -> memref<1x64xf32, #tpu.memory_space<vmem>>
          %dma_start3A_196 = tpu.memref_squeeze %dma_start3A_195 : memref<1x64xf32, #tpu.memory_space<vmem>> -> memref<64xf32, #tpu.memory_space<vmem>>
          %dma_start3A_197 = arith.constant 0 : i32
          %dma_start3A_198 = tpu.memref_slice %arg2[%squeeze3A_183, %dma_start3A_197] : memref<1000000x64xf32, #tpu.memory_space<hbm>> -> memref<1x64xf32, #tpu.memory_space<hbm>>
          %dma_start3A_199 = tpu.memref_squeeze %dma_start3A_198 : memref<1x64xf32, #tpu.memory_space<hbm>> -> memref<64xf32, #tpu.memory_space<hbm>>
          tpu.enqueue_dma source(%dma_start3A_199 : memref<64xf32, #tpu.memory_space<hbm>>) target(%dma_start3A_196 : memref<64xf32, #tpu.memory_space<vmem>>) target_semaphore(%arg8 : memref<!tpu.dma_semaphore, #tpu.memory_space<semaphore_mem>>)
          %slice3A_200 = vector.extract_strided_slice %get3A_58 {offsets = [8], sizes = [1], strides = [1]} : vector<16xi32> to vector<1xi32>
          %squeeze3A_201 = vector.extract %slice3A_200[0] : i32 from vector<1xi32>
          %mul3A_202 = arith.constant 16 : i32
          %mul3A_203 = arith.muli %scan3A_52, %mul3A_202 : i32
          %add3A_204 = arith.constant 8 : i32
          %add3A_205 = arith.addi %mul3A_203, %add3A_204 : i32
          %dma_start3A_206 = arith.constant 0 : i32
          %dma_start3A_207 = tpu.memref_slice %arg6[%add3A_205, %dma_start3A_206] : memref<80x64xf32, #tpu.memory_space<vmem>> -> memref<1x64xf32, #tpu.memory_space<vmem>>
          %dma_start3A_208 = tpu.memref_squeeze %dma_start3A_207 : memref<1x64xf32, #tpu.memory_space<vmem>> -> memref<64xf32, #tpu.memory_space<vmem>>
          %dma_start3A_209 = arith.constant 0 : i32
          %dma_start3A_210 = tpu.memref_slice %arg2[%squeeze3A_201, %dma_start3A_209] : memref<1000000x64xf32, #tpu.memory_space<hbm>> -> memref<1x64xf32, #tpu.memory_space<hbm>>
          %dma_start3A_211 = tpu.memref_squeeze %dma_start3A_210 : memref<1x64xf32, #tpu.memory_space<hbm>> -> memref<64xf32, #tpu.memory_space<hbm>>
          %dma_start3A_212 = arith.constant 0 : i32
          %dma_start3A_213 = tpu.memref_slice %arg6[%add3A_205, %dma_start3A_212] : memref<80x64xf32, #tpu.memory_space<vmem>> -> memref<1x64xf32, #tpu.memory_space<vmem>>
          %dma_start3A_214 = tpu.memref_squeeze %dma_start3A_213 : memref<1x64xf32, #tpu.memory_space<vmem>> -> memref<64xf32, #tpu.memory_space<vmem>>
          %dma_start3A_215 = arith.constant 0 : i32
          %dma_start3A_216 = tpu.memref_slice %arg2[%squeeze3A_201, %dma_start3A_215] : memref<1000000x64xf32, #tpu.memory_space<hbm>> -> memref<1x64xf32, #tpu.memory_space<hbm>>
          %dma_start3A_217 = tpu.memref_squeeze %dma_start3A_216 : memref<1x64xf32, #tpu.memory_space<hbm>> -> memref<64xf32, #tpu.memory_space<hbm>>
          tpu.enqueue_dma source(%dma_start3A_217 : memref<64xf32, #tpu.memory_space<hbm>>) target(%dma_start3A_214 : memref<64xf32, #tpu.memory_space<vmem>>) target_semaphore(%arg8 : memref<!tpu.dma_semaphore, #tpu.memory_space<semaphore_mem>>)
          %slice3A_218 = vector.extract_strided_slice %get3A_58 {offsets = [9], sizes = [1], strides = [1]} : vector<16xi32> to vector<1xi32>
          %squeeze3A_219 = vector.extract %slice3A_218[0] : i32 from vector<1xi32>
          %mul3A_220 = arith.constant 16 : i32
          %mul3A_221 = arith.muli %scan3A_52, %mul3A_220 : i32
          %add3A_222 = arith.constant 9 : i32
          %add3A_223 = arith.addi %mul3A_221, %add3A_222 : i32
          %dma_start3A_224 = arith.constant 0 : i32
          %dma_start3A_225 = tpu.memref_slice %arg6[%add3A_223, %dma_start3A_224] : memref<80x64xf32, #tpu.memory_space<vmem>> -> memref<1x64xf32, #tpu.memory_space<vmem>>
          %dma_start3A_226 = tpu.memref_squeeze %dma_start3A_225 : memref<1x64xf32, #tpu.memory_space<vmem>> -> memref<64xf32, #tpu.memory_space<vmem>>
          %dma_start3A_227 = arith.constant 0 : i32
          %dma_start3A_228 = tpu.memref_slice %arg2[%squeeze3A_219, %dma_start3A_227] : memref<1000000x64xf32, #tpu.memory_space<hbm>> -> memref<1x64xf32, #tpu.memory_space<hbm>>
          %dma_start3A_229 = tpu.memref_squeeze %dma_start3A_228 : memref<1x64xf32, #tpu.memory_space<hbm>> -> memref<64xf32, #tpu.memory_space<hbm>>
          %dma_start3A_230 = arith.constant 0 : i32
          %dma_start3A_231 = tpu.memref_slice %arg6[%add3A_223, %dma_start3A_230] : memref<80x64xf32, #tpu.memory_space<vmem>> -> memref<1x64xf32, #tpu.memory_space<vmem>>
          %dma_start3A_232 = tpu.memref_squeeze %dma_start3A_231 : memref<1x64xf32, #tpu.memory_space<vmem>> -> memref<64xf32, #tpu.memory_space<vmem>>
          %dma_start3A_233 = arith.constant 0 : i32
          %dma_start3A_234 = tpu.memref_slice %arg2[%squeeze3A_219, %dma_start3A_233] : memref<1000000x64xf32, #tpu.memory_space<hbm>> -> memref<1x64xf32, #tpu.memory_space<hbm>>
          %dma_start3A_235 = tpu.memref_squeeze %dma_start3A_234 : memref<1x64xf32, #tpu.memory_space<hbm>> -> memref<64xf32, #tpu.memory_space<hbm>>
          tpu.enqueue_dma source(%dma_start3A_235 : memref<64xf32, #tpu.memory_space<hbm>>) target(%dma_start3A_232 : memref<64xf32, #tpu.memory_space<vmem>>) target_semaphore(%arg8 : memref<!tpu.dma_semaphore, #tpu.memory_space<semaphore_mem>>)
          %slice3A_236 = vector.extract_strided_slice %get3A_58 {offsets = [10], sizes = [1], strides = [1]} : vector<16xi32> to vector<1xi32>
          %squeeze3A_237 = vector.extract %slice3A_236[0] : i32 from vector<1xi32>
          %mul3A_238 = arith.constant 16 : i32
          %mul3A_239 = arith.muli %scan3A_52, %mul3A_238 : i32
          %add3A_240 = arith.constant 10 : i32
          %add3A_241 = arith.addi %mul3A_239, %add3A_240 : i32
          %dma_start3A_242 = arith.constant 0 : i32
          %dma_start3A_243 = tpu.memref_slice %arg6[%add3A_241, %dma_start3A_242] : memref<80x64xf32, #tpu.memory_space<vmem>> -> memref<1x64xf32, #tpu.memory_space<vmem>>
          %dma_start3A_244 = tpu.memref_squeeze %dma_start3A_243 : memref<1x64xf32, #tpu.memory_space<vmem>> -> memref<64xf32, #tpu.memory_space<vmem>>
          %dma_start3A_245 = arith.constant 0 : i32
          %dma_start3A_246 = tpu.memref_slice %arg2[%squeeze3A_237, %dma_start3A_245] : memref<1000000x64xf32, #tpu.memory_space<hbm>> -> memref<1x64xf32, #tpu.memory_space<hbm>>
          %dma_start3A_247 = tpu.memref_squeeze %dma_start3A_246 : memref<1x64xf32, #tpu.memory_space<hbm>> -> memref<64xf32, #tpu.memory_space<hbm>>
          %dma_start3A_248 = arith.constant 0 : i32
          %dma_start3A_249 = tpu.memref_slice %arg6[%add3A_241, %dma_start3A_248] : memref<80x64xf32, #tpu.memory_space<vmem>> -> memref<1x64xf32, #tpu.memory_space<vmem>>
          %dma_start3A_250 = tpu.memref_squeeze %dma_start3A_249 : memref<1x64xf32, #tpu.memory_space<vmem>> -> memref<64xf32, #tpu.memory_space<vmem>>
          %dma_start3A_251 = arith.constant 0 : i32
          %dma_start3A_252 = tpu.memref_slice %arg2[%squeeze3A_237, %dma_start3A_251] : memref<1000000x64xf32, #tpu.memory_space<hbm>> -> memref<1x64xf32, #tpu.memory_space<hbm>>
          %dma_start3A_253 = tpu.memref_squeeze %dma_start3A_252 : memref<1x64xf32, #tpu.memory_space<hbm>> -> memref<64xf32, #tpu.memory_space<hbm>>
          tpu.enqueue_dma source(%dma_start3A_253 : memref<64xf32, #tpu.memory_space<hbm>>) target(%dma_start3A_250 : memref<64xf32, #tpu.memory_space<vmem>>) target_semaphore(%arg8 : memref<!tpu.dma_semaphore, #tpu.memory_space<semaphore_mem>>)
          %slice3A_254 = vector.extract_strided_slice %get3A_58 {offsets = [11], sizes = [1], strides = [1]} : vector<16xi32> to vector<1xi32>
          %squeeze3A_255 = vector.extract %slice3A_254[0] : i32 from vector<1xi32>
          %mul3A_256 = arith.constant 16 : i32
          %mul3A_257 = arith.muli %scan3A_52, %mul3A_256 : i32
          %add3A_258 = arith.constant 11 : i32
          %add3A_259 = arith.addi %mul3A_257, %add3A_258 : i32
          %dma_start3A_260 = arith.constant 0 : i32
          %dma_start3A_261 = tpu.memref_slice %arg6[%add3A_259, %dma_start3A_260] : memref<80x64xf32, #tpu.memory_space<vmem>> -> memref<1x64xf32, #tpu.memory_space<vmem>>
          %dma_start3A_262 = tpu.memref_squeeze %dma_start3A_261 : memref<1x64xf32, #tpu.memory_space<vmem>> -> memref<64xf32, #tpu.memory_space<vmem>>
          %dma_start3A_263 = arith.constant 0 : i32
          %dma_start3A_264 = tpu.memref_slice %arg2[%squeeze3A_255, %dma_start3A_263] : memref<1000000x64xf32, #tpu.memory_space<hbm>> -> memref<1x64xf32, #tpu.memory_space<hbm>>
          %dma_start3A_265 = tpu.memref_squeeze %dma_start3A_264 : memref<1x64xf32, #tpu.memory_space<hbm>> -> memref<64xf32, #tpu.memory_space<hbm>>
          %dma_start3A_266 = arith.constant 0 : i32
          %dma_start3A_267 = tpu.memref_slice %arg6[%add3A_259, %dma_start3A_266] : memref<80x64xf32, #tpu.memory_space<vmem>> -> memref<1x64xf32, #tpu.memory_space<vmem>>
          %dma_start3A_268 = tpu.memref_squeeze %dma_start3A_267 : memref<1x64xf32, #tpu.memory_space<vmem>> -> memref<64xf32, #tpu.memory_space<vmem>>
          %dma_start3A_269 = arith.constant 0 : i32
          %dma_start3A_270 = tpu.memref_slice %arg2[%squeeze3A_255, %dma_start3A_269] : memref<1000000x64xf32, #tpu.memory_space<hbm>> -> memref<1x64xf32, #tpu.memory_space<hbm>>
          %dma_start3A_271 = tpu.memref_squeeze %dma_start3A_270 : memref<1x64xf32, #tpu.memory_space<hbm>> -> memref<64xf32, #tpu.memory_space<hbm>>
          tpu.enqueue_dma source(%dma_start3A_271 : memref<64xf32, #tpu.memory_space<hbm>>) target(%dma_start3A_268 : memref<64xf32, #tpu.memory_space<vmem>>) target_semaphore(%arg8 : memref<!tpu.dma_semaphore, #tpu.memory_space<semaphore_mem>>)
          %slice3A_272 = vector.extract_strided_slice %get3A_58 {offsets = [12], sizes = [1], strides = [1]} : vector<16xi32> to vector<1xi32>
          %squeeze3A_273 = vector.extract %slice3A_272[0] : i32 from vector<1xi32>
          %mul3A_274 = arith.constant 16 : i32
          %mul3A_275 = arith.muli %scan3A_52, %mul3A_274 : i32
          %add3A_276 = arith.constant 12 : i32
          %add3A_277 = arith.addi %mul3A_275, %add3A_276 : i32
          %dma_start3A_278 = arith.constant 0 : i32
          %dma_start3A_279 = tpu.memref_slice %arg6[%add3A_277, %dma_start3A_278] : memref<80x64xf32, #tpu.memory_space<vmem>> -> memref<1x64xf32, #tpu.memory_space<vmem>>
          %dma_start3A_280 = tpu.memref_squeeze %dma_start3A_279 : memref<1x64xf32, #tpu.memory_space<vmem>> -> memref<64xf32, #tpu.memory_space<vmem>>
          %dma_start3A_281 = arith.constant 0 : i32
          %dma_start3A_282 = tpu.memref_slice %arg2[%squeeze3A_273, %dma_start3A_281] : memref<1000000x64xf32, #tpu.memory_space<hbm>> -> memref<1x64xf32, #tpu.memory_space<hbm>>
          %dma_start3A_283 = tpu.memref_squeeze %dma_start3A_282 : memref<1x64xf32, #tpu.memory_space<hbm>> -> memref<64xf32, #tpu.memory_space<hbm>>
          %dma_start3A_284 = arith.constant 0 : i32
          %dma_start3A_285 = tpu.memref_slice %arg6[%add3A_277, %dma_start3A_284] : memref<80x64xf32, #tpu.memory_space<vmem>> -> memref<1x64xf32, #tpu.memory_space<vmem>>
          %dma_start3A_286 = tpu.memref_squeeze %dma_start3A_285 : memref<1x64xf32, #tpu.memory_space<vmem>> -> memref<64xf32, #tpu.memory_space<vmem>>
          %dma_start3A_287 = arith.constant 0 : i32
          %dma_start3A_288 = tpu.memref_slice %arg2[%squeeze3A_273, %dma_start3A_287] : memref<1000000x64xf32, #tpu.memory_space<hbm>> -> memref<1x64xf32, #tpu.memory_space<hbm>>
          %dma_start3A_289 = tpu.memref_squeeze %dma_start3A_288 : memref<1x64xf32, #tpu.memory_space<hbm>> -> memref<64xf32, #tpu.memory_space<hbm>>
          tpu.enqueue_dma source(%dma_start3A_289 : memref<64xf32, #tpu.memory_space<hbm>>) target(%dma_start3A_286 : memref<64xf32, #tpu.memory_space<vmem>>) target_semaphore(%arg8 : memref<!tpu.dma_semaphore, #tpu.memory_space<semaphore_mem>>)
          %slice3A_290 = vector.extract_strided_slice %get3A_58 {offsets = [13], sizes = [1], strides = [1]} : vector<16xi32> to vector<1xi32>
          %squeeze3A_291 = vector.extract %slice3A_290[0] : i32 from vector<1xi32>
          %mul3A_292 = arith.constant 16 : i32
          %mul3A_293 = arith.muli %scan3A_52, %mul3A_292 : i32
          %add3A_294 = arith.constant 13 : i32
          %add3A_295 = arith.addi %mul3A_293, %add3A_294 : i32
          %dma_start3A_296 = arith.constant 0 : i32
          %dma_start3A_297 = tpu.memref_slice %arg6[%add3A_295, %dma_start3A_296] : memref<80x64xf32, #tpu.memory_space<vmem>> -> memref<1x64xf32, #tpu.memory_space<vmem>>
          %dma_start3A_298 = tpu.memref_squeeze %dma_start3A_297 : memref<1x64xf32, #tpu.memory_space<vmem>> -> memref<64xf32, #tpu.memory_space<vmem>>
          %dma_start3A_299 = arith.constant 0 : i32
          %dma_start3A_300 = tpu.memref_slice %arg2[%squeeze3A_291, %dma_start3A_299] : memref<1000000x64xf32, #tpu.memory_space<hbm>> -> memref<1x64xf32, #tpu.memory_space<hbm>>
          %dma_start3A_301 = tpu.memref_squeeze %dma_start3A_300 : memref<1x64xf32, #tpu.memory_space<hbm>> -> memref<64xf32, #tpu.memory_space<hbm>>
          %dma_start3A_302 = arith.constant 0 : i32
          %dma_start3A_303 = tpu.memref_slice %arg6[%add3A_295, %dma_start3A_302] : memref<80x64xf32, #tpu.memory_space<vmem>> -> memref<1x64xf32, #tpu.memory_space<vmem>>
          %dma_start3A_304 = tpu.memref_squeeze %dma_start3A_303 : memref<1x64xf32, #tpu.memory_space<vmem>> -> memref<64xf32, #tpu.memory_space<vmem>>
          %dma_start3A_305 = arith.constant 0 : i32
          %dma_start3A_306 = tpu.memref_slice %arg2[%squeeze3A_291, %dma_start3A_305] : memref<1000000x64xf32, #tpu.memory_space<hbm>> -> memref<1x64xf32, #tpu.memory_space<hbm>>
          %dma_start3A_307 = tpu.memref_squeeze %dma_start3A_306 : memref<1x64xf32, #tpu.memory_space<hbm>> -> memref<64xf32, #tpu.memory_space<hbm>>
          tpu.enqueue_dma source(%dma_start3A_307 : memref<64xf32, #tpu.memory_space<hbm>>) target(%dma_start3A_304 : memref<64xf32, #tpu.memory_space<vmem>>) target_semaphore(%arg8 : memref<!tpu.dma_semaphore, #tpu.memory_space<semaphore_mem>>)
          %slice3A_308 = vector.extract_strided_slice %get3A_58 {offsets = [14], sizes = [1], strides = [1]} : vector<16xi32> to vector<1xi32>
          %squeeze3A_309 = vector.extract %slice3A_308[0] : i32 from vector<1xi32>
          %mul3A_310 = arith.constant 16 : i32
          %mul3A_311 = arith.muli %scan3A_52, %mul3A_310 : i32
          %add3A_312 = arith.constant 14 : i32
          %add3A_313 = arith.addi %mul3A_311, %add3A_312 : i32
          %dma_start3A_314 = arith.constant 0 : i32
          %dma_start3A_315 = tpu.memref_slice %arg6[%add3A_313, %dma_start3A_314] : memref<80x64xf32, #tpu.memory_space<vmem>> -> memref<1x64xf32, #tpu.memory_space<vmem>>
          %dma_start3A_316 = tpu.memref_squeeze %dma_start3A_315 : memref<1x64xf32, #tpu.memory_space<vmem>> -> memref<64xf32, #tpu.memory_space<vmem>>
          %dma_start3A_317 = arith.constant 0 : i32
          %dma_start3A_318 = tpu.memref_slice %arg2[%squeeze3A_309, %dma_start3A_317] : memref<1000000x64xf32, #tpu.memory_space<hbm>> -> memref<1x64xf32, #tpu.memory_space<hbm>>
          %dma_start3A_319 = tpu.memref_squeeze %dma_start3A_318 : memref<1x64xf32, #tpu.memory_space<hbm>> -> memref<64xf32, #tpu.memory_space<hbm>>
          %dma_start3A_320 = arith.constant 0 : i32
          %dma_start3A_321 = tpu.memref_slice %arg6[%add3A_313, %dma_start3A_320] : memref<80x64xf32, #tpu.memory_space<vmem>> -> memref<1x64xf32, #tpu.memory_space<vmem>>
          %dma_start3A_322 = tpu.memref_squeeze %dma_start3A_321 : memref<1x64xf32, #tpu.memory_space<vmem>> -> memref<64xf32, #tpu.memory_space<vmem>>
          %dma_start3A_323 = arith.constant 0 : i32
          %dma_start3A_324 = tpu.memref_slice %arg2[%squeeze3A_309, %dma_start3A_323] : memref<1000000x64xf32, #tpu.memory_space<hbm>> -> memref<1x64xf32, #tpu.memory_space<hbm>>
          %dma_start3A_325 = tpu.memref_squeeze %dma_start3A_324 : memref<1x64xf32, #tpu.memory_space<hbm>> -> memref<64xf32, #tpu.memory_space<hbm>>
          tpu.enqueue_dma source(%dma_start3A_325 : memref<64xf32, #tpu.memory_space<hbm>>) target(%dma_start3A_322 : memref<64xf32, #tpu.memory_space<vmem>>) target_semaphore(%arg8 : memref<!tpu.dma_semaphore, #tpu.memory_space<semaphore_mem>>)
          %slice3A_326 = vector.extract_strided_slice %get3A_58 {offsets = [15], sizes = [1], strides = [1]} : vector<16xi32> to vector<1xi32>
          %squeeze3A_327 = vector.extract %slice3A_326[0] : i32 from vector<1xi32>
          %mul3A_328 = arith.constant 16 : i32
          %mul3A_329 = arith.muli %scan3A_52, %mul3A_328 : i32
          %add3A_330 = arith.constant 15 : i32
          %add3A_331 = arith.addi %mul3A_329, %add3A_330 : i32
          %dma_start3A_332 = arith.constant 0 : i32
          %dma_start3A_333 = tpu.memref_slice %arg6[%add3A_331, %dma_start3A_332] : memref<80x64xf32, #tpu.memory_space<vmem>> -> memref<1x64xf32, #tpu.memory_space<vmem>>
          %dma_start3A_334 = tpu.memref_squeeze %dma_start3A_333 : memref<1x64xf32, #tpu.memory_space<vmem>> -> memref<64xf32, #tpu.memory_space<vmem>>
          %dma_start3A_335 = arith.constant 0 : i32
          %dma_start3A_336 = tpu.memref_slice %arg2[%squeeze3A_327, %dma_start3A_335] : memref<1000000x64xf32, #tpu.memory_space<hbm>> -> memref<1x64xf32, #tpu.memory_space<hbm>>
          %dma_start3A_337 = tpu.memref_squeeze %dma_start3A_336 : memref<1x64xf32, #tpu.memory_space<hbm>> -> memref<64xf32, #tpu.memory_space<hbm>>
          %dma_start3A_338 = arith.constant 0 : i32
          %dma_start3A_339 = tpu.memref_slice %arg6[%add3A_331, %dma_start3A_338] : memref<80x64xf32, #tpu.memory_space<vmem>> -> memref<1x64xf32, #tpu.memory_space<vmem>>
          %dma_start3A_340 = tpu.memref_squeeze %dma_start3A_339 : memref<1x64xf32, #tpu.memory_space<vmem>> -> memref<64xf32, #tpu.memory_space<vmem>>
          %dma_start3A_341 = arith.constant 0 : i32
          %dma_start3A_342 = tpu.memref_slice %arg2[%squeeze3A_327, %dma_start3A_341] : memref<1000000x64xf32, #tpu.memory_space<hbm>> -> memref<1x64xf32, #tpu.memory_space<hbm>>
          %dma_start3A_343 = tpu.memref_squeeze %dma_start3A_342 : memref<1x64xf32, #tpu.memory_space<hbm>> -> memref<64xf32, #tpu.memory_space<hbm>>
          tpu.enqueue_dma source(%dma_start3A_343 : memref<64xf32, #tpu.memory_space<hbm>>) target(%dma_start3A_340 : memref<64xf32, #tpu.memory_space<vmem>>) target_semaphore(%arg8 : memref<!tpu.dma_semaphore, #tpu.memory_space<semaphore_mem>>)
        }
        %scan3A_51 = arith.constant 5 : i32
      } else {
      }
      %add3A_37 = arith.constant 1 : i32
      %add3A_38 = arith.addi %mul3A_16, %add3A_37 : i32
      %lt3A_39 = arith.constant 10 : i32
      %lt3A_40 = arith.cmpi slt, %add3A_38, %lt3A_39 : i32
      %convert_element_type3A_41 = arith.extui %lt3A_40 : i1 to i32
      %cond3A_42 = arith.constant 0 : i32
      %cond3A_43 = arith.cmpi ne, %convert_element_type3A_41, %cond3A_42 : i32
      scf.if %cond3A_43 {
        %add3A_44 = arith.constant 1 : i32
        %add3A_45 = arith.addi %mul3A_16, %add3A_44 : i32
        %scan3A_46 = arith.constant 0 : i32
        %scan3A_47 = arith.constant 0 : i32
        %scan3A_48 = arith.constant 80 : i32
        %scan3A_49 = arith.addi %scan3A_47, %scan3A_48 : i32
        %scan3A_50 = arith.constant 1 : i32
        scf.for %scan3A_55 = %scan3A_47 to %scan3A_49 step %scan3A_50  : i32 {
          %dma_wait3A = arith.constant 0 : i32
          %dma_wait3A_56 = arith.constant 0 : i32
          %dma_wait3A_57 = tpu.memref_slice %arg7[%scan3A_55, %dma_wait3A_56] : memref<80x64xf32, #tpu.memory_space<vmem>> -> memref<1x64xf32, #tpu.memory_space<vmem>>
          %dma_wait3A_58 = tpu.memref_squeeze %dma_wait3A_57 : memref<1x64xf32, #tpu.memory_space<vmem>> -> memref<64xf32, #tpu.memory_space<vmem>>
          %dma_wait3A_59 = arith.constant 0 : i32
          %dma_wait3A_60 = tpu.memref_slice %arg2[%dma_wait3A, %dma_wait3A_59] : memref<1000000x64xf32, #tpu.memory_space<hbm>> -> memref<1x64xf32, #tpu.memory_space<hbm>>
          %dma_wait3A_61 = tpu.memref_squeeze %dma_wait3A_60 : memref<1x64xf32, #tpu.memory_space<hbm>> -> memref<64xf32, #tpu.memory_space<hbm>>
          %dma_wait3A_62 = arith.constant 0 : i32
          %dma_wait3A_63 = tpu.memref_slice %arg7[%scan3A_55, %dma_wait3A_62] : memref<80x64xf32, #tpu.memory_space<vmem>> -> memref<1x64xf32, #tpu.memory_space<vmem>>
          %dma_wait3A_64 = tpu.memref_squeeze %dma_wait3A_63 : memref<1x64xf32, #tpu.memory_space<vmem>> -> memref<64xf32, #tpu.memory_space<vmem>>
          %dma_wait3A_65 = arith.constant 0 : i32
          %dma_wait3A_66 = tpu.memref_slice %arg2[%dma_wait3A, %dma_wait3A_65] : memref<1000000x64xf32, #tpu.memory_space<hbm>> -> memref<1x64xf32, #tpu.memory_space<hbm>>
          %dma_wait3A_67 = tpu.memref_squeeze %dma_wait3A_66 : memref<1x64xf32, #tpu.memory_space<hbm>> -> memref<64xf32, #tpu.memory_space<hbm>>
          tpu.wait_dma2 semaphore(%arg9 : memref<!tpu.dma_semaphore, #tpu.memory_space<semaphore_mem>>) src(%dma_wait3A_67 : memref<64xf32, #tpu.memory_space<hbm>>) dst(%dma_wait3A_64 : memref<64xf32, #tpu.memory_space<vmem>>)
        }
        %scan3A_51 = arith.constant 80 : i32
        %mul3A_52 = arith.constant 80 : i32
        %mul3A_53 = arith.muli %add3A_45, %mul3A_52 : i32
        %add3A_54 = arith.addi %mul3A_2, %mul3A_53 : i32
        "tpu.region"() ({
          %run_scoped3A = tpu.sem_alloc : memref<!tpu.dma_semaphore, #tpu.memory_space<semaphore_mem>>
          %dma_start3A = arith.constant 0 : i32
          %dma_start3A_55 = tpu.memref_slice %arg4[%add3A_54, %dma_start3A] : memref<25600x64xf32, #tpu.memory_space<hbm>> -> memref<80x64xf32, #tpu.memory_space<hbm>>
          %dma_start3A_56 = arith.constant 0 : i32
          %dma_start3A_57 = tpu.memref_slice %arg4[%add3A_54, %dma_start3A_56] : memref<25600x64xf32, #tpu.memory_space<hbm>> -> memref<80x64xf32, #tpu.memory_space<hbm>>
          tpu.enqueue_dma source(%arg7 : memref<80x64xf32, #tpu.memory_space<vmem>>) target(%dma_start3A_57 : memref<80x64xf32, #tpu.memory_space<hbm>>) target_semaphore(%run_scoped3A : memref<!tpu.dma_semaphore, #tpu.memory_space<semaphore_mem>>)
          %dma_wait3A = arith.constant 0 : i32
          %dma_wait3A_58 = tpu.memref_slice %arg4[%add3A_54, %dma_wait3A] : memref<25600x64xf32, #tpu.memory_space<hbm>> -> memref<80x64xf32, #tpu.memory_space<hbm>>
          %dma_wait3A_59 = arith.constant 0 : i32
          %dma_wait3A_60 = tpu.memref_slice %arg4[%add3A_54, %dma_wait3A_59] : memref<25600x64xf32, #tpu.memory_space<hbm>> -> memref<80x64xf32, #tpu.memory_space<hbm>>
          tpu.wait_dma2 semaphore(%run_scoped3A : memref<!tpu.dma_semaphore, #tpu.memory_space<semaphore_mem>>) src(%arg7 : memref<80x64xf32, #tpu.memory_space<vmem>>) dst(%dma_wait3A_60 : memref<80x64xf32, #tpu.memory_space<hbm>>)
          tpu.yield
        }) : () -> ()
      } else {
      }
    }
    %scan3A_13 = arith.constant 5 : i32
    return
  }
}

module attributes {stable_mosaic.version = 14 : i64} {
  func.func @_lstm_first(%arg0: memref<25x1024x64xf32, #tpu.memory_space<vmem>>, %arg1: memref<64x512xf32, #tpu.memory_space<vmem>>, %arg2: memref<128x512xf32, #tpu.memory_space<vmem>>, %arg3: memref<1x512xf32, #tpu.memory_space<vmem>>, %arg4: memref<1x512xf32, #tpu.memory_space<vmem>>, %arg5: memref<1024x128xf32, #tpu.memory_space<vmem>>, %arg6: memref<1024x128xf32, #tpu.memory_space<vmem>>) attributes {dimension_semantics = [], scalar_prefetch = 0 : i64, scratch_operands = 0 : i64, tpu.core_type = #tpu.core_type<tc>} {
    %get3A = arith.constant 0 : index
    %get3A_0 = arith.constant 0 : index
    %get3A_1 = vector.load %arg1[%get3A, %get3A_0] : memref<64x512xf32, #tpu.memory_space<vmem>>, vector<64x512xf32>
    %convert_element_type3A = arith.truncf %get3A_1 : vector<64x512xf32> to vector<64x512xbf16>
    %get3A_2 = arith.constant 0 : index
    %get3A_3 = arith.constant 0 : index
    %get3A_4 = vector.load %arg2[%get3A_2, %get3A_3] : memref<128x512xf32, #tpu.memory_space<vmem>>, vector<128x512xf32>
    %convert_element_type3A_5 = arith.truncf %get3A_4 : vector<128x512xf32> to vector<128x512xbf16>
    %get3A_6 = arith.constant 0 : index
    %get3A_7 = arith.constant 0 : index
    %get3A_8 = vector.load %arg3[%get3A_6, %get3A_7] : memref<1x512xf32, #tpu.memory_space<vmem>>, vector<1x512xf32>
    %get3A_9 = arith.constant 0 : index
    %get3A_10 = arith.constant 0 : index
    %get3A_11 = vector.load %arg4[%get3A_9, %get3A_10] : memref<1x512xf32, #tpu.memory_space<vmem>>, vector<1x512xf32>
    %add3A = arith.addf %get3A_8, %get3A_11 : vector<1x512xf32>
    %broadcast_in_dim3A = arith.constant 0.000000e+00 : f32
    %broadcast_in_dim3A_12 = vector.broadcast %broadcast_in_dim3A : f32 to vector<1024x128xf32>
    %broadcast_in_dim3A_13 = arith.constant 0.000000e+00 : f32
    %broadcast_in_dim3A_14 = vector.broadcast %broadcast_in_dim3A_13 : f32 to vector<1024x128xf32>
    %scan3A = arith.constant 0 : i32
    %scan3A_15 = arith.constant 25 : i32
    %scan3A_16 = arith.addi %scan3A, %scan3A_15 : i32
    %scan3A_17 = arith.constant 1 : i32
    %scan3A_18:2 = scf.for %scan3A_25 = %scan3A to %scan3A_16 step %scan3A_17 iter_args(%scan3A_26 = %broadcast_in_dim3A_12, %scan3A_27 = %broadcast_in_dim3A_14) -> (vector<1024x128xf32>, vector<1024x128xf32>)  : i32 {
      %get3A_28 = arith.index_cast %scan3A_25 : i32 to index
      %get3A_29 = arith.constant 0 : index
      %get3A_30 = arith.constant 0 : index
      %get3A_31 = vector.load %arg0[%get3A_28, %get3A_29, %get3A_30] : memref<25x1024x64xf32, #tpu.memory_space<vmem>>, vector<1x1024x64xf32>
      %get3A_32 = vector.shape_cast %get3A_31 : vector<1x1024x64xf32> to vector<1024x64xf32>
      %convert_element_type3A_33 = arith.truncf %get3A_32 : vector<1024x64xf32> to vector<1024x64xbf16>
      %dot_general3A = arith.constant dense<0.000000e+00> : vector<1024x512xf32>
      %dot_general3A_34 = tpu.matmul %convert_element_type3A_33, %convert_element_type3A, %dot_general3A {dimension_numbers = #tpu.dot_dimension_numbers<[1], [0], [0], [1], [0, 0, 1, 1], [], []>, transpose_lhs_hint = false} : vector<1024x64xbf16>, vector<64x512xbf16>, vector<1024x512xf32> -> vector<1024x512xf32>
      %convert_element_type3A_35 = arith.truncf %scan3A_26 : vector<1024x128xf32> to vector<1024x128xbf16>
      %dot_general3A_36 = arith.constant dense<0.000000e+00> : vector<1024x512xf32>
      %dot_general3A_37 = tpu.matmul %convert_element_type3A_35, %convert_element_type3A_5, %dot_general3A_36 {dimension_numbers = #tpu.dot_dimension_numbers<[1], [0], [0], [1], [0, 0, 1, 1], [], []>, transpose_lhs_hint = false} : vector<1024x128xbf16>, vector<128x512xbf16>, vector<1024x512xf32> -> vector<1024x512xf32>
      %add3A_38 = arith.addf %dot_general3A_34, %dot_general3A_37 : vector<1024x512xf32>
      %add3A_39 = vector.broadcast %add3A : vector<1x512xf32> to vector<1024x512xf32>
      %add3A_40 = arith.addf %add3A_38, %add3A_39 : vector<1024x512xf32>
      %slice3A = vector.extract_strided_slice %add3A_40 {offsets = [0, 0], sizes = [1024, 128], strides = [1, 1]} : vector<1024x512xf32> to vector<1024x128xf32>
      %mul3A = arith.constant 5.000000e-01 : f32
      %mul3A_41 = vector.broadcast %mul3A : f32 to vector<1024x128xf32>
      %mul3A_42 = arith.mulf %mul3A_41, %slice3A : vector<1024x128xf32>
      %tanh3A = math.tanh %mul3A_42 : vector<1024x128xf32>
      %mul3A_43 = arith.constant 5.000000e-01 : f32
      %mul3A_44 = vector.broadcast %mul3A_43 : f32 to vector<1024x128xf32>
      %mul3A_45 = arith.mulf %mul3A_44, %tanh3A : vector<1024x128xf32>
      %add3A_46 = arith.constant 5.000000e-01 : f32
      %add3A_47 = vector.broadcast %add3A_46 : f32 to vector<1024x128xf32>
      %add3A_48 = arith.addf %mul3A_45, %add3A_47 : vector<1024x128xf32>
      %slice3A_49 = vector.extract_strided_slice %add3A_40 {offsets = [0, 128], sizes = [1024, 128], strides = [1, 1]} : vector<1024x512xf32> to vector<1024x128xf32>
      %mul3A_50 = arith.constant 5.000000e-01 : f32
      %mul3A_51 = vector.broadcast %mul3A_50 : f32 to vector<1024x128xf32>
      %mul3A_52 = arith.mulf %mul3A_51, %slice3A_49 : vector<1024x128xf32>
      %tanh3A_53 = math.tanh %mul3A_52 : vector<1024x128xf32>
      %mul3A_54 = arith.constant 5.000000e-01 : f32
      %mul3A_55 = vector.broadcast %mul3A_54 : f32 to vector<1024x128xf32>
      %mul3A_56 = arith.mulf %mul3A_55, %tanh3A_53 : vector<1024x128xf32>
      %add3A_57 = arith.constant 5.000000e-01 : f32
      %add3A_58 = vector.broadcast %add3A_57 : f32 to vector<1024x128xf32>
      %add3A_59 = arith.addf %mul3A_56, %add3A_58 : vector<1024x128xf32>
      %slice3A_60 = vector.extract_strided_slice %add3A_40 {offsets = [0, 256], sizes = [1024, 128], strides = [1, 1]} : vector<1024x512xf32> to vector<1024x128xf32>
      %tanh3A_61 = math.tanh %slice3A_60 : vector<1024x128xf32>
      %slice3A_62 = vector.extract_strided_slice %add3A_40 {offsets = [0, 384], sizes = [1024, 128], strides = [1, 1]} : vector<1024x512xf32> to vector<1024x128xf32>
      %mul3A_63 = arith.constant 5.000000e-01 : f32
      %mul3A_64 = vector.broadcast %mul3A_63 : f32 to vector<1024x128xf32>
      %mul3A_65 = arith.mulf %mul3A_64, %slice3A_62 : vector<1024x128xf32>
      %tanh3A_66 = math.tanh %mul3A_65 : vector<1024x128xf32>
      %mul3A_67 = arith.constant 5.000000e-01 : f32
      %mul3A_68 = vector.broadcast %mul3A_67 : f32 to vector<1024x128xf32>
      %mul3A_69 = arith.mulf %mul3A_68, %tanh3A_66 : vector<1024x128xf32>
      %add3A_70 = arith.constant 5.000000e-01 : f32
      %add3A_71 = vector.broadcast %add3A_70 : f32 to vector<1024x128xf32>
      %add3A_72 = arith.addf %mul3A_69, %add3A_71 : vector<1024x128xf32>
      %mul3A_73 = arith.mulf %add3A_59, %scan3A_27 : vector<1024x128xf32>
      %mul3A_74 = arith.mulf %add3A_48, %tanh3A_61 : vector<1024x128xf32>
      %add3A_75 = arith.addf %mul3A_73, %mul3A_74 : vector<1024x128xf32>
      %tanh3A_76 = math.tanh %add3A_75 : vector<1024x128xf32>
      %mul3A_77 = arith.mulf %add3A_72, %tanh3A_76 : vector<1024x128xf32>
      scf.yield %mul3A_77, %add3A_75 : vector<1024x128xf32>, vector<1024x128xf32>
    }
    %scan3A_19 = arith.constant 25 : i32
    %swap3A = arith.constant 0 : index
    %swap3A_20 = arith.constant 0 : index
    %swap3A_21 = vector.load %arg5[%swap3A, %swap3A_20] : memref<1024x128xf32, #tpu.memory_space<vmem>>, vector<1024x128xf32>
    tpu.vector_store %arg5[%swap3A, %swap3A_20], %scan3A_18#0 {strides = array<i32>} : memref<1024x128xf32, #tpu.memory_space<vmem>>, vector<1024x128xf32>,
    %swap3A_22 = arith.constant 0 : index
    %swap3A_23 = arith.constant 0 : index
    %swap3A_24 = vector.load %arg6[%swap3A_22, %swap3A_23] : memref<1024x128xf32, #tpu.memory_space<vmem>>, vector<1024x128xf32>
    tpu.vector_store %arg6[%swap3A_22, %swap3A_23], %scan3A_18#1 {strides = array<i32>} : memref<1024x128xf32, #tpu.memory_space<vmem>>, vector<1024x128xf32>,
    return
  }
}

module attributes {stable_mosaic.version = 14 : i64} {
  func.func @_lstm_second(%arg0: memref<25x1024x64xf32, #tpu.memory_space<vmem>>, %arg1: memref<1024x128xf32, #tpu.memory_space<vmem>>, %arg2: memref<1024x128xf32, #tpu.memory_space<vmem>>, %arg3: memref<64x512xf32, #tpu.memory_space<vmem>>, %arg4: memref<128x512xf32, #tpu.memory_space<vmem>>, %arg5: memref<1x512xf32, #tpu.memory_space<vmem>>, %arg6: memref<1x512xf32, #tpu.memory_space<vmem>>, %arg7: memref<128x128xf32, #tpu.memory_space<vmem>>, %arg8: memref<1x128xf32, #tpu.memory_space<vmem>>, %arg9: memref<1024x128xf32, #tpu.memory_space<vmem>>) attributes {dimension_semantics = [], scalar_prefetch = 0 : i64, scratch_operands = 0 : i64, tpu.core_type = #tpu.core_type<tc>} {
    %get3A = arith.constant 0 : index
    %get3A_0 = arith.constant 0 : index
    %get3A_1 = vector.load %arg3[%get3A, %get3A_0] : memref<64x512xf32, #tpu.memory_space<vmem>>, vector<64x512xf32>
    %convert_element_type3A = arith.truncf %get3A_1 : vector<64x512xf32> to vector<64x512xbf16>
    %get3A_2 = arith.constant 0 : index
    %get3A_3 = arith.constant 0 : index
    %get3A_4 = vector.load %arg4[%get3A_2, %get3A_3] : memref<128x512xf32, #tpu.memory_space<vmem>>, vector<128x512xf32>
    %convert_element_type3A_5 = arith.truncf %get3A_4 : vector<128x512xf32> to vector<128x512xbf16>
    %get3A_6 = arith.constant 0 : index
    %get3A_7 = arith.constant 0 : index
    %get3A_8 = vector.load %arg5[%get3A_6, %get3A_7] : memref<1x512xf32, #tpu.memory_space<vmem>>, vector<1x512xf32>
    %get3A_9 = arith.constant 0 : index
    %get3A_10 = arith.constant 0 : index
    %get3A_11 = vector.load %arg6[%get3A_9, %get3A_10] : memref<1x512xf32, #tpu.memory_space<vmem>>, vector<1x512xf32>
    %add3A = arith.addf %get3A_8, %get3A_11 : vector<1x512xf32>
    %get3A_12 = arith.constant 0 : index
    %get3A_13 = arith.constant 0 : index
    %get3A_14 = vector.load %arg1[%get3A_12, %get3A_13] : memref<1024x128xf32, #tpu.memory_space<vmem>>, vector<1024x128xf32>
    %get3A_15 = arith.constant 0 : index
    %get3A_16 = arith.constant 0 : index
    %get3A_17 = vector.load %arg2[%get3A_15, %get3A_16] : memref<1024x128xf32, #tpu.memory_space<vmem>>, vector<1024x128xf32>
    %scan3A = arith.constant 0 : i32
    %scan3A_18 = arith.constant 25 : i32
    %scan3A_19 = arith.addi %scan3A, %scan3A_18 : i32
    %scan3A_20 = arith.constant 1 : i32
    %scan3A_21:2 = scf.for %scan3A_34 = %scan3A to %scan3A_19 step %scan3A_20 iter_args(%scan3A_35 = %get3A_14, %scan3A_36 = %get3A_17) -> (vector<1024x128xf32>, vector<1024x128xf32>)  : i32 {
      %get3A_37 = arith.index_cast %scan3A_34 : i32 to index
      %get3A_38 = arith.constant 0 : index
      %get3A_39 = arith.constant 0 : index
      %get3A_40 = vector.load %arg0[%get3A_37, %get3A_38, %get3A_39] : memref<25x1024x64xf32, #tpu.memory_space<vmem>>, vector<1x1024x64xf32>
      %get3A_41 = vector.shape_cast %get3A_40 : vector<1x1024x64xf32> to vector<1024x64xf32>
      %convert_element_type3A_42 = arith.truncf %get3A_41 : vector<1024x64xf32> to vector<1024x64xbf16>
      %dot_general3A_43 = arith.constant dense<0.000000e+00> : vector<1024x512xf32>
      %dot_general3A_44 = tpu.matmul %convert_element_type3A_42, %convert_element_type3A, %dot_general3A_43 {dimension_numbers = #tpu.dot_dimension_numbers<[1], [0], [0], [1], [0, 0, 1, 1], [], []>, transpose_lhs_hint = false} : vector<1024x64xbf16>, vector<64x512xbf16>, vector<1024x512xf32> -> vector<1024x512xf32>
      %convert_element_type3A_45 = arith.truncf %scan3A_35 : vector<1024x128xf32> to vector<1024x128xbf16>
      %dot_general3A_46 = arith.constant dense<0.000000e+00> : vector<1024x512xf32>
      %dot_general3A_47 = tpu.matmul %convert_element_type3A_45, %convert_element_type3A_5, %dot_general3A_46 {dimension_numbers = #tpu.dot_dimension_numbers<[1], [0], [0], [1], [0, 0, 1, 1], [], []>, transpose_lhs_hint = false} : vector<1024x128xbf16>, vector<128x512xbf16>, vector<1024x512xf32> -> vector<1024x512xf32>
      %add3A_48 = arith.addf %dot_general3A_44, %dot_general3A_47 : vector<1024x512xf32>
      %add3A_49 = vector.broadcast %add3A : vector<1x512xf32> to vector<1024x512xf32>
      %add3A_50 = arith.addf %add3A_48, %add3A_49 : vector<1024x512xf32>
      %slice3A = vector.extract_strided_slice %add3A_50 {offsets = [0, 0], sizes = [1024, 128], strides = [1, 1]} : vector<1024x512xf32> to vector<1024x128xf32>
      %mul3A = arith.constant 5.000000e-01 : f32
      %mul3A_51 = vector.broadcast %mul3A : f32 to vector<1024x128xf32>
      %mul3A_52 = arith.mulf %mul3A_51, %slice3A : vector<1024x128xf32>
      %tanh3A = math.tanh %mul3A_52 : vector<1024x128xf32>
      %mul3A_53 = arith.constant 5.000000e-01 : f32
      %mul3A_54 = vector.broadcast %mul3A_53 : f32 to vector<1024x128xf32>
      %mul3A_55 = arith.mulf %mul3A_54, %tanh3A : vector<1024x128xf32>
      %add3A_56 = arith.constant 5.000000e-01 : f32
      %add3A_57 = vector.broadcast %add3A_56 : f32 to vector<1024x128xf32>
      %add3A_58 = arith.addf %mul3A_55, %add3A_57 : vector<1024x128xf32>
      %slice3A_59 = vector.extract_strided_slice %add3A_50 {offsets = [0, 128], sizes = [1024, 128], strides = [1, 1]} : vector<1024x512xf32> to vector<1024x128xf32>
      %mul3A_60 = arith.constant 5.000000e-01 : f32
      %mul3A_61 = vector.broadcast %mul3A_60 : f32 to vector<1024x128xf32>
      %mul3A_62 = arith.mulf %mul3A_61, %slice3A_59 : vector<1024x128xf32>
      %tanh3A_63 = math.tanh %mul3A_62 : vector<1024x128xf32>
      %mul3A_64 = arith.constant 5.000000e-01 : f32
      %mul3A_65 = vector.broadcast %mul3A_64 : f32 to vector<1024x128xf32>
      %mul3A_66 = arith.mulf %mul3A_65, %tanh3A_63 : vector<1024x128xf32>
      %add3A_67 = arith.constant 5.000000e-01 : f32
      %add3A_68 = vector.broadcast %add3A_67 : f32 to vector<1024x128xf32>
      %add3A_69 = arith.addf %mul3A_66, %add3A_68 : vector<1024x128xf32>
      %slice3A_70 = vector.extract_strided_slice %add3A_50 {offsets = [0, 256], sizes = [1024, 128], strides = [1, 1]} : vector<1024x512xf32> to vector<1024x128xf32>
      %tanh3A_71 = math.tanh %slice3A_70 : vector<1024x128xf32>
      %slice3A_72 = vector.extract_strided_slice %add3A_50 {offsets = [0, 384], sizes = [1024, 128], strides = [1, 1]} : vector<1024x512xf32> to vector<1024x128xf32>
      %mul3A_73 = arith.constant 5.000000e-01 : f32
      %mul3A_74 = vector.broadcast %mul3A_73 : f32 to vector<1024x128xf32>
      %mul3A_75 = arith.mulf %mul3A_74, %slice3A_72 : vector<1024x128xf32>
      %tanh3A_76 = math.tanh %mul3A_75 : vector<1024x128xf32>
      %mul3A_77 = arith.constant 5.000000e-01 : f32
      %mul3A_78 = vector.broadcast %mul3A_77 : f32 to vector<1024x128xf32>
      %mul3A_79 = arith.mulf %mul3A_78, %tanh3A_76 : vector<1024x128xf32>
      %add3A_80 = arith.constant 5.000000e-01 : f32
      %add3A_81 = vector.broadcast %add3A_80 : f32 to vector<1024x128xf32>
      %add3A_82 = arith.addf %mul3A_79, %add3A_81 : vector<1024x128xf32>
      %mul3A_83 = arith.mulf %add3A_69, %scan3A_36 : vector<1024x128xf32>
      %mul3A_84 = arith.mulf %add3A_58, %tanh3A_71 : vector<1024x128xf32>
      %add3A_85 = arith.addf %mul3A_83, %mul3A_84 : vector<1024x128xf32>
      %tanh3A_86 = math.tanh %add3A_85 : vector<1024x128xf32>
      %mul3A_87 = arith.mulf %add3A_82, %tanh3A_86 : vector<1024x128xf32>
      scf.yield %mul3A_87, %add3A_85 : vector<1024x128xf32>, vector<1024x128xf32>
    }
    %scan3A_22 = arith.constant 25 : i32
    %get3A_23 = arith.constant 0 : index
    %get3A_24 = arith.constant 0 : index
    %get3A_25 = vector.load %arg7[%get3A_23, %get3A_24] : memref<128x128xf32, #tpu.memory_space<vmem>>, vector<128x128xf32>
    %dot_general3A = arith.constant dense<0.000000e+00> : vector<1024x128xf32>
    %dot_general3A_26 = tpu.matmul %scan3A_21#0, %get3A_25, %dot_general3A {dimension_numbers = #tpu.dot_dimension_numbers<[1], [0], [0], [1], [0, 0, 1, 1], [], []>, transpose_lhs_hint = false} : vector<1024x128xf32>, vector<128x128xf32>, vector<1024x128xf32> -> vector<1024x128xf32>
    %get3A_27 = arith.constant 0 : index
    %get3A_28 = arith.constant 0 : index
    %get3A_29 = vector.load %arg8[%get3A_27, %get3A_28] : memref<1x128xf32, #tpu.memory_space<vmem>>, vector<1x128xf32>
    %add3A_30 = vector.broadcast %get3A_29 : vector<1x128xf32> to vector<1024x128xf32>
    %add3A_31 = arith.addf %dot_general3A_26, %add3A_30 : vector<1024x128xf32>
    %swap3A = arith.constant 0 : index
    %swap3A_32 = arith.constant 0 : index
    %swap3A_33 = vector.load %arg9[%swap3A, %swap3A_32] : memref<1024x128xf32, #tpu.memory_space<vmem>>, vector<1024x128xf32>
    tpu.vector_store %arg9[%swap3A, %swap3A_32], %add3A_31 {strides = array<i32>} : memref<1024x128xf32, #tpu.memory_space<vmem>>, vector<1024x128xf32>,
    return
  }
}

</mosaic_0001>

<sc_bundles>
// kernel: kernel.6.cloned.1.call-start
scs
__scs_entry_jumppad:
0x0: {  	(pc) =	sbr.rel $0x88, $3  }
0x1: {  	(tag) =	ssettag $0x0;
	lr =	simm.s32 $0x1  }
0x2: {  	[smem:$0x3F99] =	sst lr;
	_ =	strace $0xD0000000  }
0x3: {  	_ = 	snop  }
0x4: {  	_ = 	snop  }
0x5: {  	_ = 	snop  }
0x6: {  	_ = 	snop  }
0x7: {  	_ = 	snop  }
__scs_overlays_trampoline_lowered:
0x8: {  	[smem:$0x3FA8] =	sst s0  }
0x9: {  	[smem:$0x3FA9] =	sst s1  }
0xa: {  	[smem:$0x3FAA] =	sst s2  }
0xb: {  	[smem:$0x3FAB] =	sst s3  }
0xc: {  	[smem:$0x3FAC] =	sst s4  }
0xd: {  	[smem:$0x3FAD] =	sst s5  }
0xe: {  	[smem:$0x3FAE] =	sst s6  }
0xf: {  	[smem:$0x3FAF] =	sst s7  }
0x10: {  	[smem:$0x3FB0] =	sst s8  }
0x11: {  	[smem:$0x3FB1] =	sst s9;
	s0 =	simm.s32 @!p0 $0x0  }
0x12: {  	s1 =	sld [smem:$0x3F97];
	s0 =	simm.s32 @p0 $0x1  }
0x13: {  	[smem:$0x3FB2] =	sst s0;
	s0 =	simm.s32 @!p1 $0x0  }
0x14: {  	s2 =	sld [smem:$0x3F96];
	s0 =	simm.s32 @p1 $0x1  }
0x15: {  	[smem:$0x3FB3] =	sst s0;
	s0 =	simm.s32 @!p2 $0x0  }
0x16: {  	s3 =	sld [smem:$0x3FDB];
	s0 =	simm.s32 @p2 $0x1  }
0x17: {  	s4 =	simm.s32 $0x1BF5;
	[smem:$0x3FB5] =	sst s0  }
0x18: {  	s0 =	sld [smem:$0x3F98];
	_ =	swait.ge [sflag:s4], $0x0  }
0x19: {  	s7 =	sld [smem:$0x3F99]  }
0x1a: {  	s8 =	sadd.s32 $0xFFFFE003, lr  }
0x1b: {  	s9 =	sadd.s32 $0xFFFFFEF7, lr;
	s5 =	simm.s32 $0xFFFFFFFF;
	p2 =	slt.u32 s8, $0xFFFFF086  }
0x1c: {  	p1 =	slt.u32 s9, $0xF7A;
	s5 =	simm.s32 @!p2 $0x0  }
0x1d: {  	s5 =	simm.s32 @p1 $0x1;
	p0 =	seq.s32 s7, s2  }
0x1e: {  	s7 =	smul.u32 @!p0 $0xF7A, s2;
	p2 =	seq.s32 @!p0 s5, $0x0  }
0x1f: {  	s9 =	smul.u32 $0xF7A, s1;
	s8 =	simm.s32 @!p0 $0x1BF5;
	p2 =	por !p2, p0  }
0x20: {  	[sflag:s8] =	ssyncset.s32 @!p0 $0xFFFFF086;
	s6 =	sadd.s32 @!p0 s3, s7;
	s7 =	simm.s32 @!p0 $0x108  }
0x21: {  	s3 =	sadd.s32 s3, s9;
	s6 =	sadd.s32 @!p0 $0x88, s6;
	s7 =	simm.s32 @p2 $0x1082  }
0x22: {  	[simem:s7], [sflag:s8] =	dma.local @!p0 [hbm:s6], $0xF7A  }
0x23: {  	s9 =	sor.u32 $0xD0000000, s2;
	s6 =	simm.s32 $0x108;
	_ =	swait.ge @!p0 [sflag:s8], $0x0  }
0x24: {  	s3 =	sadd.s32 $0x88, s3;
	s6 =	simm.s32 @!p1 $0x1082;
	[sflag:s4] =	ssyncset.s32 $0xFFFFF086  }
0x25: {  	[simem:s6], [sflag:s4] =	dma.local [hbm:s3], $0xF7A  }
0x26: {  	[smem:$0x3F99] =	sst s1;
	(tag) =	ssettag s2;
	_ =	strace s9  }
0x27: {  	s1 =	sld [smem:$0x3FA9]  }
0x28: {  	s2 =	sld [smem:$0x3FAA]  }
0x29: {  	s4 =	sld [smem:$0x3FAC]  }
0x2a: {  	p0 =	seq.s32 s5, $0x0;
	s5 =	sld [smem:$0x3FAD]  }
0x2b: {  	s6 =	sld [smem:$0x3FAE]  }
0x2c: {  	s7 =	sld [smem:$0x3FAF]  }
0x2d: {  	s3 =	simm.s32 $0x108;
	s8 =	sld [smem:$0x3FB0]  }
0x2e: {  	s3 =	simm.s32 @!p0 $0x1082;
	s9 =	sld [smem:$0x3FB1]  }
0x2f: {  	lr =	sadd.s32 s0, s3;
	s0 =	sld [smem:$0x3FA8]  }
0x30: {  	s3 =	sld [smem:$0x3FAB]  }
0x31: {  	[smem:$0x3FB4] =	sst s10  }
0x32: {  	s10 =	sld [smem:$0x3FB2];
	_ =	sdelay $0x3  }
0x33: {  	p0 =	seq.s32 s10, $0x1;
	s10 =	sld [smem:$0x3FB4];
	_ =	sdelay $0x3  }
0x34: {  	[smem:$0x3FB4] =	sst s10  }
0x35: {  	s10 =	sld [smem:$0x3FB3];
	_ =	sdelay $0x3  }
0x36: {  	p1 =	seq.s32 s10, $0x1;
	s10 =	sld [smem:$0x3FB4];
	_ =	sdelay $0x3  }
0x37: {  	[smem:$0x3FB4] =	sst s10  }
0x38: {  	s10 =	sld [smem:$0x3FB5]  }
0x39: {  	_ = 	snop;
	(pc) =	sbr.ind lr, $3  }
0x3a: {  	_ = 	snop  }
0x3b: {  	_ = 	snop  }
0x3c: {  	p2 =	seq.s32 s10, $0x1;
	s10 =	sld [smem:$0x3FB4]  }
0x3d: {  	_ =	shalt  }
0x3e: {  	_ =	shalt  }
0x3f: {  	_ =	shalt  }
0x40: {  	_ =	shalt  }
0x41: {  	_ =	shalt  }
0x42: {  	_ =	shalt  }
0x43: {  	_ =	shalt  }
0x44: {  	_ =	shalt  }
0x45: {  	_ =	shalt  }
0x46: {  	_ =	shalt  }
0x47: {  	_ =	shalt  }
0x48: {  	_ =	shalt  }
0x49: {  	_ =	shalt  }
0x4a: {  	_ =	shalt  }
0x4b: {  	_ =	shalt  }
0x4c: {  	_ =	shalt  }
0x4d: {  	_ =	shalt  }
0x4e: {  	_ =	shalt  }
0x4f: {  	_ =	shalt  }
0x50: {  	_ =	shalt  }
0x51: {  	_ =	shalt  }
0x52: {  	_ =	shalt  }
0x53: {  	_ =	shalt  }
0x54: {  	_ =	shalt  }
0x55: {  	_ =	shalt  }
0x56: {  	_ =	shalt  }
0x57: {  	_ =	shalt  }
0x58: {  	_ =	shalt  }
0x59: {  	_ =	shalt  }
0x5a: {  	_ =	shalt  }
0x5b: {  	_ =	shalt  }
0x5c: {  	_ =	shalt  }
0x5d: {  	_ =	shalt  }
0x5e: {  	_ =	shalt  }
0x5f: {  	_ =	shalt  }
0x60: {  	_ =	shalt  }
0x61: {  	_ =	shalt  }
0x62: {  	_ =	shalt  }
0x63: {  	_ =	shalt  }
0x64: {  	_ =	shalt  }
0x65: {  	_ =	shalt  }
0x66: {  	_ =	shalt  }
0x67: {  	_ =	shalt  }
0x68: {  	_ =	shalt  }
0x69: {  	_ =	shalt  }
0x6a: {  	_ =	shalt  }
0x6b: {  	_ =	shalt  }
0x6c: {  	_ =	shalt  }
0x6d: {  	_ =	shalt  }
0x6e: {  	_ =	shalt  }
0x6f: {  	_ =	shalt  }
0x70: {  	_ =	shalt  }
0x71: {  	_ =	shalt  }
0x72: {  	_ =	shalt  }
0x73: {  	_ =	shalt  }
0x74: {  	_ =	shalt  }
0x75: {  	_ =	shalt  }
0x76: {  	_ =	shalt  }
0x77: {  	_ =	shalt  }
0x78: {  	_ =	shalt  }
0x79: {  	_ =	shalt  }
0x7a: {  	_ =	shalt  }
0x7b: {  	_ =	shalt  }
0x7c: {  	_ =	shalt  }
0x7d: {  	_ =	shalt  }
0x7e: {  	_ =	shalt  }
0x7f: {  	_ =	shalt  }
0x80: {  	_ =	shalt  }
0x81: {  	_ =	shalt  }
0x82: {  	_ =	shalt  }
0x83: {  	_ =	shalt  }
0x84: {  	_ =	shalt  }
0x85: {  	_ =	shalt  }
0x86: {  	_ =	shalt  }
0x87: {  	_ =	shalt  }
.Lfunc_end0:
.L_simem_size_0:
called_computation_lowered:
.L_overlay_start_0:
0x88: {  	s2 =	sld [smem:$0x3FD9]  }
0x89: {  	s3 =	sld [smem:$0x3FFE];
	_ =	sdelay $0x1  }
0x8a: {  	s1 =	srdreg.scid  }
0x8b: {  	s0 =	sand.u32 $0x1, s1  }
0x8c: {  	s16 =	sshll.u32 s0, $0xA;
	s2 =	sadd.s32 s3, s2  }
0x8d: {  	s2 =	sadd.s32 s2, s16  }
0x8e: {  	[smem:$0x3FC0] =	sst s2  }
0x8f: {  	_ = 	snop  }
0x90: {  	(tm) =	ssettm $0x1  }
0x91: {  	s17 =	sld [smem:$0x3FFB];
	_ =	sdelay $0x3  }
0x92: {  	_ =	strace s17  }
0x93: {  	s2 =	sld [smem:$0x3FFC];
	_ =	sdelay $0x3  }
0x94: {  	_ =	strace s2  }
0x95: {  	s2 =	sld [smem:$0x3FFD];
	_ =	sdelay $0x3  }
0x96: {  	_ =	strace s2  }
0x97: {  	_ =	strace $0x8FFFFFFF  }
0x98: {  	s18 =	sld [smem:$0x3FDB];
	_ =	sdelay $0x1  }
0x99: {  	s19 =	simm.s32 $_scs_section_size  }
0x9a: {  	s4 =	simm.s32 $_size__tile_overlayer_lowered;
	s5 =	simm.s32 $_tile_overlayer_lowered  }
0x9b: {  	s22 =	simm.s32 $0x1BFF;
	s21 =	sshll.u32 s5, $0x1;
	s2 =	sadd.s32 s19, s18  }
0x9c: {  	s6 =	simm.s32 $0x0;
	s20 =	sshll.u32 s4, $0x1;
	s4 =	sadd.s32 s21, s2  }
0x9d: {  	[timem:s6], [sflag:s22] =	dma.local [hbm:s4], s20  }
0x9e: {  	_ =	swait.ge [sflag:s22], s20  }
0x9f: {  	s3 =	ssub.s32 $0x0, s20;
	[sflag:s22] =	ssyncset.done $0x0  }
0xa0: {  	[sflag:s22] =	ssyncadd.s32 s3;
	_ =	sdelay $0x1  }
0xa1: {  	s23 =	simm.s32 $0x1B8B  }
0xa2: {  	_ =	swait.ge [sflag:s23], $0x1  }
0xa3: {  	[sflag:s23] =	ssyncset.done $0x0  }
0xa4: {  	s25 =	simm.s32 $0x1B8E;
	s24 =	sld [smem:$0x3FFE];
	[sflag:s23] =	ssyncadd.s32 $0xFFFFFFFF  }
0xa5: {  	s26 =	simm.s32 $execute0_lowered;
	[smem:$0x3FD2] =	sst s25  }
0xa6: {  	s4 =	sshll.u32 s26, $0x1;
	_ =	strace $0x80000046;
	[dreg:$0x1] =	wrdreg $0xFFFFFFFF  }
0xa7: {  	s28 =	simm.s32 $_size_execute0_lowered;
	s2 =	sadd.s32 s2, s4;
	[dreg:$0x0] =	wrdreg $0x0  }
0xa8: {  	s4 =	sshll.u32 s28, $0x1;
	[dreg:$0x2] =	wrdreg s2  }
0xa9: {  	[dreg:$0x3] =	wrdreg s4  }
0xaa: {  	[dreg:$0x4] =	wrdreg $0xC0  }
0xab: {  	_ =	task [dreg:s6], $0x5FFFF  }
0xac: {  	[dreg:$0x1] =	wrdreg $0xFFFFFFFF  }
0xad: {  	[dreg:$0x0] =	wrdreg $0x60  }
0xae: {  	[dreg:$0x2] =	wrdreg s24  }
0xaf: {  	[dreg:$0x3] =	wrdreg $0x9  }
0xb0: {  	_ =	task.clear_ibuf [dreg:s6], $0x4FFFF;
	_ =	strace $0x90000046  }
0xb1: {  	s29 =	simm.s32 $0x9;
	_ =	strace $0x80000048  }
0xb2: {  	_ =	swait.ge [sflag:s29], $0x1  }
0xb3: {  	[sflag:s29] =	ssyncadd.s32 $0xFFFFFFFF  }
0xb4: {  	_ =	strace $0x90000048  }
0xb5: {  	_ =	sfence  }
0xb6: {  	s30 =	sld [smem:$0x0];
	_ =	sdelay $0x2  }
0xb7: {  	s31 =	sshll.u32 s1, $0xD;
	s1 =	sshrl.u32 s1, $0x2  }
0xb8: {  	s3 =	sand.u32 $0x4000, s31;
	s1 =	sadd.s32 s1, s30  }
0xb9: {  	s0 =	sor.u32 s3, s0;
	s1 =	sshll.u32 s1, $0x11  }
0xba: {  	s0 =	sor.u32 s1, s0  }
0xbb: {  	s0 =	sadd.s32 $0x8F2B, s0  }
0xbc: {  	[sflag:s0] =	ssyncadd.remote.s32 $0x1  }
0xbd: {  	_ =	sfence.sel $0xFFFF  }
0xbe: {  	[dreg:$0x0] =	wrdreg $0xFFFFFFFF;
	(pc) =	sbr.abs _section_cstart, $3  }
0xbf: {  	[dreg:$0x1] =	wrdreg $0xFFFFFFFF  }
0xc0: {  	_ =	task.clear_ibuf [dreg:s6], $0x2FFFF;
	_ =	strace $0x9FFFFFFF  }
0xc1: {  	(tm) =	ssettm $0x7FFFFFFF  }
tec
execute0_lowered:
.L_overlay_start_1:
0x0: {  	(tag) =	ssettag $0x1  }
0x1: {  	s0 =	srdreg.scid  }
0x2: {  	s3 =	stileid.u32;
	s1 =	rddreg [dreg:$0x0]  }
0x3: {  	s10 =	simm.s32 $0x3;
	s0 =	sand.u32 $0x1, s0;
	s2 =	sshll.u32 s3, $0x1  }
0x4: {  	s11 =	simm.s32 $0x1;
	s3 =	sshrl.u32 s3, $0x2;
	s5 =	sor.u32 s0, s2  }
0x5: {  	s14 =	simm.s32 $0x2;
	s3 =	smul.u32 $0x1C00, s3;
	s4 =	sshll.u32 s5, $0x7  }
0x6: {  	s2 =	simm.s32 $0x0;
	s0 =	ssub.s32 $0x2, s0;
	s4 =	sand.u32 $0x380, s4  }
0x7: {  	[smem:$0x7FF] =	sst s2;
	s6 =	sshrl.u32 s0, $0x1;
	s4 =	sor.u32 s3, s4  }
0x8: {  	s5 =	smul.u32 $0x320, s5;
	s0 =	ssub.s32 s0, s6;
	s4 =	sshrl.u32 s4, $0x3  }
0x9: {  	_ =	strace $0x80000047;
	s0 =	smax.u32 s0, $0x1;
	s7 =	sadd.s32 s4, s1  }
0xa: {  	s3 =	sadd.s32 $0x1C00, s1;
	[dreg:$0x3] =	wrdreg s0;
	s31 =	sadd.s32 $0xF45000, s7  }
0xb: {  	s4 =	sadd.s32 $0xF45E00, s1;
	s1 =	simm.s32 $0x0;
	[dreg:$0x2] =	wrdreg s31  }
.LBB2_1:
0xc: {  	[dreg:$0x4] =	wrdreg s1  }
0xd: {  	s0 =	rddreg [dreg:$0x2];
	s31 =	simm.s32 $0x80;
	s6 =	simm.s32 $0x400  }
0xe: {  	[tilespmem:s2], [sflag:$0x3] =	stream.strided.gather [hbm4b:s0+s31], $0x380, s6, s31, $0x38;
	[tilespmem:$0x5380] =	vst v63  }
0xf: {  	_ =	swait.ge [sflag:s10], $0x380  }
0x10: {  	[sflag:s10] =	ssyncset.done $0x0  }
0x11: {  	[sflag:s10] =	ssyncadd.s32 $0xFFFFFC80  }
0x12: {  	v0 =	vld [tilespmem:s2+$0x0];
	_ =	sdelay $0x4  }
0x13: {  	v0 =	vshll.u32 v0, $0x4  }
0x14: {  	(v2sf) =	vpush v0, $0x0  }
0x15: {  	(v2sf) =	vpush v0, $0x1  }
0x16: {  	(v2sf) =	vpush v0, $0x2;
	_ =	sdelay $0x1  }
0x17: {  	(v2sf) =	vpush v0, $0x4;
	_ =	sdelay $0x1  }
0x18: {  	(v2sf) =	vpush v0, $0x3  }
0x19: {  	(v2sf) =	vpush v0, $0x5  }
0x1a: {  	s19 =	simm.s32 $0x2000;
	s18 =	simm.s32 $0x0;
	s20 =	simm.s32 $0x0;
	(v2sf) =	vpush v0, $0x6  }
.LBB2_2:
0x1b: {  	p0 =	sne.s32 s19, $0x8000  }
0x1c: {  	s0 =	sadd.s32 $0x400, s18;
	s24 =	sadd.s32 $0x900, s18;
	s21 =	smov.u32 s19  }
0x1d: {  	s19 =	sadd.s32 $0x2000, s19;
	s28 =	sadd.s32 $0x700, s18;
	s22 =	sadd.s32 $0x980, s18;
	(v2sf) =	vpush v0, $0x7  }
0x1e: {  	s1 =	sadd.s32 $0x600, s18;
	s25 =	sadd.s32 $0x780, s18;
	s23 =	sadd.s32 $0xA00, s18  }
0x1f: {  	s30 =	sadd.s32 $0x380, s18;
	s31 =	sadd.s32 $0x580, s18;
	(v2sf) =	vpush v0, $0x8  }
0x20: {  	s17 =	simm.s32 $0x0;
	s8 =	sadd.s32 $0x680, s18;
	s20 =	sadd.s32 $0x10, s20  }
0x21: {  	s9 =	sadd.s32 $0x480, s18;
	s26 =	sadd.s32 $0x880, s18;
	s29 =	spop (v2sf);
	(v2sf) =	vpush v0, $0x9  }
0x22: {  	s6 =	sand.u32 $0x1FFFFFF0, s29;
	s29 =	sadd.s32 $0x800, s18;
	s7 =	spop (v2sf)  }
0x23: {  	s6 =	sadd.s32 s3, s6;
	s7 =	sand.u32 $0x1FFFFFF0, s7;
	s16 =	spop (v2sf);
	(v2sf) =	vpush v0, $0xA  }
0x24: {  	[tilespmem:s30], [sflag:$0x1] =	stream.linear.gather [hbm4b:s6+s17], $0x80, $0x38;
	[tilespmem:$0x5380] =	vst v63  }
0x25: {  	s6 =	sadd.s32 s3, s7;
	s7 =	sadd.s32 $0x500, s18;
	s30 =	spop (v2sf);
	(v2sf) =	vpush v0, $0xB  }
0x26: {  	[tilespmem:s0], [sflag:$0x1] =	stream.linear.gather [hbm4b:s6+s17], $0x80, $0x38;
	[tilespmem:$0x5380] =	vst v63  }
0x27: {  	s0 =	sand.u32 $0x1FFFFFF0, s16;
	s6 =	sand.u32 $0x1FFFFFF0, s30;
	s16 =	spop (v2sf);
	(v2sf) =	vpush v0, $0xC  }
0x28: {  	s0 =	sadd.s32 s3, s0;
	s16 =	sand.u32 $0x1FFFFFF0, s16;
	s30 =	spop (v2sf)  }
0x29: {  	[tilespmem:s9], [sflag:$0x1] =	stream.linear.gather [hbm4b:s0+s17], $0x80, $0x38;
	(v2sf) =	vpush v0, $0xD;
	[tilespmem:$0x5380] =	vst v63  }
0x2a: {  	s0 =	sadd.s32 s3, s16;
	s9 =	sand.u32 $0x1FFFFFF0, s30;
	s16 =	spop (v2sf)  }
0x2b: {  	[tilespmem:s7], [sflag:$0x1] =	stream.linear.gather [hbm4b:s0+s17], $0x80, $0x38;
	(v2sf) =	vpush v0, $0xE;
	[tilespmem:$0x5380] =	vst v63  }
0x2c: {  	s0 =	sadd.s32 s3, s6;
	s6 =	sand.u32 $0x1FFFFFF0, s16;
	s7 =	spop (v2sf)  }
0x2d: {  	[tilespmem:s31], [sflag:$0x1] =	stream.linear.gather [hbm4b:s0+s17], $0x80, $0x38;
	(v2sf) =	vpush v0, $0xF;
	[tilespmem:$0x5380] =	vst v63  }
0x2e: {  	s0 =	sadd.s32 s3, s9;
	s7 =	sand.u32 $0x1FFFFFF0, s7;
	s9 =	spop (v2sf)  }
0x2f: {  	[tilespmem:s1], [sflag:$0x1] =	stream.linear.gather [hbm4b:s0+s17], $0x80, $0x38;
	[tilespmem:$0x5380] =	vst v63  }
0x30: {  	s0 =	sadd.s32 s3, s6;
	s1 =	sand.u32 $0x1FFFFFF0, s9;
	s6 =	spop (v2sf)  }
0x31: {  	[tilespmem:s8], [sflag:$0x1] =	stream.linear.gather [hbm4b:s0+s17], $0x80, $0x38;
	[tilespmem:$0x5380] =	vst v63  }
0x32: {  	s0 =	sadd.s32 s3, s7;
	s6 =	sand.u32 $0x1FFFFFF0, s6;
	s7 =	spop (v2sf)  }
0x33: {  	[tilespmem:s28], [sflag:$0x1] =	stream.linear.gather [hbm4b:s0+s17], $0x80, $0x38;
	[tilespmem:$0x5380] =	vst v63  }
0x34: {  	s0 =	sadd.s32 s3, s1;
	s1 =	sand.u32 $0x1FFFFFF0, s7;
	s7 =	spop (v2sf)  }
0x35: {  	[tilespmem:s25], [sflag:$0x1] =	stream.linear.gather [hbm4b:s0+s17], $0x80, $0x38;
	[tilespmem:$0x5380] =	vst v63  }
0x36: {  	s0 =	sadd.s32 s3, s6;
	s6 =	sand.u32 $0x1FFFFFF0, s7;
	s7 =	spop (v2sf)  }
0x37: {  	[tilespmem:s29], [sflag:$0x1] =	stream.linear.gather [hbm4b:s0+s17], $0x80, $0x38;
	[tilespmem:$0x5380] =	vst v63  }
0x38: {  	s0 =	sadd.s32 s3, s1;
	s1 =	sand.u32 $0x1FFFFFF0, s7;
	s7 =	spop (v2sf)  }
0x39: {  	[tilespmem:s26], [sflag:$0x1] =	stream.linear.gather [hbm4b:s0+s17], $0x80, $0x38;
	[tilespmem:$0x5380] =	vst v63  }
0x3a: {  	s0 =	sadd.s32 s3, s6;
	s6 =	sand.u32 $0x1FFFFFF0, s7;
	s7 =	spop (v2sf)  }
0x3b: {  	[tilespmem:s24], [sflag:$0x1] =	stream.linear.gather [hbm4b:s0+s17], $0x80, $0x38;
	[tilespmem:$0x5380] =	vst v63  }
0x3c: {  	s0 =	sadd.s32 s3, s1;
	s1 =	sand.u32 $0x1FFFFFF0, s7;
	s7 =	spop (v2sf)  }
0x3d: {  	[tilespmem:s22], [sflag:$0x1] =	stream.linear.gather [hbm4b:s0+s17], $0x80, $0x38;
	[tilespmem:$0x5380] =	vst v63  }
0x3e: {  	s0 =	sadd.s32 s3, s6;
	s6 =	sand.u32 $0x1FFFFFF0, s7  }
0x3f: {  	[tilespmem:s23], [sflag:$0x1] =	stream.linear.gather [hbm4b:s0+s17], $0x80, $0x38;
	[tilespmem:$0x5380] =	vst v63  }
0x40: {  	s1 =	sadd.s32 s3, s1;
	s0 =	sadd.s32 $0xA80, s18  }
0x41: {  	[tilespmem:s0], [sflag:$0x1] =	stream.linear.gather [hbm4b:s1+s17], $0x80, $0x38;
	[tilespmem:$0x5380] =	vst v63  }
0x42: {  	s0 =	sadd.s32 $0xB00, s18;
	s1 =	sadd.s32 s3, s6  }
0x43: {  	[tilespmem:s0], [sflag:$0x1] =	stream.linear.gather [hbm4b:s1+s17], $0x80, $0x38;
	[tilespmem:$0x5380] =	vst v63  }
0x44: {  	v0 =	vld [tilespmem:s20+$0x0];
	_ =	sdelay $0x4  }
0x45: {  	v0 =	vshll.u32 v0, $0x4  }
0x46: {  	(v2sf) =	vpush v0, $0x0  }
0x47: {  	(v2sf) =	vpush v0, $0x1  }
0x48: {  	(v2sf) =	vpush v0, $0x2;
	_ =	sdelay $0x1  }
0x49: {  	(v2sf) =	vpush v0, $0x4  }
.Ltmp0:
0x4a: {  	(pc) =	sbr.rel @p0 .LBB2_2-.Ltmp0, $3  }
0x4b: {  	(v2sf) =	vpush v0, $0x3  }
0x4c: {  	(v2sf) =	vpush v0, $0x5;
	_ =	sdelay $0x1  }
0x4d: {  	s18 =	sshra.s32 s21, $0x2;
	(v2sf) =	vpush v0, $0x6  }
0x4e: {  	_ =	sdelay $0x1  }
0x4f: {  	(v2sf) =	vpush v0, $0x7  }
0x50: {  	s0 =	sadd.s32 $0x400, s18;
	s21 =	sadd.s32 $0x900, s18;
	s1 =	sadd.s32 $0x700, s18  }
0x51: {  	s19 =	sadd.s32 $0x980, s18;
	s6 =	sadd.s32 $0x600, s18;
	s7 =	sadd.s32 $0x780, s18;
	(v2sf) =	vpush v0, $0x8  }
0x52: {  	s20 =	sadd.s32 $0xA00, s18;
	s8 =	sadd.s32 $0x380, s18;
	s22 =	spop (v2sf)  }
0x53: {  	s9 =	sadd.s32 $0x580, s18;
	s22 =	sand.u32 $0x1FFFFFF0, s22;
	s24 =	spop (v2sf)  }
0x54: {  	s22 =	sadd.s32 s3, s22;
	s24 =	sand.u32 $0x1FFFFFF0, s24;
	s25 =	spop (v2sf)  }
0x55: {  	(v2sf) =	vpush v0, $0x9;
	[tilespmem:s8], [sflag:$0x1] =	stream.linear.gather [hbm4b:s22+s17], $0x80, $0x38;
	[tilespmem:$0x5380] =	vst v63  }
0x56: {  	s16 =	sadd.s32 $0x680, s18;
	s26 =	sadd.s32 s3, s24;
	s28 =	spop (v2sf)  }
0x57: {  	(v2sf) =	vpush v0, $0xA;
	[tilespmem:s0], [sflag:$0x1] =	stream.linear.gather [hbm4b:s26+s17], $0x80, $0x38;
	[tilespmem:$0x5380] =	vst v63  }
0x58: {  	s23 =	sadd.s32 $0x480, s18;
	s29 =	sand.u32 $0x1FFFFFF0, s25;
	s30 =	spop (v2sf)  }
0x59: {  	s8 =	sadd.s32 $0x880, s18;
	(v2sf) =	vpush v0, $0xB;
	s22 =	sadd.s32 s3, s29;
	s25 =	sand.u32 $0x1FFFFFF0, s30  }
0x5a: {  	[tilespmem:s23], [sflag:$0x1] =	stream.linear.gather [hbm4b:s22+s17], $0x80, $0x38;
	[tilespmem:$0x5380] =	vst v63  }
0x5b: {  	s26 =	sadd.s32 $0x500, s18;
	(v2sf) =	vpush v0, $0xC;
	s12 =	spop (v2sf);
	s13 =	sadd.s32 s3, s25  }
0x5c: {  	[tilespmem:s26], [sflag:$0x1] =	stream.linear.gather [hbm4b:s13+s17], $0x80, $0x38;
	[tilespmem:$0x5380] =	vst v63  }
0x5d: {  	s0 =	sadd.s32 $0x800, s18;
	s31 =	sand.u32 $0x1FFFFFF0, s28;
	(v2sf) =	vpush v0, $0xD;
	s15 =	spop (v2sf)  }
0x5e: {  	s22 =	sadd.s32 s3, s31;
	s23 =	sand.u32 $0x1FFFFFF0, s12;
	s26 =	spop (v2sf)  }
0x5f: {  	(v2sf) =	vpush v0, $0xE;
	[tilespmem:s9], [sflag:$0x1] =	stream.linear.gather [hbm4b:s22+s17], $0x80, $0x38;
	[tilespmem:$0x5380] =	vst v63  }
0x60: {  	s23 =	sadd.s32 s3, s23;
	s25 =	sand.u32 $0x1FFFFFF0, s15;
	s29 =	spop (v2sf)  }
0x61: {  	(v2sf) =	vpush v0, $0xF;
	[tilespmem:s6], [sflag:$0x1] =	stream.linear.gather [hbm4b:s23+s17], $0x80, $0x38;
	[tilespmem:$0x5380] =	vst v63  }
0x62: {  	s28 =	sand.u32 $0x1FFFFFF0, s26;
	s9 =	sadd.s32 s3, s25;
	s30 =	sand.u32 $0x1FFFFFF0, s29  }
0x63: {  	[tilespmem:s16], [sflag:$0x1] =	stream.linear.gather [hbm4b:s9+s17], $0x80, $0x38;
	[tilespmem:$0x5380] =	vst v63  }
0x64: {  	s6 =	sadd.s32 s3, s28;
	s9 =	sadd.s32 s3, s30;
	s31 =	spop (v2sf)  }
0x65: {  	[tilespmem:s1], [sflag:$0x1] =	stream.linear.gather [hbm4b:s6+s17], $0x80, $0x38;
	[tilespmem:$0x5380] =	vst v63  }
0x66: {  	s30 =	sadd.s32 $0xA80, s18;
	s12 =	sand.u32 $0x1FFFFFF0, s31;
	s13 =	spop (v2sf)  }
0x67: {  	[tilespmem:s7], [sflag:$0x1] =	stream.linear.gather [hbm4b:s9+s17], $0x80, $0x38;
	[tilespmem:$0x5380] =	vst v63  }
0x68: {  	s6 =	sand.u32 $0x1FFFFFF0, s13;
	s1 =	sadd.s32 s3, s12;
	s15 =	spop (v2sf)  }
0x69: {  	[tilespmem:s0], [sflag:$0x1] =	stream.linear.gather [hbm4b:s1+s17], $0x80, $0x38;
	[tilespmem:$0x5380] =	vst v63  }
0x6a: {  	s6 =	sadd.s32 s3, s6;
	s16 =	sand.u32 $0x1FFFFFF0, s15;
	s22 =	spop (v2sf)  }
0x6b: {  	[tilespmem:s8], [sflag:$0x1] =	stream.linear.gather [hbm4b:s6+s17], $0x80, $0x38;
	[tilespmem:$0x5380] =	vst v63  }
0x6c: {  	s0 =	sadd.s32 s3, s16;
	s1 =	sand.u32 $0x1FFFFFF0, s22;
	s23 =	spop (v2sf)  }
0x6d: {  	[tilespmem:s21], [sflag:$0x1] =	stream.linear.gather [hbm4b:s0+s17], $0x80, $0x38;
	[tilespmem:$0x5380] =	vst v63  }
0x6e: {  	s24 =	sand.u32 $0x1FFFFFF0, s23;
	s1 =	sadd.s32 s3, s1;
	s25 =	spop (v2sf)  }
0x6f: {  	[tilespmem:s19], [sflag:$0x1] =	stream.linear.gather [hbm4b:s1+s17], $0x80, $0x38;
	[tilespmem:$0x5380] =	vst v63  }
0x70: {  	s26 =	sand.u32 $0x1FFFFFF0, s25;
	s28 =	spop (v2sf);
	s0 =	sadd.s32 s3, s24  }
0x71: {  	[tilespmem:s20], [sflag:$0x1] =	stream.linear.gather [hbm4b:s0+s17], $0x80, $0x38;
	[tilespmem:$0x5380] =	vst v63  }
0x72: {  	s31 =	sadd.s32 $0xB00, s18;
	s29 =	sand.u32 $0x1FFFFFF0, s28;
	s1 =	sadd.s32 s3, s26  }
0x73: {  	[tilespmem:s30], [sflag:$0x1] =	stream.linear.gather [hbm4b:s1+s17], $0x80, $0x38;
	[tilespmem:$0x5380] =	vst v63  }
0x74: {  	s18 =	simm.s32 $0x50;
	s19 =	simm.s32 $0xA0;
	s0 =	sadd.s32 s3, s29  }
0x75: {  	[tilespmem:s31], [sflag:$0x1] =	stream.linear.gather [hbm4b:s0+s17], $0x80, $0x38;
	[tilespmem:$0x5380] =	vst v63  }
.LBB2_4:
0x76: {  	v0 =	vld [tilespmem:s18+$0x0];
	_ =	sdelay $0x4  }
0x77: {  	v0 =	vshll.u32 v0, $0x4  }
0x78: {  	(v2sf) =	vpush v0, $0x0  }
0x79: {  	(v2sf) =	vpush v0, $0x1  }
0x7a: {  	(v2sf) =	vpush v0, $0x2;
	_ =	sdelay $0x1  }
0x7b: {  	(v2sf) =	vpush v0, $0x4;
	_ =	sdelay $0x1  }
0x7c: {  	(v2sf) =	vpush v0, $0x3  }
0x7d: {  	s20 =	sshllo.u32 s17, $0x1;
	(v2sf) =	vpush v0, $0x5  }
0x7e: {  	s22 =	simm.s32 $0x2000;
	s21 =	simm.s32 $0x0;
	s23 =	smov.u32 s18;
	(v2sf) =	vpush v0, $0x6  }
.LBB2_5:
0x7f: {  	p0 =	sne.s32 s22, $0x8000  }
0x80: {  	s6 =	sadd.s32 $0x2C00, s21;
	s28 =	sadd.s32 $0x3100, s21;
	s24 =	smov.u32 s22  }
0x81: {  	s22 =	sadd.s32 $0x2000, s22;
	s31 =	sadd.s32 $0x2F00, s21;
	s25 =	sadd.s32 $0x3180, s21;
	(v2sf) =	vpush v0, $0x7  }
0x82: {  	s0 =	sadd.s32 $0x2E00, s21;
	s30 =	sadd.s32 $0x2F80, s21;
	s26 =	sadd.s32 $0x3200, s21  }
0x83: {  	s7 =	sadd.s32 $0x2B80, s21;
	s8 =	sadd.s32 $0x2D80, s21;
	(v2sf) =	vpush v0, $0x8  }
0x84: {  	s9 =	sadd.s32 $0x2E80, s21;
	s23 =	sadd.s32 $0x10, s23  }
0x85: {  	s16 =	sadd.s32 $0x2C80, s21;
	s29 =	sadd.s32 $0x3080, s21;
	s1 =	spop (v2sf);
	(v2sf) =	vpush v0, $0x9  }
0x86: {  	s12 =	sand.u32 $0x1FFFFFF0, s1;
	s1 =	sadd.s32 $0x3000, s21;
	s15 =	spop (v2sf)  }
0x87: {  	s12 =	sadd.s32 s3, s12;
	s15 =	sand.u32 $0x1FFFFFF0, s15;
	s13 =	spop (v2sf);
	(v2sf) =	vpush v0, $0xA  }
0x88: {  	[tilespmem:s7], [sflag:$0x2] =	stream.linear.gather [hbm4b:s12+s2], $0x80, $0x38;
	[tilespmem:$0x5380] =	vst v63  }
0x89: {  	s7 =	sadd.s32 s3, s15;
	s12 =	sadd.s32 $0x2D00, s21;
	s15 =	spop (v2sf);
	(v2sf) =	vpush v0, $0xB  }
0x8a: {  	[tilespmem:s6], [sflag:$0x2] =	stream.linear.gather [hbm4b:s7+s2], $0x80, $0x38;
	[tilespmem:$0x5380] =	vst v63  }
0x8b: {  	s6 =	sand.u32 $0x1FFFFFF0, s13;
	s7 =	sand.u32 $0x1FFFFFF0, s15;
	s13 =	spop (v2sf);
	(v2sf) =	vpush v0, $0xC  }
0x8c: {  	s6 =	sadd.s32 s3, s6;
	s13 =	sand.u32 $0x1FFFFFF0, s13;
	s15 =	spop (v2sf)  }
0x8d: {  	[tilespmem:s16], [sflag:$0x2] =	stream.linear.gather [hbm4b:s6+s2], $0x80, $0x38;
	(v2sf) =	vpush v0, $0xD;
	[tilespmem:$0x5380] =	vst v63  }
0x8e: {  	s6 =	sadd.s32 s3, s13;
	s13 =	sand.u32 $0x1FFFFFF0, s15;
	s15 =	spop (v2sf)  }
0x8f: {  	[tilespmem:s12], [sflag:$0x2] =	stream.linear.gather [hbm4b:s6+s2], $0x80, $0x38;
	(v2sf) =	vpush v0, $0xE;
	[tilespmem:$0x5380] =	vst v63  }
0x90: {  	s6 =	sadd.s32 s3, s7;
	s7 =	sand.u32 $0x1FFFFFF0, s15;
	s12 =	spop (v2sf)  }
0x91: {  	[tilespmem:s8], [sflag:$0x2] =	stream.linear.gather [hbm4b:s6+s2], $0x80, $0x38;
	(v2sf) =	vpush v0, $0xF;
	[tilespmem:$0x5380] =	vst v63  }
0x92: {  	s6 =	sadd.s32 s3, s13;
	s8 =	sand.u32 $0x1FFFFFF0, s12;
	s12 =	spop (v2sf)  }
0x93: {  	[tilespmem:s0], [sflag:$0x2] =	stream.linear.gather [hbm4b:s6+s2], $0x80, $0x38;
	[tilespmem:$0x5380] =	vst v63  }
0x94: {  	s0 =	sadd.s32 s3, s7;
	s6 =	sand.u32 $0x1FFFFFF0, s12;
	s7 =	spop (v2sf)  }
0x95: {  	[tilespmem:s9], [sflag:$0x2] =	stream.linear.gather [hbm4b:s0+s2], $0x80, $0x38;
	[tilespmem:$0x5380] =	vst v63  }
0x96: {  	s0 =	sadd.s32 s3, s8;
	s7 =	sand.u32 $0x1FFFFFF0, s7;
	s8 =	spop (v2sf)  }
0x97: {  	[tilespmem:s31], [sflag:$0x2] =	stream.linear.gather [hbm4b:s0+s2], $0x80, $0x38;
	[tilespmem:$0x5380] =	vst v63  }
0x98: {  	s0 =	sadd.s32 s3, s6;
	s6 =	sand.u32 $0x1FFFFFF0, s8;
	s8 =	spop (v2sf)  }
0x99: {  	[tilespmem:s30], [sflag:$0x2] =	stream.linear.gather [hbm4b:s0+s2], $0x80, $0x38;
	[tilespmem:$0x5380] =	vst v63  }
0x9a: {  	s0 =	sadd.s32 s3, s7;
	s7 =	sand.u32 $0x1FFFFFF0, s8;
	s8 =	spop (v2sf)  }
0x9b: {  	[tilespmem:s1], [sflag:$0x2] =	stream.linear.gather [hbm4b:s0+s2], $0x80, $0x38;
	[tilespmem:$0x5380] =	vst v63  }
0x9c: {  	s0 =	sadd.s32 s3, s6;
	s1 =	sand.u32 $0x1FFFFFF0, s8;
	s6 =	spop (v2sf)  }
0x9d: {  	[tilespmem:s29], [sflag:$0x2] =	stream.linear.gather [hbm4b:s0+s2], $0x80, $0x38;
	[tilespmem:$0x5380] =	vst v63  }
0x9e: {  	s0 =	sadd.s32 s3, s7;
	s6 =	sand.u32 $0x1FFFFFF0, s6;
	s7 =	spop (v2sf)  }
0x9f: {  	[tilespmem:s28], [sflag:$0x2] =	stream.linear.gather [hbm4b:s0+s2], $0x80, $0x38;
	[tilespmem:$0x5380] =	vst v63  }
0xa0: {  	s0 =	sadd.s32 s3, s1;
	s1 =	sand.u32 $0x1FFFFFF0, s7;
	s7 =	spop (v2sf)  }
0xa1: {  	[tilespmem:s25], [sflag:$0x2] =	stream.linear.gather [hbm4b:s0+s2], $0x80, $0x38;
	[tilespmem:$0x5380] =	vst v63  }
0xa2: {  	s0 =	sadd.s32 s3, s6;
	s6 =	sand.u32 $0x1FFFFFF0, s7  }
0xa3: {  	[tilespmem:s26], [sflag:$0x2] =	stream.linear.gather [hbm4b:s0+s2], $0x80, $0x38;
	[tilespmem:$0x5380] =	vst v63  }
0xa4: {  	s1 =	sadd.s32 s3, s1;
	s0 =	sadd.s32 $0x3280, s21  }
0xa5: {  	[tilespmem:s0], [sflag:$0x2] =	stream.linear.gather [hbm4b:s1+s2], $0x80, $0x38;
	[tilespmem:$0x5380] =	vst v63  }
0xa6: {  	s0 =	sadd.s32 $0x3300, s21;
	s1 =	sadd.s32 s3, s6  }
0xa7: {  	[tilespmem:s0], [sflag:$0x2] =	stream.linear.gather [hbm4b:s1+s2], $0x80, $0x38;
	[tilespmem:$0x5380] =	vst v63  }
0xa8: {  	v0 =	vld [tilespmem:s23+$0x0];
	_ =	sdelay $0x4  }
0xa9: {  	v0 =	vshll.u32 v0, $0x4  }
0xaa: {  	(v2sf) =	vpush v0, $0x0  }
0xab: {  	(v2sf) =	vpush v0, $0x1  }
0xac: {  	(v2sf) =	vpush v0, $0x2;
	_ =	sdelay $0x1  }
0xad: {  	(v2sf) =	vpush v0, $0x4  }
.Ltmp1:
0xae: {  	(pc) =	sbr.rel @p0 .LBB2_5-.Ltmp1, $3  }
0xaf: {  	(v2sf) =	vpush v0, $0x3  }
0xb0: {  	(v2sf) =	vpush v0, $0x5;
	_ =	sdelay $0x1  }
0xb1: {  	s21 =	sshra.s32 s24, $0x2;
	(v2sf) =	vpush v0, $0x6  }
0xb2: {  	_ =	sdelay $0x1  }
0xb3: {  	s0 =	sadd.s32 $0x2C00, s21;
	s24 =	sadd.s32 $0x3100, s21  }
0xb4: {  	s1 =	sadd.s32 $0x2F00, s21;
	s22 =	sadd.s32 $0x3180, s21;
	(v2sf) =	vpush v0, $0x7;
	s6 =	sadd.s32 $0x2E00, s21  }
0xb5: {  	s7 =	sadd.s32 $0x2F80, s21;
	s23 =	sadd.s32 $0x3200, s21;
	s8 =	sadd.s32 $0x2B80, s21  }
0xb6: {  	s9 =	sadd.s32 $0x2D80, s21;
	s12 =	sadd.s32 $0x2E80, s21;
	(v2sf) =	vpush v0, $0x8;
	s13 =	spop (v2sf)  }
0xb7: {  	s15 =	sadd.s32 $0x2C80, s21;
	s13 =	sand.u32 $0x1FFFFFF0, s13;
	s16 =	spop (v2sf)  }
0xb8: {  	(v2sf) =	vpush v0, $0x9;
	s13 =	sadd.s32 s3, s13;
	s16 =	sand.u32 $0x1FFFFFF0, s16;
	s25 =	spop (v2sf)  }
0xb9: {  	[tilespmem:s8], [sflag:$0x2] =	stream.linear.gather [hbm4b:s13+s2], $0x80, $0x38;
	[tilespmem:$0x5380] =	vst v63  }
0xba: {  	(v2sf) =	vpush v0, $0xA;
	s26 =	sadd.s32 s3, s16;
	s29 =	sand.u32 $0x1FFFFFF0, s25;
	s28 =	spop (v2sf)  }
0xbb: {  	[tilespmem:s0], [sflag:$0x2] =	stream.linear.gather [hbm4b:s26+s2], $0x80, $0x38;
	[tilespmem:$0x5380] =	vst v63  }
0xbc: {  	s8 =	sadd.s32 $0x3080, s21;
	(v2sf) =	vpush v0, $0xB;
	s13 =	sadd.s32 s3, s29;
	s30 =	spop (v2sf)  }
0xbd: {  	s0 =	sadd.s32 $0x3000, s21;
	s26 =	sadd.s32 $0x2D00, s21;
	s25 =	sand.u32 $0x1FFFFFF0, s30  }
0xbe: {  	(v2sf) =	vpush v0, $0xC;
	[tilespmem:s15], [sflag:$0x2] =	stream.linear.gather [hbm4b:s13+s2], $0x80, $0x38;
	[tilespmem:$0x5380] =	vst v63  }
0xbf: {  	s31 =	sand.u32 $0x1FFFFFF0, s28;
	s28 =	spop (v2sf);
	s29 =	sadd.s32 s3, s25  }
0xc0: {  	(v2sf) =	vpush v0, $0xD;
	[tilespmem:s26], [sflag:$0x2] =	stream.linear.gather [hbm4b:s29+s2], $0x80, $0x38;
	[tilespmem:$0x5380] =	vst v63  }
0xc1: {  	s13 =	sadd.s32 s3, s31;
	s15 =	sand.u32 $0x1FFFFFF0, s28;
	s30 =	spop (v2sf)  }
0xc2: {  	(v2sf) =	vpush v0, $0xE;
	[tilespmem:s9], [sflag:$0x2] =	stream.linear.gather [hbm4b:s13+s2], $0x80, $0x38;
	[tilespmem:$0x5380] =	vst v63  }
0xc3: {  	s15 =	sadd.s32 s3, s15;
	s31 =	sand.u32 $0x1FFFFFF0, s30;
	s16 =	spop (v2sf)  }
0xc4: {  	(v2sf) =	vpush v0, $0xF;
	[tilespmem:s6], [sflag:$0x2] =	stream.linear.gather [hbm4b:s15+s2], $0x80, $0x38;
	[tilespmem:$0x5380] =	vst v63  }
0xc5: {  	s25 =	sand.u32 $0x1FFFFFF0, s16;
	s26 =	spop (v2sf);
	s9 =	sadd.s32 s3, s31  }
0xc6: {  	[tilespmem:s12], [sflag:$0x2] =	stream.linear.gather [hbm4b:s9+s2], $0x80, $0x38;
	[tilespmem:$0x5380] =	vst v63  }
0xc7: {  	s28 =	sand.u32 $0x1FFFFFF0, s26;
	s6 =	sadd.s32 s3, s25;
	s29 =	spop (v2sf)  }
0xc8: {  	[tilespmem:s1], [sflag:$0x2] =	stream.linear.gather [hbm4b:s6+s2], $0x80, $0x38;
	[tilespmem:$0x5380] =	vst v63  }
0xc9: {  	s9 =	sadd.s32 s3, s28;
	s30 =	sand.u32 $0x1FFFFFF0, s29;
	s31 =	spop (v2sf)  }
0xca: {  	[tilespmem:s7], [sflag:$0x2] =	stream.linear.gather [hbm4b:s9+s2], $0x80, $0x38;
	[tilespmem:$0x5380] =	vst v63  }
0xcb: {  	s6 =	sand.u32 $0x1FFFFFF0, s31;
	s1 =	sadd.s32 s3, s30;
	s12 =	spop (v2sf)  }
0xcc: {  	[tilespmem:s0], [sflag:$0x2] =	stream.linear.gather [hbm4b:s1+s2], $0x80, $0x38;
	[tilespmem:$0x5380] =	vst v63  }
0xcd: {  	s6 =	sadd.s32 s3, s6;
	s13 =	sand.u32 $0x1FFFFFF0, s12;
	s15 =	spop (v2sf)  }
0xce: {  	[tilespmem:s8], [sflag:$0x2] =	stream.linear.gather [hbm4b:s6+s2], $0x80, $0x38;
	[tilespmem:$0x5380] =	vst v63  }
0xcf: {  	s0 =	sadd.s32 s3, s13;
	s1 =	sand.u32 $0x1FFFFFF0, s15;
	s16 =	spop (v2sf)  }
0xd0: {  	[tilespmem:s24], [sflag:$0x2] =	stream.linear.gather [hbm4b:s0+s2], $0x80, $0x38;
	[tilespmem:$0x5380] =	vst v63  }
0xd1: {  	s1 =	sadd.s32 s3, s1;
	s25 =	spop (v2sf);
	s24 =	sand.u32 $0x1FFFFFF0, s16  }
0xd2: {  	[tilespmem:s22], [sflag:$0x2] =	stream.linear.gather [hbm4b:s1+s2], $0x80, $0x38;
	[tilespmem:$0x5380] =	vst v63  }
0xd3: {  	s26 =	sand.u32 $0x1FFFFFF0, s25;
	s28 =	spop (v2sf);
	s0 =	sadd.s32 s3, s24  }
0xd4: {  	[tilespmem:s23], [sflag:$0x2] =	stream.linear.gather [hbm4b:s0+s2], $0x80, $0x38;
	[tilespmem:$0x5380] =	vst v63  }
0xd5: {  	s30 =	sadd.s32 $0x3280, s21;
	s29 =	sand.u32 $0x1FFFFFF0, s28;
	s1 =	sadd.s32 s3, s26  }
0xd6: {  	[tilespmem:s30], [sflag:$0x2] =	stream.linear.gather [hbm4b:s1+s2], $0x80, $0x38;
	[tilespmem:$0x5380] =	vst v63  }
0xd7: {  	s31 =	sadd.s32 $0x3300, s21;
	s0 =	sadd.s32 s3, s29  }
0xd8: {  	[tilespmem:s31], [sflag:$0x2] =	stream.linear.gather [hbm4b:s0+s2], $0x80, $0x38;
	[tilespmem:$0x5380] =	vst v63  }
0xd9: {  	_ =	swait.ge [sflag:s11], $0x80  }
0xda: {  	s0 =	simm.s32 $0x4F;
	[sflag:s11] =	ssyncset.done $0x0  }
.LBB2_7:
0xdb: {  	p0 =	sne.s32 s0, $0x1;
	s0 =	sadd.s32 $0xFFFFFFFF, s0;
	[sflag:s11] =	ssyncadd.s32 $0xFFFFFF80  }
.Ltmp2:
0xdc: {  	(pc) =	sbr.rel @p0 .LBB2_7-.Ltmp2, $3  }
0xdd: {  	_ =	sdelay $0x1  }
0xde: {  	_ =	swait.ge [sflag:s11], $0x80  }
0xdf: {  	[sflag:s11] =	ssyncset.done $0x0  }
0xe0: {  	s0 =	smul.u32 $0xA0, s17;
	_ =	sdelay $0x1  }
0xe1: {  	[sflag:s11] =	ssyncadd.s32 $0xFFFFFF80;
	s1 =	simm.s32 $0x0;
	s0 =	sadd.s32 s5, s0  }
0xe2: {  	s6 =	simm.s32 $0x380;
	p0 =	seq.s32 s17, $0x4;
	s0 =	sshll.u32 s0, $0x4  }
.Ltmp3:
0xe3: {  	s31 =	simm.s32 $0x4;
	s0 =	sadd.s32 s4, s0;
	(pc) =	sbr.rel @p0 .LBB2_12-.Ltmp3, $4  }
0xe4: {  	[hbm4b:s0+s1] =	stream.linear.scatter [tilespmem:s6], [sflag:$0x4], $0x2800, $0x38;
	[tilespmem:$0x5380] =	vst v63  }
0xe5: {  	_ =	swait.ge [sflag:s31], $0x2800  }
0xe6: {  	[sflag:s31] =	ssyncset.done $0x0  }
0xe7: {  	[sflag:s31] =	ssyncadd.s32 $0xFFFFD800  }
0xe8: {  	v0 =	vld [tilespmem:s19+$0x0];
	_ =	sdelay $0x4  }
0xe9: {  	v0 =	vshll.u32 v0, $0x4  }
0xea: {  	(v2sf) =	vpush v0, $0x0  }
0xeb: {  	(v2sf) =	vpush v0, $0x1  }
0xec: {  	(v2sf) =	vpush v0, $0x2;
	_ =	sdelay $0x1  }
0xed: {  	(v2sf) =	vpush v0, $0x4;
	_ =	sdelay $0x1  }
0xee: {  	(v2sf) =	vpush v0, $0x3  }
0xef: {  	(v2sf) =	vpush v0, $0x5  }
0xf0: {  	s22 =	simm.s32 $0x2000;
	s21 =	simm.s32 $0x0;
	s23 =	smov.u32 s19;
	(v2sf) =	vpush v0, $0x6  }
.LBB2_10:
0xf1: {  	p0 =	sne.s32 s22, $0x8000  }
0xf2: {  	s6 =	sadd.s32 $0x400, s21;
	s28 =	sadd.s32 $0x900, s21;
	s24 =	smov.u32 s22  }
0xf3: {  	s22 =	sadd.s32 $0x2000, s22;
	s31 =	sadd.s32 $0x700, s21;
	s25 =	sadd.s32 $0x980, s21;
	(v2sf) =	vpush v0, $0x7  }
0xf4: {  	s0 =	sadd.s32 $0x600, s21;
	s30 =	sadd.s32 $0x780, s21;
	s26 =	sadd.s32 $0xA00, s21  }
0xf5: {  	s7 =	sadd.s32 $0x380, s21;
	s8 =	sadd.s32 $0x580, s21;
	(v2sf) =	vpush v0, $0x8  }
0xf6: {  	s9 =	sadd.s32 $0x680, s21;
	s23 =	sadd.s32 $0x10, s23  }
0xf7: {  	s12 =	sadd.s32 $0x480, s21;
	s29 =	sadd.s32 $0x880, s21;
	s1 =	spop (v2sf);
	(v2sf) =	vpush v0, $0x9  }
0xf8: {  	s13 =	sand.u32 $0x1FFFFFF0, s1;
	s1 =	sadd.s32 $0x800, s21;
	s15 =	spop (v2sf)  }
0xf9: {  	s13 =	sadd.s32 s3, s13;
	s15 =	sand.u32 $0x1FFFFFF0, s15;
	s16 =	spop (v2sf);
	(v2sf) =	vpush v0, $0xA  }
0xfa: {  	[tilespmem:s7], [sflag:$0x1] =	stream.linear.gather [hbm4b:s13+s2], $0x80, $0x38;
	[tilespmem:$0x5380] =	vst v63  }
0xfb: {  	s7 =	sadd.s32 s3, s15;
	s13 =	sadd.s32 $0x500, s21;
	s15 =	spop (v2sf);
	(v2sf) =	vpush v0, $0xB  }
0xfc: {  	[tilespmem:s6], [sflag:$0x1] =	stream.linear.gather [hbm4b:s7+s2], $0x80, $0x38;
	[tilespmem:$0x5380] =	vst v63  }
0xfd: {  	s6 =	sand.u32 $0x1FFFFFF0, s16;
	s7 =	sand.u32 $0x1FFFFFF0, s15;
	s15 =	spop (v2sf);
	(v2sf) =	vpush v0, $0xC  }
0xfe: {  	s6 =	sadd.s32 s3, s6;
	s15 =	sand.u32 $0x1FFFFFF0, s15;
	s16 =	spop (v2sf)  }
0xff: {  	[tilespmem:s12], [sflag:$0x1] =	stream.linear.gather [hbm4b:s6+s2], $0x80, $0x38;
	(v2sf) =	vpush v0, $0xD;
	[tilespmem:$0x5380] =	vst v63  }
0x100: {  	s6 =	sadd.s32 s3, s15;
	s12 =	sand.u32 $0x1FFFFFF0, s16;
	s15 =	spop (v2sf)  }
0x101: {  	[tilespmem:s13], [sflag:$0x1] =	stream.linear.gather [hbm4b:s6+s2], $0x80, $0x38;
	(v2sf) =	vpush v0, $0xE;
	[tilespmem:$0x5380] =	vst v63  }
0x102: {  	s6 =	sadd.s32 s3, s7;
	s7 =	sand.u32 $0x1FFFFFF0, s15;
	s13 =	spop (v2sf)  }
0x103: {  	[tilespmem:s8], [sflag:$0x1] =	stream.linear.gather [hbm4b:s6+s2], $0x80, $0x38;
	(v2sf) =	vpush v0, $0xF;
	[tilespmem:$0x5380] =	vst v63  }
0x104: {  	s6 =	sadd.s32 s3, s12;
	s8 =	sand.u32 $0x1FFFFFF0, s13;
	s12 =	spop (v2sf)  }
0x105: {  	[tilespmem:s0], [sflag:$0x1] =	stream.linear.gather [hbm4b:s6+s2], $0x80, $0x38;
	[tilespmem:$0x5380] =	vst v63  }
0x106: {  	s0 =	sadd.s32 s3, s7;
	s6 =	sand.u32 $0x1FFFFFF0, s12;
	s7 =	spop (v2sf)  }
0x107: {  	[tilespmem:s9], [sflag:$0x1] =	stream.linear.gather [hbm4b:s0+s2], $0x80, $0x38;
	[tilespmem:$0x5380] =	vst v63  }
0x108: {  	s0 =	sadd.s32 s3, s8;
	s7 =	sand.u32 $0x1FFFFFF0, s7;
	s8 =	spop (v2sf)  }
0x109: {  	[tilespmem:s31], [sflag:$0x1] =	stream.linear.gather [hbm4b:s0+s2], $0x80, $0x38;
	[tilespmem:$0x5380] =	vst v63  }
0x10a: {  	s0 =	sadd.s32 s3, s6;
	s6 =	sand.u32 $0x1FFFFFF0, s8;
	s8 =	spop (v2sf)  }
0x10b: {  	[tilespmem:s30], [sflag:$0x1] =	stream.linear.gather [hbm4b:s0+s2], $0x80, $0x38;
	[tilespmem:$0x5380] =	vst v63  }
0x10c: {  	s0 =	sadd.s32 s3, s7;
	s7 =	sand.u32 $0x1FFFFFF0, s8;
	s8 =	spop (v2sf)  }
0x10d: {  	[tilespmem:s1], [sflag:$0x1] =	stream.linear.gather [hbm4b:s0+s2], $0x80, $0x38;
	[tilespmem:$0x5380] =	vst v63  }
0x10e: {  	s0 =	sadd.s32 s3, s6;
	s1 =	sand.u32 $0x1FFFFFF0, s8;
	s6 =	spop (v2sf)  }
0x10f: {  	[tilespmem:s29], [sflag:$0x1] =	stream.linear.gather [hbm4b:s0+s2], $0x80, $0x38;
	[tilespmem:$0x5380] =	vst v63  }
0x110: {  	s0 =	sadd.s32 s3, s7;
	s6 =	sand.u32 $0x1FFFFFF0, s6;
	s7 =	spop (v2sf)  }
0x111: {  	[tilespmem:s28], [sflag:$0x1] =	stream.linear.gather [hbm4b:s0+s2], $0x80, $0x38;
	[tilespmem:$0x5380] =	vst v63  }
0x112: {  	s0 =	sadd.s32 s3, s1;
	s1 =	sand.u32 $0x1FFFFFF0, s7;
	s7 =	spop (v2sf)  }
0x113: {  	[tilespmem:s25], [sflag:$0x1] =	stream.linear.gather [hbm4b:s0+s2], $0x80, $0x38;
	[tilespmem:$0x5380] =	vst v63  }
0x114: {  	s0 =	sadd.s32 s3, s6;
	s6 =	sand.u32 $0x1FFFFFF0, s7  }
0x115: {  	[tilespmem:s26], [sflag:$0x1] =	stream.linear.gather [hbm4b:s0+s2], $0x80, $0x38;
	[tilespmem:$0x5380] =	vst v63  }
0x116: {  	s1 =	sadd.s32 s3, s1;
	s0 =	sadd.s32 $0xA80, s21  }
0x117: {  	[tilespmem:s0], [sflag:$0x1] =	stream.linear.gather [hbm4b:s1+s2], $0x80, $0x38;
	[tilespmem:$0x5380] =	vst v63  }
0x118: {  	s0 =	sadd.s32 $0xB00, s21;
	s1 =	sadd.s32 s3, s6  }
0x119: {  	[tilespmem:s0], [sflag:$0x1] =	stream.linear.gather [hbm4b:s1+s2], $0x80, $0x38;
	[tilespmem:$0x5380] =	vst v63  }
0x11a: {  	v0 =	vld [tilespmem:s23+$0x0];
	_ =	sdelay $0x4  }
0x11b: {  	v0 =	vshll.u32 v0, $0x4  }
0x11c: {  	(v2sf) =	vpush v0, $0x0  }
0x11d: {  	(v2sf) =	vpush v0, $0x1  }
0x11e: {  	(v2sf) =	vpush v0, $0x2;
	_ =	sdelay $0x1  }
0x11f: {  	(v2sf) =	vpush v0, $0x4  }
.Ltmp4:
0x120: {  	(pc) =	sbr.rel @p0 .LBB2_10-.Ltmp4, $3  }
0x121: {  	(v2sf) =	vpush v0, $0x3  }
0x122: {  	(v2sf) =	vpush v0, $0x5;
	_ =	sdelay $0x1  }
0x123: {  	s21 =	sshra.s32 s24, $0x2;
	(v2sf) =	vpush v0, $0x6  }
0x124: {  	_ =	sdelay $0x1  }
0x125: {  	s0 =	sadd.s32 $0x400, s21;
	s24 =	sadd.s32 $0x900, s21  }
0x126: {  	s1 =	sadd.s32 $0x700, s21;
	s22 =	sadd.s32 $0x980, s21;
	(v2sf) =	vpush v0, $0x7;
	s6 =	sadd.s32 $0x600, s21  }
0x127: {  	s7 =	sadd.s32 $0x780, s21;
	s23 =	sadd.s32 $0xA00, s21;
	s8 =	sadd.s32 $0x380, s21  }
0x128: {  	s9 =	sadd.s32 $0x580, s21;
	s12 =	sadd.s32 $0x680, s21;
	(v2sf) =	vpush v0, $0x8;
	s13 =	spop (v2sf)  }
0x129: {  	s15 =	sadd.s32 $0x480, s21;
	s13 =	sand.u32 $0x1FFFFFF0, s13;
	s16 =	spop (v2sf)  }
0x12a: {  	(v2sf) =	vpush v0, $0x9;
	s13 =	sadd.s32 s3, s13;
	s16 =	sand.u32 $0x1FFFFFF0, s16;
	s25 =	spop (v2sf)  }
0x12b: {  	[tilespmem:s8], [sflag:$0x1] =	stream.linear.gather [hbm4b:s13+s2], $0x80, $0x38;
	[tilespmem:$0x5380] =	vst v63  }
0x12c: {  	(v2sf) =	vpush v0, $0xA;
	s26 =	sadd.s32 s3, s16;
	s29 =	sand.u32 $0x1FFFFFF0, s25;
	s28 =	spop (v2sf)  }
0x12d: {  	[tilespmem:s0], [sflag:$0x1] =	stream.linear.gather [hbm4b:s26+s2], $0x80, $0x38;
	[tilespmem:$0x5380] =	vst v63  }
0x12e: {  	s8 =	sadd.s32 $0x880, s21;
	(v2sf) =	vpush v0, $0xB;
	s13 =	sadd.s32 s3, s29;
	s30 =	spop (v2sf)  }
0x12f: {  	s0 =	sadd.s32 $0x800, s21;
	s26 =	sadd.s32 $0x500, s21;
	s25 =	sand.u32 $0x1FFFFFF0, s30  }
0x130: {  	(v2sf) =	vpush v0, $0xC;
	[tilespmem:s15], [sflag:$0x1] =	stream.linear.gather [hbm4b:s13+s2], $0x80, $0x38;
	[tilespmem:$0x5380] =	vst v63  }
0x131: {  	s31 =	sand.u32 $0x1FFFFFF0, s28;
	s28 =	spop (v2sf);
	s29 =	sadd.s32 s3, s25  }
0x132: {  	(v2sf) =	vpush v0, $0xD;
	[tilespmem:s26], [sflag:$0x1] =	stream.linear.gather [hbm4b:s29+s2], $0x80, $0x38;
	[tilespmem:$0x5380] =	vst v63  }
0x133: {  	s13 =	sadd.s32 s3, s31;
	s15 =	sand.u32 $0x1FFFFFF0, s28;
	s30 =	spop (v2sf)  }
0x134: {  	(v2sf) =	vpush v0, $0xE;
	[tilespmem:s9], [sflag:$0x1] =	stream.linear.gather [hbm4b:s13+s2], $0x80, $0x38;
	[tilespmem:$0x5380] =	vst v63  }
0x135: {  	s15 =	sadd.s32 s3, s15;
	s31 =	sand.u32 $0x1FFFFFF0, s30;
	s16 =	spop (v2sf)  }
0x136: {  	(v2sf) =	vpush v0, $0xF;
	[tilespmem:s6], [sflag:$0x1] =	stream.linear.gather [hbm4b:s15+s2], $0x80, $0x38;
	[tilespmem:$0x5380] =	vst v63  }
0x137: {  	s25 =	sand.u32 $0x1FFFFFF0, s16;
	s26 =	spop (v2sf);
	s9 =	sadd.s32 s3, s31  }
0x138: {  	[tilespmem:s12], [sflag:$0x1] =	stream.linear.gather [hbm4b:s9+s2], $0x80, $0x38;
	[tilespmem:$0x5380] =	vst v63  }
0x139: {  	s28 =	sand.u32 $0x1FFFFFF0, s26;
	s6 =	sadd.s32 s3, s25;
	s29 =	spop (v2sf)  }
0x13a: {  	[tilespmem:s1], [sflag:$0x1] =	stream.linear.gather [hbm4b:s6+s2], $0x80, $0x38;
	[tilespmem:$0x5380] =	vst v63  }
0x13b: {  	s9 =	sadd.s32 s3, s28;
	s30 =	sand.u32 $0x1FFFFFF0, s29;
	s31 =	spop (v2sf)  }
0x13c: {  	[tilespmem:s7], [sflag:$0x1] =	stream.linear.gather [hbm4b:s9+s2], $0x80, $0x38;
	[tilespmem:$0x5380] =	vst v63  }
0x13d: {  	s6 =	sand.u32 $0x1FFFFFF0, s31;
	s1 =	sadd.s32 s3, s30;
	s12 =	spop (v2sf)  }
0x13e: {  	[tilespmem:s0], [sflag:$0x1] =	stream.linear.gather [hbm4b:s1+s2], $0x80, $0x38;
	[tilespmem:$0x5380] =	vst v63  }
0x13f: {  	s6 =	sadd.s32 s3, s6;
	s13 =	sand.u32 $0x1FFFFFF0, s12;
	s15 =	spop (v2sf)  }
0x140: {  	[tilespmem:s8], [sflag:$0x1] =	stream.linear.gather [hbm4b:s6+s2], $0x80, $0x38;
	[tilespmem:$0x5380] =	vst v63  }
0x141: {  	s0 =	sadd.s32 s3, s13;
	s1 =	sand.u32 $0x1FFFFFF0, s15;
	s16 =	spop (v2sf)  }
0x142: {  	[tilespmem:s24], [sflag:$0x1] =	stream.linear.gather [hbm4b:s0+s2], $0x80, $0x38;
	[tilespmem:$0x5380] =	vst v63  }
0x143: {  	s1 =	sadd.s32 s3, s1;
	s25 =	spop (v2sf);
	s24 =	sand.u32 $0x1FFFFFF0, s16  }
0x144: {  	[tilespmem:s22], [sflag:$0x1] =	stream.linear.gather [hbm4b:s1+s2], $0x80, $0x38;
	[tilespmem:$0x5380] =	vst v63  }
0x145: {  	s26 =	sand.u32 $0x1FFFFFF0, s25;
	s28 =	spop (v2sf);
	s0 =	sadd.s32 s3, s24  }
0x146: {  	[tilespmem:s23], [sflag:$0x1] =	stream.linear.gather [hbm4b:s0+s2], $0x80, $0x38;
	[tilespmem:$0x5380] =	vst v63  }
0x147: {  	s30 =	sadd.s32 $0xA80, s21;
	s29 =	sand.u32 $0x1FFFFFF0, s28;
	s1 =	sadd.s32 s3, s26  }
0x148: {  	[tilespmem:s30], [sflag:$0x1] =	stream.linear.gather [hbm4b:s1+s2], $0x80, $0x38;
	[tilespmem:$0x5380] =	vst v63  }
0x149: {  	s31 =	sadd.s32 $0xB00, s21;
	s0 =	sadd.s32 s3, s29  }
0x14a: {  	[tilespmem:s31], [sflag:$0x1] =	stream.linear.gather [hbm4b:s0+s2], $0x80, $0x38;
	[tilespmem:$0x5380] =	vst v63  }
.LBB2_12:
0x14b: {  	_ =	swait.ge [sflag:s14], $0x80  }
0x14c: {  	s0 =	simm.s32 $0x4F;
	[sflag:s14] =	ssyncset.done $0x0  }
.LBB2_13:
0x14d: {  	p0 =	sne.s32 s0, $0x1;
	s0 =	sadd.s32 $0xFFFFFFFF, s0;
	[sflag:s14] =	ssyncadd.s32 $0xFFFFFF80  }
.Ltmp5:
0x14e: {  	(pc) =	sbr.rel @p0 .LBB2_13-.Ltmp5, $3  }
0x14f: {  	_ =	sdelay $0x1  }
0x150: {  	_ =	swait.ge [sflag:s14], $0x80  }
0x151: {  	[sflag:s14] =	ssyncset.done $0x0  }
0x152: {  	s0 =	smul.u32 $0x50, s20;
	_ =	sdelay $0x1  }
0x153: {  	s17 =	sadd.s32 $0x1, s17;
	s0 =	sadd.s32 s5, s0  }
0x154: {  	[sflag:s14] =	ssyncadd.s32 $0xFFFFFF80;
	p0 =	sne.s32 s17, $0x5;
	s0 =	sshll.u32 s0, $0x4  }
.Ltmp6:
0x155: {  	s1 =	simm.s32 $0x2B80;
	s0 =	sadd.s32 s4, s0;
	(pc) =	sbr.rel @p0 .LBB2_4-.Ltmp6, $4  }
0x156: {  	[hbm4b:s0+s2] =	stream.linear.scatter [tilespmem:s1], [sflag:$0x3], $0x2800, $0x38;
	[tilespmem:$0x5380] =	vst v63  }
0x157: {  	_ =	swait.ge [sflag:s10], $0x2800  }
0x158: {  	[sflag:s10] =	ssyncset.done $0x0  }
0x159: {  	s18 =	sadd.s32 $0xA0, s18;
	s19 =	sadd.s32 $0xA0, s19;
	[sflag:s10] =	ssyncadd.s32 $0xFFFFD800  }
0x15a: {  	s1 =	rddreg [dreg:$0x4]  }
0x15b: {  	s0 =	rddreg [dreg:$0x3];
	s1 =	sadd.s32 $0x1, s1  }
0x15c: {  	p0 =	sne.s32 s1, s0  }
.Ltmp7:
0x15d: {  	_ = 	snop;
	(pc) =	sbr.rel @p0 .LBB2_1-.Ltmp7, $1  }
0x15e: {  	_ =	sdelay $0x3  }
0x15f: {  	_ =	sfence.sel $0x180000  }
0x160: {  	[bflag:$0x0] =	sbarrier.arrive $0xFFFF  }
0x161: {  	_ =	strace $0x90000047  }
0x162: {  	s0 =	stileid.u32;
	[bflag:$0x2] =	sbarrier.arrive $0xFFFF  }
0x163: {  	p0 =	sne.s32 s0, $0x0;
	s0 =	rddreg [dreg:$0x1]  }
0x164: {  	s0 =	sadd.s32 @!p0 $0x100000, s0  }
0x165: {  	[sflag:s0] =	ssyncadd.tile.s32 @!p0 $0x1;
	_ =	shalt  }
.Lfunc_end2:
_tile_overlayer_lowered:
.L_overlay_start_2:
0x166: {  	(tag) =	ssettag $0x2  }
0x167: {  	s0 =	rddreg [dreg:$0x0];
	s2 =	stileid.u32  }
0x168: {  	s1 =	rddreg [dreg:$0x1];
	p0 =	sne.s32 s2, $0x0  }
0x169: {  	s3 =	rddreg [dreg:$0x2];
	[bflag:$0x3] =	sbarrier.arrive $0xFFFF;
	s2 =	simm.s32 @!p0 $0x1C03  }
0x16a: {  	[timem:s3], [sflag:s2] =	dma.local @!p0 [hbm:s0], s1  }
0x16b: {  	s0 =	simm.s32 @!p0 $0x3  }
0x16c: {  	_ =	swait.ge @!p0 [sflag:s0], s1  }
0x16d: {  	s1 =	ssub.s32 @!p0 $0x0, s1;
	[sflag:s0] =	ssyncset.done @!p0 $0x0  }
0x16e: {  	[sflag:s0] =	ssyncadd.s32 @!p0 s1  }
0x16f: {  	[bflag:$0x3] =	sbarrier.arrive $0xFFFF  }
0x170: {  	_ =	shalt  }

// kernel: kernel.9.cloned.1.call-start
scs
__scs_entry_jumppad:
0x0: {  	(pc) =	sbr.rel $0x88, $3  }
0x1: {  	(tag) =	ssettag $0x0;
	lr =	simm.s32 $0x1  }
0x2: {  	[smem:$0x3F99] =	sst lr;
	_ =	strace $0xD0000000  }
0x3: {  	_ = 	snop  }
0x4: {  	_ = 	snop  }
0x5: {  	_ = 	snop  }
0x6: {  	_ = 	snop  }
0x7: {  	_ = 	snop  }
__scs_overlays_trampoline_lowered:
0x8: {  	[smem:$0x3FA8] =	sst s0  }
0x9: {  	[smem:$0x3FA9] =	sst s1  }
0xa: {  	[smem:$0x3FAA] =	sst s2  }
0xb: {  	[smem:$0x3FAB] =	sst s3  }
0xc: {  	[smem:$0x3FAC] =	sst s4  }
0xd: {  	[smem:$0x3FAD] =	sst s5  }
0xe: {  	[smem:$0x3FAE] =	sst s6  }
0xf: {  	[smem:$0x3FAF] =	sst s7  }
0x10: {  	[smem:$0x3FB0] =	sst s8  }
0x11: {  	[smem:$0x3FB1] =	sst s9;
	s0 =	simm.s32 @!p0 $0x0  }
0x12: {  	s1 =	sld [smem:$0x3F97];
	s0 =	simm.s32 @p0 $0x1  }
0x13: {  	[smem:$0x3FB2] =	sst s0;
	s0 =	simm.s32 @!p1 $0x0  }
0x14: {  	s2 =	sld [smem:$0x3F96];
	s0 =	simm.s32 @p1 $0x1  }
0x15: {  	[smem:$0x3FB3] =	sst s0;
	s0 =	simm.s32 @!p2 $0x0  }
0x16: {  	s3 =	sld [smem:$0x3FDB];
	s0 =	simm.s32 @p2 $0x1  }
0x17: {  	s4 =	simm.s32 $0x1BF5;
	[smem:$0x3FB5] =	sst s0  }
0x18: {  	s0 =	sld [smem:$0x3F98];
	_ =	swait.ge [sflag:s4], $0x0  }
0x19: {  	s7 =	sld [smem:$0x3F99]  }
0x1a: {  	s8 =	sadd.s32 $0xFFFFE003, lr  }
0x1b: {  	s9 =	sadd.s32 $0xFFFFFEF7, lr;
	s5 =	simm.s32 $0xFFFFFFFF;
	p2 =	slt.u32 s8, $0xFFFFF086  }
0x1c: {  	p1 =	slt.u32 s9, $0xF7A;
	s5 =	simm.s32 @!p2 $0x0  }
0x1d: {  	s5 =	simm.s32 @p1 $0x1;
	p0 =	seq.s32 s7, s2  }
0x1e: {  	s7 =	smul.u32 @!p0 $0xF7A, s2;
	p2 =	seq.s32 @!p0 s5, $0x0  }
0x1f: {  	s9 =	smul.u32 $0xF7A, s1;
	s8 =	simm.s32 @!p0 $0x1BF5;
	p2 =	por !p2, p0  }
0x20: {  	[sflag:s8] =	ssyncset.s32 @!p0 $0xFFFFF086;
	s6 =	sadd.s32 @!p0 s3, s7;
	s7 =	simm.s32 @!p0 $0x108  }
0x21: {  	s3 =	sadd.s32 s3, s9;
	s6 =	sadd.s32 @!p0 $0x88, s6;
	s7 =	simm.s32 @p2 $0x1082  }
0x22: {  	[simem:s7], [sflag:s8] =	dma.local @!p0 [hbm:s6], $0xF7A  }
0x23: {  	s9 =	sor.u32 $0xD0000000, s2;
	s6 =	simm.s32 $0x108;
	_ =	swait.ge @!p0 [sflag:s8], $0x0  }
0x24: {  	s3 =	sadd.s32 $0x88, s3;
	s6 =	simm.s32 @!p1 $0x1082;
	[sflag:s4] =	ssyncset.s32 $0xFFFFF086  }
0x25: {  	[simem:s6], [sflag:s4] =	dma.local [hbm:s3], $0xF7A  }
0x26: {  	[smem:$0x3F99] =	sst s1;
	(tag) =	ssettag s2;
	_ =	strace s9  }
0x27: {  	s1 =	sld [smem:$0x3FA9]  }
0x28: {  	s2 =	sld [smem:$0x3FAA]  }
0x29: {  	s4 =	sld [smem:$0x3FAC]  }
0x2a: {  	p0 =	seq.s32 s5, $0x0;
	s5 =	sld [smem:$0x3FAD]  }
0x2b: {  	s6 =	sld [smem:$0x3FAE]  }
0x2c: {  	s7 =	sld [smem:$0x3FAF]  }
0x2d: {  	s3 =	simm.s32 $0x108;
	s8 =	sld [smem:$0x3FB0]  }
0x2e: {  	s3 =	simm.s32 @!p0 $0x1082;
	s9 =	sld [smem:$0x3FB1]  }
0x2f: {  	lr =	sadd.s32 s0, s3;
	s0 =	sld [smem:$0x3FA8]  }
0x30: {  	s3 =	sld [smem:$0x3FAB]  }
0x31: {  	[smem:$0x3FB4] =	sst s10  }
0x32: {  	s10 =	sld [smem:$0x3FB2];
	_ =	sdelay $0x3  }
0x33: {  	p0 =	seq.s32 s10, $0x1;
	s10 =	sld [smem:$0x3FB4];
	_ =	sdelay $0x3  }
0x34: {  	[smem:$0x3FB4] =	sst s10  }
0x35: {  	s10 =	sld [smem:$0x3FB3];
	_ =	sdelay $0x3  }
0x36: {  	p1 =	seq.s32 s10, $0x1;
	s10 =	sld [smem:$0x3FB4];
	_ =	sdelay $0x3  }
0x37: {  	[smem:$0x3FB4] =	sst s10  }
0x38: {  	s10 =	sld [smem:$0x3FB5]  }
0x39: {  	_ = 	snop;
	(pc) =	sbr.ind lr, $3  }
0x3a: {  	_ = 	snop  }
0x3b: {  	_ = 	snop  }
0x3c: {  	p2 =	seq.s32 s10, $0x1;
	s10 =	sld [smem:$0x3FB4]  }
0x3d: {  	_ =	shalt  }
0x3e: {  	_ =	shalt  }
0x3f: {  	_ =	shalt  }
0x40: {  	_ =	shalt  }
0x41: {  	_ =	shalt  }
0x42: {  	_ =	shalt  }
0x43: {  	_ =	shalt  }
0x44: {  	_ =	shalt  }
0x45: {  	_ =	shalt  }
0x46: {  	_ =	shalt  }
0x47: {  	_ =	shalt  }
0x48: {  	_ =	shalt  }
0x49: {  	_ =	shalt  }
0x4a: {  	_ =	shalt  }
0x4b: {  	_ =	shalt  }
0x4c: {  	_ =	shalt  }
0x4d: {  	_ =	shalt  }
0x4e: {  	_ =	shalt  }
0x4f: {  	_ =	shalt  }
0x50: {  	_ =	shalt  }
0x51: {  	_ =	shalt  }
0x52: {  	_ =	shalt  }
0x53: {  	_ =	shalt  }
0x54: {  	_ =	shalt  }
0x55: {  	_ =	shalt  }
0x56: {  	_ =	shalt  }
0x57: {  	_ =	shalt  }
0x58: {  	_ =	shalt  }
0x59: {  	_ =	shalt  }
0x5a: {  	_ =	shalt  }
0x5b: {  	_ =	shalt  }
0x5c: {  	_ =	shalt  }
0x5d: {  	_ =	shalt  }
0x5e: {  	_ =	shalt  }
0x5f: {  	_ =	shalt  }
0x60: {  	_ =	shalt  }
0x61: {  	_ =	shalt  }
0x62: {  	_ =	shalt  }
0x63: {  	_ =	shalt  }
0x64: {  	_ =	shalt  }
0x65: {  	_ =	shalt  }
0x66: {  	_ =	shalt  }
0x67: {  	_ =	shalt  }
0x68: {  	_ =	shalt  }
0x69: {  	_ =	shalt  }
0x6a: {  	_ =	shalt  }
0x6b: {  	_ =	shalt  }
0x6c: {  	_ =	shalt  }
0x6d: {  	_ =	shalt  }
0x6e: {  	_ =	shalt  }
0x6f: {  	_ =	shalt  }
0x70: {  	_ =	shalt  }
0x71: {  	_ =	shalt  }
0x72: {  	_ =	shalt  }
0x73: {  	_ =	shalt  }
0x74: {  	_ =	shalt  }
0x75: {  	_ =	shalt  }
0x76: {  	_ =	shalt  }
0x77: {  	_ =	shalt  }
0x78: {  	_ =	shalt  }
0x79: {  	_ =	shalt  }
0x7a: {  	_ =	shalt  }
0x7b: {  	_ =	shalt  }
0x7c: {  	_ =	shalt  }
0x7d: {  	_ =	shalt  }
0x7e: {  	_ =	shalt  }
0x7f: {  	_ =	shalt  }
0x80: {  	_ =	shalt  }
0x81: {  	_ =	shalt  }
0x82: {  	_ =	shalt  }
0x83: {  	_ =	shalt  }
0x84: {  	_ =	shalt  }
0x85: {  	_ =	shalt  }
0x86: {  	_ =	shalt  }
0x87: {  	_ =	shalt  }
.Lfunc_end0:
.L_simem_size_0:
called_computation.1_lowered:
.L_overlay_start_0:
0x88: {  	s2 =	sld [smem:$0x3FD9]  }
0x89: {  	s3 =	sld [smem:$0x3FFE];
	_ =	sdelay $0x1  }
0x8a: {  	s1 =	srdreg.scid  }
0x8b: {  	s0 =	sand.u32 $0x1, s1  }
0x8c: {  	s17 =	sshll.u32 s0, $0xA;
	s2 =	sadd.s32 s3, s2  }
0x8d: {  	s2 =	sadd.s32 s2, s17  }
0x8e: {  	[smem:$0x3FC0] =	sst s2  }
0x8f: {  	_ = 	snop  }
0x90: {  	(tm) =	ssettm $0x1  }
0x91: {  	s18 =	sld [smem:$0x3FFB];
	_ =	sdelay $0x3  }
0x92: {  	_ =	strace s18  }
0x93: {  	s2 =	sld [smem:$0x3FFC];
	_ =	sdelay $0x3  }
0x94: {  	_ =	strace s2  }
0x95: {  	s2 =	sld [smem:$0x3FFD];
	_ =	sdelay $0x3  }
0x96: {  	_ =	strace s2  }
0x97: {  	_ =	strace $0x8FFFFFFF  }
0x98: {  	s19 =	sld [smem:$0x3FDB];
	_ =	sdelay $0x1  }
0x99: {  	s20 =	simm.s32 $_scs_section_size  }
0x9a: {  	s4 =	simm.s32 $_size__tile_overlayer_lowered;
	s5 =	simm.s32 $_tile_overlayer_lowered  }
0x9b: {  	s6 =	simm.s32 $0x1BFF;
	s21 =	sshll.u32 s5, $0x1;
	s3 =	sadd.s32 s20, s19  }
0x9c: {  	s22 =	simm.s32 $0x0;
	s4 =	sshll.u32 s4, $0x1;
	s5 =	sadd.s32 s21, s3  }
0x9d: {  	[timem:s22], [sflag:s6] =	dma.local [hbm:s5], s4  }
0x9e: {  	_ =	swait.ge [sflag:s6], s4  }
0x9f: {  	s4 =	ssub.s32 $0x0, s4;
	[sflag:s6] =	ssyncset.done $0x0  }
0xa0: {  	[sflag:s6] =	ssyncadd.s32 s4;
	_ =	sdelay $0x1  }
0xa1: {  	s23 =	simm.s32 $0x1B8B  }
0xa2: {  	_ =	swait.ge [sflag:s23], $0x1  }
0xa3: {  	[sflag:s23] =	ssyncset.done $0x0  }
0xa4: {  	[sflag:s23] =	ssyncadd.s32 $0xFFFFFFFF  }
0xa5: {  	s4 =	sld [smem:$0x0]  }
0xa6: {  	s5 =	sand.u32 $0xFFFFFFFE, s1  }
0xa7: {  	p0 =	sne.s32 s1, s5  }
0xa8: {  	s5 =	sshll.u32 @p0 s5, $0xE  }
0xa9: {  	s5 =	sadd.s32 @p0 $0x11B8D, s5;
	s6 =	sshll.u32 @p0 s4, $0x11  }
0xaa: {  	s5 =	sor.u32 @p0 s6, s5  }
0xab: {  	[sflag:s5] =	ssyncadd.remote.s32 @p0 $0x1;
	_ =	sdelay $0x1  }
0xac: {  	s5 =	simm.s32 @p0 $0x1B8D  }
0xad: {  	_ =	swait.eq @p0 [sflag:s5], $0x1  }
0xae: {  	[sflag:s5] =	ssyncadd.s32 @p0 $0xFFFFFFFF  }
0xaf: {  	s6 =	sshll.u32 @!p0 s1, $0xE  }
0xb0: {  	s6 =	sor.u32 @!p0 $0x4000, s6;
	s5 =	simm.s32 @!p0 $0x1B8D  }
0xb1: {  	s4 =	sshll.u32 @!p0 s4, $0x11;
	s6 =	sadd.s32 @!p0 $0x11B8D, s6;
	_ =	swait.eq @!p0 [sflag:s5], $0x1  }
0xb2: {  	s4 =	sor.u32 @!p0 s4, s6;
	[sflag:s5] =	ssyncadd.s32 @!p0 $0xFFFFFFFF  }
0xb3: {  	s25 =	simm.s32 $0x1B8E;
	s24 =	sld [smem:$0x3FFE];
	[sflag:s4] =	ssyncadd.remote.s32 @!p0 $0x1  }
0xb4: {  	s26 =	simm.s32 $execute0_lowered;
	[smem:$0x3FD2] =	sst s25  }
0xb5: {  	s5 =	sshll.u32 s26, $0x1;
	_ =	strace $0x80000049;
	[dreg:$0x1] =	wrdreg $0xFFFFFFFF  }
0xb6: {  	s28 =	simm.s32 $_size_execute0_lowered;
	s3 =	sadd.s32 s3, s5;
	[dreg:$0x0] =	wrdreg $0x0  }
0xb7: {  	s5 =	sshll.u32 s28, $0x1;
	[dreg:$0x2] =	wrdreg s3  }
0xb8: {  	[dreg:$0x3] =	wrdreg s5  }
0xb9: {  	[dreg:$0x4] =	wrdreg $0xC0  }
0xba: {  	_ =	task [dreg:s22], $0x5FFFF  }
0xbb: {  	[dreg:$0x1] =	wrdreg $0xFFFFFFFF  }
0xbc: {  	[dreg:$0x0] =	wrdreg $0x60  }
0xbd: {  	[dreg:$0x2] =	wrdreg s24  }
0xbe: {  	[dreg:$0x3] =	wrdreg $0xA  }
0xbf: {  	_ =	task.clear_ibuf [dreg:s22], $0x4FFFF;
	_ =	strace $0x90000049  }
0xc0: {  	s29 =	simm.s32 $0xA;
	_ =	strace $0x8000004B  }
0xc1: {  	_ =	swait.ge [sflag:s29], $0x1  }
0xc2: {  	[sflag:s29] =	ssyncadd.s32 $0xFFFFFFFF  }
0xc3: {  	_ =	strace $0x9000004B  }
0xc4: {  	_ =	sfence  }
0xc5: {  	s30 =	sld [smem:$0x0];
	_ =	sdelay $0x2  }
0xc6: {  	s31 =	sshll.u32 s1, $0xD;
	s1 =	sshrl.u32 s1, $0x2  }
0xc7: {  	s4 =	sand.u32 $0x4000, s31;
	s1 =	sadd.s32 s1, s30  }
0xc8: {  	s0 =	sor.u32 s4, s0;
	s1 =	sshll.u32 s1, $0x11  }
0xc9: {  	s0 =	sor.u32 s1, s0  }
0xca: {  	s0 =	sadd.s32 $0x8F2B, s0  }
0xcb: {  	[sflag:s0] =	ssyncadd.remote.s32 $0x1  }
0xcc: {  	_ =	sfence.sel $0xFFFF  }
0xcd: {  	[dreg:$0x0] =	wrdreg $0xFFFFFFFF;
	(pc) =	sbr.abs _section_cstart, $3  }
0xce: {  	[dreg:$0x1] =	wrdreg $0xFFFFFFFF  }
0xcf: {  	_ =	task.clear_ibuf [dreg:s22], $0x2FFFF;
	_ =	strace $0x9FFFFFFF  }
0xd0: {  	(tm) =	ssettm $0x7FFFFFFF  }
0xd1: {  	_ =	shalt  }
tec
execute0_lowered:
.L_overlay_start_1:
0x0: {  	(tag) =	ssettag $0x1  }
0x1: {  	s0 =	srdreg.scid  }
0x2: {  	s3 =	stileid.u32;
	s1 =	rddreg [dreg:$0x0]  }
0x3: {  	s10 =	simm.s32 $0x3;
	s0 =	sand.u32 $0x1, s0;
	s2 =	sshll.u32 s3, $0x1  }
0x4: {  	s11 =	simm.s32 $0x1;
	s3 =	sshrl.u32 s3, $0x2;
	s5 =	sor.u32 s0, s2  }
0x5: {  	s14 =	simm.s32 $0x2;
	s3 =	smul.u32 $0x1C00, s3;
	s4 =	sshll.u32 s5, $0x7  }
0x6: {  	s2 =	simm.s32 $0x0;
	s0 =	ssub.s32 $0x2, s0;
	s4 =	sand.u32 $0x380, s4  }
0x7: {  	[smem:$0x7FF] =	sst s2;
	s6 =	sshrl.u32 s0, $0x1;
	s4 =	sor.u32 s3, s4  }
0x8: {  	s5 =	smul.u32 $0x320, s5;
	s0 =	ssub.s32 s0, s6;
	s4 =	sshrl.u32 s4, $0x3  }
0x9: {  	_ =	strace $0x8000004A;
	s0 =	smax.u32 s0, $0x1;
	s7 =	sadd.s32 s4, s1  }
0xa: {  	s3 =	sadd.s32 $0x1C00, s1;
	[dreg:$0x3] =	wrdreg s0;
	s31 =	sadd.s32 $0xF44000, s7  }
0xb: {  	s4 =	sadd.s32 $0xFA9E00, s1;
	s1 =	simm.s32 $0x0;
	[dreg:$0x2] =	wrdreg s31  }
.LBB2_1:
0xc: {  	[dreg:$0x4] =	wrdreg s1  }
0xd: {  	s0 =	rddreg [dreg:$0x2];
	s31 =	simm.s32 $0x80;
	s6 =	simm.s32 $0x400  }
0xe: {  	[tilespmem:s2], [sflag:$0x3] =	stream.strided.gather [hbm4b:s0+s31], $0x380, s6, s31, $0x38;
	[tilespmem:$0x5380] =	vst v63  }
0xf: {  	_ =	swait.ge [sflag:s10], $0x380  }
0x10: {  	[sflag:s10] =	ssyncset.done $0x0  }
0x11: {  	[sflag:s10] =	ssyncadd.s32 $0xFFFFFC80  }
0x12: {  	v0 =	vld [tilespmem:s2+$0x0];
	_ =	sdelay $0x4  }
0x13: {  	v0 =	vshll.u32 v0, $0x4  }
0x14: {  	(v2sf) =	vpush v0, $0x0  }
0x15: {  	(v2sf) =	vpush v0, $0x1  }
0x16: {  	(v2sf) =	vpush v0, $0x2;
	_ =	sdelay $0x1  }
0x17: {  	(v2sf) =	vpush v0, $0x4;
	_ =	sdelay $0x1  }
0x18: {  	(v2sf) =	vpush v0, $0x3  }
0x19: {  	(v2sf) =	vpush v0, $0x5  }
0x1a: {  	s19 =	simm.s32 $0x2000;
	s18 =	simm.s32 $0x0;
	s20 =	simm.s32 $0x0;
	(v2sf) =	vpush v0, $0x6  }
.LBB2_2:
0x1b: {  	p0 =	sne.s32 s19, $0x8000  }
0x1c: {  	s0 =	sadd.s32 $0x400, s18;
	s24 =	sadd.s32 $0x900, s18;
	s21 =	smov.u32 s19  }
0x1d: {  	s19 =	sadd.s32 $0x2000, s19;
	s28 =	sadd.s32 $0x700, s18;
	s22 =	sadd.s32 $0x980, s18;
	(v2sf) =	vpush v0, $0x7  }
0x1e: {  	s1 =	sadd.s32 $0x600, s18;
	s25 =	sadd.s32 $0x780, s18;
	s23 =	sadd.s32 $0xA00, s18  }
0x1f: {  	s30 =	sadd.s32 $0x380, s18;
	s31 =	sadd.s32 $0x580, s18;
	(v2sf) =	vpush v0, $0x8  }
0x20: {  	s17 =	simm.s32 $0x0;
	s8 =	sadd.s32 $0x680, s18;
	s20 =	sadd.s32 $0x10, s20  }
0x21: {  	s9 =	sadd.s32 $0x480, s18;
	s26 =	sadd.s32 $0x880, s18;
	s29 =	spop (v2sf);
	(v2sf) =	vpush v0, $0x9  }
0x22: {  	s6 =	sand.u32 $0x1FFFFFF0, s29;
	s29 =	sadd.s32 $0x800, s18;
	s7 =	spop (v2sf)  }
0x23: {  	s6 =	sadd.s32 s3, s6;
	s7 =	sand.u32 $0x1FFFFFF0, s7;
	s16 =	spop (v2sf);
	(v2sf) =	vpush v0, $0xA  }
0x24: {  	[tilespmem:s30], [sflag:$0x1] =	stream.linear.gather [hbm4b:s6+s17], $0x80, $0x38;
	[tilespmem:$0x5380] =	vst v63  }
0x25: {  	s6 =	sadd.s32 s3, s7;
	s7 =	sadd.s32 $0x500, s18;
	s30 =	spop (v2sf);
	(v2sf) =	vpush v0, $0xB  }
0x26: {  	[tilespmem:s0], [sflag:$0x1] =	stream.linear.gather [hbm4b:s6+s17], $0x80, $0x38;
	[tilespmem:$0x5380] =	vst v63  }
0x27: {  	s0 =	sand.u32 $0x1FFFFFF0, s16;
	s6 =	sand.u32 $0x1FFFFFF0, s30;
	s16 =	spop (v2sf);
	(v2sf) =	vpush v0, $0xC  }
0x28: {  	s0 =	sadd.s32 s3, s0;
	s16 =	sand.u32 $0x1FFFFFF0, s16;
	s30 =	spop (v2sf)  }
0x29: {  	[tilespmem:s9], [sflag:$0x1] =	stream.linear.gather [hbm4b:s0+s17], $0x80, $0x38;
	(v2sf) =	vpush v0, $0xD;
	[tilespmem:$0x5380] =	vst v63  }
0x2a: {  	s0 =	sadd.s32 s3, s16;
	s9 =	sand.u32 $0x1FFFFFF0, s30;
	s16 =	spop (v2sf)  }
0x2b: {  	[tilespmem:s7], [sflag:$0x1] =	stream.linear.gather [hbm4b:s0+s17], $0x80, $0x38;
	(v2sf) =	vpush v0, $0xE;
	[tilespmem:$0x5380] =	vst v63  }
0x2c: {  	s0 =	sadd.s32 s3, s6;
	s6 =	sand.u32 $0x1FFFFFF0, s16;
	s7 =	spop (v2sf)  }
0x2d: {  	[tilespmem:s31], [sflag:$0x1] =	stream.linear.gather [hbm4b:s0+s17], $0x80, $0x38;
	(v2sf) =	vpush v0, $0xF;
	[tilespmem:$0x5380] =	vst v63  }
0x2e: {  	s0 =	sadd.s32 s3, s9;
	s7 =	sand.u32 $0x1FFFFFF0, s7;
	s9 =	spop (v2sf)  }
0x2f: {  	[tilespmem:s1], [sflag:$0x1] =	stream.linear.gather [hbm4b:s0+s17], $0x80, $0x38;
	[tilespmem:$0x5380] =	vst v63  }
0x30: {  	s0 =	sadd.s32 s3, s6;
	s1 =	sand.u32 $0x1FFFFFF0, s9;
	s6 =	spop (v2sf)  }
0x31: {  	[tilespmem:s8], [sflag:$0x1] =	stream.linear.gather [hbm4b:s0+s17], $0x80, $0x38;
	[tilespmem:$0x5380] =	vst v63  }
0x32: {  	s0 =	sadd.s32 s3, s7;
	s6 =	sand.u32 $0x1FFFFFF0, s6;
	s7 =	spop (v2sf)  }
0x33: {  	[tilespmem:s28], [sflag:$0x1] =	stream.linear.gather [hbm4b:s0+s17], $0x80, $0x38;
	[tilespmem:$0x5380] =	vst v63  }
0x34: {  	s0 =	sadd.s32 s3, s1;
	s1 =	sand.u32 $0x1FFFFFF0, s7;
	s7 =	spop (v2sf)  }
0x35: {  	[tilespmem:s25], [sflag:$0x1] =	stream.linear.gather [hbm4b:s0+s17], $0x80, $0x38;
	[tilespmem:$0x5380] =	vst v63  }
0x36: {  	s0 =	sadd.s32 s3, s6;
	s6 =	sand.u32 $0x1FFFFFF0, s7;
	s7 =	spop (v2sf)  }
0x37: {  	[tilespmem:s29], [sflag:$0x1] =	stream.linear.gather [hbm4b:s0+s17], $0x80, $0x38;
	[tilespmem:$0x5380] =	vst v63  }
0x38: {  	s0 =	sadd.s32 s3, s1;
	s1 =	sand.u32 $0x1FFFFFF0, s7;
	s7 =	spop (v2sf)  }
0x39: {  	[tilespmem:s26], [sflag:$0x1] =	stream.linear.gather [hbm4b:s0+s17], $0x80, $0x38;
	[tilespmem:$0x5380] =	vst v63  }
0x3a: {  	s0 =	sadd.s32 s3, s6;
	s6 =	sand.u32 $0x1FFFFFF0, s7;
	s7 =	spop (v2sf)  }
0x3b: {  	[tilespmem:s24], [sflag:$0x1] =	stream.linear.gather [hbm4b:s0+s17], $0x80, $0x38;
	[tilespmem:$0x5380] =	vst v63  }
0x3c: {  	s0 =	sadd.s32 s3, s1;
	s1 =	sand.u32 $0x1FFFFFF0, s7;
	s7 =	spop (v2sf)  }
0x3d: {  	[tilespmem:s22], [sflag:$0x1] =	stream.linear.gather [hbm4b:s0+s17], $0x80, $0x38;
	[tilespmem:$0x5380] =	vst v63  }
0x3e: {  	s0 =	sadd.s32 s3, s6;
	s6 =	sand.u32 $0x1FFFFFF0, s7  }
0x3f: {  	[tilespmem:s23], [sflag:$0x1] =	stream.linear.gather [hbm4b:s0+s17], $0x80, $0x38;
	[tilespmem:$0x5380] =	vst v63  }
0x40: {  	s1 =	sadd.s32 s3, s1;
	s0 =	sadd.s32 $0xA80, s18  }
0x41: {  	[tilespmem:s0], [sflag:$0x1] =	stream.linear.gather [hbm4b:s1+s17], $0x80, $0x38;
	[tilespmem:$0x5380] =	vst v63  }
0x42: {  	s0 =	sadd.s32 $0xB00, s18;
	s1 =	sadd.s32 s3, s6  }
0x43: {  	[tilespmem:s0], [sflag:$0x1] =	stream.linear.gather [hbm4b:s1+s17], $0x80, $0x38;
	[tilespmem:$0x5380] =	vst v63  }
0x44: {  	v0 =	vld [tilespmem:s20+$0x0];
	_ =	sdelay $0x4  }
0x45: {  	v0 =	vshll.u32 v0, $0x4  }
0x46: {  	(v2sf) =	vpush v0, $0x0  }
0x47: {  	(v2sf) =	vpush v0, $0x1  }
0x48: {  	(v2sf) =	vpush v0, $0x2;
	_ =	sdelay $0x1  }
0x49: {  	(v2sf) =	vpush v0, $0x4  }
.Ltmp0:
0x4a: {  	(pc) =	sbr.rel @p0 .LBB2_2-.Ltmp0, $3  }
0x4b: {  	(v2sf) =	vpush v0, $0x3  }
0x4c: {  	(v2sf) =	vpush v0, $0x5;
	_ =	sdelay $0x1  }
0x4d: {  	s18 =	sshra.s32 s21, $0x2;
	(v2sf) =	vpush v0, $0x6  }
0x4e: {  	_ =	sdelay $0x1  }
0x4f: {  	(v2sf) =	vpush v0, $0x7  }
0x50: {  	s0 =	sadd.s32 $0x400, s18;
	s21 =	sadd.s32 $0x900, s18;
	s1 =	sadd.s32 $0x700, s18  }
0x51: {  	s19 =	sadd.s32 $0x980, s18;
	s6 =	sadd.s32 $0x600, s18;
	s7 =	sadd.s32 $0x780, s18;
	(v2sf) =	vpush v0, $0x8  }
0x52: {  	s20 =	sadd.s32 $0xA00, s18;
	s8 =	sadd.s32 $0x380, s18;
	s22 =	spop (v2sf)  }
0x53: {  	s9 =	sadd.s32 $0x580, s18;
	s22 =	sand.u32 $0x1FFFFFF0, s22;
	s24 =	spop (v2sf)  }
0x54: {  	s22 =	sadd.s32 s3, s22;
	s24 =	sand.u32 $0x1FFFFFF0, s24;
	s25 =	spop (v2sf)  }
0x55: {  	(v2sf) =	vpush v0, $0x9;
	[tilespmem:s8], [sflag:$0x1] =	stream.linear.gather [hbm4b:s22+s17], $0x80, $0x38;
	[tilespmem:$0x5380] =	vst v63  }
0x56: {  	s16 =	sadd.s32 $0x680, s18;
	s26 =	sadd.s32 s3, s24;
	s28 =	spop (v2sf)  }
0x57: {  	(v2sf) =	vpush v0, $0xA;
	[tilespmem:s0], [sflag:$0x1] =	stream.linear.gather [hbm4b:s26+s17], $0x80, $0x38;
	[tilespmem:$0x5380] =	vst v63  }
0x58: {  	s23 =	sadd.s32 $0x480, s18;
	s29 =	sand.u32 $0x1FFFFFF0, s25;
	s30 =	spop (v2sf)  }
0x59: {  	s8 =	sadd.s32 $0x880, s18;
	(v2sf) =	vpush v0, $0xB;
	s22 =	sadd.s32 s3, s29;
	s25 =	sand.u32 $0x1FFFFFF0, s30  }
0x5a: {  	[tilespmem:s23], [sflag:$0x1] =	stream.linear.gather [hbm4b:s22+s17], $0x80, $0x38;
	[tilespmem:$0x5380] =	vst v63  }
0x5b: {  	s26 =	sadd.s32 $0x500, s18;
	(v2sf) =	vpush v0, $0xC;
	s12 =	spop (v2sf);
	s13 =	sadd.s32 s3, s25  }
0x5c: {  	[tilespmem:s26], [sflag:$0x1] =	stream.linear.gather [hbm4b:s13+s17], $0x80, $0x38;
	[tilespmem:$0x5380] =	vst v63  }
0x5d: {  	s0 =	sadd.s32 $0x800, s18;
	s31 =	sand.u32 $0x1FFFFFF0, s28;
	(v2sf) =	vpush v0, $0xD;
	s15 =	spop (v2sf)  }
0x5e: {  	s22 =	sadd.s32 s3, s31;
	s23 =	sand.u32 $0x1FFFFFF0, s12;
	s26 =	spop (v2sf)  }
0x5f: {  	(v2sf) =	vpush v0, $0xE;
	[tilespmem:s9], [sflag:$0x1] =	stream.linear.gather [hbm4b:s22+s17], $0x80, $0x38;
	[tilespmem:$0x5380] =	vst v63  }
0x60: {  	s23 =	sadd.s32 s3, s23;
	s25 =	sand.u32 $0x1FFFFFF0, s15;
	s29 =	spop (v2sf)  }
0x61: {  	(v2sf) =	vpush v0, $0xF;
	[tilespmem:s6], [sflag:$0x1] =	stream.linear.gather [hbm4b:s23+s17], $0x80, $0x38;
	[tilespmem:$0x5380] =	vst v63  }
0x62: {  	s28 =	sand.u32 $0x1FFFFFF0, s26;
	s9 =	sadd.s32 s3, s25;
	s30 =	sand.u32 $0x1FFFFFF0, s29  }
0x63: {  	[tilespmem:s16], [sflag:$0x1] =	stream.linear.gather [hbm4b:s9+s17], $0x80, $0x38;
	[tilespmem:$0x5380] =	vst v63  }
0x64: {  	s6 =	sadd.s32 s3, s28;
	s9 =	sadd.s32 s3, s30;
	s31 =	spop (v2sf)  }
0x65: {  	[tilespmem:s1], [sflag:$0x1] =	stream.linear.gather [hbm4b:s6+s17], $0x80, $0x38;
	[tilespmem:$0x5380] =	vst v63  }
0x66: {  	s30 =	sadd.s32 $0xA80, s18;
	s12 =	sand.u32 $0x1FFFFFF0, s31;
	s13 =	spop (v2sf)  }
0x67: {  	[tilespmem:s7], [sflag:$0x1] =	stream.linear.gather [hbm4b:s9+s17], $0x80, $0x38;
	[tilespmem:$0x5380] =	vst v63  }
0x68: {  	s6 =	sand.u32 $0x1FFFFFF0, s13;
	s1 =	sadd.s32 s3, s12;
	s15 =	spop (v2sf)  }
0x69: {  	[tilespmem:s0], [sflag:$0x1] =	stream.linear.gather [hbm4b:s1+s17], $0x80, $0x38;
	[tilespmem:$0x5380] =	vst v63  }
0x6a: {  	s6 =	sadd.s32 s3, s6;
	s16 =	sand.u32 $0x1FFFFFF0, s15;
	s22 =	spop (v2sf)  }
0x6b: {  	[tilespmem:s8], [sflag:$0x1] =	stream.linear.gather [hbm4b:s6+s17], $0x80, $0x38;
	[tilespmem:$0x5380] =	vst v63  }
0x6c: {  	s0 =	sadd.s32 s3, s16;
	s1 =	sand.u32 $0x1FFFFFF0, s22;
	s23 =	spop (v2sf)  }
0x6d: {  	[tilespmem:s21], [sflag:$0x1] =	stream.linear.gather [hbm4b:s0+s17], $0x80, $0x38;
	[tilespmem:$0x5380] =	vst v63  }
0x6e: {  	s24 =	sand.u32 $0x1FFFFFF0, s23;
	s1 =	sadd.s32 s3, s1;
	s25 =	spop (v2sf)  }
0x6f: {  	[tilespmem:s19], [sflag:$0x1] =	stream.linear.gather [hbm4b:s1+s17], $0x80, $0x38;
	[tilespmem:$0x5380] =	vst v63  }
0x70: {  	s26 =	sand.u32 $0x1FFFFFF0, s25;
	s28 =	spop (v2sf);
	s0 =	sadd.s32 s3, s24  }
0x71: {  	[tilespmem:s20], [sflag:$0x1] =	stream.linear.gather [hbm4b:s0+s17], $0x80, $0x38;
	[tilespmem:$0x5380] =	vst v63  }
0x72: {  	s31 =	sadd.s32 $0xB00, s18;
	s29 =	sand.u32 $0x1FFFFFF0, s28;
	s1 =	sadd.s32 s3, s26  }
0x73: {  	[tilespmem:s30], [sflag:$0x1] =	stream.linear.gather [hbm4b:s1+s17], $0x80, $0x38;
	[tilespmem:$0x5380] =	vst v63  }
0x74: {  	s18 =	simm.s32 $0x50;
	s19 =	simm.s32 $0xA0;
	s0 =	sadd.s32 s3, s29  }
0x75: {  	[tilespmem:s31], [sflag:$0x1] =	stream.linear.gather [hbm4b:s0+s17], $0x80, $0x38;
	[tilespmem:$0x5380] =	vst v63  }
.LBB2_4:
0x76: {  	v0 =	vld [tilespmem:s18+$0x0];
	_ =	sdelay $0x4  }
0x77: {  	v0 =	vshll.u32 v0, $0x4  }
0x78: {  	(v2sf) =	vpush v0, $0x0  }
0x79: {  	(v2sf) =	vpush v0, $0x1  }
0x7a: {  	(v2sf) =	vpush v0, $0x2;
	_ =	sdelay $0x1  }
0x7b: {  	(v2sf) =	vpush v0, $0x4;
	_ =	sdelay $0x1  }
0x7c: {  	(v2sf) =	vpush v0, $0x3  }
0x7d: {  	s20 =	sshllo.u32 s17, $0x1;
	(v2sf) =	vpush v0, $0x5  }
0x7e: {  	s22 =	simm.s32 $0x2000;
	s21 =	simm.s32 $0x0;
	s23 =	smov.u32 s18;
	(v2sf) =	vpush v0, $0x6  }
.LBB2_5:
0x7f: {  	p0 =	sne.s32 s22, $0x8000  }
0x80: {  	s6 =	sadd.s32 $0x2C00, s21;
	s28 =	sadd.s32 $0x3100, s21;
	s24 =	smov.u32 s22  }
0x81: {  	s22 =	sadd.s32 $0x2000, s22;
	s31 =	sadd.s32 $0x2F00, s21;
	s25 =	sadd.s32 $0x3180, s21;
	(v2sf) =	vpush v0, $0x7  }
0x82: {  	s0 =	sadd.s32 $0x2E00, s21;
	s30 =	sadd.s32 $0x2F80, s21;
	s26 =	sadd.s32 $0x3200, s21  }
0x83: {  	s7 =	sadd.s32 $0x2B80, s21;
	s8 =	sadd.s32 $0x2D80, s21;
	(v2sf) =	vpush v0, $0x8  }
0x84: {  	s9 =	sadd.s32 $0x2E80, s21;
	s23 =	sadd.s32 $0x10, s23  }
0x85: {  	s16 =	sadd.s32 $0x2C80, s21;
	s29 =	sadd.s32 $0x3080, s21;
	s1 =	spop (v2sf);
	(v2sf) =	vpush v0, $0x9  }
0x86: {  	s12 =	sand.u32 $0x1FFFFFF0, s1;
	s1 =	sadd.s32 $0x3000, s21;
	s15 =	spop (v2sf)  }
0x87: {  	s12 =	sadd.s32 s3, s12;
	s15 =	sand.u32 $0x1FFFFFF0, s15;
	s13 =	spop (v2sf);
	(v2sf) =	vpush v0, $0xA  }
0x88: {  	[tilespmem:s7], [sflag:$0x2] =	stream.linear.gather [hbm4b:s12+s2], $0x80, $0x38;
	[tilespmem:$0x5380] =	vst v63  }
0x89: {  	s7 =	sadd.s32 s3, s15;
	s12 =	sadd.s32 $0x2D00, s21;
	s15 =	spop (v2sf);
	(v2sf) =	vpush v0, $0xB  }
0x8a: {  	[tilespmem:s6], [sflag:$0x2] =	stream.linear.gather [hbm4b:s7+s2], $0x80, $0x38;
	[tilespmem:$0x5380] =	vst v63  }
0x8b: {  	s6 =	sand.u32 $0x1FFFFFF0, s13;
	s7 =	sand.u32 $0x1FFFFFF0, s15;
	s13 =	spop (v2sf);
	(v2sf) =	vpush v0, $0xC  }
0x8c: {  	s6 =	sadd.s32 s3, s6;
	s13 =	sand.u32 $0x1FFFFFF0, s13;
	s15 =	spop (v2sf)  }
0x8d: {  	[tilespmem:s16], [sflag:$0x2] =	stream.linear.gather [hbm4b:s6+s2], $0x80, $0x38;
	(v2sf) =	vpush v0, $0xD;
	[tilespmem:$0x5380] =	vst v63  }
0x8e: {  	s6 =	sadd.s32 s3, s13;
	s13 =	sand.u32 $0x1FFFFFF0, s15;
	s15 =	spop (v2sf)  }
0x8f: {  	[tilespmem:s12], [sflag:$0x2] =	stream.linear.gather [hbm4b:s6+s2], $0x80, $0x38;
	(v2sf) =	vpush v0, $0xE;
	[tilespmem:$0x5380] =	vst v63  }
0x90: {  	s6 =	sadd.s32 s3, s7;
	s7 =	sand.u32 $0x1FFFFFF0, s15;
	s12 =	spop (v2sf)  }
0x91: {  	[tilespmem:s8], [sflag:$0x2] =	stream.linear.gather [hbm4b:s6+s2], $0x80, $0x38;
	(v2sf) =	vpush v0, $0xF;
	[tilespmem:$0x5380] =	vst v63  }
0x92: {  	s6 =	sadd.s32 s3, s13;
	s8 =	sand.u32 $0x1FFFFFF0, s12;
	s12 =	spop (v2sf)  }
0x93: {  	[tilespmem:s0], [sflag:$0x2] =	stream.linear.gather [hbm4b:s6+s2], $0x80, $0x38;
	[tilespmem:$0x5380] =	vst v63  }
0x94: {  	s0 =	sadd.s32 s3, s7;
	s6 =	sand.u32 $0x1FFFFFF0, s12;
	s7 =	spop (v2sf)  }
0x95: {  	[tilespmem:s9], [sflag:$0x2] =	stream.linear.gather [hbm4b:s0+s2], $0x80, $0x38;
	[tilespmem:$0x5380] =	vst v63  }
0x96: {  	s0 =	sadd.s32 s3, s8;
	s7 =	sand.u32 $0x1FFFFFF0, s7;
	s8 =	spop (v2sf)  }
0x97: {  	[tilespmem:s31], [sflag:$0x2] =	stream.linear.gather [hbm4b:s0+s2], $0x80, $0x38;
	[tilespmem:$0x5380] =	vst v63  }
0x98: {  	s0 =	sadd.s32 s3, s6;
	s6 =	sand.u32 $0x1FFFFFF0, s8;
	s8 =	spop (v2sf)  }
0x99: {  	[tilespmem:s30], [sflag:$0x2] =	stream.linear.gather [hbm4b:s0+s2], $0x80, $0x38;
	[tilespmem:$0x5380] =	vst v63  }
0x9a: {  	s0 =	sadd.s32 s3, s7;
	s7 =	sand.u32 $0x1FFFFFF0, s8;
	s8 =	spop (v2sf)  }
0x9b: {  	[tilespmem:s1], [sflag:$0x2] =	stream.linear.gather [hbm4b:s0+s2], $0x80, $0x38;
	[tilespmem:$0x5380] =	vst v63  }
0x9c: {  	s0 =	sadd.s32 s3, s6;
	s1 =	sand.u32 $0x1FFFFFF0, s8;
	s6 =	spop (v2sf)  }
0x9d: {  	[tilespmem:s29], [sflag:$0x2] =	stream.linear.gather [hbm4b:s0+s2], $0x80, $0x38;
	[tilespmem:$0x5380] =	vst v63  }
0x9e: {  	s0 =	sadd.s32 s3, s7;
	s6 =	sand.u32 $0x1FFFFFF0, s6;
	s7 =	spop (v2sf)  }
0x9f: {  	[tilespmem:s28], [sflag:$0x2] =	stream.linear.gather [hbm4b:s0+s2], $0x80, $0x38;
	[tilespmem:$0x5380] =	vst v63  }
0xa0: {  	s0 =	sadd.s32 s3, s1;
	s1 =	sand.u32 $0x1FFFFFF0, s7;
	s7 =	spop (v2sf)  }
0xa1: {  	[tilespmem:s25], [sflag:$0x2] =	stream.linear.gather [hbm4b:s0+s2], $0x80, $0x38;
	[tilespmem:$0x5380] =	vst v63  }
0xa2: {  	s0 =	sadd.s32 s3, s6;
	s6 =	sand.u32 $0x1FFFFFF0, s7  }
0xa3: {  	[tilespmem:s26], [sflag:$0x2] =	stream.linear.gather [hbm4b:s0+s2], $0x80, $0x38;
	[tilespmem:$0x5380] =	vst v63  }
0xa4: {  	s1 =	sadd.s32 s3, s1;
	s0 =	sadd.s32 $0x3280, s21  }
0xa5: {  	[tilespmem:s0], [sflag:$0x2] =	stream.linear.gather [hbm4b:s1+s2], $0x80, $0x38;
	[tilespmem:$0x5380] =	vst v63  }
0xa6: {  	s0 =	sadd.s32 $0x3300, s21;
	s1 =	sadd.s32 s3, s6  }
0xa7: {  	[tilespmem:s0], [sflag:$0x2] =	stream.linear.gather [hbm4b:s1+s2], $0x80, $0x38;
	[tilespmem:$0x5380] =	vst v63  }
0xa8: {  	v0 =	vld [tilespmem:s23+$0x0];
	_ =	sdelay $0x4  }
0xa9: {  	v0 =	vshll.u32 v0, $0x4  }
0xaa: {  	(v2sf) =	vpush v0, $0x0  }
0xab: {  	(v2sf) =	vpush v0, $0x1  }
0xac: {  	(v2sf) =	vpush v0, $0x2;
	_ =	sdelay $0x1  }
0xad: {  	(v2sf) =	vpush v0, $0x4  }
.Ltmp1:
0xae: {  	(pc) =	sbr.rel @p0 .LBB2_5-.Ltmp1, $3  }
0xaf: {  	(v2sf) =	vpush v0, $0x3  }
0xb0: {  	(v2sf) =	vpush v0, $0x5;
	_ =	sdelay $0x1  }
0xb1: {  	s21 =	sshra.s32 s24, $0x2;
	(v2sf) =	vpush v0, $0x6  }
0xb2: {  	_ =	sdelay $0x1  }
0xb3: {  	s0 =	sadd.s32 $0x2C00, s21;
	s24 =	sadd.s32 $0x3100, s21  }
0xb4: {  	s1 =	sadd.s32 $0x2F00, s21;
	s22 =	sadd.s32 $0x3180, s21;
	(v2sf) =	vpush v0, $0x7;
	s6 =	sadd.s32 $0x2E00, s21  }
0xb5: {  	s7 =	sadd.s32 $0x2F80, s21;
	s23 =	sadd.s32 $0x3200, s21;
	s8 =	sadd.s32 $0x2B80, s21  }
0xb6: {  	s9 =	sadd.s32 $0x2D80, s21;
	s12 =	sadd.s32 $0x2E80, s21;
	(v2sf) =	vpush v0, $0x8;
	s13 =	spop (v2sf)  }
0xb7: {  	s15 =	sadd.s32 $0x2C80, s21;
	s13 =	sand.u32 $0x1FFFFFF0, s13;
	s16 =	spop (v2sf)  }
0xb8: {  	(v2sf) =	vpush v0, $0x9;
	s13 =	sadd.s32 s3, s13;
	s16 =	sand.u32 $0x1FFFFFF0, s16;
	s25 =	spop (v2sf)  }
0xb9: {  	[tilespmem:s8], [sflag:$0x2] =	stream.linear.gather [hbm4b:s13+s2], $0x80, $0x38;
	[tilespmem:$0x5380] =	vst v63  }
0xba: {  	(v2sf) =	vpush v0, $0xA;
	s26 =	sadd.s32 s3, s16;
	s29 =	sand.u32 $0x1FFFFFF0, s25;
	s28 =	spop (v2sf)  }
0xbb: {  	[tilespmem:s0], [sflag:$0x2] =	stream.linear.gather [hbm4b:s26+s2], $0x80, $0x38;
	[tilespmem:$0x5380] =	vst v63  }
0xbc: {  	s8 =	sadd.s32 $0x3080, s21;
	(v2sf) =	vpush v0, $0xB;
	s13 =	sadd.s32 s3, s29;
	s30 =	spop (v2sf)  }
0xbd: {  	s0 =	sadd.s32 $0x3000, s21;
	s26 =	sadd.s32 $0x2D00, s21;
	s25 =	sand.u32 $0x1FFFFFF0, s30  }
0xbe: {  	(v2sf) =	vpush v0, $0xC;
	[tilespmem:s15], [sflag:$0x2] =	stream.linear.gather [hbm4b:s13+s2], $0x80, $0x38;
	[tilespmem:$0x5380] =	vst v63  }
0xbf: {  	s31 =	sand.u32 $0x1FFFFFF0, s28;
	s28 =	spop (v2sf);
	s29 =	sadd.s32 s3, s25  }
0xc0: {  	(v2sf) =	vpush v0, $0xD;
	[tilespmem:s26], [sflag:$0x2] =	stream.linear.gather [hbm4b:s29+s2], $0x80, $0x38;
	[tilespmem:$0x5380] =	vst v63  }
0xc1: {  	s13 =	sadd.s32 s3, s31;
	s15 =	sand.u32 $0x1FFFFFF0, s28;
	s30 =	spop (v2sf)  }
0xc2: {  	(v2sf) =	vpush v0, $0xE;
	[tilespmem:s9], [sflag:$0x2] =	stream.linear.gather [hbm4b:s13+s2], $0x80, $0x38;
	[tilespmem:$0x5380] =	vst v63  }
0xc3: {  	s15 =	sadd.s32 s3, s15;
	s31 =	sand.u32 $0x1FFFFFF0, s30;
	s16 =	spop (v2sf)  }
0xc4: {  	(v2sf) =	vpush v0, $0xF;
	[tilespmem:s6], [sflag:$0x2] =	stream.linear.gather [hbm4b:s15+s2], $0x80, $0x38;
	[tilespmem:$0x5380] =	vst v63  }
0xc5: {  	s25 =	sand.u32 $0x1FFFFFF0, s16;
	s26 =	spop (v2sf);
	s9 =	sadd.s32 s3, s31  }
0xc6: {  	[tilespmem:s12], [sflag:$0x2] =	stream.linear.gather [hbm4b:s9+s2], $0x80, $0x38;
	[tilespmem:$0x5380] =	vst v63  }
0xc7: {  	s28 =	sand.u32 $0x1FFFFFF0, s26;
	s6 =	sadd.s32 s3, s25;
	s29 =	spop (v2sf)  }
0xc8: {  	[tilespmem:s1], [sflag:$0x2] =	stream.linear.gather [hbm4b:s6+s2], $0x80, $0x38;
	[tilespmem:$0x5380] =	vst v63  }
0xc9: {  	s9 =	sadd.s32 s3, s28;
	s30 =	sand.u32 $0x1FFFFFF0, s29;
	s31 =	spop (v2sf)  }
0xca: {  	[tilespmem:s7], [sflag:$0x2] =	stream.linear.gather [hbm4b:s9+s2], $0x80, $0x38;
	[tilespmem:$0x5380] =	vst v63  }
0xcb: {  	s6 =	sand.u32 $0x1FFFFFF0, s31;
	s1 =	sadd.s32 s3, s30;
	s12 =	spop (v2sf)  }
0xcc: {  	[tilespmem:s0], [sflag:$0x2] =	stream.linear.gather [hbm4b:s1+s2], $0x80, $0x38;
	[tilespmem:$0x5380] =	vst v63  }
0xcd: {  	s6 =	sadd.s32 s3, s6;
	s13 =	sand.u32 $0x1FFFFFF0, s12;
	s15 =	spop (v2sf)  }
0xce: {  	[tilespmem:s8], [sflag:$0x2] =	stream.linear.gather [hbm4b:s6+s2], $0x80, $0x38;
	[tilespmem:$0x5380] =	vst v63  }
0xcf: {  	s0 =	sadd.s32 s3, s13;
	s1 =	sand.u32 $0x1FFFFFF0, s15;
	s16 =	spop (v2sf)  }
0xd0: {  	[tilespmem:s24], [sflag:$0x2] =	stream.linear.gather [hbm4b:s0+s2], $0x80, $0x38;
	[tilespmem:$0x5380] =	vst v63  }
0xd1: {  	s1 =	sadd.s32 s3, s1;
	s25 =	spop (v2sf);
	s24 =	sand.u32 $0x1FFFFFF0, s16  }
0xd2: {  	[tilespmem:s22], [sflag:$0x2] =	stream.linear.gather [hbm4b:s1+s2], $0x80, $0x38;
	[tilespmem:$0x5380] =	vst v63  }
0xd3: {  	s26 =	sand.u32 $0x1FFFFFF0, s25;
	s28 =	spop (v2sf);
	s0 =	sadd.s32 s3, s24  }
0xd4: {  	[tilespmem:s23], [sflag:$0x2] =	stream.linear.gather [hbm4b:s0+s2], $0x80, $0x38;
	[tilespmem:$0x5380] =	vst v63  }
0xd5: {  	s30 =	sadd.s32 $0x3280, s21;
	s29 =	sand.u32 $0x1FFFFFF0, s28;
	s1 =	sadd.s32 s3, s26  }
0xd6: {  	[tilespmem:s30], [sflag:$0x2] =	stream.linear.gather [hbm4b:s1+s2], $0x80, $0x38;
	[tilespmem:$0x5380] =	vst v63  }
0xd7: {  	s31 =	sadd.s32 $0x3300, s21;
	s0 =	sadd.s32 s3, s29  }
0xd8: {  	[tilespmem:s31], [sflag:$0x2] =	stream.linear.gather [hbm4b:s0+s2], $0x80, $0x38;
	[tilespmem:$0x5380] =	vst v63  }
0xd9: {  	_ =	swait.ge [sflag:s11], $0x80  }
0xda: {  	s0 =	simm.s32 $0x4F;
	[sflag:s11] =	ssyncset.done $0x0  }
.LBB2_7:
0xdb: {  	p0 =	sne.s32 s0, $0x1;
	s0 =	sadd.s32 $0xFFFFFFFF, s0;
	[sflag:s11] =	ssyncadd.s32 $0xFFFFFF80  }
.Ltmp2:
0xdc: {  	(pc) =	sbr.rel @p0 .LBB2_7-.Ltmp2, $3  }
0xdd: {  	_ =	sdelay $0x1  }
0xde: {  	_ =	swait.ge [sflag:s11], $0x80  }
0xdf: {  	[sflag:s11] =	ssyncset.done $0x0  }
0xe0: {  	s0 =	smul.u32 $0xA0, s17;
	_ =	sdelay $0x1  }
0xe1: {  	[sflag:s11] =	ssyncadd.s32 $0xFFFFFF80;
	s1 =	simm.s32 $0x0;
	s0 =	sadd.s32 s5, s0  }
0xe2: {  	s6 =	simm.s32 $0x380;
	p0 =	seq.s32 s17, $0x4;
	s0 =	sshll.u32 s0, $0x4  }
.Ltmp3:
0xe3: {  	s31 =	simm.s32 $0x4;
	s0 =	sadd.s32 s4, s0;
	(pc) =	sbr.rel @p0 .LBB2_12-.Ltmp3, $4  }
0xe4: {  	[hbm4b:s0+s1] =	stream.linear.scatter [tilespmem:s6], [sflag:$0x4], $0x2800, $0x38;
	[tilespmem:$0x5380] =	vst v63  }
0xe5: {  	_ =	swait.ge [sflag:s31], $0x2800  }
0xe6: {  	[sflag:s31] =	ssyncset.done $0x0  }
0xe7: {  	[sflag:s31] =	ssyncadd.s32 $0xFFFFD800  }
0xe8: {  	v0 =	vld [tilespmem:s19+$0x0];
	_ =	sdelay $0x4  }
0xe9: {  	v0 =	vshll.u32 v0, $0x4  }
0xea: {  	(v2sf) =	vpush v0, $0x0  }
0xeb: {  	(v2sf) =	vpush v0, $0x1  }
0xec: {  	(v2sf) =	vpush v0, $0x2;
	_ =	sdelay $0x1  }
0xed: {  	(v2sf) =	vpush v0, $0x4;
	_ =	sdelay $0x1  }
0xee: {  	(v2sf) =	vpush v0, $0x3  }
0xef: {  	(v2sf) =	vpush v0, $0x5  }
0xf0: {  	s22 =	simm.s32 $0x2000;
	s21 =	simm.s32 $0x0;
	s23 =	smov.u32 s19;
	(v2sf) =	vpush v0, $0x6  }
.LBB2_10:
0xf1: {  	p0 =	sne.s32 s22, $0x8000  }
0xf2: {  	s6 =	sadd.s32 $0x400, s21;
	s28 =	sadd.s32 $0x900, s21;
	s24 =	smov.u32 s22  }
0xf3: {  	s22 =	sadd.s32 $0x2000, s22;
	s31 =	sadd.s32 $0x700, s21;
	s25 =	sadd.s32 $0x980, s21;
	(v2sf) =	vpush v0, $0x7  }
0xf4: {  	s0 =	sadd.s32 $0x600, s21;
	s30 =	sadd.s32 $0x780, s21;
	s26 =	sadd.s32 $0xA00, s21  }
0xf5: {  	s7 =	sadd.s32 $0x380, s21;
	s8 =	sadd.s32 $0x580, s21;
	(v2sf) =	vpush v0, $0x8  }
0xf6: {  	s9 =	sadd.s32 $0x680, s21;
	s23 =	sadd.s32 $0x10, s23  }
0xf7: {  	s12 =	sadd.s32 $0x480, s21;
	s29 =	sadd.s32 $0x880, s21;
	s1 =	spop (v2sf);
	(v2sf) =	vpush v0, $0x9  }
0xf8: {  	s13 =	sand.u32 $0x1FFFFFF0, s1;
	s1 =	sadd.s32 $0x800, s21;
	s15 =	spop (v2sf)  }
0xf9: {  	s13 =	sadd.s32 s3, s13;
	s15 =	sand.u32 $0x1FFFFFF0, s15;
	s16 =	spop (v2sf);
	(v2sf) =	vpush v0, $0xA  }
0xfa: {  	[tilespmem:s7], [sflag:$0x1] =	stream.linear.gather [hbm4b:s13+s2], $0x80, $0x38;
	[tilespmem:$0x5380] =	vst v63  }
0xfb: {  	s7 =	sadd.s32 s3, s15;
	s13 =	sadd.s32 $0x500, s21;
	s15 =	spop (v2sf);
	(v2sf) =	vpush v0, $0xB  }
0xfc: {  	[tilespmem:s6], [sflag:$0x1] =	stream.linear.gather [hbm4b:s7+s2], $0x80, $0x38;
	[tilespmem:$0x5380] =	vst v63  }
0xfd: {  	s6 =	sand.u32 $0x1FFFFFF0, s16;
	s7 =	sand.u32 $0x1FFFFFF0, s15;
	s15 =	spop (v2sf);
	(v2sf) =	vpush v0, $0xC  }
0xfe: {  	s6 =	sadd.s32 s3, s6;
	s15 =	sand.u32 $0x1FFFFFF0, s15;
	s16 =	spop (v2sf)  }
0xff: {  	[tilespmem:s12], [sflag:$0x1] =	stream.linear.gather [hbm4b:s6+s2], $0x80, $0x38;
	(v2sf) =	vpush v0, $0xD;
	[tilespmem:$0x5380] =	vst v63  }
0x100: {  	s6 =	sadd.s32 s3, s15;
	s12 =	sand.u32 $0x1FFFFFF0, s16;
	s15 =	spop (v2sf)  }
0x101: {  	[tilespmem:s13], [sflag:$0x1] =	stream.linear.gather [hbm4b:s6+s2], $0x80, $0x38;
	(v2sf) =	vpush v0, $0xE;
	[tilespmem:$0x5380] =	vst v63  }
0x102: {  	s6 =	sadd.s32 s3, s7;
	s7 =	sand.u32 $0x1FFFFFF0, s15;
	s13 =	spop (v2sf)  }
0x103: {  	[tilespmem:s8], [sflag:$0x1] =	stream.linear.gather [hbm4b:s6+s2], $0x80, $0x38;
	(v2sf) =	vpush v0, $0xF;
	[tilespmem:$0x5380] =	vst v63  }
0x104: {  	s6 =	sadd.s32 s3, s12;
	s8 =	sand.u32 $0x1FFFFFF0, s13;
	s12 =	spop (v2sf)  }
0x105: {  	[tilespmem:s0], [sflag:$0x1] =	stream.linear.gather [hbm4b:s6+s2], $0x80, $0x38;
	[tilespmem:$0x5380] =	vst v63  }
0x106: {  	s0 =	sadd.s32 s3, s7;
	s6 =	sand.u32 $0x1FFFFFF0, s12;
	s7 =	spop (v2sf)  }
0x107: {  	[tilespmem:s9], [sflag:$0x1] =	stream.linear.gather [hbm4b:s0+s2], $0x80, $0x38;
	[tilespmem:$0x5380] =	vst v63  }
0x108: {  	s0 =	sadd.s32 s3, s8;
	s7 =	sand.u32 $0x1FFFFFF0, s7;
	s8 =	spop (v2sf)  }
0x109: {  	[tilespmem:s31], [sflag:$0x1] =	stream.linear.gather [hbm4b:s0+s2], $0x80, $0x38;
	[tilespmem:$0x5380] =	vst v63  }
0x10a: {  	s0 =	sadd.s32 s3, s6;
	s6 =	sand.u32 $0x1FFFFFF0, s8;
	s8 =	spop (v2sf)  }
0x10b: {  	[tilespmem:s30], [sflag:$0x1] =	stream.linear.gather [hbm4b:s0+s2], $0x80, $0x38;
	[tilespmem:$0x5380] =	vst v63  }
0x10c: {  	s0 =	sadd.s32 s3, s7;
	s7 =	sand.u32 $0x1FFFFFF0, s8;
	s8 =	spop (v2sf)  }
0x10d: {  	[tilespmem:s1], [sflag:$0x1] =	stream.linear.gather [hbm4b:s0+s2], $0x80, $0x38;
	[tilespmem:$0x5380] =	vst v63  }
0x10e: {  	s0 =	sadd.s32 s3, s6;
	s1 =	sand.u32 $0x1FFFFFF0, s8;
	s6 =	spop (v2sf)  }
0x10f: {  	[tilespmem:s29], [sflag:$0x1] =	stream.linear.gather [hbm4b:s0+s2], $0x80, $0x38;
	[tilespmem:$0x5380] =	vst v63  }
0x110: {  	s0 =	sadd.s32 s3, s7;
	s6 =	sand.u32 $0x1FFFFFF0, s6;
	s7 =	spop (v2sf)  }
0x111: {  	[tilespmem:s28], [sflag:$0x1] =	stream.linear.gather [hbm4b:s0+s2], $0x80, $0x38;
	[tilespmem:$0x5380] =	vst v63  }
0x112: {  	s0 =	sadd.s32 s3, s1;
	s1 =	sand.u32 $0x1FFFFFF0, s7;
	s7 =	spop (v2sf)  }
0x113: {  	[tilespmem:s25], [sflag:$0x1] =	stream.linear.gather [hbm4b:s0+s2], $0x80, $0x38;
	[tilespmem:$0x5380] =	vst v63  }
0x114: {  	s0 =	sadd.s32 s3, s6;
	s6 =	sand.u32 $0x1FFFFFF0, s7  }
0x115: {  	[tilespmem:s26], [sflag:$0x1] =	stream.linear.gather [hbm4b:s0+s2], $0x80, $0x38;
	[tilespmem:$0x5380] =	vst v63  }
0x116: {  	s1 =	sadd.s32 s3, s1;
	s0 =	sadd.s32 $0xA80, s21  }
0x117: {  	[tilespmem:s0], [sflag:$0x1] =	stream.linear.gather [hbm4b:s1+s2], $0x80, $0x38;
	[tilespmem:$0x5380] =	vst v63  }
0x118: {  	s0 =	sadd.s32 $0xB00, s21;
	s1 =	sadd.s32 s3, s6  }
0x119: {  	[tilespmem:s0], [sflag:$0x1] =	stream.linear.gather [hbm4b:s1+s2], $0x80, $0x38;
	[tilespmem:$0x5380] =	vst v63  }
0x11a: {  	v0 =	vld [tilespmem:s23+$0x0];
	_ =	sdelay $0x4  }
0x11b: {  	v0 =	vshll.u32 v0, $0x4  }
0x11c: {  	(v2sf) =	vpush v0, $0x0  }
0x11d: {  	(v2sf) =	vpush v0, $0x1  }
0x11e: {  	(v2sf) =	vpush v0, $0x2;
	_ =	sdelay $0x1  }
0x11f: {  	(v2sf) =	vpush v0, $0x4  }
.Ltmp4:
0x120: {  	(pc) =	sbr.rel @p0 .LBB2_10-.Ltmp4, $3  }
0x121: {  	(v2sf) =	vpush v0, $0x3  }
0x122: {  	(v2sf) =	vpush v0, $0x5;
	_ =	sdelay $0x1  }
0x123: {  	s21 =	sshra.s32 s24, $0x2;
	(v2sf) =	vpush v0, $0x6  }
0x124: {  	_ =	sdelay $0x1  }
0x125: {  	s0 =	sadd.s32 $0x400, s21;
	s24 =	sadd.s32 $0x900, s21  }
0x126: {  	s1 =	sadd.s32 $0x700, s21;
	s22 =	sadd.s32 $0x980, s21;
	(v2sf) =	vpush v0, $0x7;
	s6 =	sadd.s32 $0x600, s21  }
0x127: {  	s7 =	sadd.s32 $0x780, s21;
	s23 =	sadd.s32 $0xA00, s21;
	s8 =	sadd.s32 $0x380, s21  }
0x128: {  	s9 =	sadd.s32 $0x580, s21;
	s12 =	sadd.s32 $0x680, s21;
	(v2sf) =	vpush v0, $0x8;
	s13 =	spop (v2sf)  }
0x129: {  	s15 =	sadd.s32 $0x480, s21;
	s13 =	sand.u32 $0x1FFFFFF0, s13;
	s16 =	spop (v2sf)  }
0x12a: {  	(v2sf) =	vpush v0, $0x9;
	s13 =	sadd.s32 s3, s13;
	s16 =	sand.u32 $0x1FFFFFF0, s16;
	s25 =	spop (v2sf)  }
0x12b: {  	[tilespmem:s8], [sflag:$0x1] =	stream.linear.gather [hbm4b:s13+s2], $0x80, $0x38;
	[tilespmem:$0x5380] =	vst v63  }
0x12c: {  	(v2sf) =	vpush v0, $0xA;
	s26 =	sadd.s32 s3, s16;
	s29 =	sand.u32 $0x1FFFFFF0, s25;
	s28 =	spop (v2sf)  }
0x12d: {  	[tilespmem:s0], [sflag:$0x1] =	stream.linear.gather [hbm4b:s26+s2], $0x80, $0x38;
	[tilespmem:$0x5380] =	vst v63  }
0x12e: {  	s8 =	sadd.s32 $0x880, s21;
	(v2sf) =	vpush v0, $0xB;
	s13 =	sadd.s32 s3, s29;
	s30 =	spop (v2sf)  }
0x12f: {  	s0 =	sadd.s32 $0x800, s21;
	s26 =	sadd.s32 $0x500, s21;
	s25 =	sand.u32 $0x1FFFFFF0, s30  }
0x130: {  	(v2sf) =	vpush v0, $0xC;
	[tilespmem:s15], [sflag:$0x1] =	stream.linear.gather [hbm4b:s13+s2], $0x80, $0x38;
	[tilespmem:$0x5380] =	vst v63  }
0x131: {  	s31 =	sand.u32 $0x1FFFFFF0, s28;
	s28 =	spop (v2sf);
	s29 =	sadd.s32 s3, s25  }
0x132: {  	(v2sf) =	vpush v0, $0xD;
	[tilespmem:s26], [sflag:$0x1] =	stream.linear.gather [hbm4b:s29+s2], $0x80, $0x38;
	[tilespmem:$0x5380] =	vst v63  }
0x133: {  	s13 =	sadd.s32 s3, s31;
	s15 =	sand.u32 $0x1FFFFFF0, s28;
	s30 =	spop (v2sf)  }
0x134: {  	(v2sf) =	vpush v0, $0xE;
	[tilespmem:s9], [sflag:$0x1] =	stream.linear.gather [hbm4b:s13+s2], $0x80, $0x38;
	[tilespmem:$0x5380] =	vst v63  }
0x135: {  	s15 =	sadd.s32 s3, s15;
	s31 =	sand.u32 $0x1FFFFFF0, s30;
	s16 =	spop (v2sf)  }
0x136: {  	(v2sf) =	vpush v0, $0xF;
	[tilespmem:s6], [sflag:$0x1] =	stream.linear.gather [hbm4b:s15+s2], $0x80, $0x38;
	[tilespmem:$0x5380] =	vst v63  }
0x137: {  	s25 =	sand.u32 $0x1FFFFFF0, s16;
	s26 =	spop (v2sf);
	s9 =	sadd.s32 s3, s31  }
0x138: {  	[tilespmem:s12], [sflag:$0x1] =	stream.linear.gather [hbm4b:s9+s2], $0x80, $0x38;
	[tilespmem:$0x5380] =	vst v63  }
0x139: {  	s28 =	sand.u32 $0x1FFFFFF0, s26;
	s6 =	sadd.s32 s3, s25;
	s29 =	spop (v2sf)  }
0x13a: {  	[tilespmem:s1], [sflag:$0x1] =	stream.linear.gather [hbm4b:s6+s2], $0x80, $0x38;
	[tilespmem:$0x5380] =	vst v63  }
0x13b: {  	s9 =	sadd.s32 s3, s28;
	s30 =	sand.u32 $0x1FFFFFF0, s29;
	s31 =	spop (v2sf)  }
0x13c: {  	[tilespmem:s7], [sflag:$0x1] =	stream.linear.gather [hbm4b:s9+s2], $0x80, $0x38;
	[tilespmem:$0x5380] =	vst v63  }
0x13d: {  	s6 =	sand.u32 $0x1FFFFFF0, s31;
	s1 =	sadd.s32 s3, s30;
	s12 =	spop (v2sf)  }
0x13e: {  	[tilespmem:s0], [sflag:$0x1] =	stream.linear.gather [hbm4b:s1+s2], $0x80, $0x38;
	[tilespmem:$0x5380] =	vst v63  }
0x13f: {  	s6 =	sadd.s32 s3, s6;
	s13 =	sand.u32 $0x1FFFFFF0, s12;
	s15 =	spop (v2sf)  }
0x140: {  	[tilespmem:s8], [sflag:$0x1] =	stream.linear.gather [hbm4b:s6+s2], $0x80, $0x38;
	[tilespmem:$0x5380] =	vst v63  }
0x141: {  	s0 =	sadd.s32 s3, s13;
	s1 =	sand.u32 $0x1FFFFFF0, s15;
	s16 =	spop (v2sf)  }
0x142: {  	[tilespmem:s24], [sflag:$0x1] =	stream.linear.gather [hbm4b:s0+s2], $0x80, $0x38;
	[tilespmem:$0x5380] =	vst v63  }
0x143: {  	s1 =	sadd.s32 s3, s1;
	s25 =	spop (v2sf);
	s24 =	sand.u32 $0x1FFFFFF0, s16  }
0x144: {  	[tilespmem:s22], [sflag:$0x1] =	stream.linear.gather [hbm4b:s1+s2], $0x80, $0x38;
	[tilespmem:$0x5380] =	vst v63  }
0x145: {  	s26 =	sand.u32 $0x1FFFFFF0, s25;
	s28 =	spop (v2sf);
	s0 =	sadd.s32 s3, s24  }
0x146: {  	[tilespmem:s23], [sflag:$0x1] =	stream.linear.gather [hbm4b:s0+s2], $0x80, $0x38;
	[tilespmem:$0x5380] =	vst v63  }
0x147: {  	s30 =	sadd.s32 $0xA80, s21;
	s29 =	sand.u32 $0x1FFFFFF0, s28;
	s1 =	sadd.s32 s3, s26  }
0x148: {  	[tilespmem:s30], [sflag:$0x1] =	stream.linear.gather [hbm4b:s1+s2], $0x80, $0x38;
	[tilespmem:$0x5380] =	vst v63  }
0x149: {  	s31 =	sadd.s32 $0xB00, s21;
	s0 =	sadd.s32 s3, s29  }
0x14a: {  	[tilespmem:s31], [sflag:$0x1] =	stream.linear.gather [hbm4b:s0+s2], $0x80, $0x38;
	[tilespmem:$0x5380] =	vst v63  }
.LBB2_12:
0x14b: {  	_ =	swait.ge [sflag:s14], $0x80  }
0x14c: {  	s0 =	simm.s32 $0x4F;
	[sflag:s14] =	ssyncset.done $0x0  }
.LBB2_13:
0x14d: {  	p0 =	sne.s32 s0, $0x1;
	s0 =	sadd.s32 $0xFFFFFFFF, s0;
	[sflag:s14] =	ssyncadd.s32 $0xFFFFFF80  }
.Ltmp5:
0x14e: {  	(pc) =	sbr.rel @p0 .LBB2_13-.Ltmp5, $3  }
0x14f: {  	_ =	sdelay $0x1  }
0x150: {  	_ =	swait.ge [sflag:s14], $0x80  }
0x151: {  	[sflag:s14] =	ssyncset.done $0x0  }
0x152: {  	s0 =	smul.u32 $0x50, s20;
	_ =	sdelay $0x1  }
0x153: {  	s17 =	sadd.s32 $0x1, s17;
	s0 =	sadd.s32 s5, s0  }
0x154: {  	[sflag:s14] =	ssyncadd.s32 $0xFFFFFF80;
	p0 =	sne.s32 s17, $0x5;
	s0 =	sshll.u32 s0, $0x4  }
.Ltmp6:
0x155: {  	s1 =	simm.s32 $0x2B80;
	s0 =	sadd.s32 s4, s0;
	(pc) =	sbr.rel @p0 .LBB2_4-.Ltmp6, $4  }
0x156: {  	[hbm4b:s0+s2] =	stream.linear.scatter [tilespmem:s1], [sflag:$0x3], $0x2800, $0x38;
	[tilespmem:$0x5380] =	vst v63  }
0x157: {  	_ =	swait.ge [sflag:s10], $0x2800  }
0x158: {  	[sflag:s10] =	ssyncset.done $0x0  }
0x159: {  	s18 =	sadd.s32 $0xA0, s18;
	s19 =	sadd.s32 $0xA0, s19;
	[sflag:s10] =	ssyncadd.s32 $0xFFFFD800  }
0x15a: {  	s1 =	rddreg [dreg:$0x4]  }
0x15b: {  	s0 =	rddreg [dreg:$0x3];
	s1 =	sadd.s32 $0x1, s1  }
0x15c: {  	p0 =	sne.s32 s1, s0  }
.Ltmp7:
0x15d: {  	_ = 	snop;
	(pc) =	sbr.rel @p0 .LBB2_1-.Ltmp7, $1  }
0x15e: {  	_ =	sdelay $0x3  }
0x15f: {  	_ =	sfence.sel $0x180000  }
0x160: {  	[bflag:$0x0] =	sbarrier.arrive $0xFFFF  }
0x161: {  	_ =	strace $0x9000004A  }
0x162: {  	s0 =	stileid.u32;
	[bflag:$0x2] =	sbarrier.arrive $0xFFFF  }
0x163: {  	p0 =	sne.s32 s0, $0x0;
	s0 =	rddreg [dreg:$0x1]  }
0x164: {  	s0 =	sadd.s32 @!p0 $0x100000, s0  }
0x165: {  	[sflag:s0] =	ssyncadd.tile.s32 @!p0 $0x1;
	_ =	shalt  }
.Lfunc_end2:
_tile_overlayer_lowered:
.L_overlay_start_2:
0x166: {  	(tag) =	ssettag $0x2  }
0x167: {  	s0 =	rddreg [dreg:$0x0];
	s2 =	stileid.u32  }
0x168: {  	s1 =	rddreg [dreg:$0x1];
	p0 =	sne.s32 s2, $0x0  }
0x169: {  	s3 =	rddreg [dreg:$0x2];
	[bflag:$0x3] =	sbarrier.arrive $0xFFFF;
	s2 =	simm.s32 @!p0 $0x1C03  }
0x16a: {  	[timem:s3], [sflag:s2] =	dma.local @!p0 [hbm:s0], s1  }
0x16b: {  	s0 =	simm.s32 @!p0 $0x3  }
0x16c: {  	_ =	swait.ge @!p0 [sflag:s0], s1  }
0x16d: {  	s1 =	ssub.s32 @!p0 $0x0, s1;
	[sflag:s0] =	ssyncset.done @!p0 $0x0  }
0x16e: {  	[sflag:s0] =	ssyncadd.s32 @!p0 s1  }
0x16f: {  	[bflag:$0x3] =	sbarrier.arrive $0xFFFF  }
0x170: {  	_ =	shalt  }

</sc_bundles>
